<compile_context>
chip_gen: v7x
topology: tpu7x:2x2x1
jax: 0.10.2.dev20260603
libtpu: 0.0.44.dev20260713+nightly
codegen_flags: <defaults>
</compile_context>

<pallas_src>
import functools

import jax
import jax.numpy as jnp
import numpy as np
from jax import lax
from jax.experimental import pallas as pl
from jax.experimental.pallas import tpu as pltpu
from jax.experimental.pallas import tpu_sc as plsc

N_NODES = 10000
N_EDGES = 320000
NFEAT = 128
NHID = 128
NCLASS = 40
FH = 64
CPAD = 48

K = 125
NCH1 = 160
NCH2 = 80
STRIPE = 640


def _make_sc_agg(F, nchunk, feat_split):
    mesh = plsc.VectorSubcoreMesh(core_axis_name="c", subcore_axis_name="s")
    gdtype = jnp.bfloat16 if feat_split else jnp.float32

    @functools.partial(
        pl.kernel,
        out_type=jax.ShapeDtypeStruct((2 * N_NODES, F), gdtype),
        mesh=mesh,
        compiler_params=pltpu.CompilerParams(
            needs_layout_passes=False, use_tc_tiling_on_sc=False
        ),
        scratch_types=[
            pltpu.VMEM((nchunk, K), jnp.int32),
            [pltpu.VMEM((K,), jnp.int32) for _ in range(4)],
            [pltpu.VMEM((K,), jnp.float32) for _ in range(4)],
            [pltpu.VMEM((K, F), gdtype) for _ in range(4)],
            pltpu.VMEM_SHARED((N_NODES, F), gdtype),
            [pltpu.SemaphoreType.DMA for _ in range(4)],
            [pltpu.SemaphoreType.DMA for _ in range(4)],
            [pltpu.SemaphoreType.DMA for _ in range(4)],
            [pltpu.SemaphoreType.DMA for _ in range(4)],
        ],
    )
    def sc_agg(h_hbm, src_hbm, tgtr_hbm, m_hbm, out_hbm,
               srcb, tgts, mbs, rowsb, accum, semg, semsc, semt, semm):
        c = lax.axis_index("c")
        s = lax.axis_index("s")
        w = s if feat_split else c * 16 + s

        def gather_cp(i, r):
            return pltpu.make_async_copy(
                h_hbm.at[srcb.at[i]], rowsb[r], semg[r]
            )

        def scatter_cp(b):
            return pltpu.make_async_copy(rowsb[b], accum.at[tgts[b]], semsc[b])

        def idx_cp(i, r):
            return (
                pltpu.make_async_copy(tgtr_hbm.at[w * nchunk + i], tgts[r], semt[r]),
                pltpu.make_async_copy(m_hbm.at[w * nchunk + i], mbs[r], semm[r]),
            )

        plane = c if feat_split else jnp.int32(0)
        pltpu.sync_copy(
            src_hbm.at[plane].at[pl.ds(w * nchunk, nchunk)], srcb
        )
        pltpu.sync_copy(tgtr_hbm.at[w * nchunk], tgts[0])
        pltpu.sync_copy(m_hbm.at[w * nchunk], mbs[0])

        rows0 = rowsb[0]

        def zrow(r, _):
            if feat_split:
                for g in range(F // 32):
                    rows0[r, pl.ds(g * 32, 32)] = jnp.zeros((32,), gdtype)
            else:
                for j in range(F // 16):
                    rows0[r, pl.ds(j * 16, 16)] = jnp.zeros((16,), jnp.float32)
            return 0
        lax.fori_loop(0, K, zrow, 0)
        for kk in range(STRIPE // 80):
            start = jnp.minimum(s * STRIPE + kk * 80, N_NODES - 80)
            pltpu.sync_copy(rows0.at[pl.ds(0, 80)], accum.at[pl.ds(start, 80)])
        plsc.subcore_barrier()

        lane0 = jnp.zeros((16,), jnp.int32)

        gather_cp(0, 0).start()
        for cp in idx_cp(1, 1):
            cp.start()

        def outer(o, _):
            for b in range(4):
                i = o * 4 + b
                r, rp, rn = b, (b + 3) % 4, (b + 1) % 4

                gather_cp(i, r).wait()

                @pl.when(i >= 1)
                def _():
                    scatter_cp(rp).wait()

                @pl.when(i + 1 < nchunk)
                def _():
                    for cp in idx_cp(i + 1, rn):
                        cp.wait()
                    gather_cp(i + 1, rn).start()

                if feat_split:
                    @plsc.parallel_loop(0, K, unroll=5)
                    def edge(e):
                        mv = plsc.load_gather(mbs[r], [lane0 + e])
                        mvb = plsc.pack(mv, mv, format=plsc.PackFormat.INTERLEAVED)
                        for g in range(F // 32):
                            sl = pl.ds(g * 32, 32)
                            rowsb[r][e, sl] = rowsb[r][e, sl] * mvb
                else:
                    @plsc.parallel_loop(0, K, unroll=5)
                    def edge(e):
                        mv = plsc.load_gather(mbs[r], [lane0 + e])
                        for j in range(F // 16):
                            sl = pl.ds(j * 16, 16)
                            rowsb[r][e, sl] = rowsb[r][e, sl] * mv

                scatter_cp(r).start(add=True)

                @pl.when(i + 2 < nchunk)
                def _():
                    for cp in idx_cp(i + 2, (b + 2) % 4):
                        cp.start()
            return 0
        lax.fori_loop(0, nchunk // 4, outer, 0)
        scatter_cp((nchunk - 1) % 4).wait()

        plsc.subcore_barrier()
        ostart = jnp.minimum(s * STRIPE, N_NODES - STRIPE)
        pltpu.sync_copy(
            accum.at[pl.ds(ostart, STRIPE)],
            out_hbm.at[pl.ds(c * N_NODES + ostart, STRIPE)],
        )

    return sc_agg


_sc_agg1 = _make_sc_agg(FH, NCH1, feat_split=True)
_sc_agg2 = _make_sc_agg(CPAD, NCH2, feat_split=False)

_BR = 1000
_G = N_NODES // _BR


def _mmf_body(p0_ref, p1_ref, w1_ref, b1_ref, w2_ref, o_ref):
    p0 = p0_ref[...].astype(jnp.float32)
    p1 = p1_ref[...].astype(jnp.float32)
    z = (
        jnp.dot(p0, w1_ref[0], preferred_element_type=jnp.float32)
        + jnp.dot(p1, w1_ref[1], preferred_element_type=jnp.float32)
        + b1_ref[...]
    )
    h = jnp.maximum(z, 0.0)
    o_ref[...] = jnp.dot(h, w2_ref[...], preferred_element_type=jnp.float32)


def _mmf(p, W1P, b1, W2p):
    return pl.pallas_call(
        _mmf_body,
        grid=(_G,),
        in_specs=[
            pl.BlockSpec((_BR, FH), lambda i: (i, 0)),
            pl.BlockSpec((_BR, FH), lambda i: (i + _G, 0)),
            pl.BlockSpec((2, FH, NHID), lambda i: (0, 0, 0)),
            pl.BlockSpec((1, NHID), lambda i: (0, 0)),
            pl.BlockSpec((NHID, CPAD), lambda i: (0, 0)),
        ],
        out_specs=pl.BlockSpec((_BR, CPAD), lambda i: (i, 0)),
        out_shape=jax.ShapeDtypeStruct((N_NODES, CPAD), jnp.float32),
    )(p, p, W1P, b1, W2p)


def _fin_body(q0_ref, q1_ref, b2_ref, o_ref):
    z = q0_ref[...] + q1_ref[...] + b2_ref[...]
    col = lax.broadcasted_iota(jnp.int32, z.shape, 1)
    zm = jnp.where(col < NCLASS, z, -jnp.inf)
    m = jnp.max(zm, axis=1, keepdims=True)
    ls = jnp.log(jnp.sum(jnp.exp(zm - m), axis=1, keepdims=True))
    o_ref[...] = (z - m - ls)[:, :NCLASS]


def _fin(q, b2p):
    return pl.pallas_call(
        _fin_body,
        grid=(_G,),
        in_specs=[
            pl.BlockSpec((_BR, CPAD), lambda i: (i, 0)),
            pl.BlockSpec((_BR, CPAD), lambda i: (i + _G, 0)),
            pl.BlockSpec((1, CPAD), lambda i: (0, 0)),
        ],
        out_specs=pl.BlockSpec((_BR, NCLASS), lambda i: (i, 0)),
        out_shape=jax.ShapeDtypeStruct((N_NODES, NCLASS), jnp.float32),
    )(q, q, b2p)


def kernel(x, src, tgt, Mtgt, W1, b1, W2, b2):
    src_i = src.astype(jnp.int32)
    src2 = jnp.stack([src_i, src_i + N_NODES]).reshape(2, N_EDGES // K, K)
    tgt2d = tgt.astype(jnp.int32).reshape(N_EDGES // K, K)
    m2d = Mtgt.reshape(N_EDGES // K, K)
    x2 = (
        x.reshape(N_NODES, 2, FH).transpose(1, 0, 2)
        .reshape(2 * N_NODES, FH).astype(jnp.bfloat16)
    )
    W1P = W1.reshape(2, FH, NHID)
    W2p = jnp.pad(W2, ((0, 0), (0, CPAD - NCLASS)))
    b2p = jnp.pad(b2, (0, CPAD - NCLASS)).reshape(1, CPAD)
    p = _sc_agg1(x2, src2, tgt2d, m2d)
    h2 = _mmf(p, W1P, b1.reshape(1, NHID), W2p)
    q = _sc_agg2(h2, src2, tgt2d, m2d)
    return _fin(q, b2p)

# --- scband reference (transcript-rebuilt; emitter-appended) ---
"""Pipeline reference for scband-gcnk-40956808135032 (READ-ONLY COPY).

The authoritative reference and input builder live on the scoring server;
editing this copy changes nothing except your own understanding.
"""

import jax, jax.numpy as jnp
import numpy as np

N_NODES = 10000
N_EDGES = 320000
NFEAT = 128
NHID = 128
NCLASS = 40


def setup_inputs(seed: int = 0) -> dict:
    key = jax.random.key(seed)
    ks = jax.random.split(key, 8)
    x = jax.random.normal(ks[0], (N_NODES, NFEAT), dtype=jnp.float32)
    src = jax.random.randint(ks[1], (N_EDGES,), 0, N_NODES, dtype=jnp.int64)
    tgt = jax.random.randint(ks[2], (N_EDGES,), 0, N_NODES, dtype=jnp.int64)
    # Mtgt in the torch module is a sparse [N, E] incidence/normalization matrix with one
    # nonzero per edge column at row tgt[e]; we carry its per-edge values as a dense [E] vector.
    Mtgt = jax.random.uniform(ks[3], (N_EDGES,), dtype=jnp.float32)
    W1 = jax.random.normal(ks[4], (NFEAT, NHID), dtype=jnp.float32) * (1.0 / np.sqrt(NFEAT))
    b1 = jnp.zeros((NHID,), dtype=jnp.float32)
    W2 = jax.random.normal(ks[5], (NHID, NCLASS), dtype=jnp.float32) * (1.0 / np.sqrt(NHID))
    b2 = jnp.zeros((NCLASS,), dtype=jnp.float32)
    return {"x": x, "src": src, "tgt": tgt, "Mtgt": Mtgt, "W1": W1, "b1": b1, "W2": W2, "b2": b2}


def _graph_conv(x, src, tgt, Mtgt, W, b):
    # h = x @ W; messages gathered from src; Mtgt sparse-matmul == weighted scatter-add to tgt
    h = x @ W
    msg = jnp.take(h, src, axis=0) * Mtgt[:, None]
    agg = jnp.zeros((x.shape[0], h.shape[1]), dtype=h.dtype).at[tgt].add(msg)
    return agg + b


def reference(x, src, tgt, Mtgt, W1, b1, W2, b2):
    # layer 1 (+ relu; dropout is identity in eval mode)
    h = jax.nn.relu(_graph_conv(x, src, tgt, Mtgt, W1, b1))
    # layer 2 (output layer)
    out = _graph_conv(h, src, tgt, Mtgt, W2, b2)
    return jax.nn.log_softmax(out, axis=1)

if __name__ == "__main__":
    import jax
    _d = setup_inputs()
    print(jax.jit(kernel)(*tuple(_d.values())))

</pallas_src>

<mosaic_0001>
#map = affine_map<(d0, d1) -> (0, 0)>
#map1 = affine_map<(d0, d1) -> (0, 0, 0)>
module attributes {stable_mosaic.version = 14 : i64} {
  func.func @sc_agg(%arg0: i32, %arg1: i32, %arg2: memref<10000x48xf32, #tpu.memory_space<hbm>>, %arg3: memref<2x2560x125xi32, #tpu.memory_space<hbm>>, %arg4: memref<2560x125xi32, #tpu.memory_space<hbm>>, %arg5: memref<2560x125xf32, #tpu.memory_space<hbm>>, %arg6: memref<20000x48xf32, #tpu.memory_space<hbm>>, %arg7: memref<80x125xi32, #tpu.memory_space<vmem>>, %arg8: memref<125xi32, #tpu.memory_space<vmem>>, %arg9: memref<125xi32, #tpu.memory_space<vmem>>, %arg10: memref<125xi32, #tpu.memory_space<vmem>>, %arg11: memref<125xi32, #tpu.memory_space<vmem>>, %arg12: memref<125xf32, #tpu.memory_space<vmem>>, %arg13: memref<125xf32, #tpu.memory_space<vmem>>, %arg14: memref<125xf32, #tpu.memory_space<vmem>>, %arg15: memref<125xf32, #tpu.memory_space<vmem>>, %arg16: memref<125x48xf32, #tpu.memory_space<vmem>>, %arg17: memref<125x48xf32, #tpu.memory_space<vmem>>, %arg18: memref<125x48xf32, #tpu.memory_space<vmem>>, %arg19: memref<125x48xf32, #tpu.memory_space<vmem>>, %arg20: memref<10000x48xf32, #tpu.memory_space<vmem_shared>>, %arg21: memref<!tpu.dma_semaphore, #tpu.memory_space<semaphore_mem>>, %arg22: memref<!tpu.dma_semaphore, #tpu.memory_space<semaphore_mem>>, %arg23: memref<!tpu.dma_semaphore, #tpu.memory_space<semaphore_mem>>, %arg24: memref<!tpu.dma_semaphore, #tpu.memory_space<semaphore_mem>>, %arg25: memref<!tpu.dma_semaphore, #tpu.memory_space<semaphore_mem>>, %arg26: memref<!tpu.dma_semaphore, #tpu.memory_space<semaphore_mem>>, %arg27: memref<!tpu.dma_semaphore, #tpu.memory_space<semaphore_mem>>, %arg28: memref<!tpu.dma_semaphore, #tpu.memory_space<semaphore_mem>>, %arg29: memref<!tpu.dma_semaphore, #tpu.memory_space<semaphore_mem>>, %arg30: memref<!tpu.dma_semaphore, #tpu.memory_space<semaphore_mem>>, %arg31: memref<!tpu.dma_semaphore, #tpu.memory_space<semaphore_mem>>, %arg32: memref<!tpu.dma_semaphore, #tpu.memory_space<semaphore_mem>>, %arg33: memref<!tpu.dma_semaphore, #tpu.memory_space<semaphore_mem>>, %arg34: memref<!tpu.dma_semaphore, #tpu.memory_space<semaphore_mem>>, %arg35: memref<!tpu.dma_semaphore, #tpu.memory_space<semaphore_mem>>, %arg36: memref<!tpu.dma_semaphore, #tpu.memory_space<semaphore_mem>>) attributes {dimension_semantics = [#tpu.dimension_semantics<core_parallel>, #tpu.dimension_semantics<subcore_parallel>], iteration_bounds = array<i64: 2, 16>, scalar_prefetch = 0 : i64, scratch_operands = 30 : i64, tpu.core_type = #tpu.core_type<sc_vector_subcore>, window_params = [{transform_indices = #map}, {transform_indices = #map1}, {transform_indices = #map}, {transform_indices = #map}, {transform_indices = #map}]} {
    %mul3A = arith.constant 16 : i32
    %mul3A_0 = arith.muli %arg0, %mul3A : i32
    %add3A = arith.addi %mul3A_0, %arg1 : i32
    %mul3A_1 = arith.constant 80 : i32
    %mul3A_2 = arith.muli %add3A, %mul3A_1 : i32
    %run_scoped3A = arith.constant 0 : i32
    "tpu.region"() ({
      %run_scoped3A_104 = tpu.sem_alloc : memref<!tpu.dma_semaphore, #tpu.memory_space<semaphore_mem>>
      %dma_start3A_105 = arith.constant 0 : i32
      %dma_start3A_106 = arith.constant 0 : i32
      %dma_start3A_107 = tpu.memref_slice %arg3[%run_scoped3A, %dma_start3A_105, %dma_start3A_106] : memref<2x2560x125xi32, #tpu.memory_space<hbm>> -> memref<1x2560x125xi32, #tpu.memory_space<hbm>>
      %dma_start3A_108 = tpu.memref_squeeze %dma_start3A_107 : memref<1x2560x125xi32, #tpu.memory_space<hbm>> -> memref<2560x125xi32, #tpu.memory_space<hbm>>
      %dma_start3A_109 = arith.constant 0 : i32
      %dma_start3A_110 = tpu.memref_slice %dma_start3A_108[%mul3A_2, %dma_start3A_109] : memref<2560x125xi32, #tpu.memory_space<hbm>> -> memref<80x125xi32, #tpu.memory_space<hbm>>
      %dma_start3A_111 = arith.constant 0 : i32
      %dma_start3A_112 = arith.constant 0 : i32
      %dma_start3A_113 = tpu.memref_slice %arg3[%run_scoped3A, %dma_start3A_111, %dma_start3A_112] : memref<2x2560x125xi32, #tpu.memory_space<hbm>> -> memref<1x2560x125xi32, #tpu.memory_space<hbm>>
      %dma_start3A_114 = tpu.memref_squeeze %dma_start3A_113 : memref<1x2560x125xi32, #tpu.memory_space<hbm>> -> memref<2560x125xi32, #tpu.memory_space<hbm>>
      %dma_start3A_115 = arith.constant 0 : i32
      %dma_start3A_116 = tpu.memref_slice %dma_start3A_114[%mul3A_2, %dma_start3A_115] : memref<2560x125xi32, #tpu.memory_space<hbm>> -> memref<80x125xi32, #tpu.memory_space<hbm>>
      tpu.enqueue_dma source(%dma_start3A_116 : memref<80x125xi32, #tpu.memory_space<hbm>>) target(%arg7 : memref<80x125xi32, #tpu.memory_space<vmem>>) target_semaphore(%run_scoped3A_104 : memref<!tpu.dma_semaphore, #tpu.memory_space<semaphore_mem>>)
      %dma_wait3A_117 = arith.constant 0 : i32
      %dma_wait3A_118 = arith.constant 0 : i32
      %dma_wait3A_119 = tpu.memref_slice %arg3[%run_scoped3A, %dma_wait3A_117, %dma_wait3A_118] : memref<2x2560x125xi32, #tpu.memory_space<hbm>> -> memref<1x2560x125xi32, #tpu.memory_space<hbm>>
      %dma_wait3A_120 = tpu.memref_squeeze %dma_wait3A_119 : memref<1x2560x125xi32, #tpu.memory_space<hbm>> -> memref<2560x125xi32, #tpu.memory_space<hbm>>
      %dma_wait3A_121 = arith.constant 0 : i32
      %dma_wait3A_122 = tpu.memref_slice %dma_wait3A_120[%mul3A_2, %dma_wait3A_121] : memref<2560x125xi32, #tpu.memory_space<hbm>> -> memref<80x125xi32, #tpu.memory_space<hbm>>
      %dma_wait3A_123 = arith.constant 0 : i32
      %dma_wait3A_124 = arith.constant 0 : i32
      %dma_wait3A_125 = tpu.memref_slice %arg3[%run_scoped3A, %dma_wait3A_123, %dma_wait3A_124] : memref<2x2560x125xi32, #tpu.memory_space<hbm>> -> memref<1x2560x125xi32, #tpu.memory_space<hbm>>
      %dma_wait3A_126 = tpu.memref_squeeze %dma_wait3A_125 : memref<1x2560x125xi32, #tpu.memory_space<hbm>> -> memref<2560x125xi32, #tpu.memory_space<hbm>>
      %dma_wait3A_127 = arith.constant 0 : i32
      %dma_wait3A_128 = tpu.memref_slice %dma_wait3A_126[%mul3A_2, %dma_wait3A_127] : memref<2560x125xi32, #tpu.memory_space<hbm>> -> memref<80x125xi32, #tpu.memory_space<hbm>>
      tpu.wait_dma2 semaphore(%run_scoped3A_104 : memref<!tpu.dma_semaphore, #tpu.memory_space<semaphore_mem>>) src(%dma_wait3A_128 : memref<80x125xi32, #tpu.memory_space<hbm>>) dst(%arg7 : memref<80x125xi32, #tpu.memory_space<vmem>>)
      tpu.yield
    }) : () -> ()
    %mul3A_3 = arith.constant 80 : i32
    %mul3A_4 = arith.muli %add3A, %mul3A_3 : i32
    "tpu.region"() ({
      %run_scoped3A_104 = tpu.sem_alloc : memref<!tpu.dma_semaphore, #tpu.memory_space<semaphore_mem>>
      %dma_start3A_105 = arith.constant 0 : i32
      %dma_start3A_106 = tpu.memref_slice %arg4[%mul3A_4, %dma_start3A_105] : memref<2560x125xi32, #tpu.memory_space<hbm>> -> memref<1x125xi32, #tpu.memory_space<hbm>>
      %dma_start3A_107 = tpu.memref_squeeze %dma_start3A_106 : memref<1x125xi32, #tpu.memory_space<hbm>> -> memref<125xi32, #tpu.memory_space<hbm>>
      %dma_start3A_108 = arith.constant 0 : i32
      %dma_start3A_109 = tpu.memref_slice %arg4[%mul3A_4, %dma_start3A_108] : memref<2560x125xi32, #tpu.memory_space<hbm>> -> memref<1x125xi32, #tpu.memory_space<hbm>>
      %dma_start3A_110 = tpu.memref_squeeze %dma_start3A_109 : memref<1x125xi32, #tpu.memory_space<hbm>> -> memref<125xi32, #tpu.memory_space<hbm>>
      tpu.enqueue_dma source(%dma_start3A_110 : memref<125xi32, #tpu.memory_space<hbm>>) target(%arg8 : memref<125xi32, #tpu.memory_space<vmem>>) target_semaphore(%run_scoped3A_104 : memref<!tpu.dma_semaphore, #tpu.memory_space<semaphore_mem>>)
      %dma_wait3A_111 = arith.constant 0 : i32
      %dma_wait3A_112 = tpu.memref_slice %arg4[%mul3A_4, %dma_wait3A_111] : memref<2560x125xi32, #tpu.memory_space<hbm>> -> memref<1x125xi32, #tpu.memory_space<hbm>>
      %dma_wait3A_113 = tpu.memref_squeeze %dma_wait3A_112 : memref<1x125xi32, #tpu.memory_space<hbm>> -> memref<125xi32, #tpu.memory_space<hbm>>
      %dma_wait3A_114 = arith.constant 0 : i32
      %dma_wait3A_115 = tpu.memref_slice %arg4[%mul3A_4, %dma_wait3A_114] : memref<2560x125xi32, #tpu.memory_space<hbm>> -> memref<1x125xi32, #tpu.memory_space<hbm>>
      %dma_wait3A_116 = tpu.memref_squeeze %dma_wait3A_115 : memref<1x125xi32, #tpu.memory_space<hbm>> -> memref<125xi32, #tpu.memory_space<hbm>>
      tpu.wait_dma2 semaphore(%run_scoped3A_104 : memref<!tpu.dma_semaphore, #tpu.memory_space<semaphore_mem>>) src(%dma_wait3A_116 : memref<125xi32, #tpu.memory_space<hbm>>) dst(%arg8 : memref<125xi32, #tpu.memory_space<vmem>>)
      tpu.yield
    }) : () -> ()
    %mul3A_5 = arith.constant 80 : i32
    %mul3A_6 = arith.muli %add3A, %mul3A_5 : i32
    "tpu.region"() ({
      %run_scoped3A_104 = tpu.sem_alloc : memref<!tpu.dma_semaphore, #tpu.memory_space<semaphore_mem>>
      %dma_start3A_105 = arith.constant 0 : i32
      %dma_start3A_106 = tpu.memref_slice %arg5[%mul3A_6, %dma_start3A_105] : memref<2560x125xf32, #tpu.memory_space<hbm>> -> memref<1x125xf32, #tpu.memory_space<hbm>>
      %dma_start3A_107 = tpu.memref_squeeze %dma_start3A_106 : memref<1x125xf32, #tpu.memory_space<hbm>> -> memref<125xf32, #tpu.memory_space<hbm>>
      %dma_start3A_108 = arith.constant 0 : i32
      %dma_start3A_109 = tpu.memref_slice %arg5[%mul3A_6, %dma_start3A_108] : memref<2560x125xf32, #tpu.memory_space<hbm>> -> memref<1x125xf32, #tpu.memory_space<hbm>>
      %dma_start3A_110 = tpu.memref_squeeze %dma_start3A_109 : memref<1x125xf32, #tpu.memory_space<hbm>> -> memref<125xf32, #tpu.memory_space<hbm>>
      tpu.enqueue_dma source(%dma_start3A_110 : memref<125xf32, #tpu.memory_space<hbm>>) target(%arg12 : memref<125xf32, #tpu.memory_space<vmem>>) target_semaphore(%run_scoped3A_104 : memref<!tpu.dma_semaphore, #tpu.memory_space<semaphore_mem>>)
      %dma_wait3A_111 = arith.constant 0 : i32
      %dma_wait3A_112 = tpu.memref_slice %arg5[%mul3A_6, %dma_wait3A_111] : memref<2560x125xf32, #tpu.memory_space<hbm>> -> memref<1x125xf32, #tpu.memory_space<hbm>>
      %dma_wait3A_113 = tpu.memref_squeeze %dma_wait3A_112 : memref<1x125xf32, #tpu.memory_space<hbm>> -> memref<125xf32, #tpu.memory_space<hbm>>
      %dma_wait3A_114 = arith.constant 0 : i32
      %dma_wait3A_115 = tpu.memref_slice %arg5[%mul3A_6, %dma_wait3A_114] : memref<2560x125xf32, #tpu.memory_space<hbm>> -> memref<1x125xf32, #tpu.memory_space<hbm>>
      %dma_wait3A_116 = tpu.memref_squeeze %dma_wait3A_115 : memref<1x125xf32, #tpu.memory_space<hbm>> -> memref<125xf32, #tpu.memory_space<hbm>>
      tpu.wait_dma2 semaphore(%run_scoped3A_104 : memref<!tpu.dma_semaphore, #tpu.memory_space<semaphore_mem>>) src(%dma_wait3A_116 : memref<125xf32, #tpu.memory_space<hbm>>) dst(%arg12 : memref<125xf32, #tpu.memory_space<vmem>>)
      tpu.yield
    }) : () -> ()
    %scan3A = arith.constant 0 : i32
    %scan3A_7 = arith.constant 0 : i32
    %scan3A_8 = arith.constant 125 : i32
    %scan3A_9 = arith.addi %scan3A_7, %scan3A_8 : i32
    %scan3A_10 = arith.constant 1 : i32
    %scan3A_11 = scf.for %scan3A_104 = %scan3A_7 to %scan3A_9 step %scan3A_10 iter_args(%scan3A_105 = %scan3A) -> (i32)  : i32 {
      %broadcast_in_dim3A_106 = arith.constant 0.000000e+00 : f32
      %broadcast_in_dim3A_107 = vector.broadcast %broadcast_in_dim3A_106 : f32 to vector<16xf32>
      %swap3A = arith.index_cast %scan3A_104 : i32 to index
      %swap3A_108 = arith.constant 0 : index
      %swap3A_109 = tpu.vector_load %arg16[%swap3A, %swap3A_108] {strides = array<i32>} : memref<125x48xf32, #tpu.memory_space<vmem>>, vector<16xf32>,
      tpu.vector_store %arg16[%swap3A, %swap3A_108], %broadcast_in_dim3A_107 {strides = array<i32>} : memref<125x48xf32, #tpu.memory_space<vmem>>, vector<16xf32>,
      %broadcast_in_dim3A_110 = arith.constant 0.000000e+00 : f32
      %broadcast_in_dim3A_111 = vector.broadcast %broadcast_in_dim3A_110 : f32 to vector<16xf32>
      %swap3A_112 = arith.index_cast %scan3A_104 : i32 to index
      %swap3A_113 = arith.constant 16 : index
      %swap3A_114 = tpu.vector_load %arg16[%swap3A_112, %swap3A_113] {strides = array<i32>} : memref<125x48xf32, #tpu.memory_space<vmem>>, vector<16xf32>,
      tpu.vector_store %arg16[%swap3A_112, %swap3A_113], %broadcast_in_dim3A_111 {strides = array<i32>} : memref<125x48xf32, #tpu.memory_space<vmem>>, vector<16xf32>,
      %broadcast_in_dim3A_115 = arith.constant 0.000000e+00 : f32
      %broadcast_in_dim3A_116 = vector.broadcast %broadcast_in_dim3A_115 : f32 to vector<16xf32>
      %swap3A_117 = arith.index_cast %scan3A_104 : i32 to index
      %swap3A_118 = arith.constant 32 : index
      %swap3A_119 = tpu.vector_load %arg16[%swap3A_117, %swap3A_118] {strides = array<i32>} : memref<125x48xf32, #tpu.memory_space<vmem>>, vector<16xf32>,
      tpu.vector_store %arg16[%swap3A_117, %swap3A_118], %broadcast_in_dim3A_116 {strides = array<i32>} : memref<125x48xf32, #tpu.memory_space<vmem>>, vector<16xf32>,
      %scan3A_120 = arith.constant 0 : i32
      scf.yield %scan3A_120 : i32
    }
    %scan3A_12 = arith.constant 125 : i32
    %mul3A_13 = arith.constant 640 : i32
    %mul3A_14 = arith.muli %arg1, %mul3A_13 : i32
    %add3A_15 = arith.constant 0 : i32
    %add3A_16 = arith.addi %mul3A_14, %add3A_15 : i32
    %min3A = arith.constant 9920 : i32
    %min3A_17 = arith.minsi %add3A_16, %min3A : i32
    "tpu.region"() ({
      %run_scoped3A_104 = tpu.sem_alloc : memref<!tpu.dma_semaphore, #tpu.memory_space<semaphore_mem>>
      %dma_start3A_105 = arith.constant 0 : i32
      %dma_start3A_106 = arith.constant 0 : i32
      %dma_start3A_107 = tpu.memref_slice %arg16[%dma_start3A_105, %dma_start3A_106] : memref<125x48xf32, #tpu.memory_space<vmem>> -> memref<80x48xf32, #tpu.memory_space<vmem>>
      %dma_start3A_108 = arith.constant 0 : i32
      %dma_start3A_109 = tpu.memref_slice %arg20[%min3A_17, %dma_start3A_108] : memref<10000x48xf32, #tpu.memory_space<vmem_shared>> -> memref<80x48xf32, #tpu.memory_space<vmem_shared>>
      %dma_start3A_110 = arith.constant 0 : i32
      %dma_start3A_111 = tpu.memref_slice %arg20[%min3A_17, %dma_start3A_110] : memref<10000x48xf32, #tpu.memory_space<vmem_shared>> -> memref<80x48xf32, #tpu.memory_space<vmem_shared>>
      %dma_start3A_112 = arith.constant 0 : i32
      %dma_start3A_113 = arith.constant 0 : i32
      %dma_start3A_114 = tpu.memref_slice %arg16[%dma_start3A_112, %dma_start3A_113] : memref<125x48xf32, #tpu.memory_space<vmem>> -> memref<80x48xf32, #tpu.memory_space<vmem>>
      tpu.enqueue_dma source(%dma_start3A_114 : memref<80x48xf32, #tpu.memory_space<vmem>>) target(%dma_start3A_111 : memref<80x48xf32, #tpu.memory_space<vmem_shared>>) target_semaphore(%run_scoped3A_104 : memref<!tpu.dma_semaphore, #tpu.memory_space<semaphore_mem>>)
      %dma_wait3A_115 = arith.constant 0 : i32
      %dma_wait3A_116 = arith.constant 0 : i32
      %dma_wait3A_117 = tpu.memref_slice %arg16[%dma_wait3A_115, %dma_wait3A_116] : memref<125x48xf32, #tpu.memory_space<vmem>> -> memref<80x48xf32, #tpu.memory_space<vmem>>
      %dma_wait3A_118 = arith.constant 0 : i32
      %dma_wait3A_119 = tpu.memref_slice %arg20[%min3A_17, %dma_wait3A_118] : memref<10000x48xf32, #tpu.memory_space<vmem_shared>> -> memref<80x48xf32, #tpu.memory_space<vmem_shared>>
      %dma_wait3A_120 = arith.constant 0 : i32
      %dma_wait3A_121 = tpu.memref_slice %arg20[%min3A_17, %dma_wait3A_120] : memref<10000x48xf32, #tpu.memory_space<vmem_shared>> -> memref<80x48xf32, #tpu.memory_space<vmem_shared>>
      %dma_wait3A_122 = arith.constant 0 : i32
      %dma_wait3A_123 = arith.constant 0 : i32
      %dma_wait3A_124 = tpu.memref_slice %arg16[%dma_wait3A_122, %dma_wait3A_123] : memref<125x48xf32, #tpu.memory_space<vmem>> -> memref<80x48xf32, #tpu.memory_space<vmem>>
      tpu.wait_dma2 semaphore(%run_scoped3A_104 : memref<!tpu.dma_semaphore, #tpu.memory_space<semaphore_mem>>) src(%dma_wait3A_124 : memref<80x48xf32, #tpu.memory_space<vmem>>) dst(%dma_wait3A_121 : memref<80x48xf32, #tpu.memory_space<vmem_shared>>)
      tpu.yield
    }) : () -> ()
    %mul3A_18 = arith.constant 640 : i32
    %mul3A_19 = arith.muli %arg1, %mul3A_18 : i32
    %add3A_20 = arith.constant 80 : i32
    %add3A_21 = arith.addi %mul3A_19, %add3A_20 : i32
    %min3A_22 = arith.constant 9920 : i32
    %min3A_23 = arith.minsi %add3A_21, %min3A_22 : i32
    "tpu.region"() ({
      %run_scoped3A_104 = tpu.sem_alloc : memref<!tpu.dma_semaphore, #tpu.memory_space<semaphore_mem>>
      %dma_start3A_105 = arith.constant 0 : i32
      %dma_start3A_106 = arith.constant 0 : i32
      %dma_start3A_107 = tpu.memref_slice %arg16[%dma_start3A_105, %dma_start3A_106] : memref<125x48xf32, #tpu.memory_space<vmem>> -> memref<80x48xf32, #tpu.memory_space<vmem>>
      %dma_start3A_108 = arith.constant 0 : i32
      %dma_start3A_109 = tpu.memref_slice %arg20[%min3A_23, %dma_start3A_108] : memref<10000x48xf32, #tpu.memory_space<vmem_shared>> -> memref<80x48xf32, #tpu.memory_space<vmem_shared>>
      %dma_start3A_110 = arith.constant 0 : i32
      %dma_start3A_111 = tpu.memref_slice %arg20[%min3A_23, %dma_start3A_110] : memref<10000x48xf32, #tpu.memory_space<vmem_shared>> -> memref<80x48xf32, #tpu.memory_space<vmem_shared>>
      %dma_start3A_112 = arith.constant 0 : i32
      %dma_start3A_113 = arith.constant 0 : i32
      %dma_start3A_114 = tpu.memref_slice %arg16[%dma_start3A_112, %dma_start3A_113] : memref<125x48xf32, #tpu.memory_space<vmem>> -> memref<80x48xf32, #tpu.memory_space<vmem>>
      tpu.enqueue_dma source(%dma_start3A_114 : memref<80x48xf32, #tpu.memory_space<vmem>>) target(%dma_start3A_111 : memref<80x48xf32, #tpu.memory_space<vmem_shared>>) target_semaphore(%run_scoped3A_104 : memref<!tpu.dma_semaphore, #tpu.memory_space<semaphore_mem>>)
      %dma_wait3A_115 = arith.constant 0 : i32
      %dma_wait3A_116 = arith.constant 0 : i32
      %dma_wait3A_117 = tpu.memref_slice %arg16[%dma_wait3A_115, %dma_wait3A_116] : memref<125x48xf32, #tpu.memory_space<vmem>> -> memref<80x48xf32, #tpu.memory_space<vmem>>
      %dma_wait3A_118 = arith.constant 0 : i32
      %dma_wait3A_119 = tpu.memref_slice %arg20[%min3A_23, %dma_wait3A_118] : memref<10000x48xf32, #tpu.memory_space<vmem_shared>> -> memref<80x48xf32, #tpu.memory_space<vmem_shared>>
      %dma_wait3A_120 = arith.constant 0 : i32
      %dma_wait3A_121 = tpu.memref_slice %arg20[%min3A_23, %dma_wait3A_120] : memref<10000x48xf32, #tpu.memory_space<vmem_shared>> -> memref<80x48xf32, #tpu.memory_space<vmem_shared>>
      %dma_wait3A_122 = arith.constant 0 : i32
      %dma_wait3A_123 = arith.constant 0 : i32
      %dma_wait3A_124 = tpu.memref_slice %arg16[%dma_wait3A_122, %dma_wait3A_123] : memref<125x48xf32, #tpu.memory_space<vmem>> -> memref<80x48xf32, #tpu.memory_space<vmem>>
      tpu.wait_dma2 semaphore(%run_scoped3A_104 : memref<!tpu.dma_semaphore, #tpu.memory_space<semaphore_mem>>) src(%dma_wait3A_124 : memref<80x48xf32, #tpu.memory_space<vmem>>) dst(%dma_wait3A_121 : memref<80x48xf32, #tpu.memory_space<vmem_shared>>)
      tpu.yield
    }) : () -> ()
    %mul3A_24 = arith.constant 640 : i32
    %mul3A_25 = arith.muli %arg1, %mul3A_24 : i32
    %add3A_26 = arith.constant 160 : i32
    %add3A_27 = arith.addi %mul3A_25, %add3A_26 : i32
    %min3A_28 = arith.constant 9920 : i32
    %min3A_29 = arith.minsi %add3A_27, %min3A_28 : i32
    "tpu.region"() ({
      %run_scoped3A_104 = tpu.sem_alloc : memref<!tpu.dma_semaphore, #tpu.memory_space<semaphore_mem>>
      %dma_start3A_105 = arith.constant 0 : i32
      %dma_start3A_106 = arith.constant 0 : i32
      %dma_start3A_107 = tpu.memref_slice %arg16[%dma_start3A_105, %dma_start3A_106] : memref<125x48xf32, #tpu.memory_space<vmem>> -> memref<80x48xf32, #tpu.memory_space<vmem>>
      %dma_start3A_108 = arith.constant 0 : i32
      %dma_start3A_109 = tpu.memref_slice %arg20[%min3A_29, %dma_start3A_108] : memref<10000x48xf32, #tpu.memory_space<vmem_shared>> -> memref<80x48xf32, #tpu.memory_space<vmem_shared>>
      %dma_start3A_110 = arith.constant 0 : i32
      %dma_start3A_111 = tpu.memref_slice %arg20[%min3A_29, %dma_start3A_110] : memref<10000x48xf32, #tpu.memory_space<vmem_shared>> -> memref<80x48xf32, #tpu.memory_space<vmem_shared>>
      %dma_start3A_112 = arith.constant 0 : i32
      %dma_start3A_113 = arith.constant 0 : i32
      %dma_start3A_114 = tpu.memref_slice %arg16[%dma_start3A_112, %dma_start3A_113] : memref<125x48xf32, #tpu.memory_space<vmem>> -> memref<80x48xf32, #tpu.memory_space<vmem>>
      tpu.enqueue_dma source(%dma_start3A_114 : memref<80x48xf32, #tpu.memory_space<vmem>>) target(%dma_start3A_111 : memref<80x48xf32, #tpu.memory_space<vmem_shared>>) target_semaphore(%run_scoped3A_104 : memref<!tpu.dma_semaphore, #tpu.memory_space<semaphore_mem>>)
      %dma_wait3A_115 = arith.constant 0 : i32
      %dma_wait3A_116 = arith.constant 0 : i32
      %dma_wait3A_117 = tpu.memref_slice %arg16[%dma_wait3A_115, %dma_wait3A_116] : memref<125x48xf32, #tpu.memory_space<vmem>> -> memref<80x48xf32, #tpu.memory_space<vmem>>
      %dma_wait3A_118 = arith.constant 0 : i32
      %dma_wait3A_119 = tpu.memref_slice %arg20[%min3A_29, %dma_wait3A_118] : memref<10000x48xf32, #tpu.memory_space<vmem_shared>> -> memref<80x48xf32, #tpu.memory_space<vmem_shared>>
      %dma_wait3A_120 = arith.constant 0 : i32
      %dma_wait3A_121 = tpu.memref_slice %arg20[%min3A_29, %dma_wait3A_120] : memref<10000x48xf32, #tpu.memory_space<vmem_shared>> -> memref<80x48xf32, #tpu.memory_space<vmem_shared>>
      %dma_wait3A_122 = arith.constant 0 : i32
      %dma_wait3A_123 = arith.constant 0 : i32
      %dma_wait3A_124 = tpu.memref_slice %arg16[%dma_wait3A_122, %dma_wait3A_123] : memref<125x48xf32, #tpu.memory_space<vmem>> -> memref<80x48xf32, #tpu.memory_space<vmem>>
      tpu.wait_dma2 semaphore(%run_scoped3A_104 : memref<!tpu.dma_semaphore, #tpu.memory_space<semaphore_mem>>) src(%dma_wait3A_124 : memref<80x48xf32, #tpu.memory_space<vmem>>) dst(%dma_wait3A_121 : memref<80x48xf32, #tpu.memory_space<vmem_shared>>)
      tpu.yield
    }) : () -> ()
    %mul3A_30 = arith.constant 640 : i32
    %mul3A_31 = arith.muli %arg1, %mul3A_30 : i32
    %add3A_32 = arith.constant 240 : i32
    %add3A_33 = arith.addi %mul3A_31, %add3A_32 : i32
    %min3A_34 = arith.constant 9920 : i32
    %min3A_35 = arith.minsi %add3A_33, %min3A_34 : i32
    "tpu.region"() ({
      %run_scoped3A_104 = tpu.sem_alloc : memref<!tpu.dma_semaphore, #tpu.memory_space<semaphore_mem>>
      %dma_start3A_105 = arith.constant 0 : i32
      %dma_start3A_106 = arith.constant 0 : i32
      %dma_start3A_107 = tpu.memref_slice %arg16[%dma_start3A_105, %dma_start3A_106] : memref<125x48xf32, #tpu.memory_space<vmem>> -> memref<80x48xf32, #tpu.memory_space<vmem>>
      %dma_start3A_108 = arith.constant 0 : i32
      %dma_start3A_109 = tpu.memref_slice %arg20[%min3A_35, %dma_start3A_108] : memref<10000x48xf32, #tpu.memory_space<vmem_shared>> -> memref<80x48xf32, #tpu.memory_space<vmem_shared>>
      %dma_start3A_110 = arith.constant 0 : i32
      %dma_start3A_111 = tpu.memref_slice %arg20[%min3A_35, %dma_start3A_110] : memref<10000x48xf32, #tpu.memory_space<vmem_shared>> -> memref<80x48xf32, #tpu.memory_space<vmem_shared>>
      %dma_start3A_112 = arith.constant 0 : i32
      %dma_start3A_113 = arith.constant 0 : i32
      %dma_start3A_114 = tpu.memref_slice %arg16[%dma_start3A_112, %dma_start3A_113] : memref<125x48xf32, #tpu.memory_space<vmem>> -> memref<80x48xf32, #tpu.memory_space<vmem>>
      tpu.enqueue_dma source(%dma_start3A_114 : memref<80x48xf32, #tpu.memory_space<vmem>>) target(%dma_start3A_111 : memref<80x48xf32, #tpu.memory_space<vmem_shared>>) target_semaphore(%run_scoped3A_104 : memref<!tpu.dma_semaphore, #tpu.memory_space<semaphore_mem>>)
      %dma_wait3A_115 = arith.constant 0 : i32
      %dma_wait3A_116 = arith.constant 0 : i32
      %dma_wait3A_117 = tpu.memref_slice %arg16[%dma_wait3A_115, %dma_wait3A_116] : memref<125x48xf32, #tpu.memory_space<vmem>> -> memref<80x48xf32, #tpu.memory_space<vmem>>
      %dma_wait3A_118 = arith.constant 0 : i32
      %dma_wait3A_119 = tpu.memref_slice %arg20[%min3A_35, %dma_wait3A_118] : memref<10000x48xf32, #tpu.memory_space<vmem_shared>> -> memref<80x48xf32, #tpu.memory_space<vmem_shared>>
      %dma_wait3A_120 = arith.constant 0 : i32
      %dma_wait3A_121 = tpu.memref_slice %arg20[%min3A_35, %dma_wait3A_120] : memref<10000x48xf32, #tpu.memory_space<vmem_shared>> -> memref<80x48xf32, #tpu.memory_space<vmem_shared>>
      %dma_wait3A_122 = arith.constant 0 : i32
      %dma_wait3A_123 = arith.constant 0 : i32
      %dma_wait3A_124 = tpu.memref_slice %arg16[%dma_wait3A_122, %dma_wait3A_123] : memref<125x48xf32, #tpu.memory_space<vmem>> -> memref<80x48xf32, #tpu.memory_space<vmem>>
      tpu.wait_dma2 semaphore(%run_scoped3A_104 : memref<!tpu.dma_semaphore, #tpu.memory_space<semaphore_mem>>) src(%dma_wait3A_124 : memref<80x48xf32, #tpu.memory_space<vmem>>) dst(%dma_wait3A_121 : memref<80x48xf32, #tpu.memory_space<vmem_shared>>)
      tpu.yield
    }) : () -> ()
    %mul3A_36 = arith.constant 640 : i32
    %mul3A_37 = arith.muli %arg1, %mul3A_36 : i32
    %add3A_38 = arith.constant 320 : i32
    %add3A_39 = arith.addi %mul3A_37, %add3A_38 : i32
    %min3A_40 = arith.constant 9920 : i32
    %min3A_41 = arith.minsi %add3A_39, %min3A_40 : i32
    "tpu.region"() ({
      %run_scoped3A_104 = tpu.sem_alloc : memref<!tpu.dma_semaphore, #tpu.memory_space<semaphore_mem>>
      %dma_start3A_105 = arith.constant 0 : i32
      %dma_start3A_106 = arith.constant 0 : i32
      %dma_start3A_107 = tpu.memref_slice %arg16[%dma_start3A_105, %dma_start3A_106] : memref<125x48xf32, #tpu.memory_space<vmem>> -> memref<80x48xf32, #tpu.memory_space<vmem>>
      %dma_start3A_108 = arith.constant 0 : i32
      %dma_start3A_109 = tpu.memref_slice %arg20[%min3A_41, %dma_start3A_108] : memref<10000x48xf32, #tpu.memory_space<vmem_shared>> -> memref<80x48xf32, #tpu.memory_space<vmem_shared>>
      %dma_start3A_110 = arith.constant 0 : i32
      %dma_start3A_111 = tpu.memref_slice %arg20[%min3A_41, %dma_start3A_110] : memref<10000x48xf32, #tpu.memory_space<vmem_shared>> -> memref<80x48xf32, #tpu.memory_space<vmem_shared>>
      %dma_start3A_112 = arith.constant 0 : i32
      %dma_start3A_113 = arith.constant 0 : i32
      %dma_start3A_114 = tpu.memref_slice %arg16[%dma_start3A_112, %dma_start3A_113] : memref<125x48xf32, #tpu.memory_space<vmem>> -> memref<80x48xf32, #tpu.memory_space<vmem>>
      tpu.enqueue_dma source(%dma_start3A_114 : memref<80x48xf32, #tpu.memory_space<vmem>>) target(%dma_start3A_111 : memref<80x48xf32, #tpu.memory_space<vmem_shared>>) target_semaphore(%run_scoped3A_104 : memref<!tpu.dma_semaphore, #tpu.memory_space<semaphore_mem>>)
      %dma_wait3A_115 = arith.constant 0 : i32
      %dma_wait3A_116 = arith.constant 0 : i32
      %dma_wait3A_117 = tpu.memref_slice %arg16[%dma_wait3A_115, %dma_wait3A_116] : memref<125x48xf32, #tpu.memory_space<vmem>> -> memref<80x48xf32, #tpu.memory_space<vmem>>
      %dma_wait3A_118 = arith.constant 0 : i32
      %dma_wait3A_119 = tpu.memref_slice %arg20[%min3A_41, %dma_wait3A_118] : memref<10000x48xf32, #tpu.memory_space<vmem_shared>> -> memref<80x48xf32, #tpu.memory_space<vmem_shared>>
      %dma_wait3A_120 = arith.constant 0 : i32
      %dma_wait3A_121 = tpu.memref_slice %arg20[%min3A_41, %dma_wait3A_120] : memref<10000x48xf32, #tpu.memory_space<vmem_shared>> -> memref<80x48xf32, #tpu.memory_space<vmem_shared>>
      %dma_wait3A_122 = arith.constant 0 : i32
      %dma_wait3A_123 = arith.constant 0 : i32
      %dma_wait3A_124 = tpu.memref_slice %arg16[%dma_wait3A_122, %dma_wait3A_123] : memref<125x48xf32, #tpu.memory_space<vmem>> -> memref<80x48xf32, #tpu.memory_space<vmem>>
      tpu.wait_dma2 semaphore(%run_scoped3A_104 : memref<!tpu.dma_semaphore, #tpu.memory_space<semaphore_mem>>) src(%dma_wait3A_124 : memref<80x48xf32, #tpu.memory_space<vmem>>) dst(%dma_wait3A_121 : memref<80x48xf32, #tpu.memory_space<vmem_shared>>)
      tpu.yield
    }) : () -> ()
    %mul3A_42 = arith.constant 640 : i32
    %mul3A_43 = arith.muli %arg1, %mul3A_42 : i32
    %add3A_44 = arith.constant 400 : i32
    %add3A_45 = arith.addi %mul3A_43, %add3A_44 : i32
    %min3A_46 = arith.constant 9920 : i32
    %min3A_47 = arith.minsi %add3A_45, %min3A_46 : i32
    "tpu.region"() ({
      %run_scoped3A_104 = tpu.sem_alloc : memref<!tpu.dma_semaphore, #tpu.memory_space<semaphore_mem>>
      %dma_start3A_105 = arith.constant 0 : i32
      %dma_start3A_106 = arith.constant 0 : i32
      %dma_start3A_107 = tpu.memref_slice %arg16[%dma_start3A_105, %dma_start3A_106] : memref<125x48xf32, #tpu.memory_space<vmem>> -> memref<80x48xf32, #tpu.memory_space<vmem>>
      %dma_start3A_108 = arith.constant 0 : i32
      %dma_start3A_109 = tpu.memref_slice %arg20[%min3A_47, %dma_start3A_108] : memref<10000x48xf32, #tpu.memory_space<vmem_shared>> -> memref<80x48xf32, #tpu.memory_space<vmem_shared>>
      %dma_start3A_110 = arith.constant 0 : i32
      %dma_start3A_111 = tpu.memref_slice %arg20[%min3A_47, %dma_start3A_110] : memref<10000x48xf32, #tpu.memory_space<vmem_shared>> -> memref<80x48xf32, #tpu.memory_space<vmem_shared>>
      %dma_start3A_112 = arith.constant 0 : i32
      %dma_start3A_113 = arith.constant 0 : i32
      %dma_start3A_114 = tpu.memref_slice %arg16[%dma_start3A_112, %dma_start3A_113] : memref<125x48xf32, #tpu.memory_space<vmem>> -> memref<80x48xf32, #tpu.memory_space<vmem>>
      tpu.enqueue_dma source(%dma_start3A_114 : memref<80x48xf32, #tpu.memory_space<vmem>>) target(%dma_start3A_111 : memref<80x48xf32, #tpu.memory_space<vmem_shared>>) target_semaphore(%run_scoped3A_104 : memref<!tpu.dma_semaphore, #tpu.memory_space<semaphore_mem>>)
      %dma_wait3A_115 = arith.constant 0 : i32
      %dma_wait3A_116 = arith.constant 0 : i32
      %dma_wait3A_117 = tpu.memref_slice %arg16[%dma_wait3A_115, %dma_wait3A_116] : memref<125x48xf32, #tpu.memory_space<vmem>> -> memref<80x48xf32, #tpu.memory_space<vmem>>
      %dma_wait3A_118 = arith.constant 0 : i32
      %dma_wait3A_119 = tpu.memref_slice %arg20[%min3A_47, %dma_wait3A_118] : memref<10000x48xf32, #tpu.memory_space<vmem_shared>> -> memref<80x48xf32, #tpu.memory_space<vmem_shared>>
      %dma_wait3A_120 = arith.constant 0 : i32
      %dma_wait3A_121 = tpu.memref_slice %arg20[%min3A_47, %dma_wait3A_120] : memref<10000x48xf32, #tpu.memory_space<vmem_shared>> -> memref<80x48xf32, #tpu.memory_space<vmem_shared>>
      %dma_wait3A_122 = arith.constant 0 : i32
      %dma_wait3A_123 = arith.constant 0 : i32
      %dma_wait3A_124 = tpu.memref_slice %arg16[%dma_wait3A_122, %dma_wait3A_123] : memref<125x48xf32, #tpu.memory_space<vmem>> -> memref<80x48xf32, #tpu.memory_space<vmem>>
      tpu.wait_dma2 semaphore(%run_scoped3A_104 : memref<!tpu.dma_semaphore, #tpu.memory_space<semaphore_mem>>) src(%dma_wait3A_124 : memref<80x48xf32, #tpu.memory_space<vmem>>) dst(%dma_wait3A_121 : memref<80x48xf32, #tpu.memory_space<vmem_shared>>)
      tpu.yield
    }) : () -> ()
    %mul3A_48 = arith.constant 640 : i32
    %mul3A_49 = arith.muli %arg1, %mul3A_48 : i32
    %add3A_50 = arith.constant 480 : i32
    %add3A_51 = arith.addi %mul3A_49, %add3A_50 : i32
    %min3A_52 = arith.constant 9920 : i32
    %min3A_53 = arith.minsi %add3A_51, %min3A_52 : i32
    "tpu.region"() ({
      %run_scoped3A_104 = tpu.sem_alloc : memref<!tpu.dma_semaphore, #tpu.memory_space<semaphore_mem>>
      %dma_start3A_105 = arith.constant 0 : i32
      %dma_start3A_106 = arith.constant 0 : i32
      %dma_start3A_107 = tpu.memref_slice %arg16[%dma_start3A_105, %dma_start3A_106] : memref<125x48xf32, #tpu.memory_space<vmem>> -> memref<80x48xf32, #tpu.memory_space<vmem>>
      %dma_start3A_108 = arith.constant 0 : i32
      %dma_start3A_109 = tpu.memref_slice %arg20[%min3A_53, %dma_start3A_108] : memref<10000x48xf32, #tpu.memory_space<vmem_shared>> -> memref<80x48xf32, #tpu.memory_space<vmem_shared>>
      %dma_start3A_110 = arith.constant 0 : i32
      %dma_start3A_111 = tpu.memref_slice %arg20[%min3A_53, %dma_start3A_110] : memref<10000x48xf32, #tpu.memory_space<vmem_shared>> -> memref<80x48xf32, #tpu.memory_space<vmem_shared>>
      %dma_start3A_112 = arith.constant 0 : i32
      %dma_start3A_113 = arith.constant 0 : i32
      %dma_start3A_114 = tpu.memref_slice %arg16[%dma_start3A_112, %dma_start3A_113] : memref<125x48xf32, #tpu.memory_space<vmem>> -> memref<80x48xf32, #tpu.memory_space<vmem>>
      tpu.enqueue_dma source(%dma_start3A_114 : memref<80x48xf32, #tpu.memory_space<vmem>>) target(%dma_start3A_111 : memref<80x48xf32, #tpu.memory_space<vmem_shared>>) target_semaphore(%run_scoped3A_104 : memref<!tpu.dma_semaphore, #tpu.memory_space<semaphore_mem>>)
      %dma_wait3A_115 = arith.constant 0 : i32
      %dma_wait3A_116 = arith.constant 0 : i32
      %dma_wait3A_117 = tpu.memref_slice %arg16[%dma_wait3A_115, %dma_wait3A_116] : memref<125x48xf32, #tpu.memory_space<vmem>> -> memref<80x48xf32, #tpu.memory_space<vmem>>
      %dma_wait3A_118 = arith.constant 0 : i32
      %dma_wait3A_119 = tpu.memref_slice %arg20[%min3A_53, %dma_wait3A_118] : memref<10000x48xf32, #tpu.memory_space<vmem_shared>> -> memref<80x48xf32, #tpu.memory_space<vmem_shared>>
      %dma_wait3A_120 = arith.constant 0 : i32
      %dma_wait3A_121 = tpu.memref_slice %arg20[%min3A_53, %dma_wait3A_120] : memref<10000x48xf32, #tpu.memory_space<vmem_shared>> -> memref<80x48xf32, #tpu.memory_space<vmem_shared>>
      %dma_wait3A_122 = arith.constant 0 : i32
      %dma_wait3A_123 = arith.constant 0 : i32
      %dma_wait3A_124 = tpu.memref_slice %arg16[%dma_wait3A_122, %dma_wait3A_123] : memref<125x48xf32, #tpu.memory_space<vmem>> -> memref<80x48xf32, #tpu.memory_space<vmem>>
      tpu.wait_dma2 semaphore(%run_scoped3A_104 : memref<!tpu.dma_semaphore, #tpu.memory_space<semaphore_mem>>) src(%dma_wait3A_124 : memref<80x48xf32, #tpu.memory_space<vmem>>) dst(%dma_wait3A_121 : memref<80x48xf32, #tpu.memory_space<vmem_shared>>)
      tpu.yield
    }) : () -> ()
    %mul3A_54 = arith.constant 640 : i32
    %mul3A_55 = arith.muli %arg1, %mul3A_54 : i32
    %add3A_56 = arith.constant 560 : i32
    %add3A_57 = arith.addi %mul3A_55, %add3A_56 : i32
    %min3A_58 = arith.constant 9920 : i32
    %min3A_59 = arith.minsi %add3A_57, %min3A_58 : i32
    "tpu.region"() ({
      %run_scoped3A_104 = tpu.sem_alloc : memref<!tpu.dma_semaphore, #tpu.memory_space<semaphore_mem>>
      %dma_start3A_105 = arith.constant 0 : i32
      %dma_start3A_106 = arith.constant 0 : i32
      %dma_start3A_107 = tpu.memref_slice %arg16[%dma_start3A_105, %dma_start3A_106] : memref<125x48xf32, #tpu.memory_space<vmem>> -> memref<80x48xf32, #tpu.memory_space<vmem>>
      %dma_start3A_108 = arith.constant 0 : i32
      %dma_start3A_109 = tpu.memref_slice %arg20[%min3A_59, %dma_start3A_108] : memref<10000x48xf32, #tpu.memory_space<vmem_shared>> -> memref<80x48xf32, #tpu.memory_space<vmem_shared>>
      %dma_start3A_110 = arith.constant 0 : i32
      %dma_start3A_111 = tpu.memref_slice %arg20[%min3A_59, %dma_start3A_110] : memref<10000x48xf32, #tpu.memory_space<vmem_shared>> -> memref<80x48xf32, #tpu.memory_space<vmem_shared>>
      %dma_start3A_112 = arith.constant 0 : i32
      %dma_start3A_113 = arith.constant 0 : i32
      %dma_start3A_114 = tpu.memref_slice %arg16[%dma_start3A_112, %dma_start3A_113] : memref<125x48xf32, #tpu.memory_space<vmem>> -> memref<80x48xf32, #tpu.memory_space<vmem>>
      tpu.enqueue_dma source(%dma_start3A_114 : memref<80x48xf32, #tpu.memory_space<vmem>>) target(%dma_start3A_111 : memref<80x48xf32, #tpu.memory_space<vmem_shared>>) target_semaphore(%run_scoped3A_104 : memref<!tpu.dma_semaphore, #tpu.memory_space<semaphore_mem>>)
      %dma_wait3A_115 = arith.constant 0 : i32
      %dma_wait3A_116 = arith.constant 0 : i32
      %dma_wait3A_117 = tpu.memref_slice %arg16[%dma_wait3A_115, %dma_wait3A_116] : memref<125x48xf32, #tpu.memory_space<vmem>> -> memref<80x48xf32, #tpu.memory_space<vmem>>
      %dma_wait3A_118 = arith.constant 0 : i32
      %dma_wait3A_119 = tpu.memref_slice %arg20[%min3A_59, %dma_wait3A_118] : memref<10000x48xf32, #tpu.memory_space<vmem_shared>> -> memref<80x48xf32, #tpu.memory_space<vmem_shared>>
      %dma_wait3A_120 = arith.constant 0 : i32
      %dma_wait3A_121 = tpu.memref_slice %arg20[%min3A_59, %dma_wait3A_120] : memref<10000x48xf32, #tpu.memory_space<vmem_shared>> -> memref<80x48xf32, #tpu.memory_space<vmem_shared>>
      %dma_wait3A_122 = arith.constant 0 : i32
      %dma_wait3A_123 = arith.constant 0 : i32
      %dma_wait3A_124 = tpu.memref_slice %arg16[%dma_wait3A_122, %dma_wait3A_123] : memref<125x48xf32, #tpu.memory_space<vmem>> -> memref<80x48xf32, #tpu.memory_space<vmem>>
      tpu.wait_dma2 semaphore(%run_scoped3A_104 : memref<!tpu.dma_semaphore, #tpu.memory_space<semaphore_mem>>) src(%dma_wait3A_124 : memref<80x48xf32, #tpu.memory_space<vmem>>) dst(%dma_wait3A_121 : memref<80x48xf32, #tpu.memory_space<vmem_shared>>)
      tpu.yield
    }) : () -> ()
    %barrier3A = arith.constant 0 : index
    tpu.barrier barrier_id(%barrier3A)
    %broadcast_in_dim3A = arith.constant 0 : i32
    %broadcast_in_dim3A_60 = vector.broadcast %broadcast_in_dim3A : i32 to vector<16xi32>
    %dma_start3A = arith.constant 0 : i32
    %dma_start3A_61 = arith.constant 0 : i32
    %dma_start3A_62 = tpu.memref_slice %arg7[%dma_start3A, %dma_start3A_61] : memref<80x125xi32, #tpu.memory_space<vmem>> -> memref<1x125xi32, #tpu.memory_space<vmem>>
    %dma_start3A_63 = tpu.memref_squeeze %dma_start3A_62 : memref<1x125xi32, #tpu.memory_space<vmem>> -> memref<125xi32, #tpu.memory_space<vmem>>
    %dma_start3A_64 = arith.constant 0 : i32
    %dma_start3A_65 = arith.constant 0 : i32
    %dma_start3A_66 = tpu.memref_slice %arg2[%dma_start3A_64, %dma_start3A_65] : memref<10000x48xf32, #tpu.memory_space<hbm>> -> memref<10000x48xf32, #tpu.memory_space<hbm>>
    tpu.enqueue_indirect_dma source(%dma_start3A_66 : memref<10000x48xf32, #tpu.memory_space<hbm>>) target(%arg16 : memref<125x48xf32, #tpu.memory_space<vmem>>) offsets(%dma_start3A_63 : memref<125xi32, #tpu.memory_space<vmem>>) semaphore(%arg21 : memref<!tpu.dma_semaphore, #tpu.memory_space<semaphore_mem>>)
    %mul3A_67 = arith.constant 80 : i32
    %mul3A_68 = arith.muli %add3A, %mul3A_67 : i32
    %add3A_69 = arith.constant 1 : i32
    %add3A_70 = arith.addi %mul3A_68, %add3A_69 : i32
    %mul3A_71 = arith.constant 80 : i32
    %mul3A_72 = arith.muli %add3A, %mul3A_71 : i32
    %add3A_73 = arith.constant 1 : i32
    %add3A_74 = arith.addi %mul3A_72, %add3A_73 : i32
    %dma_start3A_75 = arith.constant 0 : i32
    %dma_start3A_76 = tpu.memref_slice %arg4[%add3A_70, %dma_start3A_75] : memref<2560x125xi32, #tpu.memory_space<hbm>> -> memref<1x125xi32, #tpu.memory_space<hbm>>
    %dma_start3A_77 = tpu.memref_squeeze %dma_start3A_76 : memref<1x125xi32, #tpu.memory_space<hbm>> -> memref<125xi32, #tpu.memory_space<hbm>>
    %dma_start3A_78 = arith.constant 0 : i32
    %dma_start3A_79 = tpu.memref_slice %arg4[%add3A_70, %dma_start3A_78] : memref<2560x125xi32, #tpu.memory_space<hbm>> -> memref<1x125xi32, #tpu.memory_space<hbm>>
    %dma_start3A_80 = tpu.memref_squeeze %dma_start3A_79 : memref<1x125xi32, #tpu.memory_space<hbm>> -> memref<125xi32, #tpu.memory_space<hbm>>
    tpu.enqueue_dma source(%dma_start3A_80 : memref<125xi32, #tpu.memory_space<hbm>>) target(%arg9 : memref<125xi32, #tpu.memory_space<vmem>>) target_semaphore(%arg30 : memref<!tpu.dma_semaphore, #tpu.memory_space<semaphore_mem>>)
    %dma_start3A_81 = arith.constant 0 : i32
    %dma_start3A_82 = tpu.memref_slice %arg5[%add3A_74, %dma_start3A_81] : memref<2560x125xf32, #tpu.memory_space<hbm>> -> memref<1x125xf32, #tpu.memory_space<hbm>>
    %dma_start3A_83 = tpu.memref_squeeze %dma_start3A_82 : memref<1x125xf32, #tpu.memory_space<hbm>> -> memref<125xf32, #tpu.memory_space<hbm>>
    %dma_start3A_84 = arith.constant 0 : i32
    %dma_start3A_85 = tpu.memref_slice %arg5[%add3A_74, %dma_start3A_84] : memref<2560x125xf32, #tpu.memory_space<hbm>> -> memref<1x125xf32, #tpu.memory_space<hbm>>
    %dma_start3A_86 = tpu.memref_squeeze %dma_start3A_85 : memref<1x125xf32, #tpu.memory_space<hbm>> -> memref<125xf32, #tpu.memory_space<hbm>>
    tpu.enqueue_dma source(%dma_start3A_86 : memref<125xf32, #tpu.memory_space<hbm>>) target(%arg13 : memref<125xf32, #tpu.memory_space<vmem>>) target_semaphore(%arg34 : memref<!tpu.dma_semaphore, #tpu.memory_space<semaphore_mem>>)
    %scan3A_87 = arith.constant 0 : i32
    %scan3A_88 = arith.constant 0 : i32
    %scan3A_89 = arith.constant 20 : i32
    %scan3A_90 = arith.addi %scan3A_88, %scan3A_89 : i32
    %scan3A_91 = arith.constant 1 : i32
    %scan3A_92 = scf.for %scan3A_104 = %scan3A_88 to %scan3A_90 step %scan3A_91 iter_args(%scan3A_105 = %scan3A_87) -> (i32)  : i32 {
      %mul3A_106 = arith.constant 4 : i32
      %mul3A_107 = arith.muli %scan3A_104, %mul3A_106 : i32
      %add3A_108 = arith.constant 0 : i32
      %add3A_109 = arith.addi %mul3A_107, %add3A_108 : i32
      %dma_wait3A_110 = arith.constant 0 : i32
      %dma_wait3A_111 = tpu.memref_slice %arg7[%add3A_109, %dma_wait3A_110] : memref<80x125xi32, #tpu.memory_space<vmem>> -> memref<1x125xi32, #tpu.memory_space<vmem>>
      %dma_wait3A_112 = tpu.memref_squeeze %dma_wait3A_111 : memref<1x125xi32, #tpu.memory_space<vmem>> -> memref<125xi32, #tpu.memory_space<vmem>>
      %dma_wait3A_113 = arith.constant 0 : i32
      %dma_wait3A_114 = arith.constant 0 : i32
      %dma_wait3A_115 = tpu.memref_slice %arg2[%dma_wait3A_113, %dma_wait3A_114] : memref<10000x48xf32, #tpu.memory_space<hbm>> -> memref<10000x48xf32, #tpu.memory_space<hbm>>
      tpu.wait_indirect_dma semaphore(%arg21 : memref<!tpu.dma_semaphore, #tpu.memory_space<semaphore_mem>>) src(%dma_wait3A_115 : memref<10000x48xf32, #tpu.memory_space<hbm>>) dst(%arg16 : memref<125x48xf32, #tpu.memory_space<vmem>>)
      %ge3A = arith.constant 1 : i32
      %ge3A_116 = arith.cmpi sge, %add3A_109, %ge3A : i32
      %convert_element_type3A = arith.extui %ge3A_116 : i1 to i32
      %cond3A = arith.constant 0 : i32
      %cond3A_117 = arith.cmpi ne, %convert_element_type3A, %cond3A : i32
      scf.if %cond3A_117 {
        %dma_wait3A_242 = arith.constant 0 : i32
        %dma_wait3A_243 = arith.constant 0 : i32
        %dma_wait3A_244 = tpu.memref_slice %arg20[%dma_wait3A_242, %dma_wait3A_243] : memref<10000x48xf32, #tpu.memory_space<vmem_shared>> -> memref<10000x48xf32, #tpu.memory_space<vmem_shared>>
        tpu.wait_indirect_dma semaphore(%arg28 : memref<!tpu.dma_semaphore, #tpu.memory_space<semaphore_mem>>) src(%arg19 : memref<125x48xf32, #tpu.memory_space<vmem>>) dst(%dma_wait3A_244 : memref<10000x48xf32, #tpu.memory_space<vmem_shared>>)
      } else {
      }
      %add3A_118 = arith.constant 1 : i32
      %add3A_119 = arith.addi %add3A_109, %add3A_118 : i32
      %lt3A = arith.constant 80 : i32
      %lt3A_120 = arith.cmpi slt, %add3A_119, %lt3A : i32
      %convert_element_type3A_121 = arith.extui %lt3A_120 : i1 to i32
      %cond3A_122 = arith.constant 0 : i32
      %cond3A_123 = arith.cmpi ne, %convert_element_type3A_121, %cond3A_122 : i32
      scf.if %cond3A_123 {
        %add3A_242 = arith.constant 1 : i32
        %add3A_243 = arith.addi %add3A_109, %add3A_242 : i32
        %mul3A_244 = arith.constant 80 : i32
        %mul3A_245 = arith.muli %add3A, %mul3A_244 : i32
        %add3A_246 = arith.addi %mul3A_245, %add3A_243 : i32
        %mul3A_247 = arith.constant 80 : i32
        %mul3A_248 = arith.muli %add3A, %mul3A_247 : i32
        %add3A_249 = arith.addi %mul3A_248, %add3A_243 : i32
        %dma_wait3A_250 = arith.constant 0 : i32
        %dma_wait3A_251 = tpu.memref_slice %arg4[%add3A_246, %dma_wait3A_250] : memref<2560x125xi32, #tpu.memory_space<hbm>> -> memref<1x125xi32, #tpu.memory_space<hbm>>
        %dma_wait3A_252 = tpu.memref_squeeze %dma_wait3A_251 : memref<1x125xi32, #tpu.memory_space<hbm>> -> memref<125xi32, #tpu.memory_space<hbm>>
        %dma_wait3A_253 = arith.constant 0 : i32
        %dma_wait3A_254 = tpu.memref_slice %arg4[%add3A_246, %dma_wait3A_253] : memref<2560x125xi32, #tpu.memory_space<hbm>> -> memref<1x125xi32, #tpu.memory_space<hbm>>
        %dma_wait3A_255 = tpu.memref_squeeze %dma_wait3A_254 : memref<1x125xi32, #tpu.memory_space<hbm>> -> memref<125xi32, #tpu.memory_space<hbm>>
        tpu.wait_dma2 semaphore(%arg30 : memref<!tpu.dma_semaphore, #tpu.memory_space<semaphore_mem>>) src(%dma_wait3A_255 : memref<125xi32, #tpu.memory_space<hbm>>) dst(%arg9 : memref<125xi32, #tpu.memory_space<vmem>>)
        %dma_wait3A_256 = arith.constant 0 : i32
        %dma_wait3A_257 = tpu.memref_slice %arg5[%add3A_249, %dma_wait3A_256] : memref<2560x125xf32, #tpu.memory_space<hbm>> -> memref<1x125xf32, #tpu.memory_space<hbm>>
        %dma_wait3A_258 = tpu.memref_squeeze %dma_wait3A_257 : memref<1x125xf32, #tpu.memory_space<hbm>> -> memref<125xf32, #tpu.memory_space<hbm>>
        %dma_wait3A_259 = arith.constant 0 : i32
        %dma_wait3A_260 = tpu.memref_slice %arg5[%add3A_249, %dma_wait3A_259] : memref<2560x125xf32, #tpu.memory_space<hbm>> -> memref<1x125xf32, #tpu.memory_space<hbm>>
        %dma_wait3A_261 = tpu.memref_squeeze %dma_wait3A_260 : memref<1x125xf32, #tpu.memory_space<hbm>> -> memref<125xf32, #tpu.memory_space<hbm>>
        tpu.wait_dma2 semaphore(%arg34 : memref<!tpu.dma_semaphore, #tpu.memory_space<semaphore_mem>>) src(%dma_wait3A_261 : memref<125xf32, #tpu.memory_space<hbm>>) dst(%arg13 : memref<125xf32, #tpu.memory_space<vmem>>)
        %add3A_262 = arith.constant 1 : i32
        %add3A_263 = arith.addi %add3A_109, %add3A_262 : i32
        %dma_start3A_264 = arith.constant 0 : i32
        %dma_start3A_265 = tpu.memref_slice %arg7[%add3A_263, %dma_start3A_264] : memref<80x125xi32, #tpu.memory_space<vmem>> -> memref<1x125xi32, #tpu.memory_space<vmem>>
        %dma_start3A_266 = tpu.memref_squeeze %dma_start3A_265 : memref<1x125xi32, #tpu.memory_space<vmem>> -> memref<125xi32, #tpu.memory_space<vmem>>
        %dma_start3A_267 = arith.constant 0 : i32
        %dma_start3A_268 = arith.constant 0 : i32
        %dma_start3A_269 = tpu.memref_slice %arg2[%dma_start3A_267, %dma_start3A_268] : memref<10000x48xf32, #tpu.memory_space<hbm>> -> memref<10000x48xf32, #tpu.memory_space<hbm>>
        tpu.enqueue_indirect_dma source(%dma_start3A_269 : memref<10000x48xf32, #tpu.memory_space<hbm>>) target(%arg17 : memref<125x48xf32, #tpu.memory_space<vmem>>) offsets(%dma_start3A_266 : memref<125xi32, #tpu.memory_space<vmem>>) semaphore(%arg22 : memref<!tpu.dma_semaphore, #tpu.memory_space<semaphore_mem>>)
      } else {
      }
      %parallel_loop3A = arith.constant 0 : i32
      %parallel_loop3A_124 = arith.constant 125 : i32
      %parallel_loop3A_125 = arith.constant 1 : i32
      scf.for %parallel_loop3A_242 = %parallel_loop3A to %parallel_loop3A_124 step %parallel_loop3A_125  : i32 {
        %parallel_loop3A_243 = vector.broadcast %parallel_loop3A_242 : i32 to vector<16xi32>
        %parallel_loop3A_244 = arith.addi %broadcast_in_dim3A_60, %parallel_loop3A_243 : vector<16xi32>
        %parallel_loop3A_245 = tpu.vector_load_idx %arg12[%parallel_loop3A_244] : memref<125xf32, #tpu.memory_space<vmem>>[vector<16xi32>], vector<16xf32>,
        %parallel_loop3A_246 = arith.index_cast %parallel_loop3A_242 : i32 to index
        %parallel_loop3A_247 = arith.constant 0 : index
        %parallel_loop3A_248 = tpu.vector_load %arg16[%parallel_loop3A_246, %parallel_loop3A_247] {strides = array<i32>} : memref<125x48xf32, #tpu.memory_space<vmem>>, vector<16xf32>,
        %parallel_loop3A_249 = arith.mulf %parallel_loop3A_248, %parallel_loop3A_245 : vector<16xf32>
        %parallel_loop3A_250 = arith.index_cast %parallel_loop3A_242 : i32 to index
        %parallel_loop3A_251 = arith.constant 0 : index
        %parallel_loop3A_252 = tpu.vector_load %arg16[%parallel_loop3A_250, %parallel_loop3A_251] {strides = array<i32>} : memref<125x48xf32, #tpu.memory_space<vmem>>, vector<16xf32>,
        tpu.vector_store %arg16[%parallel_loop3A_250, %parallel_loop3A_251], %parallel_loop3A_249 {strides = array<i32>} : memref<125x48xf32, #tpu.memory_space<vmem>>, vector<16xf32>,
        %parallel_loop3A_253 = arith.index_cast %parallel_loop3A_242 : i32 to index
        %parallel_loop3A_254 = arith.constant 16 : index
        %parallel_loop3A_255 = tpu.vector_load %arg16[%parallel_loop3A_253, %parallel_loop3A_254] {strides = array<i32>} : memref<125x48xf32, #tpu.memory_space<vmem>>, vector<16xf32>,
        %parallel_loop3A_256 = arith.mulf %parallel_loop3A_255, %parallel_loop3A_245 : vector<16xf32>
        %parallel_loop3A_257 = arith.index_cast %parallel_loop3A_242 : i32 to index
        %parallel_loop3A_258 = arith.constant 16 : index
        %parallel_loop3A_259 = tpu.vector_load %arg16[%parallel_loop3A_257, %parallel_loop3A_258] {strides = array<i32>} : memref<125x48xf32, #tpu.memory_space<vmem>>, vector<16xf32>,
        tpu.vector_store %arg16[%parallel_loop3A_257, %parallel_loop3A_258], %parallel_loop3A_256 {strides = array<i32>} : memref<125x48xf32, #tpu.memory_space<vmem>>, vector<16xf32>,
        %parallel_loop3A_260 = arith.index_cast %parallel_loop3A_242 : i32 to index
        %parallel_loop3A_261 = arith.constant 32 : index
        %parallel_loop3A_262 = tpu.vector_load %arg16[%parallel_loop3A_260, %parallel_loop3A_261] {strides = array<i32>} : memref<125x48xf32, #tpu.memory_space<vmem>>, vector<16xf32>,
        %parallel_loop3A_263 = arith.mulf %parallel_loop3A_262, %parallel_loop3A_245 : vector<16xf32>
        %parallel_loop3A_264 = arith.index_cast %parallel_loop3A_242 : i32 to index
        %parallel_loop3A_265 = arith.constant 32 : index
        %parallel_loop3A_266 = tpu.vector_load %arg16[%parallel_loop3A_264, %parallel_loop3A_265] {strides = array<i32>} : memref<125x48xf32, #tpu.memory_space<vmem>>, vector<16xf32>,
        tpu.vector_store %arg16[%parallel_loop3A_264, %parallel_loop3A_265], %parallel_loop3A_263 {strides = array<i32>} : memref<125x48xf32, #tpu.memory_space<vmem>>, vector<16xf32>,
      } {sc.loop_unroll_factor = 5 : i64, sc.parallel_access}
      %dma_start3A_126 = arith.constant 0 : i32
      %dma_start3A_127 = arith.constant 0 : i32
      %dma_start3A_128 = tpu.memref_slice %arg20[%dma_start3A_126, %dma_start3A_127] : memref<10000x48xf32, #tpu.memory_space<vmem_shared>> -> memref<10000x48xf32, #tpu.memory_space<vmem_shared>>
      tpu.enqueue_indirect_dma source(%arg16 : memref<125x48xf32, #tpu.memory_space<vmem>>) target(%dma_start3A_128 : memref<10000x48xf32, #tpu.memory_space<vmem_shared>>) offsets(%arg8 : memref<125xi32, #tpu.memory_space<vmem>>) semaphore(%arg25 : memref<!tpu.dma_semaphore, #tpu.memory_space<semaphore_mem>>) {add = true}
      %add3A_129 = arith.constant 2 : i32
      %add3A_130 = arith.addi %add3A_109, %add3A_129 : i32
      %lt3A_131 = arith.constant 80 : i32
      %lt3A_132 = arith.cmpi slt, %add3A_130, %lt3A_131 : i32
      %convert_element_type3A_133 = arith.extui %lt3A_132 : i1 to i32
      %cond3A_134 = arith.constant 0 : i32
      %cond3A_135 = arith.cmpi ne, %convert_element_type3A_133, %cond3A_134 : i32
      scf.if %cond3A_135 {
        %add3A_242 = arith.constant 2 : i32
        %add3A_243 = arith.addi %add3A_109, %add3A_242 : i32
        %mul3A_244 = arith.constant 80 : i32
        %mul3A_245 = arith.muli %add3A, %mul3A_244 : i32
        %add3A_246 = arith.addi %mul3A_245, %add3A_243 : i32
        %mul3A_247 = arith.constant 80 : i32
        %mul3A_248 = arith.muli %add3A, %mul3A_247 : i32
        %add3A_249 = arith.addi %mul3A_248, %add3A_243 : i32
        %dma_start3A_250 = arith.constant 0 : i32
        %dma_start3A_251 = tpu.memref_slice %arg4[%add3A_246, %dma_start3A_250] : memref<2560x125xi32, #tpu.memory_space<hbm>> -> memref<1x125xi32, #tpu.memory_space<hbm>>
        %dma_start3A_252 = tpu.memref_squeeze %dma_start3A_251 : memref<1x125xi32, #tpu.memory_space<hbm>> -> memref<125xi32, #tpu.memory_space<hbm>>
        %dma_start3A_253 = arith.constant 0 : i32
        %dma_start3A_254 = tpu.memref_slice %arg4[%add3A_246, %dma_start3A_253] : memref<2560x125xi32, #tpu.memory_space<hbm>> -> memref<1x125xi32, #tpu.memory_space<hbm>>
        %dma_start3A_255 = tpu.memref_squeeze %dma_start3A_254 : memref<1x125xi32, #tpu.memory_space<hbm>> -> memref<125xi32, #tpu.memory_space<hbm>>
        tpu.enqueue_dma source(%dma_start3A_255 : memref<125xi32, #tpu.memory_space<hbm>>) target(%arg10 : memref<125xi32, #tpu.memory_space<vmem>>) target_semaphore(%arg31 : memref<!tpu.dma_semaphore, #tpu.memory_space<semaphore_mem>>)
        %dma_start3A_256 = arith.constant 0 : i32
        %dma_start3A_257 = tpu.memref_slice %arg5[%add3A_249, %dma_start3A_256] : memref<2560x125xf32, #tpu.memory_space<hbm>> -> memref<1x125xf32, #tpu.memory_space<hbm>>
        %dma_start3A_258 = tpu.memref_squeeze %dma_start3A_257 : memref<1x125xf32, #tpu.memory_space<hbm>> -> memref<125xf32, #tpu.memory_space<hbm>>
        %dma_start3A_259 = arith.constant 0 : i32
        %dma_start3A_260 = tpu.memref_slice %arg5[%add3A_249, %dma_start3A_259] : memref<2560x125xf32, #tpu.memory_space<hbm>> -> memref<1x125xf32, #tpu.memory_space<hbm>>
        %dma_start3A_261 = tpu.memref_squeeze %dma_start3A_260 : memref<1x125xf32, #tpu.memory_space<hbm>> -> memref<125xf32, #tpu.memory_space<hbm>>
        tpu.enqueue_dma source(%dma_start3A_261 : memref<125xf32, #tpu.memory_space<hbm>>) target(%arg14 : memref<125xf32, #tpu.memory_space<vmem>>) target_semaphore(%arg35 : memref<!tpu.dma_semaphore, #tpu.memory_space<semaphore_mem>>)
      } else {
      }
      %mul3A_136 = arith.constant 4 : i32
      %mul3A_137 = arith.muli %scan3A_104, %mul3A_136 : i32
      %add3A_138 = arith.constant 1 : i32
      %add3A_139 = arith.addi %mul3A_137, %add3A_138 : i32
      %dma_wait3A_140 = arith.constant 0 : i32
      %dma_wait3A_141 = tpu.memref_slice %arg7[%add3A_139, %dma_wait3A_140] : memref<80x125xi32, #tpu.memory_space<vmem>> -> memref<1x125xi32, #tpu.memory_space<vmem>>
      %dma_wait3A_142 = tpu.memref_squeeze %dma_wait3A_141 : memref<1x125xi32, #tpu.memory_space<vmem>> -> memref<125xi32, #tpu.memory_space<vmem>>
      %dma_wait3A_143 = arith.constant 0 : i32
      %dma_wait3A_144 = arith.constant 0 : i32
      %dma_wait3A_145 = tpu.memref_slice %arg2[%dma_wait3A_143, %dma_wait3A_144] : memref<10000x48xf32, #tpu.memory_space<hbm>> -> memref<10000x48xf32, #tpu.memory_space<hbm>>
      tpu.wait_indirect_dma semaphore(%arg22 : memref<!tpu.dma_semaphore, #tpu.memory_space<semaphore_mem>>) src(%dma_wait3A_145 : memref<10000x48xf32, #tpu.memory_space<hbm>>) dst(%arg17 : memref<125x48xf32, #tpu.memory_space<vmem>>)
      %ge3A_146 = arith.constant 1 : i32
      %ge3A_147 = arith.cmpi sge, %add3A_139, %ge3A_146 : i32
      %convert_element_type3A_148 = arith.extui %ge3A_147 : i1 to i32
      %cond3A_149 = arith.constant 0 : i32
      %cond3A_150 = arith.cmpi ne, %convert_element_type3A_148, %cond3A_149 : i32
      scf.if %cond3A_150 {
        %dma_wait3A_242 = arith.constant 0 : i32
        %dma_wait3A_243 = arith.constant 0 : i32
        %dma_wait3A_244 = tpu.memref_slice %arg20[%dma_wait3A_242, %dma_wait3A_243] : memref<10000x48xf32, #tpu.memory_space<vmem_shared>> -> memref<10000x48xf32, #tpu.memory_space<vmem_shared>>
        tpu.wait_indirect_dma semaphore(%arg25 : memref<!tpu.dma_semaphore, #tpu.memory_space<semaphore_mem>>) src(%arg16 : memref<125x48xf32, #tpu.memory_space<vmem>>) dst(%dma_wait3A_244 : memref<10000x48xf32, #tpu.memory_space<vmem_shared>>)
      } else {
      }
      %add3A_151 = arith.constant 1 : i32
      %add3A_152 = arith.addi %add3A_139, %add3A_151 : i32
      %lt3A_153 = arith.constant 80 : i32
      %lt3A_154 = arith.cmpi slt, %add3A_152, %lt3A_153 : i32
      %convert_element_type3A_155 = arith.extui %lt3A_154 : i1 to i32
      %cond3A_156 = arith.constant 0 : i32
      %cond3A_157 = arith.cmpi ne, %convert_element_type3A_155, %cond3A_156 : i32
      scf.if %cond3A_157 {
        %add3A_242 = arith.constant 1 : i32
        %add3A_243 = arith.addi %add3A_139, %add3A_242 : i32
        %mul3A_244 = arith.constant 80 : i32
        %mul3A_245 = arith.muli %add3A, %mul3A_244 : i32
        %add3A_246 = arith.addi %mul3A_245, %add3A_243 : i32
        %mul3A_247 = arith.constant 80 : i32
        %mul3A_248 = arith.muli %add3A, %mul3A_247 : i32
        %add3A_249 = arith.addi %mul3A_248, %add3A_243 : i32
        %dma_wait3A_250 = arith.constant 0 : i32
        %dma_wait3A_251 = tpu.memref_slice %arg4[%add3A_246, %dma_wait3A_250] : memref<2560x125xi32, #tpu.memory_space<hbm>> -> memref<1x125xi32, #tpu.memory_space<hbm>>
        %dma_wait3A_252 = tpu.memref_squeeze %dma_wait3A_251 : memref<1x125xi32, #tpu.memory_space<hbm>> -> memref<125xi32, #tpu.memory_space<hbm>>
        %dma_wait3A_253 = arith.constant 0 : i32
        %dma_wait3A_254 = tpu.memref_slice %arg4[%add3A_246, %dma_wait3A_253] : memref<2560x125xi32, #tpu.memory_space<hbm>> -> memref<1x125xi32, #tpu.memory_space<hbm>>
        %dma_wait3A_255 = tpu.memref_squeeze %dma_wait3A_254 : memref<1x125xi32, #tpu.memory_space<hbm>> -> memref<125xi32, #tpu.memory_space<hbm>>
        tpu.wait_dma2 semaphore(%arg31 : memref<!tpu.dma_semaphore, #tpu.memory_space<semaphore_mem>>) src(%dma_wait3A_255 : memref<125xi32, #tpu.memory_space<hbm>>) dst(%arg10 : memref<125xi32, #tpu.memory_space<vmem>>)
        %dma_wait3A_256 = arith.constant 0 : i32
        %dma_wait3A_257 = tpu.memref_slice %arg5[%add3A_249, %dma_wait3A_256] : memref<2560x125xf32, #tpu.memory_space<hbm>> -> memref<1x125xf32, #tpu.memory_space<hbm>>
        %dma_wait3A_258 = tpu.memref_squeeze %dma_wait3A_257 : memref<1x125xf32, #tpu.memory_space<hbm>> -> memref<125xf32, #tpu.memory_space<hbm>>
        %dma_wait3A_259 = arith.constant 0 : i32
        %dma_wait3A_260 = tpu.memref_slice %arg5[%add3A_249, %dma_wait3A_259] : memref<2560x125xf32, #tpu.memory_space<hbm>> -> memref<1x125xf32, #tpu.memory_space<hbm>>
        %dma_wait3A_261 = tpu.memref_squeeze %dma_wait3A_260 : memref<1x125xf32, #tpu.memory_space<hbm>> -> memref<125xf32, #tpu.memory_space<hbm>>
        tpu.wait_dma2 semaphore(%arg35 : memref<!tpu.dma_semaphore, #tpu.memory_space<semaphore_mem>>) src(%dma_wait3A_261 : memref<125xf32, #tpu.memory_space<hbm>>) dst(%arg14 : memref<125xf32, #tpu.memory_space<vmem>>)
        %add3A_262 = arith.constant 1 : i32
        %add3A_263 = arith.addi %add3A_139, %add3A_262 : i32
        %dma_start3A_264 = arith.constant 0 : i32
        %dma_start3A_265 = tpu.memref_slice %arg7[%add3A_263, %dma_start3A_264] : memref<80x125xi32, #tpu.memory_space<vmem>> -> memref<1x125xi32, #tpu.memory_space<vmem>>
        %dma_start3A_266 = tpu.memref_squeeze %dma_start3A_265 : memref<1x125xi32, #tpu.memory_space<vmem>> -> memref<125xi32, #tpu.memory_space<vmem>>
        %dma_start3A_267 = arith.constant 0 : i32
        %dma_start3A_268 = arith.constant 0 : i32
        %dma_start3A_269 = tpu.memref_slice %arg2[%dma_start3A_267, %dma_start3A_268] : memref<10000x48xf32, #tpu.memory_space<hbm>> -> memref<10000x48xf32, #tpu.memory_space<hbm>>
        tpu.enqueue_indirect_dma source(%dma_start3A_269 : memref<10000x48xf32, #tpu.memory_space<hbm>>) target(%arg18 : memref<125x48xf32, #tpu.memory_space<vmem>>) offsets(%dma_start3A_266 : memref<125xi32, #tpu.memory_space<vmem>>) semaphore(%arg23 : memref<!tpu.dma_semaphore, #tpu.memory_space<semaphore_mem>>)
      } else {
      }
      %parallel_loop3A_158 = arith.constant 0 : i32
      %parallel_loop3A_159 = arith.constant 125 : i32
      %parallel_loop3A_160 = arith.constant 1 : i32
      scf.for %parallel_loop3A_242 = %parallel_loop3A_158 to %parallel_loop3A_159 step %parallel_loop3A_160  : i32 {
        %parallel_loop3A_243 = vector.broadcast %parallel_loop3A_242 : i32 to vector<16xi32>
        %parallel_loop3A_244 = arith.addi %broadcast_in_dim3A_60, %parallel_loop3A_243 : vector<16xi32>
        %parallel_loop3A_245 = tpu.vector_load_idx %arg13[%parallel_loop3A_244] : memref<125xf32, #tpu.memory_space<vmem>>[vector<16xi32>], vector<16xf32>,
        %parallel_loop3A_246 = arith.index_cast %parallel_loop3A_242 : i32 to index
        %parallel_loop3A_247 = arith.constant 0 : index
        %parallel_loop3A_248 = tpu.vector_load %arg17[%parallel_loop3A_246, %parallel_loop3A_247] {strides = array<i32>} : memref<125x48xf32, #tpu.memory_space<vmem>>, vector<16xf32>,
        %parallel_loop3A_249 = arith.mulf %parallel_loop3A_248, %parallel_loop3A_245 : vector<16xf32>
        %parallel_loop3A_250 = arith.index_cast %parallel_loop3A_242 : i32 to index
        %parallel_loop3A_251 = arith.constant 0 : index
        %parallel_loop3A_252 = tpu.vector_load %arg17[%parallel_loop3A_250, %parallel_loop3A_251] {strides = array<i32>} : memref<125x48xf32, #tpu.memory_space<vmem>>, vector<16xf32>,
        tpu.vector_store %arg17[%parallel_loop3A_250, %parallel_loop3A_251], %parallel_loop3A_249 {strides = array<i32>} : memref<125x48xf32, #tpu.memory_space<vmem>>, vector<16xf32>,
        %parallel_loop3A_253 = arith.index_cast %parallel_loop3A_242 : i32 to index
        %parallel_loop3A_254 = arith.constant 16 : index
        %parallel_loop3A_255 = tpu.vector_load %arg17[%parallel_loop3A_253, %parallel_loop3A_254] {strides = array<i32>} : memref<125x48xf32, #tpu.memory_space<vmem>>, vector<16xf32>,
        %parallel_loop3A_256 = arith.mulf %parallel_loop3A_255, %parallel_loop3A_245 : vector<16xf32>
        %parallel_loop3A_257 = arith.index_cast %parallel_loop3A_242 : i32 to index
        %parallel_loop3A_258 = arith.constant 16 : index
        %parallel_loop3A_259 = tpu.vector_load %arg17[%parallel_loop3A_257, %parallel_loop3A_258] {strides = array<i32>} : memref<125x48xf32, #tpu.memory_space<vmem>>, vector<16xf32>,
        tpu.vector_store %arg17[%parallel_loop3A_257, %parallel_loop3A_258], %parallel_loop3A_256 {strides = array<i32>} : memref<125x48xf32, #tpu.memory_space<vmem>>, vector<16xf32>,
        %parallel_loop3A_260 = arith.index_cast %parallel_loop3A_242 : i32 to index
        %parallel_loop3A_261 = arith.constant 32 : index
        %parallel_loop3A_262 = tpu.vector_load %arg17[%parallel_loop3A_260, %parallel_loop3A_261] {strides = array<i32>} : memref<125x48xf32, #tpu.memory_space<vmem>>, vector<16xf32>,
        %parallel_loop3A_263 = arith.mulf %parallel_loop3A_262, %parallel_loop3A_245 : vector<16xf32>
        %parallel_loop3A_264 = arith.index_cast %parallel_loop3A_242 : i32 to index
        %parallel_loop3A_265 = arith.constant 32 : index
        %parallel_loop3A_266 = tpu.vector_load %arg17[%parallel_loop3A_264, %parallel_loop3A_265] {strides = array<i32>} : memref<125x48xf32, #tpu.memory_space<vmem>>, vector<16xf32>,
        tpu.vector_store %arg17[%parallel_loop3A_264, %parallel_loop3A_265], %parallel_loop3A_263 {strides = array<i32>} : memref<125x48xf32, #tpu.memory_space<vmem>>, vector<16xf32>,
      } {sc.loop_unroll_factor = 5 : i64, sc.parallel_access}
      %dma_start3A_161 = arith.constant 0 : i32
      %dma_start3A_162 = arith.constant 0 : i32
      %dma_start3A_163 = tpu.memref_slice %arg20[%dma_start3A_161, %dma_start3A_162] : memref<10000x48xf32, #tpu.memory_space<vmem_shared>> -> memref<10000x48xf32, #tpu.memory_space<vmem_shared>>
      tpu.enqueue_indirect_dma source(%arg17 : memref<125x48xf32, #tpu.memory_space<vmem>>) target(%dma_start3A_163 : memref<10000x48xf32, #tpu.memory_space<vmem_shared>>) offsets(%arg9 : memref<125xi32, #tpu.memory_space<vmem>>) semaphore(%arg26 : memref<!tpu.dma_semaphore, #tpu.memory_space<semaphore_mem>>) {add = true}
      %add3A_164 = arith.constant 2 : i32
      %add3A_165 = arith.addi %add3A_139, %add3A_164 : i32
      %lt3A_166 = arith.constant 80 : i32
      %lt3A_167 = arith.cmpi slt, %add3A_165, %lt3A_166 : i32
      %convert_element_type3A_168 = arith.extui %lt3A_167 : i1 to i32
      %cond3A_169 = arith.constant 0 : i32
      %cond3A_170 = arith.cmpi ne, %convert_element_type3A_168, %cond3A_169 : i32
      scf.if %cond3A_170 {
        %add3A_242 = arith.constant 2 : i32
        %add3A_243 = arith.addi %add3A_139, %add3A_242 : i32
        %mul3A_244 = arith.constant 80 : i32
        %mul3A_245 = arith.muli %add3A, %mul3A_244 : i32
        %add3A_246 = arith.addi %mul3A_245, %add3A_243 : i32
        %mul3A_247 = arith.constant 80 : i32
        %mul3A_248 = arith.muli %add3A, %mul3A_247 : i32
        %add3A_249 = arith.addi %mul3A_248, %add3A_243 : i32
        %dma_start3A_250 = arith.constant 0 : i32
        %dma_start3A_251 = tpu.memref_slice %arg4[%add3A_246, %dma_start3A_250] : memref<2560x125xi32, #tpu.memory_space<hbm>> -> memref<1x125xi32, #tpu.memory_space<hbm>>
        %dma_start3A_252 = tpu.memref_squeeze %dma_start3A_251 : memref<1x125xi32, #tpu.memory_space<hbm>> -> memref<125xi32, #tpu.memory_space<hbm>>
        %dma_start3A_253 = arith.constant 0 : i32
        %dma_start3A_254 = tpu.memref_slice %arg4[%add3A_246, %dma_start3A_253] : memref<2560x125xi32, #tpu.memory_space<hbm>> -> memref<1x125xi32, #tpu.memory_space<hbm>>
        %dma_start3A_255 = tpu.memref_squeeze %dma_start3A_254 : memref<1x125xi32, #tpu.memory_space<hbm>> -> memref<125xi32, #tpu.memory_space<hbm>>
        tpu.enqueue_dma source(%dma_start3A_255 : memref<125xi32, #tpu.memory_space<hbm>>) target(%arg11 : memref<125xi32, #tpu.memory_space<vmem>>) target_semaphore(%arg32 : memref<!tpu.dma_semaphore, #tpu.memory_space<semaphore_mem>>)
        %dma_start3A_256 = arith.constant 0 : i32
        %dma_start3A_257 = tpu.memref_slice %arg5[%add3A_249, %dma_start3A_256] : memref<2560x125xf32, #tpu.memory_space<hbm>> -> memref<1x125xf32, #tpu.memory_space<hbm>>
        %dma_start3A_258 = tpu.memref_squeeze %dma_start3A_257 : memref<1x125xf32, #tpu.memory_space<hbm>> -> memref<125xf32, #tpu.memory_space<hbm>>
        %dma_start3A_259 = arith.constant 0 : i32
        %dma_start3A_260 = tpu.memref_slice %arg5[%add3A_249, %dma_start3A_259] : memref<2560x125xf32, #tpu.memory_space<hbm>> -> memref<1x125xf32, #tpu.memory_space<hbm>>
        %dma_start3A_261 = tpu.memref_squeeze %dma_start3A_260 : memref<1x125xf32, #tpu.memory_space<hbm>> -> memref<125xf32, #tpu.memory_space<hbm>>
        tpu.enqueue_dma source(%dma_start3A_261 : memref<125xf32, #tpu.memory_space<hbm>>) target(%arg15 : memref<125xf32, #tpu.memory_space<vmem>>) target_semaphore(%arg36 : memref<!tpu.dma_semaphore, #tpu.memory_space<semaphore_mem>>)
      } else {
      }
      %mul3A_171 = arith.constant 4 : i32
      %mul3A_172 = arith.muli %scan3A_104, %mul3A_171 : i32
      %add3A_173 = arith.constant 2 : i32
      %add3A_174 = arith.addi %mul3A_172, %add3A_173 : i32
      %dma_wait3A_175 = arith.constant 0 : i32
      %dma_wait3A_176 = tpu.memref_slice %arg7[%add3A_174, %dma_wait3A_175] : memref<80x125xi32, #tpu.memory_space<vmem>> -> memref<1x125xi32, #tpu.memory_space<vmem>>
      %dma_wait3A_177 = tpu.memref_squeeze %dma_wait3A_176 : memref<1x125xi32, #tpu.memory_space<vmem>> -> memref<125xi32, #tpu.memory_space<vmem>>
      %dma_wait3A_178 = arith.constant 0 : i32
      %dma_wait3A_179 = arith.constant 0 : i32
      %dma_wait3A_180 = tpu.memref_slice %arg2[%dma_wait3A_178, %dma_wait3A_179] : memref<10000x48xf32, #tpu.memory_space<hbm>> -> memref<10000x48xf32, #tpu.memory_space<hbm>>
      tpu.wait_indirect_dma semaphore(%arg23 : memref<!tpu.dma_semaphore, #tpu.memory_space<semaphore_mem>>) src(%dma_wait3A_180 : memref<10000x48xf32, #tpu.memory_space<hbm>>) dst(%arg18 : memref<125x48xf32, #tpu.memory_space<vmem>>)
      %ge3A_181 = arith.constant 1 : i32
      %ge3A_182 = arith.cmpi sge, %add3A_174, %ge3A_181 : i32
      %convert_element_type3A_183 = arith.extui %ge3A_182 : i1 to i32
      %cond3A_184 = arith.constant 0 : i32
      %cond3A_185 = arith.cmpi ne, %convert_element_type3A_183, %cond3A_184 : i32
      scf.if %cond3A_185 {
        %dma_wait3A_242 = arith.constant 0 : i32
        %dma_wait3A_243 = arith.constant 0 : i32
        %dma_wait3A_244 = tpu.memref_slice %arg20[%dma_wait3A_242, %dma_wait3A_243] : memref<10000x48xf32, #tpu.memory_space<vmem_shared>> -> memref<10000x48xf32, #tpu.memory_space<vmem_shared>>
        tpu.wait_indirect_dma semaphore(%arg26 : memref<!tpu.dma_semaphore, #tpu.memory_space<semaphore_mem>>) src(%arg17 : memref<125x48xf32, #tpu.memory_space<vmem>>) dst(%dma_wait3A_244 : memref<10000x48xf32, #tpu.memory_space<vmem_shared>>)
      } else {
      }
      %add3A_186 = arith.constant 1 : i32
      %add3A_187 = arith.addi %add3A_174, %add3A_186 : i32
      %lt3A_188 = arith.constant 80 : i32
      %lt3A_189 = arith.cmpi slt, %add3A_187, %lt3A_188 : i32
      %convert_element_type3A_190 = arith.extui %lt3A_189 : i1 to i32
      %cond3A_191 = arith.constant 0 : i32
      %cond3A_192 = arith.cmpi ne, %convert_element_type3A_190, %cond3A_191 : i32
      scf.if %cond3A_192 {
        %add3A_242 = arith.constant 1 : i32
        %add3A_243 = arith.addi %add3A_174, %add3A_242 : i32
        %mul3A_244 = arith.constant 80 : i32
        %mul3A_245 = arith.muli %add3A, %mul3A_244 : i32
        %add3A_246 = arith.addi %mul3A_245, %add3A_243 : i32
        %mul3A_247 = arith.constant 80 : i32
        %mul3A_248 = arith.muli %add3A, %mul3A_247 : i32
        %add3A_249 = arith.addi %mul3A_248, %add3A_243 : i32
        %dma_wait3A_250 = arith.constant 0 : i32
        %dma_wait3A_251 = tpu.memref_slice %arg4[%add3A_246, %dma_wait3A_250] : memref<2560x125xi32, #tpu.memory_space<hbm>> -> memref<1x125xi32, #tpu.memory_space<hbm>>
        %dma_wait3A_252 = tpu.memref_squeeze %dma_wait3A_251 : memref<1x125xi32, #tpu.memory_space<hbm>> -> memref<125xi32, #tpu.memory_space<hbm>>
        %dma_wait3A_253 = arith.constant 0 : i32
        %dma_wait3A_254 = tpu.memref_slice %arg4[%add3A_246, %dma_wait3A_253] : memref<2560x125xi32, #tpu.memory_space<hbm>> -> memref<1x125xi32, #tpu.memory_space<hbm>>
        %dma_wait3A_255 = tpu.memref_squeeze %dma_wait3A_254 : memref<1x125xi32, #tpu.memory_space<hbm>> -> memref<125xi32, #tpu.memory_space<hbm>>
        tpu.wait_dma2 semaphore(%arg32 : memref<!tpu.dma_semaphore, #tpu.memory_space<semaphore_mem>>) src(%dma_wait3A_255 : memref<125xi32, #tpu.memory_space<hbm>>) dst(%arg11 : memref<125xi32, #tpu.memory_space<vmem>>)
        %dma_wait3A_256 = arith.constant 0 : i32
        %dma_wait3A_257 = tpu.memref_slice %arg5[%add3A_249, %dma_wait3A_256] : memref<2560x125xf32, #tpu.memory_space<hbm>> -> memref<1x125xf32, #tpu.memory_space<hbm>>
        %dma_wait3A_258 = tpu.memref_squeeze %dma_wait3A_257 : memref<1x125xf32, #tpu.memory_space<hbm>> -> memref<125xf32, #tpu.memory_space<hbm>>
        %dma_wait3A_259 = arith.constant 0 : i32
        %dma_wait3A_260 = tpu.memref_slice %arg5[%add3A_249, %dma_wait3A_259] : memref<2560x125xf32, #tpu.memory_space<hbm>> -> memref<1x125xf32, #tpu.memory_space<hbm>>
        %dma_wait3A_261 = tpu.memref_squeeze %dma_wait3A_260 : memref<1x125xf32, #tpu.memory_space<hbm>> -> memref<125xf32, #tpu.memory_space<hbm>>
        tpu.wait_dma2 semaphore(%arg36 : memref<!tpu.dma_semaphore, #tpu.memory_space<semaphore_mem>>) src(%dma_wait3A_261 : memref<125xf32, #tpu.memory_space<hbm>>) dst(%arg15 : memref<125xf32, #tpu.memory_space<vmem>>)
        %add3A_262 = arith.constant 1 : i32
        %add3A_263 = arith.addi %add3A_174, %add3A_262 : i32
        %dma_start3A_264 = arith.constant 0 : i32
        %dma_start3A_265 = tpu.memref_slice %arg7[%add3A_263, %dma_start3A_264] : memref<80x125xi32, #tpu.memory_space<vmem>> -> memref<1x125xi32, #tpu.memory_space<vmem>>
        %dma_start3A_266 = tpu.memref_squeeze %dma_start3A_265 : memref<1x125xi32, #tpu.memory_space<vmem>> -> memref<125xi32, #tpu.memory_space<vmem>>
        %dma_start3A_267 = arith.constant 0 : i32
        %dma_start3A_268 = arith.constant 0 : i32
        %dma_start3A_269 = tpu.memref_slice %arg2[%dma_start3A_267, %dma_start3A_268] : memref<10000x48xf32, #tpu.memory_space<hbm>> -> memref<10000x48xf32, #tpu.memory_space<hbm>>
        tpu.enqueue_indirect_dma source(%dma_start3A_269 : memref<10000x48xf32, #tpu.memory_space<hbm>>) target(%arg19 : memref<125x48xf32, #tpu.memory_space<vmem>>) offsets(%dma_start3A_266 : memref<125xi32, #tpu.memory_space<vmem>>) semaphore(%arg24 : memref<!tpu.dma_semaphore, #tpu.memory_space<semaphore_mem>>)
      } else {
      }
      %parallel_loop3A_193 = arith.constant 0 : i32
      %parallel_loop3A_194 = arith.constant 125 : i32
      %parallel_loop3A_195 = arith.constant 1 : i32
      scf.for %parallel_loop3A_242 = %parallel_loop3A_193 to %parallel_loop3A_194 step %parallel_loop3A_195  : i32 {
        %parallel_loop3A_243 = vector.broadcast %parallel_loop3A_242 : i32 to vector<16xi32>
        %parallel_loop3A_244 = arith.addi %broadcast_in_dim3A_60, %parallel_loop3A_243 : vector<16xi32>
        %parallel_loop3A_245 = tpu.vector_load_idx %arg14[%parallel_loop3A_244] : memref<125xf32, #tpu.memory_space<vmem>>[vector<16xi32>], vector<16xf32>,
        %parallel_loop3A_246 = arith.index_cast %parallel_loop3A_242 : i32 to index
        %parallel_loop3A_247 = arith.constant 0 : index
        %parallel_loop3A_248 = tpu.vector_load %arg18[%parallel_loop3A_246, %parallel_loop3A_247] {strides = array<i32>} : memref<125x48xf32, #tpu.memory_space<vmem>>, vector<16xf32>,
        %parallel_loop3A_249 = arith.mulf %parallel_loop3A_248, %parallel_loop3A_245 : vector<16xf32>
        %parallel_loop3A_250 = arith.index_cast %parallel_loop3A_242 : i32 to index
        %parallel_loop3A_251 = arith.constant 0 : index
        %parallel_loop3A_252 = tpu.vector_load %arg18[%parallel_loop3A_250, %parallel_loop3A_251] {strides = array<i32>} : memref<125x48xf32, #tpu.memory_space<vmem>>, vector<16xf32>,
        tpu.vector_store %arg18[%parallel_loop3A_250, %parallel_loop3A_251], %parallel_loop3A_249 {strides = array<i32>} : memref<125x48xf32, #tpu.memory_space<vmem>>, vector<16xf32>,
        %parallel_loop3A_253 = arith.index_cast %parallel_loop3A_242 : i32 to index
        %parallel_loop3A_254 = arith.constant 16 : index
        %parallel_loop3A_255 = tpu.vector_load %arg18[%parallel_loop3A_253, %parallel_loop3A_254] {strides = array<i32>} : memref<125x48xf32, #tpu.memory_space<vmem>>, vector<16xf32>,
        %parallel_loop3A_256 = arith.mulf %parallel_loop3A_255, %parallel_loop3A_245 : vector<16xf32>
        %parallel_loop3A_257 = arith.index_cast %parallel_loop3A_242 : i32 to index
        %parallel_loop3A_258 = arith.constant 16 : index
        %parallel_loop3A_259 = tpu.vector_load %arg18[%parallel_loop3A_257, %parallel_loop3A_258] {strides = array<i32>} : memref<125x48xf32, #tpu.memory_space<vmem>>, vector<16xf32>,
        tpu.vector_store %arg18[%parallel_loop3A_257, %parallel_loop3A_258], %parallel_loop3A_256 {strides = array<i32>} : memref<125x48xf32, #tpu.memory_space<vmem>>, vector<16xf32>,
        %parallel_loop3A_260 = arith.index_cast %parallel_loop3A_242 : i32 to index
        %parallel_loop3A_261 = arith.constant 32 : index
        %parallel_loop3A_262 = tpu.vector_load %arg18[%parallel_loop3A_260, %parallel_loop3A_261] {strides = array<i32>} : memref<125x48xf32, #tpu.memory_space<vmem>>, vector<16xf32>,
        %parallel_loop3A_263 = arith.mulf %parallel_loop3A_262, %parallel_loop3A_245 : vector<16xf32>
        %parallel_loop3A_264 = arith.index_cast %parallel_loop3A_242 : i32 to index
        %parallel_loop3A_265 = arith.constant 32 : index
        %parallel_loop3A_266 = tpu.vector_load %arg18[%parallel_loop3A_264, %parallel_loop3A_265] {strides = array<i32>} : memref<125x48xf32, #tpu.memory_space<vmem>>, vector<16xf32>,
        tpu.vector_store %arg18[%parallel_loop3A_264, %parallel_loop3A_265], %parallel_loop3A_263 {strides = array<i32>} : memref<125x48xf32, #tpu.memory_space<vmem>>, vector<16xf32>,
      } {sc.loop_unroll_factor = 5 : i64, sc.parallel_access}
      %dma_start3A_196 = arith.constant 0 : i32
      %dma_start3A_197 = arith.constant 0 : i32
      %dma_start3A_198 = tpu.memref_slice %arg20[%dma_start3A_196, %dma_start3A_197] : memref<10000x48xf32, #tpu.memory_space<vmem_shared>> -> memref<10000x48xf32, #tpu.memory_space<vmem_shared>>
      tpu.enqueue_indirect_dma source(%arg18 : memref<125x48xf32, #tpu.memory_space<vmem>>) target(%dma_start3A_198 : memref<10000x48xf32, #tpu.memory_space<vmem_shared>>) offsets(%arg10 : memref<125xi32, #tpu.memory_space<vmem>>) semaphore(%arg27 : memref<!tpu.dma_semaphore, #tpu.memory_space<semaphore_mem>>) {add = true}
      %add3A_199 = arith.constant 2 : i32
      %add3A_200 = arith.addi %add3A_174, %add3A_199 : i32
      %lt3A_201 = arith.constant 80 : i32
      %lt3A_202 = arith.cmpi slt, %add3A_200, %lt3A_201 : i32
      %convert_element_type3A_203 = arith.extui %lt3A_202 : i1 to i32
      %cond3A_204 = arith.constant 0 : i32
      %cond3A_205 = arith.cmpi ne, %convert_element_type3A_203, %cond3A_204 : i32
      scf.if %cond3A_205 {
        %add3A_242 = arith.constant 2 : i32
        %add3A_243 = arith.addi %add3A_174, %add3A_242 : i32
        %mul3A_244 = arith.constant 80 : i32
        %mul3A_245 = arith.muli %add3A, %mul3A_244 : i32
        %add3A_246 = arith.addi %mul3A_245, %add3A_243 : i32
        %mul3A_247 = arith.constant 80 : i32
        %mul3A_248 = arith.muli %add3A, %mul3A_247 : i32
        %add3A_249 = arith.addi %mul3A_248, %add3A_243 : i32
        %dma_start3A_250 = arith.constant 0 : i32
        %dma_start3A_251 = tpu.memref_slice %arg4[%add3A_246, %dma_start3A_250] : memref<2560x125xi32, #tpu.memory_space<hbm>> -> memref<1x125xi32, #tpu.memory_space<hbm>>
        %dma_start3A_252 = tpu.memref_squeeze %dma_start3A_251 : memref<1x125xi32, #tpu.memory_space<hbm>> -> memref<125xi32, #tpu.memory_space<hbm>>
        %dma_start3A_253 = arith.constant 0 : i32
        %dma_start3A_254 = tpu.memref_slice %arg4[%add3A_246, %dma_start3A_253] : memref<2560x125xi32, #tpu.memory_space<hbm>> -> memref<1x125xi32, #tpu.memory_space<hbm>>
        %dma_start3A_255 = tpu.memref_squeeze %dma_start3A_254 : memref<1x125xi32, #tpu.memory_space<hbm>> -> memref<125xi32, #tpu.memory_space<hbm>>
        tpu.enqueue_dma source(%dma_start3A_255 : memref<125xi32, #tpu.memory_space<hbm>>) target(%arg8 : memref<125xi32, #tpu.memory_space<vmem>>) target_semaphore(%arg29 : memref<!tpu.dma_semaphore, #tpu.memory_space<semaphore_mem>>)
        %dma_start3A_256 = arith.constant 0 : i32
        %dma_start3A_257 = tpu.memref_slice %arg5[%add3A_249, %dma_start3A_256] : memref<2560x125xf32, #tpu.memory_space<hbm>> -> memref<1x125xf32, #tpu.memory_space<hbm>>
        %dma_start3A_258 = tpu.memref_squeeze %dma_start3A_257 : memref<1x125xf32, #tpu.memory_space<hbm>> -> memref<125xf32, #tpu.memory_space<hbm>>
        %dma_start3A_259 = arith.constant 0 : i32
        %dma_start3A_260 = tpu.memref_slice %arg5[%add3A_249, %dma_start3A_259] : memref<2560x125xf32, #tpu.memory_space<hbm>> -> memref<1x125xf32, #tpu.memory_space<hbm>>
        %dma_start3A_261 = tpu.memref_squeeze %dma_start3A_260 : memref<1x125xf32, #tpu.memory_space<hbm>> -> memref<125xf32, #tpu.memory_space<hbm>>
        tpu.enqueue_dma source(%dma_start3A_261 : memref<125xf32, #tpu.memory_space<hbm>>) target(%arg12 : memref<125xf32, #tpu.memory_space<vmem>>) target_semaphore(%arg33 : memref<!tpu.dma_semaphore, #tpu.memory_space<semaphore_mem>>)
      } else {
      }
      %mul3A_206 = arith.constant 4 : i32
      %mul3A_207 = arith.muli %scan3A_104, %mul3A_206 : i32
      %add3A_208 = arith.constant 3 : i32
      %add3A_209 = arith.addi %mul3A_207, %add3A_208 : i32
      %dma_wait3A_210 = arith.constant 0 : i32
      %dma_wait3A_211 = tpu.memref_slice %arg7[%add3A_209, %dma_wait3A_210] : memref<80x125xi32, #tpu.memory_space<vmem>> -> memref<1x125xi32, #tpu.memory_space<vmem>>
      %dma_wait3A_212 = tpu.memref_squeeze %dma_wait3A_211 : memref<1x125xi32, #tpu.memory_space<vmem>> -> memref<125xi32, #tpu.memory_space<vmem>>
      %dma_wait3A_213 = arith.constant 0 : i32
      %dma_wait3A_214 = arith.constant 0 : i32
      %dma_wait3A_215 = tpu.memref_slice %arg2[%dma_wait3A_213, %dma_wait3A_214] : memref<10000x48xf32, #tpu.memory_space<hbm>> -> memref<10000x48xf32, #tpu.memory_space<hbm>>
      tpu.wait_indirect_dma semaphore(%arg24 : memref<!tpu.dma_semaphore, #tpu.memory_space<semaphore_mem>>) src(%dma_wait3A_215 : memref<10000x48xf32, #tpu.memory_space<hbm>>) dst(%arg19 : memref<125x48xf32, #tpu.memory_space<vmem>>)
      %ge3A_216 = arith.constant 1 : i32
      %ge3A_217 = arith.cmpi sge, %add3A_209, %ge3A_216 : i32
      %convert_element_type3A_218 = arith.extui %ge3A_217 : i1 to i32
      %cond3A_219 = arith.constant 0 : i32
      %cond3A_220 = arith.cmpi ne, %convert_element_type3A_218, %cond3A_219 : i32
      scf.if %cond3A_220 {
        %dma_wait3A_242 = arith.constant 0 : i32
        %dma_wait3A_243 = arith.constant 0 : i32
        %dma_wait3A_244 = tpu.memref_slice %arg20[%dma_wait3A_242, %dma_wait3A_243] : memref<10000x48xf32, #tpu.memory_space<vmem_shared>> -> memref<10000x48xf32, #tpu.memory_space<vmem_shared>>
        tpu.wait_indirect_dma semaphore(%arg27 : memref<!tpu.dma_semaphore, #tpu.memory_space<semaphore_mem>>) src(%arg18 : memref<125x48xf32, #tpu.memory_space<vmem>>) dst(%dma_wait3A_244 : memref<10000x48xf32, #tpu.memory_space<vmem_shared>>)
      } else {
      }
      %add3A_221 = arith.constant 1 : i32
      %add3A_222 = arith.addi %add3A_209, %add3A_221 : i32
      %lt3A_223 = arith.constant 80 : i32
      %lt3A_224 = arith.cmpi slt, %add3A_222, %lt3A_223 : i32
      %convert_element_type3A_225 = arith.extui %lt3A_224 : i1 to i32
      %cond3A_226 = arith.constant 0 : i32
      %cond3A_227 = arith.cmpi ne, %convert_element_type3A_225, %cond3A_226 : i32
      scf.if %cond3A_227 {
        %add3A_242 = arith.constant 1 : i32
        %add3A_243 = arith.addi %add3A_209, %add3A_242 : i32
        %mul3A_244 = arith.constant 80 : i32
        %mul3A_245 = arith.muli %add3A, %mul3A_244 : i32
        %add3A_246 = arith.addi %mul3A_245, %add3A_243 : i32
        %mul3A_247 = arith.constant 80 : i32
        %mul3A_248 = arith.muli %add3A, %mul3A_247 : i32
        %add3A_249 = arith.addi %mul3A_248, %add3A_243 : i32
        %dma_wait3A_250 = arith.constant 0 : i32
        %dma_wait3A_251 = tpu.memref_slice %arg4[%add3A_246, %dma_wait3A_250] : memref<2560x125xi32, #tpu.memory_space<hbm>> -> memref<1x125xi32, #tpu.memory_space<hbm>>
        %dma_wait3A_252 = tpu.memref_squeeze %dma_wait3A_251 : memref<1x125xi32, #tpu.memory_space<hbm>> -> memref<125xi32, #tpu.memory_space<hbm>>
        %dma_wait3A_253 = arith.constant 0 : i32
        %dma_wait3A_254 = tpu.memref_slice %arg4[%add3A_246, %dma_wait3A_253] : memref<2560x125xi32, #tpu.memory_space<hbm>> -> memref<1x125xi32, #tpu.memory_space<hbm>>
        %dma_wait3A_255 = tpu.memref_squeeze %dma_wait3A_254 : memref<1x125xi32, #tpu.memory_space<hbm>> -> memref<125xi32, #tpu.memory_space<hbm>>
        tpu.wait_dma2 semaphore(%arg29 : memref<!tpu.dma_semaphore, #tpu.memory_space<semaphore_mem>>) src(%dma_wait3A_255 : memref<125xi32, #tpu.memory_space<hbm>>) dst(%arg8 : memref<125xi32, #tpu.memory_space<vmem>>)
        %dma_wait3A_256 = arith.constant 0 : i32
        %dma_wait3A_257 = tpu.memref_slice %arg5[%add3A_249, %dma_wait3A_256] : memref<2560x125xf32, #tpu.memory_space<hbm>> -> memref<1x125xf32, #tpu.memory_space<hbm>>
        %dma_wait3A_258 = tpu.memref_squeeze %dma_wait3A_257 : memref<1x125xf32, #tpu.memory_space<hbm>> -> memref<125xf32, #tpu.memory_space<hbm>>
        %dma_wait3A_259 = arith.constant 0 : i32
        %dma_wait3A_260 = tpu.memref_slice %arg5[%add3A_249, %dma_wait3A_259] : memref<2560x125xf32, #tpu.memory_space<hbm>> -> memref<1x125xf32, #tpu.memory_space<hbm>>
        %dma_wait3A_261 = tpu.memref_squeeze %dma_wait3A_260 : memref<1x125xf32, #tpu.memory_space<hbm>> -> memref<125xf32, #tpu.memory_space<hbm>>
        tpu.wait_dma2 semaphore(%arg33 : memref<!tpu.dma_semaphore, #tpu.memory_space<semaphore_mem>>) src(%dma_wait3A_261 : memref<125xf32, #tpu.memory_space<hbm>>) dst(%arg12 : memref<125xf32, #tpu.memory_space<vmem>>)
        %add3A_262 = arith.constant 1 : i32
        %add3A_263 = arith.addi %add3A_209, %add3A_262 : i32
        %dma_start3A_264 = arith.constant 0 : i32
        %dma_start3A_265 = tpu.memref_slice %arg7[%add3A_263, %dma_start3A_264] : memref<80x125xi32, #tpu.memory_space<vmem>> -> memref<1x125xi32, #tpu.memory_space<vmem>>
        %dma_start3A_266 = tpu.memref_squeeze %dma_start3A_265 : memref<1x125xi32, #tpu.memory_space<vmem>> -> memref<125xi32, #tpu.memory_space<vmem>>
        %dma_start3A_267 = arith.constant 0 : i32
        %dma_start3A_268 = arith.constant 0 : i32
        %dma_start3A_269 = tpu.memref_slice %arg2[%dma_start3A_267, %dma_start3A_268] : memref<10000x48xf32, #tpu.memory_space<hbm>> -> memref<10000x48xf32, #tpu.memory_space<hbm>>
        tpu.enqueue_indirect_dma source(%dma_start3A_269 : memref<10000x48xf32, #tpu.memory_space<hbm>>) target(%arg16 : memref<125x48xf32, #tpu.memory_space<vmem>>) offsets(%dma_start3A_266 : memref<125xi32, #tpu.memory_space<vmem>>) semaphore(%arg21 : memref<!tpu.dma_semaphore, #tpu.memory_space<semaphore_mem>>)
      } else {
      }
      %parallel_loop3A_228 = arith.constant 0 : i32
      %parallel_loop3A_229 = arith.constant 125 : i32
      %parallel_loop3A_230 = arith.constant 1 : i32
      scf.for %parallel_loop3A_242 = %parallel_loop3A_228 to %parallel_loop3A_229 step %parallel_loop3A_230  : i32 {
        %parallel_loop3A_243 = vector.broadcast %parallel_loop3A_242 : i32 to vector<16xi32>
        %parallel_loop3A_244 = arith.addi %broadcast_in_dim3A_60, %parallel_loop3A_243 : vector<16xi32>
        %parallel_loop3A_245 = tpu.vector_load_idx %arg15[%parallel_loop3A_244] : memref<125xf32, #tpu.memory_space<vmem>>[vector<16xi32>], vector<16xf32>,
        %parallel_loop3A_246 = arith.index_cast %parallel_loop3A_242 : i32 to index
        %parallel_loop3A_247 = arith.constant 0 : index
        %parallel_loop3A_248 = tpu.vector_load %arg19[%parallel_loop3A_246, %parallel_loop3A_247] {strides = array<i32>} : memref<125x48xf32, #tpu.memory_space<vmem>>, vector<16xf32>,
        %parallel_loop3A_249 = arith.mulf %parallel_loop3A_248, %parallel_loop3A_245 : vector<16xf32>
        %parallel_loop3A_250 = arith.index_cast %parallel_loop3A_242 : i32 to index
        %parallel_loop3A_251 = arith.constant 0 : index
        %parallel_loop3A_252 = tpu.vector_load %arg19[%parallel_loop3A_250, %parallel_loop3A_251] {strides = array<i32>} : memref<125x48xf32, #tpu.memory_space<vmem>>, vector<16xf32>,
        tpu.vector_store %arg19[%parallel_loop3A_250, %parallel_loop3A_251], %parallel_loop3A_249 {strides = array<i32>} : memref<125x48xf32, #tpu.memory_space<vmem>>, vector<16xf32>,
        %parallel_loop3A_253 = arith.index_cast %parallel_loop3A_242 : i32 to index
        %parallel_loop3A_254 = arith.constant 16 : index
        %parallel_loop3A_255 = tpu.vector_load %arg19[%parallel_loop3A_253, %parallel_loop3A_254] {strides = array<i32>} : memref<125x48xf32, #tpu.memory_space<vmem>>, vector<16xf32>,
        %parallel_loop3A_256 = arith.mulf %parallel_loop3A_255, %parallel_loop3A_245 : vector<16xf32>
        %parallel_loop3A_257 = arith.index_cast %parallel_loop3A_242 : i32 to index
        %parallel_loop3A_258 = arith.constant 16 : index
        %parallel_loop3A_259 = tpu.vector_load %arg19[%parallel_loop3A_257, %parallel_loop3A_258] {strides = array<i32>} : memref<125x48xf32, #tpu.memory_space<vmem>>, vector<16xf32>,
        tpu.vector_store %arg19[%parallel_loop3A_257, %parallel_loop3A_258], %parallel_loop3A_256 {strides = array<i32>} : memref<125x48xf32, #tpu.memory_space<vmem>>, vector<16xf32>,
        %parallel_loop3A_260 = arith.index_cast %parallel_loop3A_242 : i32 to index
        %parallel_loop3A_261 = arith.constant 32 : index
        %parallel_loop3A_262 = tpu.vector_load %arg19[%parallel_loop3A_260, %parallel_loop3A_261] {strides = array<i32>} : memref<125x48xf32, #tpu.memory_space<vmem>>, vector<16xf32>,
        %parallel_loop3A_263 = arith.mulf %parallel_loop3A_262, %parallel_loop3A_245 : vector<16xf32>
        %parallel_loop3A_264 = arith.index_cast %parallel_loop3A_242 : i32 to index
        %parallel_loop3A_265 = arith.constant 32 : index
        %parallel_loop3A_266 = tpu.vector_load %arg19[%parallel_loop3A_264, %parallel_loop3A_265] {strides = array<i32>} : memref<125x48xf32, #tpu.memory_space<vmem>>, vector<16xf32>,
        tpu.vector_store %arg19[%parallel_loop3A_264, %parallel_loop3A_265], %parallel_loop3A_263 {strides = array<i32>} : memref<125x48xf32, #tpu.memory_space<vmem>>, vector<16xf32>,
      } {sc.loop_unroll_factor = 5 : i64, sc.parallel_access}
      %dma_start3A_231 = arith.constant 0 : i32
      %dma_start3A_232 = arith.constant 0 : i32
      %dma_start3A_233 = tpu.memref_slice %arg20[%dma_start3A_231, %dma_start3A_232] : memref<10000x48xf32, #tpu.memory_space<vmem_shared>> -> memref<10000x48xf32, #tpu.memory_space<vmem_shared>>
      tpu.enqueue_indirect_dma source(%arg19 : memref<125x48xf32, #tpu.memory_space<vmem>>) target(%dma_start3A_233 : memref<10000x48xf32, #tpu.memory_space<vmem_shared>>) offsets(%arg11 : memref<125xi32, #tpu.memory_space<vmem>>) semaphore(%arg28 : memref<!tpu.dma_semaphore, #tpu.memory_space<semaphore_mem>>) {add = true}
      %add3A_234 = arith.constant 2 : i32
      %add3A_235 = arith.addi %add3A_209, %add3A_234 : i32
      %lt3A_236 = arith.constant 80 : i32
      %lt3A_237 = arith.cmpi slt, %add3A_235, %lt3A_236 : i32
      %convert_element_type3A_238 = arith.extui %lt3A_237 : i1 to i32
      %cond3A_239 = arith.constant 0 : i32
      %cond3A_240 = arith.cmpi ne, %convert_element_type3A_238, %cond3A_239 : i32
      scf.if %cond3A_240 {
        %add3A_242 = arith.constant 2 : i32
        %add3A_243 = arith.addi %add3A_209, %add3A_242 : i32
        %mul3A_244 = arith.constant 80 : i32
        %mul3A_245 = arith.muli %add3A, %mul3A_244 : i32
        %add3A_246 = arith.addi %mul3A_245, %add3A_243 : i32
        %mul3A_247 = arith.constant 80 : i32
        %mul3A_248 = arith.muli %add3A, %mul3A_247 : i32
        %add3A_249 = arith.addi %mul3A_248, %add3A_243 : i32
        %dma_start3A_250 = arith.constant 0 : i32
        %dma_start3A_251 = tpu.memref_slice %arg4[%add3A_246, %dma_start3A_250] : memref<2560x125xi32, #tpu.memory_space<hbm>> -> memref<1x125xi32, #tpu.memory_space<hbm>>
        %dma_start3A_252 = tpu.memref_squeeze %dma_start3A_251 : memref<1x125xi32, #tpu.memory_space<hbm>> -> memref<125xi32, #tpu.memory_space<hbm>>
        %dma_start3A_253 = arith.constant 0 : i32
        %dma_start3A_254 = tpu.memref_slice %arg4[%add3A_246, %dma_start3A_253] : memref<2560x125xi32, #tpu.memory_space<hbm>> -> memref<1x125xi32, #tpu.memory_space<hbm>>
        %dma_start3A_255 = tpu.memref_squeeze %dma_start3A_254 : memref<1x125xi32, #tpu.memory_space<hbm>> -> memref<125xi32, #tpu.memory_space<hbm>>
        tpu.enqueue_dma source(%dma_start3A_255 : memref<125xi32, #tpu.memory_space<hbm>>) target(%arg9 : memref<125xi32, #tpu.memory_space<vmem>>) target_semaphore(%arg30 : memref<!tpu.dma_semaphore, #tpu.memory_space<semaphore_mem>>)
        %dma_start3A_256 = arith.constant 0 : i32
        %dma_start3A_257 = tpu.memref_slice %arg5[%add3A_249, %dma_start3A_256] : memref<2560x125xf32, #tpu.memory_space<hbm>> -> memref<1x125xf32, #tpu.memory_space<hbm>>
        %dma_start3A_258 = tpu.memref_squeeze %dma_start3A_257 : memref<1x125xf32, #tpu.memory_space<hbm>> -> memref<125xf32, #tpu.memory_space<hbm>>
        %dma_start3A_259 = arith.constant 0 : i32
        %dma_start3A_260 = tpu.memref_slice %arg5[%add3A_249, %dma_start3A_259] : memref<2560x125xf32, #tpu.memory_space<hbm>> -> memref<1x125xf32, #tpu.memory_space<hbm>>
        %dma_start3A_261 = tpu.memref_squeeze %dma_start3A_260 : memref<1x125xf32, #tpu.memory_space<hbm>> -> memref<125xf32, #tpu.memory_space<hbm>>
        tpu.enqueue_dma source(%dma_start3A_261 : memref<125xf32, #tpu.memory_space<hbm>>) target(%arg13 : memref<125xf32, #tpu.memory_space<vmem>>) target_semaphore(%arg34 : memref<!tpu.dma_semaphore, #tpu.memory_space<semaphore_mem>>)
      } else {
      }
      %scan3A_241 = arith.constant 0 : i32
      scf.yield %scan3A_241 : i32
    }
    %scan3A_93 = arith.constant 20 : i32
    %dma_wait3A = arith.constant 0 : i32
    %dma_wait3A_94 = arith.constant 0 : i32
    %dma_wait3A_95 = tpu.memref_slice %arg20[%dma_wait3A, %dma_wait3A_94] : memref<10000x48xf32, #tpu.memory_space<vmem_shared>> -> memref<10000x48xf32, #tpu.memory_space<vmem_shared>>
    tpu.wait_indirect_dma semaphore(%arg28 : memref<!tpu.dma_semaphore, #tpu.memory_space<semaphore_mem>>) src(%arg19 : memref<125x48xf32, #tpu.memory_space<vmem>>) dst(%dma_wait3A_95 : memref<10000x48xf32, #tpu.memory_space<vmem_shared>>)
    %barrier3A_96 = arith.constant 0 : index
    tpu.barrier barrier_id(%barrier3A_96)
    %mul3A_97 = arith.constant 640 : i32
    %mul3A_98 = arith.muli %arg1, %mul3A_97 : i32
    %min3A_99 = arith.constant 9360 : i32
    %min3A_100 = arith.minsi %mul3A_98, %min3A_99 : i32
    %mul3A_101 = arith.constant 10000 : i32
    %mul3A_102 = arith.muli %arg0, %mul3A_101 : i32
    %add3A_103 = arith.addi %mul3A_102, %min3A_100 : i32
    "tpu.region"() ({
      %run_scoped3A_104 = tpu.sem_alloc : memref<!tpu.dma_semaphore, #tpu.memory_space<semaphore_mem>>
      %dma_start3A_105 = arith.constant 0 : i32
      %dma_start3A_106 = tpu.memref_slice %arg6[%add3A_103, %dma_start3A_105] : memref<20000x48xf32, #tpu.memory_space<hbm>> -> memref<640x48xf32, #tpu.memory_space<hbm>>
      %dma_start3A_107 = arith.constant 0 : i32
      %dma_start3A_108 = tpu.memref_slice %arg20[%min3A_100, %dma_start3A_107] : memref<10000x48xf32, #tpu.memory_space<vmem_shared>> -> memref<640x48xf32, #tpu.memory_space<vmem_shared>>
      tpu.enqueue_dma source(%dma_start3A_108 : memref<640x48xf32, #tpu.memory_space<vmem_shared>>) target(%dma_start3A_106 : memref<640x48xf32, #tpu.memory_space<hbm>>) target_semaphore(%run_scoped3A_104 : memref<!tpu.dma_semaphore, #tpu.memory_space<semaphore_mem>>)
      %dma_wait3A_109 = arith.constant 0 : i32
      %dma_wait3A_110 = tpu.memref_slice %arg6[%add3A_103, %dma_wait3A_109] : memref<20000x48xf32, #tpu.memory_space<hbm>> -> memref<640x48xf32, #tpu.memory_space<hbm>>
      %dma_wait3A_111 = arith.constant 0 : i32
      %dma_wait3A_112 = tpu.memref_slice %arg20[%min3A_100, %dma_wait3A_111] : memref<10000x48xf32, #tpu.memory_space<vmem_shared>> -> memref<640x48xf32, #tpu.memory_space<vmem_shared>>
      tpu.wait_dma2 semaphore(%run_scoped3A_104 : memref<!tpu.dma_semaphore, #tpu.memory_space<semaphore_mem>>) src(%dma_wait3A_112 : memref<640x48xf32, #tpu.memory_space<vmem_shared>>) dst(%dma_wait3A_110 : memref<640x48xf32, #tpu.memory_space<hbm>>)
      tpu.yield
    }) : () -> ()
    return
  }
}

#map = affine_map<(d0, d1) -> (0, 0)>
#map1 = affine_map<(d0, d1) -> (0, 0, 0)>
module attributes {stable_mosaic.version = 14 : i64} {
  func.func @sc_agg(%arg0: i32, %arg1: i32, %arg2: memref<20000x64xbf16, #tpu.memory_space<hbm>>, %arg3: memref<2x2560x125xi32, #tpu.memory_space<hbm>>, %arg4: memref<2560x125xi32, #tpu.memory_space<hbm>>, %arg5: memref<2560x125xf32, #tpu.memory_space<hbm>>, %arg6: memref<20000x64xbf16, #tpu.memory_space<hbm>>, %arg7: memref<160x125xi32, #tpu.memory_space<vmem>>, %arg8: memref<125xi32, #tpu.memory_space<vmem>>, %arg9: memref<125xi32, #tpu.memory_space<vmem>>, %arg10: memref<125xi32, #tpu.memory_space<vmem>>, %arg11: memref<125xi32, #tpu.memory_space<vmem>>, %arg12: memref<125xf32, #tpu.memory_space<vmem>>, %arg13: memref<125xf32, #tpu.memory_space<vmem>>, %arg14: memref<125xf32, #tpu.memory_space<vmem>>, %arg15: memref<125xf32, #tpu.memory_space<vmem>>, %arg16: memref<125x64xbf16, #tpu.memory_space<vmem>>, %arg17: memref<125x64xbf16, #tpu.memory_space<vmem>>, %arg18: memref<125x64xbf16, #tpu.memory_space<vmem>>, %arg19: memref<125x64xbf16, #tpu.memory_space<vmem>>, %arg20: memref<10000x64xbf16, #tpu.memory_space<vmem_shared>>, %arg21: memref<!tpu.dma_semaphore, #tpu.memory_space<semaphore_mem>>, %arg22: memref<!tpu.dma_semaphore, #tpu.memory_space<semaphore_mem>>, %arg23: memref<!tpu.dma_semaphore, #tpu.memory_space<semaphore_mem>>, %arg24: memref<!tpu.dma_semaphore, #tpu.memory_space<semaphore_mem>>, %arg25: memref<!tpu.dma_semaphore, #tpu.memory_space<semaphore_mem>>, %arg26: memref<!tpu.dma_semaphore, #tpu.memory_space<semaphore_mem>>, %arg27: memref<!tpu.dma_semaphore, #tpu.memory_space<semaphore_mem>>, %arg28: memref<!tpu.dma_semaphore, #tpu.memory_space<semaphore_mem>>, %arg29: memref<!tpu.dma_semaphore, #tpu.memory_space<semaphore_mem>>, %arg30: memref<!tpu.dma_semaphore, #tpu.memory_space<semaphore_mem>>, %arg31: memref<!tpu.dma_semaphore, #tpu.memory_space<semaphore_mem>>, %arg32: memref<!tpu.dma_semaphore, #tpu.memory_space<semaphore_mem>>, %arg33: memref<!tpu.dma_semaphore, #tpu.memory_space<semaphore_mem>>, %arg34: memref<!tpu.dma_semaphore, #tpu.memory_space<semaphore_mem>>, %arg35: memref<!tpu.dma_semaphore, #tpu.memory_space<semaphore_mem>>, %arg36: memref<!tpu.dma_semaphore, #tpu.memory_space<semaphore_mem>>) attributes {dimension_semantics = [#tpu.dimension_semantics<core_parallel>, #tpu.dimension_semantics<subcore_parallel>], iteration_bounds = array<i64: 2, 16>, scalar_prefetch = 0 : i64, scratch_operands = 30 : i64, tpu.core_type = #tpu.core_type<sc_vector_subcore>, window_params = [{transform_indices = #map}, {transform_indices = #map1}, {transform_indices = #map}, {transform_indices = #map}, {transform_indices = #map}]} {
    %mul3A = arith.constant 160 : i32
    %mul3A_0 = arith.muli %arg1, %mul3A : i32
    "tpu.region"() ({
      %run_scoped3A = tpu.sem_alloc : memref<!tpu.dma_semaphore, #tpu.memory_space<semaphore_mem>>
      %dma_start3A_101 = arith.constant 0 : i32
      %dma_start3A_102 = arith.constant 0 : i32
      %dma_start3A_103 = tpu.memref_slice %arg3[%arg0, %dma_start3A_101, %dma_start3A_102] : memref<2x2560x125xi32, #tpu.memory_space<hbm>> -> memref<1x2560x125xi32, #tpu.memory_space<hbm>>
      %dma_start3A_104 = tpu.memref_squeeze %dma_start3A_103 : memref<1x2560x125xi32, #tpu.memory_space<hbm>> -> memref<2560x125xi32, #tpu.memory_space<hbm>>
      %dma_start3A_105 = arith.constant 0 : i32
      %dma_start3A_106 = tpu.memref_slice %dma_start3A_104[%mul3A_0, %dma_start3A_105] : memref<2560x125xi32, #tpu.memory_space<hbm>> -> memref<160x125xi32, #tpu.memory_space<hbm>>
      %dma_start3A_107 = arith.constant 0 : i32
      %dma_start3A_108 = arith.constant 0 : i32
      %dma_start3A_109 = tpu.memref_slice %arg3[%arg0, %dma_start3A_107, %dma_start3A_108] : memref<2x2560x125xi32, #tpu.memory_space<hbm>> -> memref<1x2560x125xi32, #tpu.memory_space<hbm>>
      %dma_start3A_110 = tpu.memref_squeeze %dma_start3A_109 : memref<1x2560x125xi32, #tpu.memory_space<hbm>> -> memref<2560x125xi32, #tpu.memory_space<hbm>>
      %dma_start3A_111 = arith.constant 0 : i32
      %dma_start3A_112 = tpu.memref_slice %dma_start3A_110[%mul3A_0, %dma_start3A_111] : memref<2560x125xi32, #tpu.memory_space<hbm>> -> memref<160x125xi32, #tpu.memory_space<hbm>>
      tpu.enqueue_dma source(%dma_start3A_112 : memref<160x125xi32, #tpu.memory_space<hbm>>) target(%arg7 : memref<160x125xi32, #tpu.memory_space<vmem>>) target_semaphore(%run_scoped3A : memref<!tpu.dma_semaphore, #tpu.memory_space<semaphore_mem>>)
      %dma_wait3A_113 = arith.constant 0 : i32
      %dma_wait3A_114 = arith.constant 0 : i32
      %dma_wait3A_115 = tpu.memref_slice %arg3[%arg0, %dma_wait3A_113, %dma_wait3A_114] : memref<2x2560x125xi32, #tpu.memory_space<hbm>> -> memref<1x2560x125xi32, #tpu.memory_space<hbm>>
      %dma_wait3A_116 = tpu.memref_squeeze %dma_wait3A_115 : memref<1x2560x125xi32, #tpu.memory_space<hbm>> -> memref<2560x125xi32, #tpu.memory_space<hbm>>
      %dma_wait3A_117 = arith.constant 0 : i32
      %dma_wait3A_118 = tpu.memref_slice %dma_wait3A_116[%mul3A_0, %dma_wait3A_117] : memref<2560x125xi32, #tpu.memory_space<hbm>> -> memref<160x125xi32, #tpu.memory_space<hbm>>
      %dma_wait3A_119 = arith.constant 0 : i32
      %dma_wait3A_120 = arith.constant 0 : i32
      %dma_wait3A_121 = tpu.memref_slice %arg3[%arg0, %dma_wait3A_119, %dma_wait3A_120] : memref<2x2560x125xi32, #tpu.memory_space<hbm>> -> memref<1x2560x125xi32, #tpu.memory_space<hbm>>
      %dma_wait3A_122 = tpu.memref_squeeze %dma_wait3A_121 : memref<1x2560x125xi32, #tpu.memory_space<hbm>> -> memref<2560x125xi32, #tpu.memory_space<hbm>>
      %dma_wait3A_123 = arith.constant 0 : i32
      %dma_wait3A_124 = tpu.memref_slice %dma_wait3A_122[%mul3A_0, %dma_wait3A_123] : memref<2560x125xi32, #tpu.memory_space<hbm>> -> memref<160x125xi32, #tpu.memory_space<hbm>>
      tpu.wait_dma2 semaphore(%run_scoped3A : memref<!tpu.dma_semaphore, #tpu.memory_space<semaphore_mem>>) src(%dma_wait3A_124 : memref<160x125xi32, #tpu.memory_space<hbm>>) dst(%arg7 : memref<160x125xi32, #tpu.memory_space<vmem>>)
      tpu.yield
    }) : () -> ()
    %mul3A_1 = arith.constant 160 : i32
    %mul3A_2 = arith.muli %arg1, %mul3A_1 : i32
    "tpu.region"() ({
      %run_scoped3A = tpu.sem_alloc : memref<!tpu.dma_semaphore, #tpu.memory_space<semaphore_mem>>
      %dma_start3A_101 = arith.constant 0 : i32
      %dma_start3A_102 = tpu.memref_slice %arg4[%mul3A_2, %dma_start3A_101] : memref<2560x125xi32, #tpu.memory_space<hbm>> -> memref<1x125xi32, #tpu.memory_space<hbm>>
      %dma_start3A_103 = tpu.memref_squeeze %dma_start3A_102 : memref<1x125xi32, #tpu.memory_space<hbm>> -> memref<125xi32, #tpu.memory_space<hbm>>
      %dma_start3A_104 = arith.constant 0 : i32
      %dma_start3A_105 = tpu.memref_slice %arg4[%mul3A_2, %dma_start3A_104] : memref<2560x125xi32, #tpu.memory_space<hbm>> -> memref<1x125xi32, #tpu.memory_space<hbm>>
      %dma_start3A_106 = tpu.memref_squeeze %dma_start3A_105 : memref<1x125xi32, #tpu.memory_space<hbm>> -> memref<125xi32, #tpu.memory_space<hbm>>
      tpu.enqueue_dma source(%dma_start3A_106 : memref<125xi32, #tpu.memory_space<hbm>>) target(%arg8 : memref<125xi32, #tpu.memory_space<vmem>>) target_semaphore(%run_scoped3A : memref<!tpu.dma_semaphore, #tpu.memory_space<semaphore_mem>>)
      %dma_wait3A_107 = arith.constant 0 : i32
      %dma_wait3A_108 = tpu.memref_slice %arg4[%mul3A_2, %dma_wait3A_107] : memref<2560x125xi32, #tpu.memory_space<hbm>> -> memref<1x125xi32, #tpu.memory_space<hbm>>
      %dma_wait3A_109 = tpu.memref_squeeze %dma_wait3A_108 : memref<1x125xi32, #tpu.memory_space<hbm>> -> memref<125xi32, #tpu.memory_space<hbm>>
      %dma_wait3A_110 = arith.constant 0 : i32
      %dma_wait3A_111 = tpu.memref_slice %arg4[%mul3A_2, %dma_wait3A_110] : memref<2560x125xi32, #tpu.memory_space<hbm>> -> memref<1x125xi32, #tpu.memory_space<hbm>>
      %dma_wait3A_112 = tpu.memref_squeeze %dma_wait3A_111 : memref<1x125xi32, #tpu.memory_space<hbm>> -> memref<125xi32, #tpu.memory_space<hbm>>
      tpu.wait_dma2 semaphore(%run_scoped3A : memref<!tpu.dma_semaphore, #tpu.memory_space<semaphore_mem>>) src(%dma_wait3A_112 : memref<125xi32, #tpu.memory_space<hbm>>) dst(%arg8 : memref<125xi32, #tpu.memory_space<vmem>>)
      tpu.yield
    }) : () -> ()
    %mul3A_3 = arith.constant 160 : i32
    %mul3A_4 = arith.muli %arg1, %mul3A_3 : i32
    "tpu.region"() ({
      %run_scoped3A = tpu.sem_alloc : memref<!tpu.dma_semaphore, #tpu.memory_space<semaphore_mem>>
      %dma_start3A_101 = arith.constant 0 : i32
      %dma_start3A_102 = tpu.memref_slice %arg5[%mul3A_4, %dma_start3A_101] : memref<2560x125xf32, #tpu.memory_space<hbm>> -> memref<1x125xf32, #tpu.memory_space<hbm>>
      %dma_start3A_103 = tpu.memref_squeeze %dma_start3A_102 : memref<1x125xf32, #tpu.memory_space<hbm>> -> memref<125xf32, #tpu.memory_space<hbm>>
      %dma_start3A_104 = arith.constant 0 : i32
      %dma_start3A_105 = tpu.memref_slice %arg5[%mul3A_4, %dma_start3A_104] : memref<2560x125xf32, #tpu.memory_space<hbm>> -> memref<1x125xf32, #tpu.memory_space<hbm>>
      %dma_start3A_106 = tpu.memref_squeeze %dma_start3A_105 : memref<1x125xf32, #tpu.memory_space<hbm>> -> memref<125xf32, #tpu.memory_space<hbm>>
      tpu.enqueue_dma source(%dma_start3A_106 : memref<125xf32, #tpu.memory_space<hbm>>) target(%arg12 : memref<125xf32, #tpu.memory_space<vmem>>) target_semaphore(%run_scoped3A : memref<!tpu.dma_semaphore, #tpu.memory_space<semaphore_mem>>)
      %dma_wait3A_107 = arith.constant 0 : i32
      %dma_wait3A_108 = tpu.memref_slice %arg5[%mul3A_4, %dma_wait3A_107] : memref<2560x125xf32, #tpu.memory_space<hbm>> -> memref<1x125xf32, #tpu.memory_space<hbm>>
      %dma_wait3A_109 = tpu.memref_squeeze %dma_wait3A_108 : memref<1x125xf32, #tpu.memory_space<hbm>> -> memref<125xf32, #tpu.memory_space<hbm>>
      %dma_wait3A_110 = arith.constant 0 : i32
      %dma_wait3A_111 = tpu.memref_slice %arg5[%mul3A_4, %dma_wait3A_110] : memref<2560x125xf32, #tpu.memory_space<hbm>> -> memref<1x125xf32, #tpu.memory_space<hbm>>
      %dma_wait3A_112 = tpu.memref_squeeze %dma_wait3A_111 : memref<1x125xf32, #tpu.memory_space<hbm>> -> memref<125xf32, #tpu.memory_space<hbm>>
      tpu.wait_dma2 semaphore(%run_scoped3A : memref<!tpu.dma_semaphore, #tpu.memory_space<semaphore_mem>>) src(%dma_wait3A_112 : memref<125xf32, #tpu.memory_space<hbm>>) dst(%arg12 : memref<125xf32, #tpu.memory_space<vmem>>)
      tpu.yield
    }) : () -> ()
    %scan3A = arith.constant 0 : i32
    %scan3A_5 = arith.constant 0 : i32
    %scan3A_6 = arith.constant 125 : i32
    %scan3A_7 = arith.addi %scan3A_5, %scan3A_6 : i32
    %scan3A_8 = arith.constant 1 : i32
    %scan3A_9 = scf.for %scan3A_101 = %scan3A_5 to %scan3A_7 step %scan3A_8 iter_args(%scan3A_102 = %scan3A) -> (i32)  : i32 {
      %broadcast_in_dim3A_103 = arith.constant 0.000000e+00 : bf16
      %broadcast_in_dim3A_104 = vector.broadcast %broadcast_in_dim3A_103 : bf16 to vector<32xbf16>
      %swap3A = arith.index_cast %scan3A_101 : i32 to index
      %swap3A_105 = arith.constant 0 : index
      %swap3A_106 = tpu.vector_load %arg16[%swap3A, %swap3A_105] {strides = array<i32>} : memref<125x64xbf16, #tpu.memory_space<vmem>>, vector<32xbf16>,
      tpu.vector_store %arg16[%swap3A, %swap3A_105], %broadcast_in_dim3A_104 {strides = array<i32>} : memref<125x64xbf16, #tpu.memory_space<vmem>>, vector<32xbf16>,
      %broadcast_in_dim3A_107 = arith.constant 0.000000e+00 : bf16
      %broadcast_in_dim3A_108 = vector.broadcast %broadcast_in_dim3A_107 : bf16 to vector<32xbf16>
      %swap3A_109 = arith.index_cast %scan3A_101 : i32 to index
      %swap3A_110 = arith.constant 32 : index
      %swap3A_111 = tpu.vector_load %arg16[%swap3A_109, %swap3A_110] {strides = array<i32>} : memref<125x64xbf16, #tpu.memory_space<vmem>>, vector<32xbf16>,
      tpu.vector_store %arg16[%swap3A_109, %swap3A_110], %broadcast_in_dim3A_108 {strides = array<i32>} : memref<125x64xbf16, #tpu.memory_space<vmem>>, vector<32xbf16>,
      %scan3A_112 = arith.constant 0 : i32
      scf.yield %scan3A_112 : i32
    }
    %scan3A_10 = arith.constant 125 : i32
    %mul3A_11 = arith.constant 640 : i32
    %mul3A_12 = arith.muli %arg1, %mul3A_11 : i32
    %add3A = arith.constant 0 : i32
    %add3A_13 = arith.addi %mul3A_12, %add3A : i32
    %min3A = arith.constant 9920 : i32
    %min3A_14 = arith.minsi %add3A_13, %min3A : i32
    "tpu.region"() ({
      %run_scoped3A = tpu.sem_alloc : memref<!tpu.dma_semaphore, #tpu.memory_space<semaphore_mem>>
      %dma_start3A_101 = arith.constant 0 : i32
      %dma_start3A_102 = arith.constant 0 : i32
      %dma_start3A_103 = tpu.memref_slice %arg16[%dma_start3A_101, %dma_start3A_102] : memref<125x64xbf16, #tpu.memory_space<vmem>> -> memref<80x64xbf16, #tpu.memory_space<vmem>>
      %dma_start3A_104 = arith.constant 0 : i32
      %dma_start3A_105 = tpu.memref_slice %arg20[%min3A_14, %dma_start3A_104] : memref<10000x64xbf16, #tpu.memory_space<vmem_shared>> -> memref<80x64xbf16, #tpu.memory_space<vmem_shared>>
      %dma_start3A_106 = arith.constant 0 : i32
      %dma_start3A_107 = tpu.memref_slice %arg20[%min3A_14, %dma_start3A_106] : memref<10000x64xbf16, #tpu.memory_space<vmem_shared>> -> memref<80x64xbf16, #tpu.memory_space<vmem_shared>>
      %dma_start3A_108 = arith.constant 0 : i32
      %dma_start3A_109 = arith.constant 0 : i32
      %dma_start3A_110 = tpu.memref_slice %arg16[%dma_start3A_108, %dma_start3A_109] : memref<125x64xbf16, #tpu.memory_space<vmem>> -> memref<80x64xbf16, #tpu.memory_space<vmem>>
      tpu.enqueue_dma source(%dma_start3A_110 : memref<80x64xbf16, #tpu.memory_space<vmem>>) target(%dma_start3A_107 : memref<80x64xbf16, #tpu.memory_space<vmem_shared>>) target_semaphore(%run_scoped3A : memref<!tpu.dma_semaphore, #tpu.memory_space<semaphore_mem>>)
      %dma_wait3A_111 = arith.constant 0 : i32
      %dma_wait3A_112 = arith.constant 0 : i32
      %dma_wait3A_113 = tpu.memref_slice %arg16[%dma_wait3A_111, %dma_wait3A_112] : memref<125x64xbf16, #tpu.memory_space<vmem>> -> memref<80x64xbf16, #tpu.memory_space<vmem>>
      %dma_wait3A_114 = arith.constant 0 : i32
      %dma_wait3A_115 = tpu.memref_slice %arg20[%min3A_14, %dma_wait3A_114] : memref<10000x64xbf16, #tpu.memory_space<vmem_shared>> -> memref<80x64xbf16, #tpu.memory_space<vmem_shared>>
      %dma_wait3A_116 = arith.constant 0 : i32
      %dma_wait3A_117 = tpu.memref_slice %arg20[%min3A_14, %dma_wait3A_116] : memref<10000x64xbf16, #tpu.memory_space<vmem_shared>> -> memref<80x64xbf16, #tpu.memory_space<vmem_shared>>
      %dma_wait3A_118 = arith.constant 0 : i32
      %dma_wait3A_119 = arith.constant 0 : i32
      %dma_wait3A_120 = tpu.memref_slice %arg16[%dma_wait3A_118, %dma_wait3A_119] : memref<125x64xbf16, #tpu.memory_space<vmem>> -> memref<80x64xbf16, #tpu.memory_space<vmem>>
      tpu.wait_dma2 semaphore(%run_scoped3A : memref<!tpu.dma_semaphore, #tpu.memory_space<semaphore_mem>>) src(%dma_wait3A_120 : memref<80x64xbf16, #tpu.memory_space<vmem>>) dst(%dma_wait3A_117 : memref<80x64xbf16, #tpu.memory_space<vmem_shared>>)
      tpu.yield
    }) : () -> ()
    %mul3A_15 = arith.constant 640 : i32
    %mul3A_16 = arith.muli %arg1, %mul3A_15 : i32
    %add3A_17 = arith.constant 80 : i32
    %add3A_18 = arith.addi %mul3A_16, %add3A_17 : i32
    %min3A_19 = arith.constant 9920 : i32
    %min3A_20 = arith.minsi %add3A_18, %min3A_19 : i32
    "tpu.region"() ({
      %run_scoped3A = tpu.sem_alloc : memref<!tpu.dma_semaphore, #tpu.memory_space<semaphore_mem>>
      %dma_start3A_101 = arith.constant 0 : i32
      %dma_start3A_102 = arith.constant 0 : i32
      %dma_start3A_103 = tpu.memref_slice %arg16[%dma_start3A_101, %dma_start3A_102] : memref<125x64xbf16, #tpu.memory_space<vmem>> -> memref<80x64xbf16, #tpu.memory_space<vmem>>
      %dma_start3A_104 = arith.constant 0 : i32
      %dma_start3A_105 = tpu.memref_slice %arg20[%min3A_20, %dma_start3A_104] : memref<10000x64xbf16, #tpu.memory_space<vmem_shared>> -> memref<80x64xbf16, #tpu.memory_space<vmem_shared>>
      %dma_start3A_106 = arith.constant 0 : i32
      %dma_start3A_107 = tpu.memref_slice %arg20[%min3A_20, %dma_start3A_106] : memref<10000x64xbf16, #tpu.memory_space<vmem_shared>> -> memref<80x64xbf16, #tpu.memory_space<vmem_shared>>
      %dma_start3A_108 = arith.constant 0 : i32
      %dma_start3A_109 = arith.constant 0 : i32
      %dma_start3A_110 = tpu.memref_slice %arg16[%dma_start3A_108, %dma_start3A_109] : memref<125x64xbf16, #tpu.memory_space<vmem>> -> memref<80x64xbf16, #tpu.memory_space<vmem>>
      tpu.enqueue_dma source(%dma_start3A_110 : memref<80x64xbf16, #tpu.memory_space<vmem>>) target(%dma_start3A_107 : memref<80x64xbf16, #tpu.memory_space<vmem_shared>>) target_semaphore(%run_scoped3A : memref<!tpu.dma_semaphore, #tpu.memory_space<semaphore_mem>>)
      %dma_wait3A_111 = arith.constant 0 : i32
      %dma_wait3A_112 = arith.constant 0 : i32
      %dma_wait3A_113 = tpu.memref_slice %arg16[%dma_wait3A_111, %dma_wait3A_112] : memref<125x64xbf16, #tpu.memory_space<vmem>> -> memref<80x64xbf16, #tpu.memory_space<vmem>>
      %dma_wait3A_114 = arith.constant 0 : i32
      %dma_wait3A_115 = tpu.memref_slice %arg20[%min3A_20, %dma_wait3A_114] : memref<10000x64xbf16, #tpu.memory_space<vmem_shared>> -> memref<80x64xbf16, #tpu.memory_space<vmem_shared>>
      %dma_wait3A_116 = arith.constant 0 : i32
      %dma_wait3A_117 = tpu.memref_slice %arg20[%min3A_20, %dma_wait3A_116] : memref<10000x64xbf16, #tpu.memory_space<vmem_shared>> -> memref<80x64xbf16, #tpu.memory_space<vmem_shared>>
      %dma_wait3A_118 = arith.constant 0 : i32
      %dma_wait3A_119 = arith.constant 0 : i32
      %dma_wait3A_120 = tpu.memref_slice %arg16[%dma_wait3A_118, %dma_wait3A_119] : memref<125x64xbf16, #tpu.memory_space<vmem>> -> memref<80x64xbf16, #tpu.memory_space<vmem>>
      tpu.wait_dma2 semaphore(%run_scoped3A : memref<!tpu.dma_semaphore, #tpu.memory_space<semaphore_mem>>) src(%dma_wait3A_120 : memref<80x64xbf16, #tpu.memory_space<vmem>>) dst(%dma_wait3A_117 : memref<80x64xbf16, #tpu.memory_space<vmem_shared>>)
      tpu.yield
    }) : () -> ()
    %mul3A_21 = arith.constant 640 : i32
    %mul3A_22 = arith.muli %arg1, %mul3A_21 : i32
    %add3A_23 = arith.constant 160 : i32
    %add3A_24 = arith.addi %mul3A_22, %add3A_23 : i32
    %min3A_25 = arith.constant 9920 : i32
    %min3A_26 = arith.minsi %add3A_24, %min3A_25 : i32
    "tpu.region"() ({
      %run_scoped3A = tpu.sem_alloc : memref<!tpu.dma_semaphore, #tpu.memory_space<semaphore_mem>>
      %dma_start3A_101 = arith.constant 0 : i32
      %dma_start3A_102 = arith.constant 0 : i32
      %dma_start3A_103 = tpu.memref_slice %arg16[%dma_start3A_101, %dma_start3A_102] : memref<125x64xbf16, #tpu.memory_space<vmem>> -> memref<80x64xbf16, #tpu.memory_space<vmem>>
      %dma_start3A_104 = arith.constant 0 : i32
      %dma_start3A_105 = tpu.memref_slice %arg20[%min3A_26, %dma_start3A_104] : memref<10000x64xbf16, #tpu.memory_space<vmem_shared>> -> memref<80x64xbf16, #tpu.memory_space<vmem_shared>>
      %dma_start3A_106 = arith.constant 0 : i32
      %dma_start3A_107 = tpu.memref_slice %arg20[%min3A_26, %dma_start3A_106] : memref<10000x64xbf16, #tpu.memory_space<vmem_shared>> -> memref<80x64xbf16, #tpu.memory_space<vmem_shared>>
      %dma_start3A_108 = arith.constant 0 : i32
      %dma_start3A_109 = arith.constant 0 : i32
      %dma_start3A_110 = tpu.memref_slice %arg16[%dma_start3A_108, %dma_start3A_109] : memref<125x64xbf16, #tpu.memory_space<vmem>> -> memref<80x64xbf16, #tpu.memory_space<vmem>>
      tpu.enqueue_dma source(%dma_start3A_110 : memref<80x64xbf16, #tpu.memory_space<vmem>>) target(%dma_start3A_107 : memref<80x64xbf16, #tpu.memory_space<vmem_shared>>) target_semaphore(%run_scoped3A : memref<!tpu.dma_semaphore, #tpu.memory_space<semaphore_mem>>)
      %dma_wait3A_111 = arith.constant 0 : i32
      %dma_wait3A_112 = arith.constant 0 : i32
      %dma_wait3A_113 = tpu.memref_slice %arg16[%dma_wait3A_111, %dma_wait3A_112] : memref<125x64xbf16, #tpu.memory_space<vmem>> -> memref<80x64xbf16, #tpu.memory_space<vmem>>
      %dma_wait3A_114 = arith.constant 0 : i32
      %dma_wait3A_115 = tpu.memref_slice %arg20[%min3A_26, %dma_wait3A_114] : memref<10000x64xbf16, #tpu.memory_space<vmem_shared>> -> memref<80x64xbf16, #tpu.memory_space<vmem_shared>>
      %dma_wait3A_116 = arith.constant 0 : i32
      %dma_wait3A_117 = tpu.memref_slice %arg20[%min3A_26, %dma_wait3A_116] : memref<10000x64xbf16, #tpu.memory_space<vmem_shared>> -> memref<80x64xbf16, #tpu.memory_space<vmem_shared>>
      %dma_wait3A_118 = arith.constant 0 : i32
      %dma_wait3A_119 = arith.constant 0 : i32
      %dma_wait3A_120 = tpu.memref_slice %arg16[%dma_wait3A_118, %dma_wait3A_119] : memref<125x64xbf16, #tpu.memory_space<vmem>> -> memref<80x64xbf16, #tpu.memory_space<vmem>>
      tpu.wait_dma2 semaphore(%run_scoped3A : memref<!tpu.dma_semaphore, #tpu.memory_space<semaphore_mem>>) src(%dma_wait3A_120 : memref<80x64xbf16, #tpu.memory_space<vmem>>) dst(%dma_wait3A_117 : memref<80x64xbf16, #tpu.memory_space<vmem_shared>>)
      tpu.yield
    }) : () -> ()
    %mul3A_27 = arith.constant 640 : i32
    %mul3A_28 = arith.muli %arg1, %mul3A_27 : i32
    %add3A_29 = arith.constant 240 : i32
    %add3A_30 = arith.addi %mul3A_28, %add3A_29 : i32
    %min3A_31 = arith.constant 9920 : i32
    %min3A_32 = arith.minsi %add3A_30, %min3A_31 : i32
    "tpu.region"() ({
      %run_scoped3A = tpu.sem_alloc : memref<!tpu.dma_semaphore, #tpu.memory_space<semaphore_mem>>
      %dma_start3A_101 = arith.constant 0 : i32
      %dma_start3A_102 = arith.constant 0 : i32
      %dma_start3A_103 = tpu.memref_slice %arg16[%dma_start3A_101, %dma_start3A_102] : memref<125x64xbf16, #tpu.memory_space<vmem>> -> memref<80x64xbf16, #tpu.memory_space<vmem>>
      %dma_start3A_104 = arith.constant 0 : i32
      %dma_start3A_105 = tpu.memref_slice %arg20[%min3A_32, %dma_start3A_104] : memref<10000x64xbf16, #tpu.memory_space<vmem_shared>> -> memref<80x64xbf16, #tpu.memory_space<vmem_shared>>
      %dma_start3A_106 = arith.constant 0 : i32
      %dma_start3A_107 = tpu.memref_slice %arg20[%min3A_32, %dma_start3A_106] : memref<10000x64xbf16, #tpu.memory_space<vmem_shared>> -> memref<80x64xbf16, #tpu.memory_space<vmem_shared>>
      %dma_start3A_108 = arith.constant 0 : i32
      %dma_start3A_109 = arith.constant 0 : i32
      %dma_start3A_110 = tpu.memref_slice %arg16[%dma_start3A_108, %dma_start3A_109] : memref<125x64xbf16, #tpu.memory_space<vmem>> -> memref<80x64xbf16, #tpu.memory_space<vmem>>
      tpu.enqueue_dma source(%dma_start3A_110 : memref<80x64xbf16, #tpu.memory_space<vmem>>) target(%dma_start3A_107 : memref<80x64xbf16, #tpu.memory_space<vmem_shared>>) target_semaphore(%run_scoped3A : memref<!tpu.dma_semaphore, #tpu.memory_space<semaphore_mem>>)
      %dma_wait3A_111 = arith.constant 0 : i32
      %dma_wait3A_112 = arith.constant 0 : i32
      %dma_wait3A_113 = tpu.memref_slice %arg16[%dma_wait3A_111, %dma_wait3A_112] : memref<125x64xbf16, #tpu.memory_space<vmem>> -> memref<80x64xbf16, #tpu.memory_space<vmem>>
      %dma_wait3A_114 = arith.constant 0 : i32
      %dma_wait3A_115 = tpu.memref_slice %arg20[%min3A_32, %dma_wait3A_114] : memref<10000x64xbf16, #tpu.memory_space<vmem_shared>> -> memref<80x64xbf16, #tpu.memory_space<vmem_shared>>
      %dma_wait3A_116 = arith.constant 0 : i32
      %dma_wait3A_117 = tpu.memref_slice %arg20[%min3A_32, %dma_wait3A_116] : memref<10000x64xbf16, #tpu.memory_space<vmem_shared>> -> memref<80x64xbf16, #tpu.memory_space<vmem_shared>>
      %dma_wait3A_118 = arith.constant 0 : i32
      %dma_wait3A_119 = arith.constant 0 : i32
      %dma_wait3A_120 = tpu.memref_slice %arg16[%dma_wait3A_118, %dma_wait3A_119] : memref<125x64xbf16, #tpu.memory_space<vmem>> -> memref<80x64xbf16, #tpu.memory_space<vmem>>
      tpu.wait_dma2 semaphore(%run_scoped3A : memref<!tpu.dma_semaphore, #tpu.memory_space<semaphore_mem>>) src(%dma_wait3A_120 : memref<80x64xbf16, #tpu.memory_space<vmem>>) dst(%dma_wait3A_117 : memref<80x64xbf16, #tpu.memory_space<vmem_shared>>)
      tpu.yield
    }) : () -> ()
    %mul3A_33 = arith.constant 640 : i32
    %mul3A_34 = arith.muli %arg1, %mul3A_33 : i32
    %add3A_35 = arith.constant 320 : i32
    %add3A_36 = arith.addi %mul3A_34, %add3A_35 : i32
    %min3A_37 = arith.constant 9920 : i32
    %min3A_38 = arith.minsi %add3A_36, %min3A_37 : i32
    "tpu.region"() ({
      %run_scoped3A = tpu.sem_alloc : memref<!tpu.dma_semaphore, #tpu.memory_space<semaphore_mem>>
      %dma_start3A_101 = arith.constant 0 : i32
      %dma_start3A_102 = arith.constant 0 : i32
      %dma_start3A_103 = tpu.memref_slice %arg16[%dma_start3A_101, %dma_start3A_102] : memref<125x64xbf16, #tpu.memory_space<vmem>> -> memref<80x64xbf16, #tpu.memory_space<vmem>>
      %dma_start3A_104 = arith.constant 0 : i32
      %dma_start3A_105 = tpu.memref_slice %arg20[%min3A_38, %dma_start3A_104] : memref<10000x64xbf16, #tpu.memory_space<vmem_shared>> -> memref<80x64xbf16, #tpu.memory_space<vmem_shared>>
      %dma_start3A_106 = arith.constant 0 : i32
      %dma_start3A_107 = tpu.memref_slice %arg20[%min3A_38, %dma_start3A_106] : memref<10000x64xbf16, #tpu.memory_space<vmem_shared>> -> memref<80x64xbf16, #tpu.memory_space<vmem_shared>>
      %dma_start3A_108 = arith.constant 0 : i32
      %dma_start3A_109 = arith.constant 0 : i32
      %dma_start3A_110 = tpu.memref_slice %arg16[%dma_start3A_108, %dma_start3A_109] : memref<125x64xbf16, #tpu.memory_space<vmem>> -> memref<80x64xbf16, #tpu.memory_space<vmem>>
      tpu.enqueue_dma source(%dma_start3A_110 : memref<80x64xbf16, #tpu.memory_space<vmem>>) target(%dma_start3A_107 : memref<80x64xbf16, #tpu.memory_space<vmem_shared>>) target_semaphore(%run_scoped3A : memref<!tpu.dma_semaphore, #tpu.memory_space<semaphore_mem>>)
      %dma_wait3A_111 = arith.constant 0 : i32
      %dma_wait3A_112 = arith.constant 0 : i32
      %dma_wait3A_113 = tpu.memref_slice %arg16[%dma_wait3A_111, %dma_wait3A_112] : memref<125x64xbf16, #tpu.memory_space<vmem>> -> memref<80x64xbf16, #tpu.memory_space<vmem>>
      %dma_wait3A_114 = arith.constant 0 : i32
      %dma_wait3A_115 = tpu.memref_slice %arg20[%min3A_38, %dma_wait3A_114] : memref<10000x64xbf16, #tpu.memory_space<vmem_shared>> -> memref<80x64xbf16, #tpu.memory_space<vmem_shared>>
      %dma_wait3A_116 = arith.constant 0 : i32
      %dma_wait3A_117 = tpu.memref_slice %arg20[%min3A_38, %dma_wait3A_116] : memref<10000x64xbf16, #tpu.memory_space<vmem_shared>> -> memref<80x64xbf16, #tpu.memory_space<vmem_shared>>
      %dma_wait3A_118 = arith.constant 0 : i32
      %dma_wait3A_119 = arith.constant 0 : i32
      %dma_wait3A_120 = tpu.memref_slice %arg16[%dma_wait3A_118, %dma_wait3A_119] : memref<125x64xbf16, #tpu.memory_space<vmem>> -> memref<80x64xbf16, #tpu.memory_space<vmem>>
      tpu.wait_dma2 semaphore(%run_scoped3A : memref<!tpu.dma_semaphore, #tpu.memory_space<semaphore_mem>>) src(%dma_wait3A_120 : memref<80x64xbf16, #tpu.memory_space<vmem>>) dst(%dma_wait3A_117 : memref<80x64xbf16, #tpu.memory_space<vmem_shared>>)
      tpu.yield
    }) : () -> ()
    %mul3A_39 = arith.constant 640 : i32
    %mul3A_40 = arith.muli %arg1, %mul3A_39 : i32
    %add3A_41 = arith.constant 400 : i32
    %add3A_42 = arith.addi %mul3A_40, %add3A_41 : i32
    %min3A_43 = arith.constant 9920 : i32
    %min3A_44 = arith.minsi %add3A_42, %min3A_43 : i32
    "tpu.region"() ({
      %run_scoped3A = tpu.sem_alloc : memref<!tpu.dma_semaphore, #tpu.memory_space<semaphore_mem>>
      %dma_start3A_101 = arith.constant 0 : i32
      %dma_start3A_102 = arith.constant 0 : i32
      %dma_start3A_103 = tpu.memref_slice %arg16[%dma_start3A_101, %dma_start3A_102] : memref<125x64xbf16, #tpu.memory_space<vmem>> -> memref<80x64xbf16, #tpu.memory_space<vmem>>
      %dma_start3A_104 = arith.constant 0 : i32
      %dma_start3A_105 = tpu.memref_slice %arg20[%min3A_44, %dma_start3A_104] : memref<10000x64xbf16, #tpu.memory_space<vmem_shared>> -> memref<80x64xbf16, #tpu.memory_space<vmem_shared>>
      %dma_start3A_106 = arith.constant 0 : i32
      %dma_start3A_107 = tpu.memref_slice %arg20[%min3A_44, %dma_start3A_106] : memref<10000x64xbf16, #tpu.memory_space<vmem_shared>> -> memref<80x64xbf16, #tpu.memory_space<vmem_shared>>
      %dma_start3A_108 = arith.constant 0 : i32
      %dma_start3A_109 = arith.constant 0 : i32
      %dma_start3A_110 = tpu.memref_slice %arg16[%dma_start3A_108, %dma_start3A_109] : memref<125x64xbf16, #tpu.memory_space<vmem>> -> memref<80x64xbf16, #tpu.memory_space<vmem>>
      tpu.enqueue_dma source(%dma_start3A_110 : memref<80x64xbf16, #tpu.memory_space<vmem>>) target(%dma_start3A_107 : memref<80x64xbf16, #tpu.memory_space<vmem_shared>>) target_semaphore(%run_scoped3A : memref<!tpu.dma_semaphore, #tpu.memory_space<semaphore_mem>>)
      %dma_wait3A_111 = arith.constant 0 : i32
      %dma_wait3A_112 = arith.constant 0 : i32
      %dma_wait3A_113 = tpu.memref_slice %arg16[%dma_wait3A_111, %dma_wait3A_112] : memref<125x64xbf16, #tpu.memory_space<vmem>> -> memref<80x64xbf16, #tpu.memory_space<vmem>>
      %dma_wait3A_114 = arith.constant 0 : i32
      %dma_wait3A_115 = tpu.memref_slice %arg20[%min3A_44, %dma_wait3A_114] : memref<10000x64xbf16, #tpu.memory_space<vmem_shared>> -> memref<80x64xbf16, #tpu.memory_space<vmem_shared>>
      %dma_wait3A_116 = arith.constant 0 : i32
      %dma_wait3A_117 = tpu.memref_slice %arg20[%min3A_44, %dma_wait3A_116] : memref<10000x64xbf16, #tpu.memory_space<vmem_shared>> -> memref<80x64xbf16, #tpu.memory_space<vmem_shared>>
      %dma_wait3A_118 = arith.constant 0 : i32
      %dma_wait3A_119 = arith.constant 0 : i32
      %dma_wait3A_120 = tpu.memref_slice %arg16[%dma_wait3A_118, %dma_wait3A_119] : memref<125x64xbf16, #tpu.memory_space<vmem>> -> memref<80x64xbf16, #tpu.memory_space<vmem>>
      tpu.wait_dma2 semaphore(%run_scoped3A : memref<!tpu.dma_semaphore, #tpu.memory_space<semaphore_mem>>) src(%dma_wait3A_120 : memref<80x64xbf16, #tpu.memory_space<vmem>>) dst(%dma_wait3A_117 : memref<80x64xbf16, #tpu.memory_space<vmem_shared>>)
      tpu.yield
    }) : () -> ()
    %mul3A_45 = arith.constant 640 : i32
    %mul3A_46 = arith.muli %arg1, %mul3A_45 : i32
    %add3A_47 = arith.constant 480 : i32
    %add3A_48 = arith.addi %mul3A_46, %add3A_47 : i32
    %min3A_49 = arith.constant 9920 : i32
    %min3A_50 = arith.minsi %add3A_48, %min3A_49 : i32
    "tpu.region"() ({
      %run_scoped3A = tpu.sem_alloc : memref<!tpu.dma_semaphore, #tpu.memory_space<semaphore_mem>>
      %dma_start3A_101 = arith.constant 0 : i32
      %dma_start3A_102 = arith.constant 0 : i32
      %dma_start3A_103 = tpu.memref_slice %arg16[%dma_start3A_101, %dma_start3A_102] : memref<125x64xbf16, #tpu.memory_space<vmem>> -> memref<80x64xbf16, #tpu.memory_space<vmem>>
      %dma_start3A_104 = arith.constant 0 : i32
      %dma_start3A_105 = tpu.memref_slice %arg20[%min3A_50, %dma_start3A_104] : memref<10000x64xbf16, #tpu.memory_space<vmem_shared>> -> memref<80x64xbf16, #tpu.memory_space<vmem_shared>>
      %dma_start3A_106 = arith.constant 0 : i32
      %dma_start3A_107 = tpu.memref_slice %arg20[%min3A_50, %dma_start3A_106] : memref<10000x64xbf16, #tpu.memory_space<vmem_shared>> -> memref<80x64xbf16, #tpu.memory_space<vmem_shared>>
      %dma_start3A_108 = arith.constant 0 : i32
      %dma_start3A_109 = arith.constant 0 : i32
      %dma_start3A_110 = tpu.memref_slice %arg16[%dma_start3A_108, %dma_start3A_109] : memref<125x64xbf16, #tpu.memory_space<vmem>> -> memref<80x64xbf16, #tpu.memory_space<vmem>>
      tpu.enqueue_dma source(%dma_start3A_110 : memref<80x64xbf16, #tpu.memory_space<vmem>>) target(%dma_start3A_107 : memref<80x64xbf16, #tpu.memory_space<vmem_shared>>) target_semaphore(%run_scoped3A : memref<!tpu.dma_semaphore, #tpu.memory_space<semaphore_mem>>)
      %dma_wait3A_111 = arith.constant 0 : i32
      %dma_wait3A_112 = arith.constant 0 : i32
      %dma_wait3A_113 = tpu.memref_slice %arg16[%dma_wait3A_111, %dma_wait3A_112] : memref<125x64xbf16, #tpu.memory_space<vmem>> -> memref<80x64xbf16, #tpu.memory_space<vmem>>
      %dma_wait3A_114 = arith.constant 0 : i32
      %dma_wait3A_115 = tpu.memref_slice %arg20[%min3A_50, %dma_wait3A_114] : memref<10000x64xbf16, #tpu.memory_space<vmem_shared>> -> memref<80x64xbf16, #tpu.memory_space<vmem_shared>>
      %dma_wait3A_116 = arith.constant 0 : i32
      %dma_wait3A_117 = tpu.memref_slice %arg20[%min3A_50, %dma_wait3A_116] : memref<10000x64xbf16, #tpu.memory_space<vmem_shared>> -> memref<80x64xbf16, #tpu.memory_space<vmem_shared>>
      %dma_wait3A_118 = arith.constant 0 : i32
      %dma_wait3A_119 = arith.constant 0 : i32
      %dma_wait3A_120 = tpu.memref_slice %arg16[%dma_wait3A_118, %dma_wait3A_119] : memref<125x64xbf16, #tpu.memory_space<vmem>> -> memref<80x64xbf16, #tpu.memory_space<vmem>>
      tpu.wait_dma2 semaphore(%run_scoped3A : memref<!tpu.dma_semaphore, #tpu.memory_space<semaphore_mem>>) src(%dma_wait3A_120 : memref<80x64xbf16, #tpu.memory_space<vmem>>) dst(%dma_wait3A_117 : memref<80x64xbf16, #tpu.memory_space<vmem_shared>>)
      tpu.yield
    }) : () -> ()
    %mul3A_51 = arith.constant 640 : i32
    %mul3A_52 = arith.muli %arg1, %mul3A_51 : i32
    %add3A_53 = arith.constant 560 : i32
    %add3A_54 = arith.addi %mul3A_52, %add3A_53 : i32
    %min3A_55 = arith.constant 9920 : i32
    %min3A_56 = arith.minsi %add3A_54, %min3A_55 : i32
    "tpu.region"() ({
      %run_scoped3A = tpu.sem_alloc : memref<!tpu.dma_semaphore, #tpu.memory_space<semaphore_mem>>
      %dma_start3A_101 = arith.constant 0 : i32
      %dma_start3A_102 = arith.constant 0 : i32
      %dma_start3A_103 = tpu.memref_slice %arg16[%dma_start3A_101, %dma_start3A_102] : memref<125x64xbf16, #tpu.memory_space<vmem>> -> memref<80x64xbf16, #tpu.memory_space<vmem>>
      %dma_start3A_104 = arith.constant 0 : i32
      %dma_start3A_105 = tpu.memref_slice %arg20[%min3A_56, %dma_start3A_104] : memref<10000x64xbf16, #tpu.memory_space<vmem_shared>> -> memref<80x64xbf16, #tpu.memory_space<vmem_shared>>
      %dma_start3A_106 = arith.constant 0 : i32
      %dma_start3A_107 = tpu.memref_slice %arg20[%min3A_56, %dma_start3A_106] : memref<10000x64xbf16, #tpu.memory_space<vmem_shared>> -> memref<80x64xbf16, #tpu.memory_space<vmem_shared>>
      %dma_start3A_108 = arith.constant 0 : i32
      %dma_start3A_109 = arith.constant 0 : i32
      %dma_start3A_110 = tpu.memref_slice %arg16[%dma_start3A_108, %dma_start3A_109] : memref<125x64xbf16, #tpu.memory_space<vmem>> -> memref<80x64xbf16, #tpu.memory_space<vmem>>
      tpu.enqueue_dma source(%dma_start3A_110 : memref<80x64xbf16, #tpu.memory_space<vmem>>) target(%dma_start3A_107 : memref<80x64xbf16, #tpu.memory_space<vmem_shared>>) target_semaphore(%run_scoped3A : memref<!tpu.dma_semaphore, #tpu.memory_space<semaphore_mem>>)
      %dma_wait3A_111 = arith.constant 0 : i32
      %dma_wait3A_112 = arith.constant 0 : i32
      %dma_wait3A_113 = tpu.memref_slice %arg16[%dma_wait3A_111, %dma_wait3A_112] : memref<125x64xbf16, #tpu.memory_space<vmem>> -> memref<80x64xbf16, #tpu.memory_space<vmem>>
      %dma_wait3A_114 = arith.constant 0 : i32
      %dma_wait3A_115 = tpu.memref_slice %arg20[%min3A_56, %dma_wait3A_114] : memref<10000x64xbf16, #tpu.memory_space<vmem_shared>> -> memref<80x64xbf16, #tpu.memory_space<vmem_shared>>
      %dma_wait3A_116 = arith.constant 0 : i32
      %dma_wait3A_117 = tpu.memref_slice %arg20[%min3A_56, %dma_wait3A_116] : memref<10000x64xbf16, #tpu.memory_space<vmem_shared>> -> memref<80x64xbf16, #tpu.memory_space<vmem_shared>>
      %dma_wait3A_118 = arith.constant 0 : i32
      %dma_wait3A_119 = arith.constant 0 : i32
      %dma_wait3A_120 = tpu.memref_slice %arg16[%dma_wait3A_118, %dma_wait3A_119] : memref<125x64xbf16, #tpu.memory_space<vmem>> -> memref<80x64xbf16, #tpu.memory_space<vmem>>
      tpu.wait_dma2 semaphore(%run_scoped3A : memref<!tpu.dma_semaphore, #tpu.memory_space<semaphore_mem>>) src(%dma_wait3A_120 : memref<80x64xbf16, #tpu.memory_space<vmem>>) dst(%dma_wait3A_117 : memref<80x64xbf16, #tpu.memory_space<vmem_shared>>)
      tpu.yield
    }) : () -> ()
    %barrier3A = arith.constant 0 : index
    tpu.barrier barrier_id(%barrier3A)
    %broadcast_in_dim3A = arith.constant 0 : i32
    %broadcast_in_dim3A_57 = vector.broadcast %broadcast_in_dim3A : i32 to vector<16xi32>
    %dma_start3A = arith.constant 0 : i32
    %dma_start3A_58 = arith.constant 0 : i32
    %dma_start3A_59 = tpu.memref_slice %arg7[%dma_start3A, %dma_start3A_58] : memref<160x125xi32, #tpu.memory_space<vmem>> -> memref<1x125xi32, #tpu.memory_space<vmem>>
    %dma_start3A_60 = tpu.memref_squeeze %dma_start3A_59 : memref<1x125xi32, #tpu.memory_space<vmem>> -> memref<125xi32, #tpu.memory_space<vmem>>
    %dma_start3A_61 = arith.constant 0 : i32
    %dma_start3A_62 = arith.constant 0 : i32
    %dma_start3A_63 = tpu.memref_slice %arg2[%dma_start3A_61, %dma_start3A_62] : memref<20000x64xbf16, #tpu.memory_space<hbm>> -> memref<20000x64xbf16, #tpu.memory_space<hbm>>
    tpu.enqueue_indirect_dma source(%dma_start3A_63 : memref<20000x64xbf16, #tpu.memory_space<hbm>>) target(%arg16 : memref<125x64xbf16, #tpu.memory_space<vmem>>) offsets(%dma_start3A_60 : memref<125xi32, #tpu.memory_space<vmem>>) semaphore(%arg21 : memref<!tpu.dma_semaphore, #tpu.memory_space<semaphore_mem>>)
    %mul3A_64 = arith.constant 160 : i32
    %mul3A_65 = arith.muli %arg1, %mul3A_64 : i32
    %add3A_66 = arith.constant 1 : i32
    %add3A_67 = arith.addi %mul3A_65, %add3A_66 : i32
    %mul3A_68 = arith.constant 160 : i32
    %mul3A_69 = arith.muli %arg1, %mul3A_68 : i32
    %add3A_70 = arith.constant 1 : i32
    %add3A_71 = arith.addi %mul3A_69, %add3A_70 : i32
    %dma_start3A_72 = arith.constant 0 : i32
    %dma_start3A_73 = tpu.memref_slice %arg4[%add3A_67, %dma_start3A_72] : memref<2560x125xi32, #tpu.memory_space<hbm>> -> memref<1x125xi32, #tpu.memory_space<hbm>>
    %dma_start3A_74 = tpu.memref_squeeze %dma_start3A_73 : memref<1x125xi32, #tpu.memory_space<hbm>> -> memref<125xi32, #tpu.memory_space<hbm>>
    %dma_start3A_75 = arith.constant 0 : i32
    %dma_start3A_76 = tpu.memref_slice %arg4[%add3A_67, %dma_start3A_75] : memref<2560x125xi32, #tpu.memory_space<hbm>> -> memref<1x125xi32, #tpu.memory_space<hbm>>
    %dma_start3A_77 = tpu.memref_squeeze %dma_start3A_76 : memref<1x125xi32, #tpu.memory_space<hbm>> -> memref<125xi32, #tpu.memory_space<hbm>>
    tpu.enqueue_dma source(%dma_start3A_77 : memref<125xi32, #tpu.memory_space<hbm>>) target(%arg9 : memref<125xi32, #tpu.memory_space<vmem>>) target_semaphore(%arg30 : memref<!tpu.dma_semaphore, #tpu.memory_space<semaphore_mem>>)
    %dma_start3A_78 = arith.constant 0 : i32
    %dma_start3A_79 = tpu.memref_slice %arg5[%add3A_71, %dma_start3A_78] : memref<2560x125xf32, #tpu.memory_space<hbm>> -> memref<1x125xf32, #tpu.memory_space<hbm>>
    %dma_start3A_80 = tpu.memref_squeeze %dma_start3A_79 : memref<1x125xf32, #tpu.memory_space<hbm>> -> memref<125xf32, #tpu.memory_space<hbm>>
    %dma_start3A_81 = arith.constant 0 : i32
    %dma_start3A_82 = tpu.memref_slice %arg5[%add3A_71, %dma_start3A_81] : memref<2560x125xf32, #tpu.memory_space<hbm>> -> memref<1x125xf32, #tpu.memory_space<hbm>>
    %dma_start3A_83 = tpu.memref_squeeze %dma_start3A_82 : memref<1x125xf32, #tpu.memory_space<hbm>> -> memref<125xf32, #tpu.memory_space<hbm>>
    tpu.enqueue_dma source(%dma_start3A_83 : memref<125xf32, #tpu.memory_space<hbm>>) target(%arg13 : memref<125xf32, #tpu.memory_space<vmem>>) target_semaphore(%arg34 : memref<!tpu.dma_semaphore, #tpu.memory_space<semaphore_mem>>)
    %scan3A_84 = arith.constant 0 : i32
    %scan3A_85 = arith.constant 0 : i32
    %scan3A_86 = arith.constant 40 : i32
    %scan3A_87 = arith.addi %scan3A_85, %scan3A_86 : i32
    %scan3A_88 = arith.constant 1 : i32
    %scan3A_89 = scf.for %scan3A_101 = %scan3A_85 to %scan3A_87 step %scan3A_88 iter_args(%scan3A_102 = %scan3A_84) -> (i32)  : i32 {
      %mul3A_103 = arith.constant 4 : i32
      %mul3A_104 = arith.muli %scan3A_101, %mul3A_103 : i32
      %add3A_105 = arith.constant 0 : i32
      %add3A_106 = arith.addi %mul3A_104, %add3A_105 : i32
      %dma_wait3A_107 = arith.constant 0 : i32
      %dma_wait3A_108 = tpu.memref_slice %arg7[%add3A_106, %dma_wait3A_107] : memref<160x125xi32, #tpu.memory_space<vmem>> -> memref<1x125xi32, #tpu.memory_space<vmem>>
      %dma_wait3A_109 = tpu.memref_squeeze %dma_wait3A_108 : memref<1x125xi32, #tpu.memory_space<vmem>> -> memref<125xi32, #tpu.memory_space<vmem>>
      %dma_wait3A_110 = arith.constant 0 : i32
      %dma_wait3A_111 = arith.constant 0 : i32
      %dma_wait3A_112 = tpu.memref_slice %arg2[%dma_wait3A_110, %dma_wait3A_111] : memref<20000x64xbf16, #tpu.memory_space<hbm>> -> memref<20000x64xbf16, #tpu.memory_space<hbm>>
      tpu.wait_indirect_dma semaphore(%arg21 : memref<!tpu.dma_semaphore, #tpu.memory_space<semaphore_mem>>) src(%dma_wait3A_112 : memref<20000x64xbf16, #tpu.memory_space<hbm>>) dst(%arg16 : memref<125x64xbf16, #tpu.memory_space<vmem>>)
      %ge3A = arith.constant 1 : i32
      %ge3A_113 = arith.cmpi sge, %add3A_106, %ge3A : i32
      %convert_element_type3A = arith.extui %ge3A_113 : i1 to i32
      %cond3A = arith.constant 0 : i32
      %cond3A_114 = arith.cmpi ne, %convert_element_type3A, %cond3A : i32
      scf.if %cond3A_114 {
        %dma_wait3A_239 = arith.constant 0 : i32
        %dma_wait3A_240 = arith.constant 0 : i32
        %dma_wait3A_241 = tpu.memref_slice %arg20[%dma_wait3A_239, %dma_wait3A_240] : memref<10000x64xbf16, #tpu.memory_space<vmem_shared>> -> memref<10000x64xbf16, #tpu.memory_space<vmem_shared>>
        tpu.wait_indirect_dma semaphore(%arg28 : memref<!tpu.dma_semaphore, #tpu.memory_space<semaphore_mem>>) src(%arg19 : memref<125x64xbf16, #tpu.memory_space<vmem>>) dst(%dma_wait3A_241 : memref<10000x64xbf16, #tpu.memory_space<vmem_shared>>)
      } else {
      }
      %add3A_115 = arith.constant 1 : i32
      %add3A_116 = arith.addi %add3A_106, %add3A_115 : i32
      %lt3A = arith.constant 160 : i32
      %lt3A_117 = arith.cmpi slt, %add3A_116, %lt3A : i32
      %convert_element_type3A_118 = arith.extui %lt3A_117 : i1 to i32
      %cond3A_119 = arith.constant 0 : i32
      %cond3A_120 = arith.cmpi ne, %convert_element_type3A_118, %cond3A_119 : i32
      scf.if %cond3A_120 {
        %add3A_239 = arith.constant 1 : i32
        %add3A_240 = arith.addi %add3A_106, %add3A_239 : i32
        %mul3A_241 = arith.constant 160 : i32
        %mul3A_242 = arith.muli %arg1, %mul3A_241 : i32
        %add3A_243 = arith.addi %mul3A_242, %add3A_240 : i32
        %mul3A_244 = arith.constant 160 : i32
        %mul3A_245 = arith.muli %arg1, %mul3A_244 : i32
        %add3A_246 = arith.addi %mul3A_245, %add3A_240 : i32
        %dma_wait3A_247 = arith.constant 0 : i32
        %dma_wait3A_248 = tpu.memref_slice %arg4[%add3A_243, %dma_wait3A_247] : memref<2560x125xi32, #tpu.memory_space<hbm>> -> memref<1x125xi32, #tpu.memory_space<hbm>>
        %dma_wait3A_249 = tpu.memref_squeeze %dma_wait3A_248 : memref<1x125xi32, #tpu.memory_space<hbm>> -> memref<125xi32, #tpu.memory_space<hbm>>
        %dma_wait3A_250 = arith.constant 0 : i32
        %dma_wait3A_251 = tpu.memref_slice %arg4[%add3A_243, %dma_wait3A_250] : memref<2560x125xi32, #tpu.memory_space<hbm>> -> memref<1x125xi32, #tpu.memory_space<hbm>>
        %dma_wait3A_252 = tpu.memref_squeeze %dma_wait3A_251 : memref<1x125xi32, #tpu.memory_space<hbm>> -> memref<125xi32, #tpu.memory_space<hbm>>
        tpu.wait_dma2 semaphore(%arg30 : memref<!tpu.dma_semaphore, #tpu.memory_space<semaphore_mem>>) src(%dma_wait3A_252 : memref<125xi32, #tpu.memory_space<hbm>>) dst(%arg9 : memref<125xi32, #tpu.memory_space<vmem>>)
        %dma_wait3A_253 = arith.constant 0 : i32
        %dma_wait3A_254 = tpu.memref_slice %arg5[%add3A_246, %dma_wait3A_253] : memref<2560x125xf32, #tpu.memory_space<hbm>> -> memref<1x125xf32, #tpu.memory_space<hbm>>
        %dma_wait3A_255 = tpu.memref_squeeze %dma_wait3A_254 : memref<1x125xf32, #tpu.memory_space<hbm>> -> memref<125xf32, #tpu.memory_space<hbm>>
        %dma_wait3A_256 = arith.constant 0 : i32
        %dma_wait3A_257 = tpu.memref_slice %arg5[%add3A_246, %dma_wait3A_256] : memref<2560x125xf32, #tpu.memory_space<hbm>> -> memref<1x125xf32, #tpu.memory_space<hbm>>
        %dma_wait3A_258 = tpu.memref_squeeze %dma_wait3A_257 : memref<1x125xf32, #tpu.memory_space<hbm>> -> memref<125xf32, #tpu.memory_space<hbm>>
        tpu.wait_dma2 semaphore(%arg34 : memref<!tpu.dma_semaphore, #tpu.memory_space<semaphore_mem>>) src(%dma_wait3A_258 : memref<125xf32, #tpu.memory_space<hbm>>) dst(%arg13 : memref<125xf32, #tpu.memory_space<vmem>>)
        %add3A_259 = arith.constant 1 : i32
        %add3A_260 = arith.addi %add3A_106, %add3A_259 : i32
        %dma_start3A_261 = arith.constant 0 : i32
        %dma_start3A_262 = tpu.memref_slice %arg7[%add3A_260, %dma_start3A_261] : memref<160x125xi32, #tpu.memory_space<vmem>> -> memref<1x125xi32, #tpu.memory_space<vmem>>
        %dma_start3A_263 = tpu.memref_squeeze %dma_start3A_262 : memref<1x125xi32, #tpu.memory_space<vmem>> -> memref<125xi32, #tpu.memory_space<vmem>>
        %dma_start3A_264 = arith.constant 0 : i32
        %dma_start3A_265 = arith.constant 0 : i32
        %dma_start3A_266 = tpu.memref_slice %arg2[%dma_start3A_264, %dma_start3A_265] : memref<20000x64xbf16, #tpu.memory_space<hbm>> -> memref<20000x64xbf16, #tpu.memory_space<hbm>>
        tpu.enqueue_indirect_dma source(%dma_start3A_266 : memref<20000x64xbf16, #tpu.memory_space<hbm>>) target(%arg17 : memref<125x64xbf16, #tpu.memory_space<vmem>>) offsets(%dma_start3A_263 : memref<125xi32, #tpu.memory_space<vmem>>) semaphore(%arg22 : memref<!tpu.dma_semaphore, #tpu.memory_space<semaphore_mem>>)
      } else {
      }
      %parallel_loop3A = arith.constant 0 : i32
      %parallel_loop3A_121 = arith.constant 125 : i32
      %parallel_loop3A_122 = arith.constant 1 : i32
      scf.for %parallel_loop3A_239 = %parallel_loop3A to %parallel_loop3A_121 step %parallel_loop3A_122  : i32 {
        %parallel_loop3A_240 = vector.broadcast %parallel_loop3A_239 : i32 to vector<16xi32>
        %parallel_loop3A_241 = arith.addi %broadcast_in_dim3A_57, %parallel_loop3A_240 : vector<16xi32>
        %parallel_loop3A_242 = tpu.vector_load_idx %arg12[%parallel_loop3A_241] : memref<125xf32, #tpu.memory_space<vmem>>[vector<16xi32>], vector<16xf32>,
        %parallel_loop3A_243 = tpu.pack_subelements %parallel_loop3A_242, %parallel_loop3A_242 {pack_format = #tpu.pack_format<interleaved>, positions = array<i32: 0, 1>} : vector<16xf32>, vector<16xf32> -> vector<32xbf16>
        %parallel_loop3A_244 = arith.index_cast %parallel_loop3A_239 : i32 to index
        %parallel_loop3A_245 = arith.constant 0 : index
        %parallel_loop3A_246 = tpu.vector_load %arg16[%parallel_loop3A_244, %parallel_loop3A_245] {strides = array<i32>} : memref<125x64xbf16, #tpu.memory_space<vmem>>, vector<32xbf16>,
        %parallel_loop3A_247 = arith.mulf %parallel_loop3A_246, %parallel_loop3A_243 : vector<32xbf16>
        %parallel_loop3A_248 = arith.index_cast %parallel_loop3A_239 : i32 to index
        %parallel_loop3A_249 = arith.constant 0 : index
        %parallel_loop3A_250 = tpu.vector_load %arg16[%parallel_loop3A_248, %parallel_loop3A_249] {strides = array<i32>} : memref<125x64xbf16, #tpu.memory_space<vmem>>, vector<32xbf16>,
        tpu.vector_store %arg16[%parallel_loop3A_248, %parallel_loop3A_249], %parallel_loop3A_247 {strides = array<i32>} : memref<125x64xbf16, #tpu.memory_space<vmem>>, vector<32xbf16>,
        %parallel_loop3A_251 = arith.index_cast %parallel_loop3A_239 : i32 to index
        %parallel_loop3A_252 = arith.constant 32 : index
        %parallel_loop3A_253 = tpu.vector_load %arg16[%parallel_loop3A_251, %parallel_loop3A_252] {strides = array<i32>} : memref<125x64xbf16, #tpu.memory_space<vmem>>, vector<32xbf16>,
        %parallel_loop3A_254 = arith.mulf %parallel_loop3A_253, %parallel_loop3A_243 : vector<32xbf16>
        %parallel_loop3A_255 = arith.index_cast %parallel_loop3A_239 : i32 to index
        %parallel_loop3A_256 = arith.constant 32 : index
        %parallel_loop3A_257 = tpu.vector_load %arg16[%parallel_loop3A_255, %parallel_loop3A_256] {strides = array<i32>} : memref<125x64xbf16, #tpu.memory_space<vmem>>, vector<32xbf16>,
        tpu.vector_store %arg16[%parallel_loop3A_255, %parallel_loop3A_256], %parallel_loop3A_254 {strides = array<i32>} : memref<125x64xbf16, #tpu.memory_space<vmem>>, vector<32xbf16>,
      } {sc.loop_unroll_factor = 5 : i64, sc.parallel_access}
      %dma_start3A_123 = arith.constant 0 : i32
      %dma_start3A_124 = arith.constant 0 : i32
      %dma_start3A_125 = tpu.memref_slice %arg20[%dma_start3A_123, %dma_start3A_124] : memref<10000x64xbf16, #tpu.memory_space<vmem_shared>> -> memref<10000x64xbf16, #tpu.memory_space<vmem_shared>>
      tpu.enqueue_indirect_dma source(%arg16 : memref<125x64xbf16, #tpu.memory_space<vmem>>) target(%dma_start3A_125 : memref<10000x64xbf16, #tpu.memory_space<vmem_shared>>) offsets(%arg8 : memref<125xi32, #tpu.memory_space<vmem>>) semaphore(%arg25 : memref<!tpu.dma_semaphore, #tpu.memory_space<semaphore_mem>>) {add = true}
      %add3A_126 = arith.constant 2 : i32
      %add3A_127 = arith.addi %add3A_106, %add3A_126 : i32
      %lt3A_128 = arith.constant 160 : i32
      %lt3A_129 = arith.cmpi slt, %add3A_127, %lt3A_128 : i32
      %convert_element_type3A_130 = arith.extui %lt3A_129 : i1 to i32
      %cond3A_131 = arith.constant 0 : i32
      %cond3A_132 = arith.cmpi ne, %convert_element_type3A_130, %cond3A_131 : i32
      scf.if %cond3A_132 {
        %add3A_239 = arith.constant 2 : i32
        %add3A_240 = arith.addi %add3A_106, %add3A_239 : i32
        %mul3A_241 = arith.constant 160 : i32
        %mul3A_242 = arith.muli %arg1, %mul3A_241 : i32
        %add3A_243 = arith.addi %mul3A_242, %add3A_240 : i32
        %mul3A_244 = arith.constant 160 : i32
        %mul3A_245 = arith.muli %arg1, %mul3A_244 : i32
        %add3A_246 = arith.addi %mul3A_245, %add3A_240 : i32
        %dma_start3A_247 = arith.constant 0 : i32
        %dma_start3A_248 = tpu.memref_slice %arg4[%add3A_243, %dma_start3A_247] : memref<2560x125xi32, #tpu.memory_space<hbm>> -> memref<1x125xi32, #tpu.memory_space<hbm>>
        %dma_start3A_249 = tpu.memref_squeeze %dma_start3A_248 : memref<1x125xi32, #tpu.memory_space<hbm>> -> memref<125xi32, #tpu.memory_space<hbm>>
        %dma_start3A_250 = arith.constant 0 : i32
        %dma_start3A_251 = tpu.memref_slice %arg4[%add3A_243, %dma_start3A_250] : memref<2560x125xi32, #tpu.memory_space<hbm>> -> memref<1x125xi32, #tpu.memory_space<hbm>>
        %dma_start3A_252 = tpu.memref_squeeze %dma_start3A_251 : memref<1x125xi32, #tpu.memory_space<hbm>> -> memref<125xi32, #tpu.memory_space<hbm>>
        tpu.enqueue_dma source(%dma_start3A_252 : memref<125xi32, #tpu.memory_space<hbm>>) target(%arg10 : memref<125xi32, #tpu.memory_space<vmem>>) target_semaphore(%arg31 : memref<!tpu.dma_semaphore, #tpu.memory_space<semaphore_mem>>)
        %dma_start3A_253 = arith.constant 0 : i32
        %dma_start3A_254 = tpu.memref_slice %arg5[%add3A_246, %dma_start3A_253] : memref<2560x125xf32, #tpu.memory_space<hbm>> -> memref<1x125xf32, #tpu.memory_space<hbm>>
        %dma_start3A_255 = tpu.memref_squeeze %dma_start3A_254 : memref<1x125xf32, #tpu.memory_space<hbm>> -> memref<125xf32, #tpu.memory_space<hbm>>
        %dma_start3A_256 = arith.constant 0 : i32
        %dma_start3A_257 = tpu.memref_slice %arg5[%add3A_246, %dma_start3A_256] : memref<2560x125xf32, #tpu.memory_space<hbm>> -> memref<1x125xf32, #tpu.memory_space<hbm>>
        %dma_start3A_258 = tpu.memref_squeeze %dma_start3A_257 : memref<1x125xf32, #tpu.memory_space<hbm>> -> memref<125xf32, #tpu.memory_space<hbm>>
        tpu.enqueue_dma source(%dma_start3A_258 : memref<125xf32, #tpu.memory_space<hbm>>) target(%arg14 : memref<125xf32, #tpu.memory_space<vmem>>) target_semaphore(%arg35 : memref<!tpu.dma_semaphore, #tpu.memory_space<semaphore_mem>>)
      } else {
      }
      %mul3A_133 = arith.constant 4 : i32
      %mul3A_134 = arith.muli %scan3A_101, %mul3A_133 : i32
      %add3A_135 = arith.constant 1 : i32
      %add3A_136 = arith.addi %mul3A_134, %add3A_135 : i32
      %dma_wait3A_137 = arith.constant 0 : i32
      %dma_wait3A_138 = tpu.memref_slice %arg7[%add3A_136, %dma_wait3A_137] : memref<160x125xi32, #tpu.memory_space<vmem>> -> memref<1x125xi32, #tpu.memory_space<vmem>>
      %dma_wait3A_139 = tpu.memref_squeeze %dma_wait3A_138 : memref<1x125xi32, #tpu.memory_space<vmem>> -> memref<125xi32, #tpu.memory_space<vmem>>
      %dma_wait3A_140 = arith.constant 0 : i32
      %dma_wait3A_141 = arith.constant 0 : i32
      %dma_wait3A_142 = tpu.memref_slice %arg2[%dma_wait3A_140, %dma_wait3A_141] : memref<20000x64xbf16, #tpu.memory_space<hbm>> -> memref<20000x64xbf16, #tpu.memory_space<hbm>>
      tpu.wait_indirect_dma semaphore(%arg22 : memref<!tpu.dma_semaphore, #tpu.memory_space<semaphore_mem>>) src(%dma_wait3A_142 : memref<20000x64xbf16, #tpu.memory_space<hbm>>) dst(%arg17 : memref<125x64xbf16, #tpu.memory_space<vmem>>)
      %ge3A_143 = arith.constant 1 : i32
      %ge3A_144 = arith.cmpi sge, %add3A_136, %ge3A_143 : i32
      %convert_element_type3A_145 = arith.extui %ge3A_144 : i1 to i32
      %cond3A_146 = arith.constant 0 : i32
      %cond3A_147 = arith.cmpi ne, %convert_element_type3A_145, %cond3A_146 : i32
      scf.if %cond3A_147 {
        %dma_wait3A_239 = arith.constant 0 : i32
        %dma_wait3A_240 = arith.constant 0 : i32
        %dma_wait3A_241 = tpu.memref_slice %arg20[%dma_wait3A_239, %dma_wait3A_240] : memref<10000x64xbf16, #tpu.memory_space<vmem_shared>> -> memref<10000x64xbf16, #tpu.memory_space<vmem_shared>>
        tpu.wait_indirect_dma semaphore(%arg25 : memref<!tpu.dma_semaphore, #tpu.memory_space<semaphore_mem>>) src(%arg16 : memref<125x64xbf16, #tpu.memory_space<vmem>>) dst(%dma_wait3A_241 : memref<10000x64xbf16, #tpu.memory_space<vmem_shared>>)
      } else {
      }
      %add3A_148 = arith.constant 1 : i32
      %add3A_149 = arith.addi %add3A_136, %add3A_148 : i32
      %lt3A_150 = arith.constant 160 : i32
      %lt3A_151 = arith.cmpi slt, %add3A_149, %lt3A_150 : i32
      %convert_element_type3A_152 = arith.extui %lt3A_151 : i1 to i32
      %cond3A_153 = arith.constant 0 : i32
      %cond3A_154 = arith.cmpi ne, %convert_element_type3A_152, %cond3A_153 : i32
      scf.if %cond3A_154 {
        %add3A_239 = arith.constant 1 : i32
        %add3A_240 = arith.addi %add3A_136, %add3A_239 : i32
        %mul3A_241 = arith.constant 160 : i32
        %mul3A_242 = arith.muli %arg1, %mul3A_241 : i32
        %add3A_243 = arith.addi %mul3A_242, %add3A_240 : i32
        %mul3A_244 = arith.constant 160 : i32
        %mul3A_245 = arith.muli %arg1, %mul3A_244 : i32
        %add3A_246 = arith.addi %mul3A_245, %add3A_240 : i32
        %dma_wait3A_247 = arith.constant 0 : i32
        %dma_wait3A_248 = tpu.memref_slice %arg4[%add3A_243, %dma_wait3A_247] : memref<2560x125xi32, #tpu.memory_space<hbm>> -> memref<1x125xi32, #tpu.memory_space<hbm>>
        %dma_wait3A_249 = tpu.memref_squeeze %dma_wait3A_248 : memref<1x125xi32, #tpu.memory_space<hbm>> -> memref<125xi32, #tpu.memory_space<hbm>>
        %dma_wait3A_250 = arith.constant 0 : i32
        %dma_wait3A_251 = tpu.memref_slice %arg4[%add3A_243, %dma_wait3A_250] : memref<2560x125xi32, #tpu.memory_space<hbm>> -> memref<1x125xi32, #tpu.memory_space<hbm>>
        %dma_wait3A_252 = tpu.memref_squeeze %dma_wait3A_251 : memref<1x125xi32, #tpu.memory_space<hbm>> -> memref<125xi32, #tpu.memory_space<hbm>>
        tpu.wait_dma2 semaphore(%arg31 : memref<!tpu.dma_semaphore, #tpu.memory_space<semaphore_mem>>) src(%dma_wait3A_252 : memref<125xi32, #tpu.memory_space<hbm>>) dst(%arg10 : memref<125xi32, #tpu.memory_space<vmem>>)
        %dma_wait3A_253 = arith.constant 0 : i32
        %dma_wait3A_254 = tpu.memref_slice %arg5[%add3A_246, %dma_wait3A_253] : memref<2560x125xf32, #tpu.memory_space<hbm>> -> memref<1x125xf32, #tpu.memory_space<hbm>>
        %dma_wait3A_255 = tpu.memref_squeeze %dma_wait3A_254 : memref<1x125xf32, #tpu.memory_space<hbm>> -> memref<125xf32, #tpu.memory_space<hbm>>
        %dma_wait3A_256 = arith.constant 0 : i32
        %dma_wait3A_257 = tpu.memref_slice %arg5[%add3A_246, %dma_wait3A_256] : memref<2560x125xf32, #tpu.memory_space<hbm>> -> memref<1x125xf32, #tpu.memory_space<hbm>>
        %dma_wait3A_258 = tpu.memref_squeeze %dma_wait3A_257 : memref<1x125xf32, #tpu.memory_space<hbm>> -> memref<125xf32, #tpu.memory_space<hbm>>
        tpu.wait_dma2 semaphore(%arg35 : memref<!tpu.dma_semaphore, #tpu.memory_space<semaphore_mem>>) src(%dma_wait3A_258 : memref<125xf32, #tpu.memory_space<hbm>>) dst(%arg14 : memref<125xf32, #tpu.memory_space<vmem>>)
        %add3A_259 = arith.constant 1 : i32
        %add3A_260 = arith.addi %add3A_136, %add3A_259 : i32
        %dma_start3A_261 = arith.constant 0 : i32
        %dma_start3A_262 = tpu.memref_slice %arg7[%add3A_260, %dma_start3A_261] : memref<160x125xi32, #tpu.memory_space<vmem>> -> memref<1x125xi32, #tpu.memory_space<vmem>>
        %dma_start3A_263 = tpu.memref_squeeze %dma_start3A_262 : memref<1x125xi32, #tpu.memory_space<vmem>> -> memref<125xi32, #tpu.memory_space<vmem>>
        %dma_start3A_264 = arith.constant 0 : i32
        %dma_start3A_265 = arith.constant 0 : i32
        %dma_start3A_266 = tpu.memref_slice %arg2[%dma_start3A_264, %dma_start3A_265] : memref<20000x64xbf16, #tpu.memory_space<hbm>> -> memref<20000x64xbf16, #tpu.memory_space<hbm>>
        tpu.enqueue_indirect_dma source(%dma_start3A_266 : memref<20000x64xbf16, #tpu.memory_space<hbm>>) target(%arg18 : memref<125x64xbf16, #tpu.memory_space<vmem>>) offsets(%dma_start3A_263 : memref<125xi32, #tpu.memory_space<vmem>>) semaphore(%arg23 : memref<!tpu.dma_semaphore, #tpu.memory_space<semaphore_mem>>)
      } else {
      }
      %parallel_loop3A_155 = arith.constant 0 : i32
      %parallel_loop3A_156 = arith.constant 125 : i32
      %parallel_loop3A_157 = arith.constant 1 : i32
      scf.for %parallel_loop3A_239 = %parallel_loop3A_155 to %parallel_loop3A_156 step %parallel_loop3A_157  : i32 {
        %parallel_loop3A_240 = vector.broadcast %parallel_loop3A_239 : i32 to vector<16xi32>
        %parallel_loop3A_241 = arith.addi %broadcast_in_dim3A_57, %parallel_loop3A_240 : vector<16xi32>
        %parallel_loop3A_242 = tpu.vector_load_idx %arg13[%parallel_loop3A_241] : memref<125xf32, #tpu.memory_space<vmem>>[vector<16xi32>], vector<16xf32>,
        %parallel_loop3A_243 = tpu.pack_subelements %parallel_loop3A_242, %parallel_loop3A_242 {pack_format = #tpu.pack_format<interleaved>, positions = array<i32: 0, 1>} : vector<16xf32>, vector<16xf32> -> vector<32xbf16>
        %parallel_loop3A_244 = arith.index_cast %parallel_loop3A_239 : i32 to index
        %parallel_loop3A_245 = arith.constant 0 : index
        %parallel_loop3A_246 = tpu.vector_load %arg17[%parallel_loop3A_244, %parallel_loop3A_245] {strides = array<i32>} : memref<125x64xbf16, #tpu.memory_space<vmem>>, vector<32xbf16>,
        %parallel_loop3A_247 = arith.mulf %parallel_loop3A_246, %parallel_loop3A_243 : vector<32xbf16>
        %parallel_loop3A_248 = arith.index_cast %parallel_loop3A_239 : i32 to index
        %parallel_loop3A_249 = arith.constant 0 : index
        %parallel_loop3A_250 = tpu.vector_load %arg17[%parallel_loop3A_248, %parallel_loop3A_249] {strides = array<i32>} : memref<125x64xbf16, #tpu.memory_space<vmem>>, vector<32xbf16>,
        tpu.vector_store %arg17[%parallel_loop3A_248, %parallel_loop3A_249], %parallel_loop3A_247 {strides = array<i32>} : memref<125x64xbf16, #tpu.memory_space<vmem>>, vector<32xbf16>,
        %parallel_loop3A_251 = arith.index_cast %parallel_loop3A_239 : i32 to index
        %parallel_loop3A_252 = arith.constant 32 : index
        %parallel_loop3A_253 = tpu.vector_load %arg17[%parallel_loop3A_251, %parallel_loop3A_252] {strides = array<i32>} : memref<125x64xbf16, #tpu.memory_space<vmem>>, vector<32xbf16>,
        %parallel_loop3A_254 = arith.mulf %parallel_loop3A_253, %parallel_loop3A_243 : vector<32xbf16>
        %parallel_loop3A_255 = arith.index_cast %parallel_loop3A_239 : i32 to index
        %parallel_loop3A_256 = arith.constant 32 : index
        %parallel_loop3A_257 = tpu.vector_load %arg17[%parallel_loop3A_255, %parallel_loop3A_256] {strides = array<i32>} : memref<125x64xbf16, #tpu.memory_space<vmem>>, vector<32xbf16>,
        tpu.vector_store %arg17[%parallel_loop3A_255, %parallel_loop3A_256], %parallel_loop3A_254 {strides = array<i32>} : memref<125x64xbf16, #tpu.memory_space<vmem>>, vector<32xbf16>,
      } {sc.loop_unroll_factor = 5 : i64, sc.parallel_access}
      %dma_start3A_158 = arith.constant 0 : i32
      %dma_start3A_159 = arith.constant 0 : i32
      %dma_start3A_160 = tpu.memref_slice %arg20[%dma_start3A_158, %dma_start3A_159] : memref<10000x64xbf16, #tpu.memory_space<vmem_shared>> -> memref<10000x64xbf16, #tpu.memory_space<vmem_shared>>
      tpu.enqueue_indirect_dma source(%arg17 : memref<125x64xbf16, #tpu.memory_space<vmem>>) target(%dma_start3A_160 : memref<10000x64xbf16, #tpu.memory_space<vmem_shared>>) offsets(%arg9 : memref<125xi32, #tpu.memory_space<vmem>>) semaphore(%arg26 : memref<!tpu.dma_semaphore, #tpu.memory_space<semaphore_mem>>) {add = true}
      %add3A_161 = arith.constant 2 : i32
      %add3A_162 = arith.addi %add3A_136, %add3A_161 : i32
      %lt3A_163 = arith.constant 160 : i32
      %lt3A_164 = arith.cmpi slt, %add3A_162, %lt3A_163 : i32
      %convert_element_type3A_165 = arith.extui %lt3A_164 : i1 to i32
      %cond3A_166 = arith.constant 0 : i32
      %cond3A_167 = arith.cmpi ne, %convert_element_type3A_165, %cond3A_166 : i32
      scf.if %cond3A_167 {
        %add3A_239 = arith.constant 2 : i32
        %add3A_240 = arith.addi %add3A_136, %add3A_239 : i32
        %mul3A_241 = arith.constant 160 : i32
        %mul3A_242 = arith.muli %arg1, %mul3A_241 : i32
        %add3A_243 = arith.addi %mul3A_242, %add3A_240 : i32
        %mul3A_244 = arith.constant 160 : i32
        %mul3A_245 = arith.muli %arg1, %mul3A_244 : i32
        %add3A_246 = arith.addi %mul3A_245, %add3A_240 : i32
        %dma_start3A_247 = arith.constant 0 : i32
        %dma_start3A_248 = tpu.memref_slice %arg4[%add3A_243, %dma_start3A_247] : memref<2560x125xi32, #tpu.memory_space<hbm>> -> memref<1x125xi32, #tpu.memory_space<hbm>>
        %dma_start3A_249 = tpu.memref_squeeze %dma_start3A_248 : memref<1x125xi32, #tpu.memory_space<hbm>> -> memref<125xi32, #tpu.memory_space<hbm>>
        %dma_start3A_250 = arith.constant 0 : i32
        %dma_start3A_251 = tpu.memref_slice %arg4[%add3A_243, %dma_start3A_250] : memref<2560x125xi32, #tpu.memory_space<hbm>> -> memref<1x125xi32, #tpu.memory_space<hbm>>
        %dma_start3A_252 = tpu.memref_squeeze %dma_start3A_251 : memref<1x125xi32, #tpu.memory_space<hbm>> -> memref<125xi32, #tpu.memory_space<hbm>>
        tpu.enqueue_dma source(%dma_start3A_252 : memref<125xi32, #tpu.memory_space<hbm>>) target(%arg11 : memref<125xi32, #tpu.memory_space<vmem>>) target_semaphore(%arg32 : memref<!tpu.dma_semaphore, #tpu.memory_space<semaphore_mem>>)
        %dma_start3A_253 = arith.constant 0 : i32
        %dma_start3A_254 = tpu.memref_slice %arg5[%add3A_246, %dma_start3A_253] : memref<2560x125xf32, #tpu.memory_space<hbm>> -> memref<1x125xf32, #tpu.memory_space<hbm>>
        %dma_start3A_255 = tpu.memref_squeeze %dma_start3A_254 : memref<1x125xf32, #tpu.memory_space<hbm>> -> memref<125xf32, #tpu.memory_space<hbm>>
        %dma_start3A_256 = arith.constant 0 : i32
        %dma_start3A_257 = tpu.memref_slice %arg5[%add3A_246, %dma_start3A_256] : memref<2560x125xf32, #tpu.memory_space<hbm>> -> memref<1x125xf32, #tpu.memory_space<hbm>>
        %dma_start3A_258 = tpu.memref_squeeze %dma_start3A_257 : memref<1x125xf32, #tpu.memory_space<hbm>> -> memref<125xf32, #tpu.memory_space<hbm>>
        tpu.enqueue_dma source(%dma_start3A_258 : memref<125xf32, #tpu.memory_space<hbm>>) target(%arg15 : memref<125xf32, #tpu.memory_space<vmem>>) target_semaphore(%arg36 : memref<!tpu.dma_semaphore, #tpu.memory_space<semaphore_mem>>)
      } else {
      }
      %mul3A_168 = arith.constant 4 : i32
      %mul3A_169 = arith.muli %scan3A_101, %mul3A_168 : i32
      %add3A_170 = arith.constant 2 : i32
      %add3A_171 = arith.addi %mul3A_169, %add3A_170 : i32
      %dma_wait3A_172 = arith.constant 0 : i32
      %dma_wait3A_173 = tpu.memref_slice %arg7[%add3A_171, %dma_wait3A_172] : memref<160x125xi32, #tpu.memory_space<vmem>> -> memref<1x125xi32, #tpu.memory_space<vmem>>
      %dma_wait3A_174 = tpu.memref_squeeze %dma_wait3A_173 : memref<1x125xi32, #tpu.memory_space<vmem>> -> memref<125xi32, #tpu.memory_space<vmem>>
      %dma_wait3A_175 = arith.constant 0 : i32
      %dma_wait3A_176 = arith.constant 0 : i32
      %dma_wait3A_177 = tpu.memref_slice %arg2[%dma_wait3A_175, %dma_wait3A_176] : memref<20000x64xbf16, #tpu.memory_space<hbm>> -> memref<20000x64xbf16, #tpu.memory_space<hbm>>
      tpu.wait_indirect_dma semaphore(%arg23 : memref<!tpu.dma_semaphore, #tpu.memory_space<semaphore_mem>>) src(%dma_wait3A_177 : memref<20000x64xbf16, #tpu.memory_space<hbm>>) dst(%arg18 : memref<125x64xbf16, #tpu.memory_space<vmem>>)
      %ge3A_178 = arith.constant 1 : i32
      %ge3A_179 = arith.cmpi sge, %add3A_171, %ge3A_178 : i32
      %convert_element_type3A_180 = arith.extui %ge3A_179 : i1 to i32
      %cond3A_181 = arith.constant 0 : i32
      %cond3A_182 = arith.cmpi ne, %convert_element_type3A_180, %cond3A_181 : i32
      scf.if %cond3A_182 {
        %dma_wait3A_239 = arith.constant 0 : i32
        %dma_wait3A_240 = arith.constant 0 : i32
        %dma_wait3A_241 = tpu.memref_slice %arg20[%dma_wait3A_239, %dma_wait3A_240] : memref<10000x64xbf16, #tpu.memory_space<vmem_shared>> -> memref<10000x64xbf16, #tpu.memory_space<vmem_shared>>
        tpu.wait_indirect_dma semaphore(%arg26 : memref<!tpu.dma_semaphore, #tpu.memory_space<semaphore_mem>>) src(%arg17 : memref<125x64xbf16, #tpu.memory_space<vmem>>) dst(%dma_wait3A_241 : memref<10000x64xbf16, #tpu.memory_space<vmem_shared>>)
      } else {
      }
      %add3A_183 = arith.constant 1 : i32
      %add3A_184 = arith.addi %add3A_171, %add3A_183 : i32
      %lt3A_185 = arith.constant 160 : i32
      %lt3A_186 = arith.cmpi slt, %add3A_184, %lt3A_185 : i32
      %convert_element_type3A_187 = arith.extui %lt3A_186 : i1 to i32
      %cond3A_188 = arith.constant 0 : i32
      %cond3A_189 = arith.cmpi ne, %convert_element_type3A_187, %cond3A_188 : i32
      scf.if %cond3A_189 {
        %add3A_239 = arith.constant 1 : i32
        %add3A_240 = arith.addi %add3A_171, %add3A_239 : i32
        %mul3A_241 = arith.constant 160 : i32
        %mul3A_242 = arith.muli %arg1, %mul3A_241 : i32
        %add3A_243 = arith.addi %mul3A_242, %add3A_240 : i32
        %mul3A_244 = arith.constant 160 : i32
        %mul3A_245 = arith.muli %arg1, %mul3A_244 : i32
        %add3A_246 = arith.addi %mul3A_245, %add3A_240 : i32
        %dma_wait3A_247 = arith.constant 0 : i32
        %dma_wait3A_248 = tpu.memref_slice %arg4[%add3A_243, %dma_wait3A_247] : memref<2560x125xi32, #tpu.memory_space<hbm>> -> memref<1x125xi32, #tpu.memory_space<hbm>>
        %dma_wait3A_249 = tpu.memref_squeeze %dma_wait3A_248 : memref<1x125xi32, #tpu.memory_space<hbm>> -> memref<125xi32, #tpu.memory_space<hbm>>
        %dma_wait3A_250 = arith.constant 0 : i32
        %dma_wait3A_251 = tpu.memref_slice %arg4[%add3A_243, %dma_wait3A_250] : memref<2560x125xi32, #tpu.memory_space<hbm>> -> memref<1x125xi32, #tpu.memory_space<hbm>>
        %dma_wait3A_252 = tpu.memref_squeeze %dma_wait3A_251 : memref<1x125xi32, #tpu.memory_space<hbm>> -> memref<125xi32, #tpu.memory_space<hbm>>
        tpu.wait_dma2 semaphore(%arg32 : memref<!tpu.dma_semaphore, #tpu.memory_space<semaphore_mem>>) src(%dma_wait3A_252 : memref<125xi32, #tpu.memory_space<hbm>>) dst(%arg11 : memref<125xi32, #tpu.memory_space<vmem>>)
        %dma_wait3A_253 = arith.constant 0 : i32
        %dma_wait3A_254 = tpu.memref_slice %arg5[%add3A_246, %dma_wait3A_253] : memref<2560x125xf32, #tpu.memory_space<hbm>> -> memref<1x125xf32, #tpu.memory_space<hbm>>
        %dma_wait3A_255 = tpu.memref_squeeze %dma_wait3A_254 : memref<1x125xf32, #tpu.memory_space<hbm>> -> memref<125xf32, #tpu.memory_space<hbm>>
        %dma_wait3A_256 = arith.constant 0 : i32
        %dma_wait3A_257 = tpu.memref_slice %arg5[%add3A_246, %dma_wait3A_256] : memref<2560x125xf32, #tpu.memory_space<hbm>> -> memref<1x125xf32, #tpu.memory_space<hbm>>
        %dma_wait3A_258 = tpu.memref_squeeze %dma_wait3A_257 : memref<1x125xf32, #tpu.memory_space<hbm>> -> memref<125xf32, #tpu.memory_space<hbm>>
        tpu.wait_dma2 semaphore(%arg36 : memref<!tpu.dma_semaphore, #tpu.memory_space<semaphore_mem>>) src(%dma_wait3A_258 : memref<125xf32, #tpu.memory_space<hbm>>) dst(%arg15 : memref<125xf32, #tpu.memory_space<vmem>>)
        %add3A_259 = arith.constant 1 : i32
        %add3A_260 = arith.addi %add3A_171, %add3A_259 : i32
        %dma_start3A_261 = arith.constant 0 : i32
        %dma_start3A_262 = tpu.memref_slice %arg7[%add3A_260, %dma_start3A_261] : memref<160x125xi32, #tpu.memory_space<vmem>> -> memref<1x125xi32, #tpu.memory_space<vmem>>
        %dma_start3A_263 = tpu.memref_squeeze %dma_start3A_262 : memref<1x125xi32, #tpu.memory_space<vmem>> -> memref<125xi32, #tpu.memory_space<vmem>>
        %dma_start3A_264 = arith.constant 0 : i32
        %dma_start3A_265 = arith.constant 0 : i32
        %dma_start3A_266 = tpu.memref_slice %arg2[%dma_start3A_264, %dma_start3A_265] : memref<20000x64xbf16, #tpu.memory_space<hbm>> -> memref<20000x64xbf16, #tpu.memory_space<hbm>>
        tpu.enqueue_indirect_dma source(%dma_start3A_266 : memref<20000x64xbf16, #tpu.memory_space<hbm>>) target(%arg19 : memref<125x64xbf16, #tpu.memory_space<vmem>>) offsets(%dma_start3A_263 : memref<125xi32, #tpu.memory_space<vmem>>) semaphore(%arg24 : memref<!tpu.dma_semaphore, #tpu.memory_space<semaphore_mem>>)
      } else {
      }
      %parallel_loop3A_190 = arith.constant 0 : i32
      %parallel_loop3A_191 = arith.constant 125 : i32
      %parallel_loop3A_192 = arith.constant 1 : i32
      scf.for %parallel_loop3A_239 = %parallel_loop3A_190 to %parallel_loop3A_191 step %parallel_loop3A_192  : i32 {
        %parallel_loop3A_240 = vector.broadcast %parallel_loop3A_239 : i32 to vector<16xi32>
        %parallel_loop3A_241 = arith.addi %broadcast_in_dim3A_57, %parallel_loop3A_240 : vector<16xi32>
        %parallel_loop3A_242 = tpu.vector_load_idx %arg14[%parallel_loop3A_241] : memref<125xf32, #tpu.memory_space<vmem>>[vector<16xi32>], vector<16xf32>,
        %parallel_loop3A_243 = tpu.pack_subelements %parallel_loop3A_242, %parallel_loop3A_242 {pack_format = #tpu.pack_format<interleaved>, positions = array<i32: 0, 1>} : vector<16xf32>, vector<16xf32> -> vector<32xbf16>
        %parallel_loop3A_244 = arith.index_cast %parallel_loop3A_239 : i32 to index
        %parallel_loop3A_245 = arith.constant 0 : index
        %parallel_loop3A_246 = tpu.vector_load %arg18[%parallel_loop3A_244, %parallel_loop3A_245] {strides = array<i32>} : memref<125x64xbf16, #tpu.memory_space<vmem>>, vector<32xbf16>,
        %parallel_loop3A_247 = arith.mulf %parallel_loop3A_246, %parallel_loop3A_243 : vector<32xbf16>
        %parallel_loop3A_248 = arith.index_cast %parallel_loop3A_239 : i32 to index
        %parallel_loop3A_249 = arith.constant 0 : index
        %parallel_loop3A_250 = tpu.vector_load %arg18[%parallel_loop3A_248, %parallel_loop3A_249] {strides = array<i32>} : memref<125x64xbf16, #tpu.memory_space<vmem>>, vector<32xbf16>,
        tpu.vector_store %arg18[%parallel_loop3A_248, %parallel_loop3A_249], %parallel_loop3A_247 {strides = array<i32>} : memref<125x64xbf16, #tpu.memory_space<vmem>>, vector<32xbf16>,
        %parallel_loop3A_251 = arith.index_cast %parallel_loop3A_239 : i32 to index
        %parallel_loop3A_252 = arith.constant 32 : index
        %parallel_loop3A_253 = tpu.vector_load %arg18[%parallel_loop3A_251, %parallel_loop3A_252] {strides = array<i32>} : memref<125x64xbf16, #tpu.memory_space<vmem>>, vector<32xbf16>,
        %parallel_loop3A_254 = arith.mulf %parallel_loop3A_253, %parallel_loop3A_243 : vector<32xbf16>
        %parallel_loop3A_255 = arith.index_cast %parallel_loop3A_239 : i32 to index
        %parallel_loop3A_256 = arith.constant 32 : index
        %parallel_loop3A_257 = tpu.vector_load %arg18[%parallel_loop3A_255, %parallel_loop3A_256] {strides = array<i32>} : memref<125x64xbf16, #tpu.memory_space<vmem>>, vector<32xbf16>,
        tpu.vector_store %arg18[%parallel_loop3A_255, %parallel_loop3A_256], %parallel_loop3A_254 {strides = array<i32>} : memref<125x64xbf16, #tpu.memory_space<vmem>>, vector<32xbf16>,
      } {sc.loop_unroll_factor = 5 : i64, sc.parallel_access}
      %dma_start3A_193 = arith.constant 0 : i32
      %dma_start3A_194 = arith.constant 0 : i32
      %dma_start3A_195 = tpu.memref_slice %arg20[%dma_start3A_193, %dma_start3A_194] : memref<10000x64xbf16, #tpu.memory_space<vmem_shared>> -> memref<10000x64xbf16, #tpu.memory_space<vmem_shared>>
      tpu.enqueue_indirect_dma source(%arg18 : memref<125x64xbf16, #tpu.memory_space<vmem>>) target(%dma_start3A_195 : memref<10000x64xbf16, #tpu.memory_space<vmem_shared>>) offsets(%arg10 : memref<125xi32, #tpu.memory_space<vmem>>) semaphore(%arg27 : memref<!tpu.dma_semaphore, #tpu.memory_space<semaphore_mem>>) {add = true}
      %add3A_196 = arith.constant 2 : i32
      %add3A_197 = arith.addi %add3A_171, %add3A_196 : i32
      %lt3A_198 = arith.constant 160 : i32
      %lt3A_199 = arith.cmpi slt, %add3A_197, %lt3A_198 : i32
      %convert_element_type3A_200 = arith.extui %lt3A_199 : i1 to i32
      %cond3A_201 = arith.constant 0 : i32
      %cond3A_202 = arith.cmpi ne, %convert_element_type3A_200, %cond3A_201 : i32
      scf.if %cond3A_202 {
        %add3A_239 = arith.constant 2 : i32
        %add3A_240 = arith.addi %add3A_171, %add3A_239 : i32
        %mul3A_241 = arith.constant 160 : i32
        %mul3A_242 = arith.muli %arg1, %mul3A_241 : i32
        %add3A_243 = arith.addi %mul3A_242, %add3A_240 : i32
        %mul3A_244 = arith.constant 160 : i32
        %mul3A_245 = arith.muli %arg1, %mul3A_244 : i32
        %add3A_246 = arith.addi %mul3A_245, %add3A_240 : i32
        %dma_start3A_247 = arith.constant 0 : i32
        %dma_start3A_248 = tpu.memref_slice %arg4[%add3A_243, %dma_start3A_247] : memref<2560x125xi32, #tpu.memory_space<hbm>> -> memref<1x125xi32, #tpu.memory_space<hbm>>
        %dma_start3A_249 = tpu.memref_squeeze %dma_start3A_248 : memref<1x125xi32, #tpu.memory_space<hbm>> -> memref<125xi32, #tpu.memory_space<hbm>>
        %dma_start3A_250 = arith.constant 0 : i32
        %dma_start3A_251 = tpu.memref_slice %arg4[%add3A_243, %dma_start3A_250] : memref<2560x125xi32, #tpu.memory_space<hbm>> -> memref<1x125xi32, #tpu.memory_space<hbm>>
        %dma_start3A_252 = tpu.memref_squeeze %dma_start3A_251 : memref<1x125xi32, #tpu.memory_space<hbm>> -> memref<125xi32, #tpu.memory_space<hbm>>
        tpu.enqueue_dma source(%dma_start3A_252 : memref<125xi32, #tpu.memory_space<hbm>>) target(%arg8 : memref<125xi32, #tpu.memory_space<vmem>>) target_semaphore(%arg29 : memref<!tpu.dma_semaphore, #tpu.memory_space<semaphore_mem>>)
        %dma_start3A_253 = arith.constant 0 : i32
        %dma_start3A_254 = tpu.memref_slice %arg5[%add3A_246, %dma_start3A_253] : memref<2560x125xf32, #tpu.memory_space<hbm>> -> memref<1x125xf32, #tpu.memory_space<hbm>>
        %dma_start3A_255 = tpu.memref_squeeze %dma_start3A_254 : memref<1x125xf32, #tpu.memory_space<hbm>> -> memref<125xf32, #tpu.memory_space<hbm>>
        %dma_start3A_256 = arith.constant 0 : i32
        %dma_start3A_257 = tpu.memref_slice %arg5[%add3A_246, %dma_start3A_256] : memref<2560x125xf32, #tpu.memory_space<hbm>> -> memref<1x125xf32, #tpu.memory_space<hbm>>
        %dma_start3A_258 = tpu.memref_squeeze %dma_start3A_257 : memref<1x125xf32, #tpu.memory_space<hbm>> -> memref<125xf32, #tpu.memory_space<hbm>>
        tpu.enqueue_dma source(%dma_start3A_258 : memref<125xf32, #tpu.memory_space<hbm>>) target(%arg12 : memref<125xf32, #tpu.memory_space<vmem>>) target_semaphore(%arg33 : memref<!tpu.dma_semaphore, #tpu.memory_space<semaphore_mem>>)
      } else {
      }
      %mul3A_203 = arith.constant 4 : i32
      %mul3A_204 = arith.muli %scan3A_101, %mul3A_203 : i32
      %add3A_205 = arith.constant 3 : i32
      %add3A_206 = arith.addi %mul3A_204, %add3A_205 : i32
      %dma_wait3A_207 = arith.constant 0 : i32
      %dma_wait3A_208 = tpu.memref_slice %arg7[%add3A_206, %dma_wait3A_207] : memref<160x125xi32, #tpu.memory_space<vmem>> -> memref<1x125xi32, #tpu.memory_space<vmem>>
      %dma_wait3A_209 = tpu.memref_squeeze %dma_wait3A_208 : memref<1x125xi32, #tpu.memory_space<vmem>> -> memref<125xi32, #tpu.memory_space<vmem>>
      %dma_wait3A_210 = arith.constant 0 : i32
      %dma_wait3A_211 = arith.constant 0 : i32
      %dma_wait3A_212 = tpu.memref_slice %arg2[%dma_wait3A_210, %dma_wait3A_211] : memref<20000x64xbf16, #tpu.memory_space<hbm>> -> memref<20000x64xbf16, #tpu.memory_space<hbm>>
      tpu.wait_indirect_dma semaphore(%arg24 : memref<!tpu.dma_semaphore, #tpu.memory_space<semaphore_mem>>) src(%dma_wait3A_212 : memref<20000x64xbf16, #tpu.memory_space<hbm>>) dst(%arg19 : memref<125x64xbf16, #tpu.memory_space<vmem>>)
      %ge3A_213 = arith.constant 1 : i32
      %ge3A_214 = arith.cmpi sge, %add3A_206, %ge3A_213 : i32
      %convert_element_type3A_215 = arith.extui %ge3A_214 : i1 to i32
      %cond3A_216 = arith.constant 0 : i32
      %cond3A_217 = arith.cmpi ne, %convert_element_type3A_215, %cond3A_216 : i32
      scf.if %cond3A_217 {
        %dma_wait3A_239 = arith.constant 0 : i32
        %dma_wait3A_240 = arith.constant 0 : i32
        %dma_wait3A_241 = tpu.memref_slice %arg20[%dma_wait3A_239, %dma_wait3A_240] : memref<10000x64xbf16, #tpu.memory_space<vmem_shared>> -> memref<10000x64xbf16, #tpu.memory_space<vmem_shared>>
        tpu.wait_indirect_dma semaphore(%arg27 : memref<!tpu.dma_semaphore, #tpu.memory_space<semaphore_mem>>) src(%arg18 : memref<125x64xbf16, #tpu.memory_space<vmem>>) dst(%dma_wait3A_241 : memref<10000x64xbf16, #tpu.memory_space<vmem_shared>>)
      } else {
      }
      %add3A_218 = arith.constant 1 : i32
      %add3A_219 = arith.addi %add3A_206, %add3A_218 : i32
      %lt3A_220 = arith.constant 160 : i32
      %lt3A_221 = arith.cmpi slt, %add3A_219, %lt3A_220 : i32
      %convert_element_type3A_222 = arith.extui %lt3A_221 : i1 to i32
      %cond3A_223 = arith.constant 0 : i32
      %cond3A_224 = arith.cmpi ne, %convert_element_type3A_222, %cond3A_223 : i32
      scf.if %cond3A_224 {
        %add3A_239 = arith.constant 1 : i32
        %add3A_240 = arith.addi %add3A_206, %add3A_239 : i32
        %mul3A_241 = arith.constant 160 : i32
        %mul3A_242 = arith.muli %arg1, %mul3A_241 : i32
        %add3A_243 = arith.addi %mul3A_242, %add3A_240 : i32
        %mul3A_244 = arith.constant 160 : i32
        %mul3A_245 = arith.muli %arg1, %mul3A_244 : i32
        %add3A_246 = arith.addi %mul3A_245, %add3A_240 : i32
        %dma_wait3A_247 = arith.constant 0 : i32
        %dma_wait3A_248 = tpu.memref_slice %arg4[%add3A_243, %dma_wait3A_247] : memref<2560x125xi32, #tpu.memory_space<hbm>> -> memref<1x125xi32, #tpu.memory_space<hbm>>
        %dma_wait3A_249 = tpu.memref_squeeze %dma_wait3A_248 : memref<1x125xi32, #tpu.memory_space<hbm>> -> memref<125xi32, #tpu.memory_space<hbm>>
        %dma_wait3A_250 = arith.constant 0 : i32
        %dma_wait3A_251 = tpu.memref_slice %arg4[%add3A_243, %dma_wait3A_250] : memref<2560x125xi32, #tpu.memory_space<hbm>> -> memref<1x125xi32, #tpu.memory_space<hbm>>
        %dma_wait3A_252 = tpu.memref_squeeze %dma_wait3A_251 : memref<1x125xi32, #tpu.memory_space<hbm>> -> memref<125xi32, #tpu.memory_space<hbm>>
        tpu.wait_dma2 semaphore(%arg29 : memref<!tpu.dma_semaphore, #tpu.memory_space<semaphore_mem>>) src(%dma_wait3A_252 : memref<125xi32, #tpu.memory_space<hbm>>) dst(%arg8 : memref<125xi32, #tpu.memory_space<vmem>>)
        %dma_wait3A_253 = arith.constant 0 : i32
        %dma_wait3A_254 = tpu.memref_slice %arg5[%add3A_246, %dma_wait3A_253] : memref<2560x125xf32, #tpu.memory_space<hbm>> -> memref<1x125xf32, #tpu.memory_space<hbm>>
        %dma_wait3A_255 = tpu.memref_squeeze %dma_wait3A_254 : memref<1x125xf32, #tpu.memory_space<hbm>> -> memref<125xf32, #tpu.memory_space<hbm>>
        %dma_wait3A_256 = arith.constant 0 : i32
        %dma_wait3A_257 = tpu.memref_slice %arg5[%add3A_246, %dma_wait3A_256] : memref<2560x125xf32, #tpu.memory_space<hbm>> -> memref<1x125xf32, #tpu.memory_space<hbm>>
        %dma_wait3A_258 = tpu.memref_squeeze %dma_wait3A_257 : memref<1x125xf32, #tpu.memory_space<hbm>> -> memref<125xf32, #tpu.memory_space<hbm>>
        tpu.wait_dma2 semaphore(%arg33 : memref<!tpu.dma_semaphore, #tpu.memory_space<semaphore_mem>>) src(%dma_wait3A_258 : memref<125xf32, #tpu.memory_space<hbm>>) dst(%arg12 : memref<125xf32, #tpu.memory_space<vmem>>)
        %add3A_259 = arith.constant 1 : i32
        %add3A_260 = arith.addi %add3A_206, %add3A_259 : i32
        %dma_start3A_261 = arith.constant 0 : i32
        %dma_start3A_262 = tpu.memref_slice %arg7[%add3A_260, %dma_start3A_261] : memref<160x125xi32, #tpu.memory_space<vmem>> -> memref<1x125xi32, #tpu.memory_space<vmem>>
        %dma_start3A_263 = tpu.memref_squeeze %dma_start3A_262 : memref<1x125xi32, #tpu.memory_space<vmem>> -> memref<125xi32, #tpu.memory_space<vmem>>
        %dma_start3A_264 = arith.constant 0 : i32
        %dma_start3A_265 = arith.constant 0 : i32
        %dma_start3A_266 = tpu.memref_slice %arg2[%dma_start3A_264, %dma_start3A_265] : memref<20000x64xbf16, #tpu.memory_space<hbm>> -> memref<20000x64xbf16, #tpu.memory_space<hbm>>
        tpu.enqueue_indirect_dma source(%dma_start3A_266 : memref<20000x64xbf16, #tpu.memory_space<hbm>>) target(%arg16 : memref<125x64xbf16, #tpu.memory_space<vmem>>) offsets(%dma_start3A_263 : memref<125xi32, #tpu.memory_space<vmem>>) semaphore(%arg21 : memref<!tpu.dma_semaphore, #tpu.memory_space<semaphore_mem>>)
      } else {
      }
      %parallel_loop3A_225 = arith.constant 0 : i32
      %parallel_loop3A_226 = arith.constant 125 : i32
      %parallel_loop3A_227 = arith.constant 1 : i32
      scf.for %parallel_loop3A_239 = %parallel_loop3A_225 to %parallel_loop3A_226 step %parallel_loop3A_227  : i32 {
        %parallel_loop3A_240 = vector.broadcast %parallel_loop3A_239 : i32 to vector<16xi32>
        %parallel_loop3A_241 = arith.addi %broadcast_in_dim3A_57, %parallel_loop3A_240 : vector<16xi32>
        %parallel_loop3A_242 = tpu.vector_load_idx %arg15[%parallel_loop3A_241] : memref<125xf32, #tpu.memory_space<vmem>>[vector<16xi32>], vector<16xf32>,
        %parallel_loop3A_243 = tpu.pack_subelements %parallel_loop3A_242, %parallel_loop3A_242 {pack_format = #tpu.pack_format<interleaved>, positions = array<i32: 0, 1>} : vector<16xf32>, vector<16xf32> -> vector<32xbf16>
        %parallel_loop3A_244 = arith.index_cast %parallel_loop3A_239 : i32 to index
        %parallel_loop3A_245 = arith.constant 0 : index
        %parallel_loop3A_246 = tpu.vector_load %arg19[%parallel_loop3A_244, %parallel_loop3A_245] {strides = array<i32>} : memref<125x64xbf16, #tpu.memory_space<vmem>>, vector<32xbf16>,
        %parallel_loop3A_247 = arith.mulf %parallel_loop3A_246, %parallel_loop3A_243 : vector<32xbf16>
        %parallel_loop3A_248 = arith.index_cast %parallel_loop3A_239 : i32 to index
        %parallel_loop3A_249 = arith.constant 0 : index
        %parallel_loop3A_250 = tpu.vector_load %arg19[%parallel_loop3A_248, %parallel_loop3A_249] {strides = array<i32>} : memref<125x64xbf16, #tpu.memory_space<vmem>>, vector<32xbf16>,
        tpu.vector_store %arg19[%parallel_loop3A_248, %parallel_loop3A_249], %parallel_loop3A_247 {strides = array<i32>} : memref<125x64xbf16, #tpu.memory_space<vmem>>, vector<32xbf16>,
        %parallel_loop3A_251 = arith.index_cast %parallel_loop3A_239 : i32 to index
        %parallel_loop3A_252 = arith.constant 32 : index
        %parallel_loop3A_253 = tpu.vector_load %arg19[%parallel_loop3A_251, %parallel_loop3A_252] {strides = array<i32>} : memref<125x64xbf16, #tpu.memory_space<vmem>>, vector<32xbf16>,
        %parallel_loop3A_254 = arith.mulf %parallel_loop3A_253, %parallel_loop3A_243 : vector<32xbf16>
        %parallel_loop3A_255 = arith.index_cast %parallel_loop3A_239 : i32 to index
        %parallel_loop3A_256 = arith.constant 32 : index
        %parallel_loop3A_257 = tpu.vector_load %arg19[%parallel_loop3A_255, %parallel_loop3A_256] {strides = array<i32>} : memref<125x64xbf16, #tpu.memory_space<vmem>>, vector<32xbf16>,
        tpu.vector_store %arg19[%parallel_loop3A_255, %parallel_loop3A_256], %parallel_loop3A_254 {strides = array<i32>} : memref<125x64xbf16, #tpu.memory_space<vmem>>, vector<32xbf16>,
      } {sc.loop_unroll_factor = 5 : i64, sc.parallel_access}
      %dma_start3A_228 = arith.constant 0 : i32
      %dma_start3A_229 = arith.constant 0 : i32
      %dma_start3A_230 = tpu.memref_slice %arg20[%dma_start3A_228, %dma_start3A_229] : memref<10000x64xbf16, #tpu.memory_space<vmem_shared>> -> memref<10000x64xbf16, #tpu.memory_space<vmem_shared>>
      tpu.enqueue_indirect_dma source(%arg19 : memref<125x64xbf16, #tpu.memory_space<vmem>>) target(%dma_start3A_230 : memref<10000x64xbf16, #tpu.memory_space<vmem_shared>>) offsets(%arg11 : memref<125xi32, #tpu.memory_space<vmem>>) semaphore(%arg28 : memref<!tpu.dma_semaphore, #tpu.memory_space<semaphore_mem>>) {add = true}
      %add3A_231 = arith.constant 2 : i32
      %add3A_232 = arith.addi %add3A_206, %add3A_231 : i32
      %lt3A_233 = arith.constant 160 : i32
      %lt3A_234 = arith.cmpi slt, %add3A_232, %lt3A_233 : i32
      %convert_element_type3A_235 = arith.extui %lt3A_234 : i1 to i32
      %cond3A_236 = arith.constant 0 : i32
      %cond3A_237 = arith.cmpi ne, %convert_element_type3A_235, %cond3A_236 : i32
      scf.if %cond3A_237 {
        %add3A_239 = arith.constant 2 : i32
        %add3A_240 = arith.addi %add3A_206, %add3A_239 : i32
        %mul3A_241 = arith.constant 160 : i32
        %mul3A_242 = arith.muli %arg1, %mul3A_241 : i32
        %add3A_243 = arith.addi %mul3A_242, %add3A_240 : i32
        %mul3A_244 = arith.constant 160 : i32
        %mul3A_245 = arith.muli %arg1, %mul3A_244 : i32
        %add3A_246 = arith.addi %mul3A_245, %add3A_240 : i32
        %dma_start3A_247 = arith.constant 0 : i32
        %dma_start3A_248 = tpu.memref_slice %arg4[%add3A_243, %dma_start3A_247] : memref<2560x125xi32, #tpu.memory_space<hbm>> -> memref<1x125xi32, #tpu.memory_space<hbm>>
        %dma_start3A_249 = tpu.memref_squeeze %dma_start3A_248 : memref<1x125xi32, #tpu.memory_space<hbm>> -> memref<125xi32, #tpu.memory_space<hbm>>
        %dma_start3A_250 = arith.constant 0 : i32
        %dma_start3A_251 = tpu.memref_slice %arg4[%add3A_243, %dma_start3A_250] : memref<2560x125xi32, #tpu.memory_space<hbm>> -> memref<1x125xi32, #tpu.memory_space<hbm>>
        %dma_start3A_252 = tpu.memref_squeeze %dma_start3A_251 : memref<1x125xi32, #tpu.memory_space<hbm>> -> memref<125xi32, #tpu.memory_space<hbm>>
        tpu.enqueue_dma source(%dma_start3A_252 : memref<125xi32, #tpu.memory_space<hbm>>) target(%arg9 : memref<125xi32, #tpu.memory_space<vmem>>) target_semaphore(%arg30 : memref<!tpu.dma_semaphore, #tpu.memory_space<semaphore_mem>>)
        %dma_start3A_253 = arith.constant 0 : i32
        %dma_start3A_254 = tpu.memref_slice %arg5[%add3A_246, %dma_start3A_253] : memref<2560x125xf32, #tpu.memory_space<hbm>> -> memref<1x125xf32, #tpu.memory_space<hbm>>
        %dma_start3A_255 = tpu.memref_squeeze %dma_start3A_254 : memref<1x125xf32, #tpu.memory_space<hbm>> -> memref<125xf32, #tpu.memory_space<hbm>>
        %dma_start3A_256 = arith.constant 0 : i32
        %dma_start3A_257 = tpu.memref_slice %arg5[%add3A_246, %dma_start3A_256] : memref<2560x125xf32, #tpu.memory_space<hbm>> -> memref<1x125xf32, #tpu.memory_space<hbm>>
        %dma_start3A_258 = tpu.memref_squeeze %dma_start3A_257 : memref<1x125xf32, #tpu.memory_space<hbm>> -> memref<125xf32, #tpu.memory_space<hbm>>
        tpu.enqueue_dma source(%dma_start3A_258 : memref<125xf32, #tpu.memory_space<hbm>>) target(%arg13 : memref<125xf32, #tpu.memory_space<vmem>>) target_semaphore(%arg34 : memref<!tpu.dma_semaphore, #tpu.memory_space<semaphore_mem>>)
      } else {
      }
      %scan3A_238 = arith.constant 0 : i32
      scf.yield %scan3A_238 : i32
    }
    %scan3A_90 = arith.constant 40 : i32
    %dma_wait3A = arith.constant 0 : i32
    %dma_wait3A_91 = arith.constant 0 : i32
    %dma_wait3A_92 = tpu.memref_slice %arg20[%dma_wait3A, %dma_wait3A_91] : memref<10000x64xbf16, #tpu.memory_space<vmem_shared>> -> memref<10000x64xbf16, #tpu.memory_space<vmem_shared>>
    tpu.wait_indirect_dma semaphore(%arg28 : memref<!tpu.dma_semaphore, #tpu.memory_space<semaphore_mem>>) src(%arg19 : memref<125x64xbf16, #tpu.memory_space<vmem>>) dst(%dma_wait3A_92 : memref<10000x64xbf16, #tpu.memory_space<vmem_shared>>)
    %barrier3A_93 = arith.constant 0 : index
    tpu.barrier barrier_id(%barrier3A_93)
    %mul3A_94 = arith.constant 640 : i32
    %mul3A_95 = arith.muli %arg1, %mul3A_94 : i32
    %min3A_96 = arith.constant 9360 : i32
    %min3A_97 = arith.minsi %mul3A_95, %min3A_96 : i32
    %mul3A_98 = arith.constant 10000 : i32
    %mul3A_99 = arith.muli %arg0, %mul3A_98 : i32
    %add3A_100 = arith.addi %mul3A_99, %min3A_97 : i32
    "tpu.region"() ({
      %run_scoped3A = tpu.sem_alloc : memref<!tpu.dma_semaphore, #tpu.memory_space<semaphore_mem>>
      %dma_start3A_101 = arith.constant 0 : i32
      %dma_start3A_102 = tpu.memref_slice %arg6[%add3A_100, %dma_start3A_101] : memref<20000x64xbf16, #tpu.memory_space<hbm>> -> memref<640x64xbf16, #tpu.memory_space<hbm>>
      %dma_start3A_103 = arith.constant 0 : i32
      %dma_start3A_104 = tpu.memref_slice %arg20[%min3A_97, %dma_start3A_103] : memref<10000x64xbf16, #tpu.memory_space<vmem_shared>> -> memref<640x64xbf16, #tpu.memory_space<vmem_shared>>
      tpu.enqueue_dma source(%dma_start3A_104 : memref<640x64xbf16, #tpu.memory_space<vmem_shared>>) target(%dma_start3A_102 : memref<640x64xbf16, #tpu.memory_space<hbm>>) target_semaphore(%run_scoped3A : memref<!tpu.dma_semaphore, #tpu.memory_space<semaphore_mem>>)
      %dma_wait3A_105 = arith.constant 0 : i32
      %dma_wait3A_106 = tpu.memref_slice %arg6[%add3A_100, %dma_wait3A_105] : memref<20000x64xbf16, #tpu.memory_space<hbm>> -> memref<640x64xbf16, #tpu.memory_space<hbm>>
      %dma_wait3A_107 = arith.constant 0 : i32
      %dma_wait3A_108 = tpu.memref_slice %arg20[%min3A_97, %dma_wait3A_107] : memref<10000x64xbf16, #tpu.memory_space<vmem_shared>> -> memref<640x64xbf16, #tpu.memory_space<vmem_shared>>
      tpu.wait_dma2 semaphore(%run_scoped3A : memref<!tpu.dma_semaphore, #tpu.memory_space<semaphore_mem>>) src(%dma_wait3A_108 : memref<640x64xbf16, #tpu.memory_space<vmem_shared>>) dst(%dma_wait3A_106 : memref<640x64xbf16, #tpu.memory_space<hbm>>)
      tpu.yield
    }) : () -> ()
    return
  }
}

module attributes {stable_mosaic.version = 14 : i64} {
  func.func @_mmf_body(%arg0: i32, %arg1: memref<1000x64xbf16, #tpu.memory_space<vmem>>, %arg2: memref<1000x64xbf16, #tpu.memory_space<vmem>>, %arg3: memref<2x64x128xf32, #tpu.memory_space<vmem>>, %arg4: memref<1x128xf32, #tpu.memory_space<vmem>>, %arg5: memref<128x48xf32, #tpu.memory_space<vmem>>, %arg6: memref<1000x48xf32, #tpu.memory_space<vmem>>) attributes {dimension_semantics = [#tpu.dimension_semantics<arbitrary>], iteration_bounds = array<i64: 10>, scalar_prefetch = 0 : i64, scratch_operands = 0 : i64, tpu.core_type = #tpu.core_type<tc>, window_params = [{transform_indices = @transform_0, window_bounds = array<i64: 1000, 64>}, {transform_indices = @transform_1, window_bounds = array<i64: 1000, 64>}, {pipeline_mode = #tpu.pipeline_mode<synchronous>, transform_indices = @transform_2, window_bounds = array<i64: 2, 64, 128>}, {pipeline_mode = #tpu.pipeline_mode<synchronous>, transform_indices = @transform_3, window_bounds = array<i64: 1, 128>}, {pipeline_mode = #tpu.pipeline_mode<synchronous>, transform_indices = @transform_4, window_bounds = array<i64: 128, 48>}, {transform_indices = @transform_5, window_bounds = array<i64: 1000, 48>}]} {
    %get3A = arith.constant 0 : index
    %get3A_0 = arith.constant 0 : index
    %get3A_1 = vector.load %arg1[%get3A, %get3A_0] : memref<1000x64xbf16, #tpu.memory_space<vmem>>, vector<1000x64xbf16>
    %convert_element_type3A = arith.extf %get3A_1 : vector<1000x64xbf16> to vector<1000x64xf32>
    %get3A_2 = arith.constant 0 : index
    %get3A_3 = arith.constant 0 : index
    %get3A_4 = vector.load %arg2[%get3A_2, %get3A_3] : memref<1000x64xbf16, #tpu.memory_space<vmem>>, vector<1000x64xbf16>
    %convert_element_type3A_5 = arith.extf %get3A_4 : vector<1000x64xbf16> to vector<1000x64xf32>
    %get3A_6 = arith.constant 0 : index
    %get3A_7 = arith.constant 0 : index
    %get3A_8 = arith.constant 0 : index
    %get3A_9 = vector.load %arg3[%get3A_6, %get3A_7, %get3A_8] : memref<2x64x128xf32, #tpu.memory_space<vmem>>, vector<1x64x128xf32>
    %get3A_10 = vector.shape_cast %get3A_9 : vector<1x64x128xf32> to vector<64x128xf32>
    %dot_general3A = arith.constant dense<0.000000e+00> : vector<1000x128xf32>
    %dot_general3A_11 = tpu.matmul %convert_element_type3A, %get3A_10, %dot_general3A {dimension_numbers = #tpu.dot_dimension_numbers<[1], [0], [0], [1], [0, 0, 1, 1], [], []>, transpose_lhs_hint = false} : vector<1000x64xf32>, vector<64x128xf32>, vector<1000x128xf32> -> vector<1000x128xf32>
    %get3A_12 = arith.constant 1 : index
    %get3A_13 = arith.constant 0 : index
    %get3A_14 = arith.constant 0 : index
    %get3A_15 = vector.load %arg3[%get3A_12, %get3A_13, %get3A_14] : memref<2x64x128xf32, #tpu.memory_space<vmem>>, vector<1x64x128xf32>
    %get3A_16 = vector.shape_cast %get3A_15 : vector<1x64x128xf32> to vector<64x128xf32>
    %dot_general3A_17 = arith.constant dense<0.000000e+00> : vector<1000x128xf32>
    %dot_general3A_18 = tpu.matmul %convert_element_type3A_5, %get3A_16, %dot_general3A_17 {dimension_numbers = #tpu.dot_dimension_numbers<[1], [0], [0], [1], [0, 0, 1, 1], [], []>, transpose_lhs_hint = false} : vector<1000x64xf32>, vector<64x128xf32>, vector<1000x128xf32> -> vector<1000x128xf32>
    %add3A = arith.addf %dot_general3A_11, %dot_general3A_18 : vector<1000x128xf32>
    %get3A_19 = arith.constant 0 : index
    %get3A_20 = arith.constant 0 : index
    %get3A_21 = vector.load %arg4[%get3A_19, %get3A_20] : memref<1x128xf32, #tpu.memory_space<vmem>>, vector<1x128xf32>
    %add3A_22 = vector.broadcast %get3A_21 : vector<1x128xf32> to vector<1000x128xf32>
    %add3A_23 = arith.addf %add3A, %add3A_22 : vector<1000x128xf32>
    %max3A = arith.constant 0.000000e+00 : f32
    %max3A_24 = vector.broadcast %max3A : f32 to vector<1000x128xf32>
    %max3A_25 = arith.maximumf %add3A_23, %max3A_24 : vector<1000x128xf32>
    %get3A_26 = arith.constant 0 : index
    %get3A_27 = arith.constant 0 : index
    %get3A_28 = vector.load %arg5[%get3A_26, %get3A_27] : memref<128x48xf32, #tpu.memory_space<vmem>>, vector<128x48xf32>
    %dot_general3A_29 = arith.constant dense<0.000000e+00> : vector<1000x48xf32>
    %dot_general3A_30 = tpu.matmul %max3A_25, %get3A_28, %dot_general3A_29 {dimension_numbers = #tpu.dot_dimension_numbers<[1], [0], [0], [1], [0, 0, 1, 1], [], []>, transpose_lhs_hint = false} : vector<1000x128xf32>, vector<128x48xf32>, vector<1000x48xf32> -> vector<1000x48xf32>
    %swap3A = arith.constant 0 : index
    %swap3A_31 = arith.constant 0 : index
    %swap3A_32 = vector.load %arg6[%swap3A, %swap3A_31] : memref<1000x48xf32, #tpu.memory_space<vmem>>, vector<1000x48xf32>
    tpu.vector_store %arg6[%swap3A, %swap3A_31], %dot_general3A_30 {strides = array<i32>} : memref<1000x48xf32, #tpu.memory_space<vmem>>, vector<1000x48xf32>,
    return
  }
  func.func @transform_0(%arg0: i32) -> (i32, i32) {
    %c0_i32 = arith.constant 0 : i32
    %c0_i32_0 = arith.constant 0 : i32
    return %arg0, %c0_i32 : i32, i32
  }
  func.func @transform_1(%arg0: i32) -> (i32, i32) {
    %add3A = arith.constant 10 : i32
    %add3A_0 = arith.addi %arg0, %add3A : i32
    %c0_i32 = arith.constant 0 : i32
    %c0_i32_1 = arith.constant 0 : i32
    return %add3A_0, %c0_i32 : i32, i32
  }
  func.func @transform_2(%arg0: i32) -> (i32, i32, i32) {
    %c0_i32 = arith.constant 0 : i32
    %c0_i32_0 = arith.constant 0 : i32
    %c0_i32_1 = arith.constant 0 : i32
    %c0_i32_2 = arith.constant 0 : i32
    return %c0_i32, %c0_i32_0, %c0_i32_1 : i32, i32, i32
  }
  func.func @transform_3(%arg0: i32) -> (i32, i32) {
    %c0_i32 = arith.constant 0 : i32
    %c0_i32_0 = arith.constant 0 : i32
    %c0_i32_1 = arith.constant 0 : i32
    return %c0_i32, %c0_i32_0 : i32, i32
  }
  func.func @transform_4(%arg0: i32) -> (i32, i32) {
    %c0_i32 = arith.constant 0 : i32
    %c0_i32_0 = arith.constant 0 : i32
    %c0_i32_1 = arith.constant 0 : i32
    return %c0_i32, %c0_i32_0 : i32, i32
  }
  func.func @transform_5(%arg0: i32) -> (i32, i32) {
    %c0_i32 = arith.constant 0 : i32
    %c0_i32_0 = arith.constant 0 : i32
    return %arg0, %c0_i32 : i32, i32
  }
}

module attributes {stable_mosaic.version = 14 : i64} {
  func.func @_fin_body(%arg0: i32, %arg1: memref<1000x48xf32, #tpu.memory_space<vmem>>, %arg2: memref<1000x48xf32, #tpu.memory_space<vmem>>, %arg3: memref<1x48xf32, #tpu.memory_space<vmem>>, %arg4: memref<1000x40xf32, #tpu.memory_space<vmem>>) attributes {dimension_semantics = [#tpu.dimension_semantics<arbitrary>], iteration_bounds = array<i64: 10>, scalar_prefetch = 0 : i64, scratch_operands = 0 : i64, tpu.core_type = #tpu.core_type<tc>, window_params = [{transform_indices = @transform_0, window_bounds = array<i64: 1000, 48>}, {transform_indices = @transform_1, window_bounds = array<i64: 1000, 48>}, {pipeline_mode = #tpu.pipeline_mode<synchronous>, transform_indices = @transform_2, window_bounds = array<i64: 1, 48>}, {transform_indices = @transform_3, window_bounds = array<i64: 1000, 40>}]} {
    %get3A = arith.constant 0 : index
    %get3A_0 = arith.constant 0 : index
    %get3A_1 = vector.load %arg1[%get3A, %get3A_0] : memref<1000x48xf32, #tpu.memory_space<vmem>>, vector<1000x48xf32>
    %get3A_2 = arith.constant 0 : index
    %get3A_3 = arith.constant 0 : index
    %get3A_4 = vector.load %arg2[%get3A_2, %get3A_3] : memref<1000x48xf32, #tpu.memory_space<vmem>>, vector<1000x48xf32>
    %add3A = arith.addf %get3A_1, %get3A_4 : vector<1000x48xf32>
    %get3A_5 = arith.constant 0 : index
    %get3A_6 = arith.constant 0 : index
    %get3A_7 = vector.load %arg3[%get3A_5, %get3A_6] : memref<1x48xf32, #tpu.memory_space<vmem>>, vector<1x48xf32>
    %add3A_8 = vector.broadcast %get3A_7 : vector<1x48xf32> to vector<1000x48xf32>
    %add3A_9 = arith.addf %add3A, %add3A_8 : vector<1000x48xf32>
    %iota3A = tpu.iota {dimensions = array<i32: 1>} : vector<1000x48xi32>
    %lt3A = arith.constant 40 : i32
    %lt3A_10 = vector.broadcast %lt3A : i32 to vector<1000x48xi32>
    %lt3A_11 = arith.cmpi slt, %iota3A, %lt3A_10 : vector<1000x48xi32>
    %jit3A = arith.constant 0xFF800000 : f32
    %broadcast_in_dim3A = vector.broadcast %jit3A : f32 to vector<1000x48xf32>
    %select_n3A = arith.select %lt3A_11, %add3A_9, %broadcast_in_dim3A : vector<1000x48xi1>, vector<1000x48xf32>
    %reduce_max3A = arith.constant dense<0xFF800000> : vector<1000xf32>
    %reduce_max3A_12 = vector.multi_reduction <maximumf>, %select_n3A, %reduce_max3A [1] : vector<1000x48xf32> to vector<1000xf32>
    %broadcast_in_dim3A_13 = vector.shape_cast %reduce_max3A_12 : vector<1000xf32> to vector<1000x1xf32>
    %sub3A = vector.broadcast %broadcast_in_dim3A_13 : vector<1000x1xf32> to vector<1000x48xf32>
    %sub3A_14 = arith.subf %select_n3A, %sub3A : vector<1000x48xf32>
    %exp3A = math.exp %sub3A_14 : vector<1000x48xf32>
    %reduce_sum3A = arith.constant dense<0.000000e+00> : vector<1000xf32>
    %reduce_sum3A_15 = vector.multi_reduction <add>, %exp3A, %reduce_sum3A [1] : vector<1000x48xf32> to vector<1000xf32>
    %broadcast_in_dim3A_16 = vector.shape_cast %reduce_sum3A_15 : vector<1000xf32> to vector<1000x1xf32>
    %log3A = math.log %broadcast_in_dim3A_16 : vector<1000x1xf32>
    %sub3A_17 = vector.broadcast %broadcast_in_dim3A_13 : vector<1000x1xf32> to vector<1000x48xf32>
    %sub3A_18 = arith.subf %add3A_9, %sub3A_17 : vector<1000x48xf32>
    %sub3A_19 = vector.broadcast %log3A : vector<1000x1xf32> to vector<1000x48xf32>
    %sub3A_20 = arith.subf %sub3A_18, %sub3A_19 : vector<1000x48xf32>
    %slice3A = vector.extract_strided_slice %sub3A_20 {offsets = [0, 0], sizes = [1000, 40], strides = [1, 1]} : vector<1000x48xf32> to vector<1000x40xf32>
    %swap3A = arith.constant 0 : index
    %swap3A_21 = arith.constant 0 : index
    %swap3A_22 = vector.load %arg4[%swap3A, %swap3A_21] : memref<1000x40xf32, #tpu.memory_space<vmem>>, vector<1000x40xf32>
    tpu.vector_store %arg4[%swap3A, %swap3A_21], %slice3A {strides = array<i32>} : memref<1000x40xf32, #tpu.memory_space<vmem>>, vector<1000x40xf32>,
    return
  }
  func.func @transform_0(%arg0: i32) -> (i32, i32) {
    %c0_i32 = arith.constant 0 : i32
    %c0_i32_0 = arith.constant 0 : i32
    return %arg0, %c0_i32 : i32, i32
  }
  func.func @transform_1(%arg0: i32) -> (i32, i32) {
    %add3A = arith.constant 10 : i32
    %add3A_0 = arith.addi %arg0, %add3A : i32
    %c0_i32 = arith.constant 0 : i32
    %c0_i32_1 = arith.constant 0 : i32
    return %add3A_0, %c0_i32 : i32, i32
  }
  func.func @transform_2(%arg0: i32) -> (i32, i32) {
    %c0_i32 = arith.constant 0 : i32
    %c0_i32_0 = arith.constant 0 : i32
    %c0_i32_1 = arith.constant 0 : i32
    return %c0_i32, %c0_i32_0 : i32, i32
  }
  func.func @transform_3(%arg0: i32) -> (i32, i32) {
    %c0_i32 = arith.constant 0 : i32
    %c0_i32_0 = arith.constant 0 : i32
    return %arg0, %c0_i32 : i32, i32
  }
}

</mosaic_0001>

<sc_bundles>
// kernel: kernel.6.cloned.1.call-start
scs
__scs_entry_jumppad:
0x0: {  	(pc) =	sbr.rel $0x88, $3  }
0x1: {  	(tag) =	ssettag $0x0;
	lr =	simm.s32 $0x1  }
0x2: {  	[smem:$0x3F99] =	sst lr;
	_ =	strace $0xD0000000  }
0x3: {  	_ = 	snop  }
0x4: {  	_ = 	snop  }
0x5: {  	_ = 	snop  }
0x6: {  	_ = 	snop  }
0x7: {  	_ = 	snop  }
__scs_overlays_trampoline_lowered:
0x8: {  	[smem:$0x3FA8] =	sst s0  }
0x9: {  	[smem:$0x3FA9] =	sst s1  }
0xa: {  	[smem:$0x3FAA] =	sst s2  }
0xb: {  	[smem:$0x3FAB] =	sst s3  }
0xc: {  	[smem:$0x3FAC] =	sst s4  }
0xd: {  	[smem:$0x3FAD] =	sst s5  }
0xe: {  	[smem:$0x3FAE] =	sst s6  }
0xf: {  	[smem:$0x3FAF] =	sst s7  }
0x10: {  	[smem:$0x3FB0] =	sst s8  }
0x11: {  	[smem:$0x3FB1] =	sst s9;
	s0 =	simm.s32 @!p0 $0x0  }
0x12: {  	s1 =	sld [smem:$0x3F97];
	s0 =	simm.s32 @p0 $0x1  }
0x13: {  	[smem:$0x3FB2] =	sst s0;
	s0 =	simm.s32 @!p1 $0x0  }
0x14: {  	s2 =	sld [smem:$0x3F96];
	s0 =	simm.s32 @p1 $0x1  }
0x15: {  	[smem:$0x3FB3] =	sst s0;
	s0 =	simm.s32 @!p2 $0x0  }
0x16: {  	s3 =	sld [smem:$0x3FDB];
	s0 =	simm.s32 @p2 $0x1  }
0x17: {  	s4 =	simm.s32 $0x1BF5;
	[smem:$0x3FB5] =	sst s0  }
0x18: {  	s0 =	sld [smem:$0x3F98];
	_ =	swait.ge [sflag:s4], $0x0  }
0x19: {  	s7 =	sld [smem:$0x3F99]  }
0x1a: {  	s8 =	sadd.s32 $0xFFFFE003, lr  }
0x1b: {  	s9 =	sadd.s32 $0xFFFFFEF7, lr;
	s5 =	simm.s32 $0xFFFFFFFF;
	p2 =	slt.u32 s8, $0xFFFFF086  }
0x1c: {  	p1 =	slt.u32 s9, $0xF7A;
	s5 =	simm.s32 @!p2 $0x0  }
0x1d: {  	s5 =	simm.s32 @p1 $0x1;
	p0 =	seq.s32 s7, s2  }
0x1e: {  	s7 =	smul.u32 @!p0 $0xF7A, s2;
	p2 =	seq.s32 @!p0 s5, $0x0  }
0x1f: {  	s9 =	smul.u32 $0xF7A, s1;
	s8 =	simm.s32 @!p0 $0x1BF5;
	p2 =	por !p2, p0  }
0x20: {  	[sflag:s8] =	ssyncset.s32 @!p0 $0xFFFFF086;
	s6 =	sadd.s32 @!p0 s3, s7;
	s7 =	simm.s32 @!p0 $0x108  }
0x21: {  	s3 =	sadd.s32 s3, s9;
	s6 =	sadd.s32 @!p0 $0x88, s6;
	s7 =	simm.s32 @p2 $0x1082  }
0x22: {  	[simem:s7], [sflag:s8] =	dma.local @!p0 [hbm:s6], $0xF7A  }
0x23: {  	s9 =	sor.u32 $0xD0000000, s2;
	s6 =	simm.s32 $0x108;
	_ =	swait.ge @!p0 [sflag:s8], $0x0  }
0x24: {  	s3 =	sadd.s32 $0x88, s3;
	s6 =	simm.s32 @!p1 $0x1082;
	[sflag:s4] =	ssyncset.s32 $0xFFFFF086  }
0x25: {  	[simem:s6], [sflag:s4] =	dma.local [hbm:s3], $0xF7A  }
0x26: {  	[smem:$0x3F99] =	sst s1;
	(tag) =	ssettag s2;
	_ =	strace s9  }
0x27: {  	s1 =	sld [smem:$0x3FA9]  }
0x28: {  	s2 =	sld [smem:$0x3FAA]  }
0x29: {  	s4 =	sld [smem:$0x3FAC]  }
0x2a: {  	p0 =	seq.s32 s5, $0x0;
	s5 =	sld [smem:$0x3FAD]  }
0x2b: {  	s6 =	sld [smem:$0x3FAE]  }
0x2c: {  	s7 =	sld [smem:$0x3FAF]  }
0x2d: {  	s3 =	simm.s32 $0x108;
	s8 =	sld [smem:$0x3FB0]  }
0x2e: {  	s3 =	simm.s32 @!p0 $0x1082;
	s9 =	sld [smem:$0x3FB1]  }
0x2f: {  	lr =	sadd.s32 s0, s3;
	s0 =	sld [smem:$0x3FA8]  }
0x30: {  	s3 =	sld [smem:$0x3FAB]  }
0x31: {  	[smem:$0x3FB4] =	sst s10  }
0x32: {  	s10 =	sld [smem:$0x3FB2];
	_ =	sdelay $0x3  }
0x33: {  	p0 =	seq.s32 s10, $0x1;
	s10 =	sld [smem:$0x3FB4];
	_ =	sdelay $0x3  }
0x34: {  	[smem:$0x3FB4] =	sst s10  }
0x35: {  	s10 =	sld [smem:$0x3FB3];
	_ =	sdelay $0x3  }
0x36: {  	p1 =	seq.s32 s10, $0x1;
	s10 =	sld [smem:$0x3FB4];
	_ =	sdelay $0x3  }
0x37: {  	[smem:$0x3FB4] =	sst s10  }
0x38: {  	s10 =	sld [smem:$0x3FB5]  }
0x39: {  	_ = 	snop;
	(pc) =	sbr.ind lr, $3  }
0x3a: {  	_ = 	snop  }
0x3b: {  	_ = 	snop  }
0x3c: {  	p2 =	seq.s32 s10, $0x1;
	s10 =	sld [smem:$0x3FB4]  }
0x3d: {  	_ =	shalt  }
0x3e: {  	_ =	shalt  }
0x3f: {  	_ =	shalt  }
0x40: {  	_ =	shalt  }
0x41: {  	_ =	shalt  }
0x42: {  	_ =	shalt  }
0x43: {  	_ =	shalt  }
0x44: {  	_ =	shalt  }
0x45: {  	_ =	shalt  }
0x46: {  	_ =	shalt  }
0x47: {  	_ =	shalt  }
0x48: {  	_ =	shalt  }
0x49: {  	_ =	shalt  }
0x4a: {  	_ =	shalt  }
0x4b: {  	_ =	shalt  }
0x4c: {  	_ =	shalt  }
0x4d: {  	_ =	shalt  }
0x4e: {  	_ =	shalt  }
0x4f: {  	_ =	shalt  }
0x50: {  	_ =	shalt  }
0x51: {  	_ =	shalt  }
0x52: {  	_ =	shalt  }
0x53: {  	_ =	shalt  }
0x54: {  	_ =	shalt  }
0x55: {  	_ =	shalt  }
0x56: {  	_ =	shalt  }
0x57: {  	_ =	shalt  }
0x58: {  	_ =	shalt  }
0x59: {  	_ =	shalt  }
0x5a: {  	_ =	shalt  }
0x5b: {  	_ =	shalt  }
0x5c: {  	_ =	shalt  }
0x5d: {  	_ =	shalt  }
0x5e: {  	_ =	shalt  }
0x5f: {  	_ =	shalt  }
0x60: {  	_ =	shalt  }
0x61: {  	_ =	shalt  }
0x62: {  	_ =	shalt  }
0x63: {  	_ =	shalt  }
0x64: {  	_ =	shalt  }
0x65: {  	_ =	shalt  }
0x66: {  	_ =	shalt  }
0x67: {  	_ =	shalt  }
0x68: {  	_ =	shalt  }
0x69: {  	_ =	shalt  }
0x6a: {  	_ =	shalt  }
0x6b: {  	_ =	shalt  }
0x6c: {  	_ =	shalt  }
0x6d: {  	_ =	shalt  }
0x6e: {  	_ =	shalt  }
0x6f: {  	_ =	shalt  }
0x70: {  	_ =	shalt  }
0x71: {  	_ =	shalt  }
0x72: {  	_ =	shalt  }
0x73: {  	_ =	shalt  }
0x74: {  	_ =	shalt  }
0x75: {  	_ =	shalt  }
0x76: {  	_ =	shalt  }
0x77: {  	_ =	shalt  }
0x78: {  	_ =	shalt  }
0x79: {  	_ =	shalt  }
0x7a: {  	_ =	shalt  }
0x7b: {  	_ =	shalt  }
0x7c: {  	_ =	shalt  }
0x7d: {  	_ =	shalt  }
0x7e: {  	_ =	shalt  }
0x7f: {  	_ =	shalt  }
0x80: {  	_ =	shalt  }
0x81: {  	_ =	shalt  }
0x82: {  	_ =	shalt  }
0x83: {  	_ =	shalt  }
0x84: {  	_ =	shalt  }
0x85: {  	_ =	shalt  }
0x86: {  	_ =	shalt  }
0x87: {  	_ =	shalt  }
.Lfunc_end0:
.L_simem_size_0:
called_computation_lowered:
.L_overlay_start_0:
0x88: {  	s2 =	sld [smem:$0x3FD9]  }
0x89: {  	s3 =	sld [smem:$0x3FFE];
	_ =	sdelay $0x1  }
0x8a: {  	s1 =	srdreg.scid  }
0x8b: {  	s0 =	sand.u32 $0x1, s1  }
0x8c: {  	s17 =	sshll.u32 s0, $0xA;
	s2 =	sadd.s32 s3, s2  }
0x8d: {  	s2 =	sadd.s32 s2, s17  }
0x8e: {  	[smem:$0x3FC0] =	sst s2  }
0x8f: {  	_ = 	snop  }
0x90: {  	s2 =	sld [smem:$0x3FD0];
	(tm) =	ssettm $0x1  }
0x91: {  	s18 =	sld [smem:$0x3FFB];
	_ =	sdelay $0x3  }
0x92: {  	_ =	strace s18  }
0x93: {  	s3 =	sld [smem:$0x3FFC];
	_ =	sdelay $0x3  }
0x94: {  	_ =	strace s3  }
0x95: {  	s3 =	sld [smem:$0x3FFD];
	_ =	sdelay $0x3  }
0x96: {  	_ =	strace s3  }
0x97: {  	_ =	strace $0x8FFFFFFF  }
0x98: {  	s19 =	sld [smem:$0x3FDB];
	_ =	sdelay $0x1  }
0x99: {  	s4 =	simm.s32 $_scs_section_size  }
0x9a: {  	s5 =	simm.s32 $_size__tile_overlayer_lowered;
	s6 =	simm.s32 $_tile_overlayer_lowered  }
0x9b: {  	s22 =	simm.s32 $0x1BFF;
	s21 =	sshll.u32 s6, $0x1;
	s3 =	sadd.s32 s4, s19  }
0x9c: {  	s7 =	simm.s32 $0x0;
	s20 =	sshll.u32 s5, $0x1;
	s5 =	sadd.s32 s21, s3  }
0x9d: {  	[timem:s7], [sflag:s22] =	dma.local [hbm:s5], s20  }
0x9e: {  	_ =	swait.ge [sflag:s22], s20  }
0x9f: {  	s4 =	ssub.s32 $0x0, s20;
	[sflag:s22] =	ssyncset.done $0x0  }
0xa0: {  	[sflag:s22] =	ssyncadd.s32 s4;
	_ =	sdelay $0x1  }
0xa1: {  	s23 =	simm.s32 $0x1B8B  }
0xa2: {  	_ =	swait.ge [sflag:s23], $0x1  }
0xa3: {  	[sflag:s23] =	ssyncset.done $0x0  }
0xa4: {  	s25 =	simm.s32 $0x1B8E;
	s24 =	sld [smem:$0x3FFE];
	[sflag:s23] =	ssyncadd.s32 $0xFFFFFFFF  }
0xa5: {  	s26 =	simm.s32 $execute0_lowered;
	[smem:$0x3FD2] =	sst s25  }
0xa6: {  	s5 =	sshll.u32 s26, $0x1;
	_ =	strace $0x80000046;
	[dreg:$0x1] =	wrdreg $0xFFFFFFFF  }
0xa7: {  	s28 =	simm.s32 $_size_execute0_lowered;
	s3 =	sadd.s32 s3, s5;
	[dreg:$0x0] =	wrdreg $0x0  }
0xa8: {  	s5 =	sshll.u32 s28, $0x1;
	[dreg:$0x2] =	wrdreg s3  }
0xa9: {  	[dreg:$0x3] =	wrdreg s5  }
0xaa: {  	[dreg:$0x4] =	wrdreg $0xC0  }
0xab: {  	_ =	task [dreg:s7], $0x5FFFF  }
0xac: {  	[dreg:$0x1] =	wrdreg $0xFFFFFFFF  }
0xad: {  	[dreg:$0x0] =	wrdreg $0x60  }
0xae: {  	[dreg:$0x2] =	wrdreg s24  }
0xaf: {  	[dreg:$0x3] =	wrdreg s2  }
0xb0: {  	[dreg:$0x4] =	wrdreg $0x92800  }
0xb1: {  	[dreg:$0x5] =	wrdreg $0x9  }
0xb2: {  	_ =	task.clear_ibuf [dreg:s7], $0x6FFFF;
	_ =	strace $0x90000046  }
0xb3: {  	s29 =	simm.s32 $0x9;
	_ =	strace $0x80000048  }
0xb4: {  	_ =	swait.ge [sflag:s29], $0x1  }
0xb5: {  	[sflag:s29] =	ssyncadd.s32 $0xFFFFFFFF  }
0xb6: {  	_ =	strace $0x90000048  }
0xb7: {  	_ =	sfence  }
0xb8: {  	s30 =	sld [smem:$0x0];
	_ =	sdelay $0x2  }
0xb9: {  	s31 =	sshll.u32 s1, $0xD;
	s1 =	sshrl.u32 s1, $0x2  }
0xba: {  	s3 =	sand.u32 $0x4000, s31;
	s1 =	sadd.s32 s1, s30  }
0xbb: {  	s0 =	sor.u32 s3, s0;
	s1 =	sshll.u32 s1, $0x11  }
0xbc: {  	s0 =	sor.u32 s1, s0  }
0xbd: {  	s0 =	sadd.s32 $0x8F2B, s0  }
0xbe: {  	[sflag:s0] =	ssyncadd.remote.s32 $0x1  }
0xbf: {  	_ =	sfence.sel $0xFFFF  }
0xc0: {  	[dreg:$0x0] =	wrdreg $0xFFFFFFFF;
	(pc) =	sbr.abs _section_cstart, $3  }
0xc1: {  	[dreg:$0x1] =	wrdreg $0xFFFFFFFF  }
0xc2: {  	_ =	task.clear_ibuf [dreg:s7], $0x2FFFF;
	_ =	strace $0x9FFFFFFF  }
0xc3: {  	(tm) =	ssettm $0x7FFFFFFF  }
tec
execute0_lowered:
.L_overlay_start_1:
0x0: {  	(tag) =	ssettag $0x1  }
0x1: {  	s0 =	rddreg [dreg:$0x0]  }
0x2: {  	s1 =	rddreg [dreg:$0x1]  }
0x3: {  	s2 =	rddreg [dreg:$0x2]  }
0x4: {  	s3 =	srdreg.scid;
	s5 =	simm.s32 $0x0;
	s13 =	stileid.u32  }
0x5: {  	s28 =	simm.s32 $0x5200;
	s30 =	simm.s32 $0x7D;
	s8 =	smul.u32 $0x280, s13  }
0x6: {  	s14 =	simm.s32 $0x2;
	s15 =	simm.s32 $0x5;
	s10 =	smul.u32 $0xA00, s13  }
0x7: {  	s3 =	sand.u32 $0x1, s3;
	[smem:$0x7FF] =	sst s5;
	s12 =	smul.u32 $0x14000, s13  }
0x8: {  	s5 =	sadd.s32 $0x15E00, s0;
	s6 =	sadd.s32 $0x29800, s0;
	s4 =	smul.u32 $0xA000, s3  }
0x9: {  	_ =	strace $0x80000047;
	s7 =	smul.u32 $0x2710, s3;
	s3 =	ssub.s32 $0x2, s3  }
0xa: {  	s9 =	smin.u32 s8, $0x2490;
	s11 =	sshrl.u32 s3, $0x1;
	s16 =	sshrl.u32 s12, $0x2  }
0xb: {  	s17 =	sadd.s32 s1, s10;
	s18 =	sadd.s32 s6, s10;
	s21 =	smin.u32 s8, $0x2530  }
0xc: {  	s8 =	smin.u32 s8, $0x24E0;
	s25 =	sor.u32 $0x10, s10;
	s4 =	sadd.s32 s4, s0  }
0xd: {  	s7 =	sadd.s32 s7, s9;
	s3 =	ssub.s32 s3, s11;
	[dreg:$0x5] =	wrdreg s17  }
0xe: {  	[dreg:$0x6] =	wrdreg s18;
	s19 =	sadd.s32 s16, s2;
	s8 =	sshll.u32 s8, $0x5  }
0xf: {  	s24 =	sshll.u32 s9, $0x5;
	s26 =	sadd.s32 s1, s25;
	s9 =	simm.s32 $0xE  }
0x10: {  	s16 =	simm.s32 $0xB;
	s17 =	simm.s32 $0xF;
	s18 =	simm.s32 $0xC  }
0x11: {  	s7 =	sshll.u32 s7, $0x2;
	s4 =	sadd.s32 s10, s4;
	s20 =	sadd.s32 $0x1400, s19  }
0x12: {  	s22 =	sadd.s32 $0x1E00, s19;
	[dreg:$0x7] =	wrdreg s19;
	s11 =	sadd.s32 $0x2800, s19  }
0x13: {  	s23 =	sadd.s32 s8, s2;
	s8 =	sadd.s32 s24, s2;
	[dreg:$0x10] =	wrdreg s26  }
0x14: {  	s31 =	smax.u32 s3, $0x1;
	s3 =	simm.s32 $0x1;
	[dreg:$0x9] =	wrdreg s20  }
0x15: {  	s24 =	simm.s32 $0x6;
	s26 =	simm.s32 $0x82E0;
	[dreg:$0xa] =	wrdreg s22  }
0x16: {  	s10 =	simm.s32 $0x0;
	s0 =	sadd.s32 s7, s0;
	[dreg:$0xb] =	wrdreg s11  }
0x17: {  	s7 =	smul.u32 $0xA0, s13;
	s4 =	sadd.s32 $0x1E00, s4;
	[dreg:$0xe] =	wrdreg s8  }
0x18: {  	s8 =	sadd.s32 $0x4600, s8;
	[dreg:$0x14] =	wrdreg s31;
	s13 =	simm.s32 $0x5300  }
0x19: {  	s20 =	simm.s32 $0x5180;
	s11 =	simm.s32 $0x10;
	[dreg:$0x4] =	wrdreg s4  }
0x1a: {  	s4 =	sadd.s32 $0xA00, s19;
	[dreg:$0xf] =	wrdreg s8;
	s0 =	sadd.s32 $0x33800, s0  }
0x1b: {  	[dreg:$0x8] =	wrdreg s4;
	s4 =	sshll.u32 s21, $0x5;
	s29 =	sor.u32 $0x5, s7  }
.Ltmp0:
0x1c: {  	[dreg:$0x13] =	wrdreg s0;
	s4 =	sadd.s32 s4, s2;
	(pc) =	sbr.rel .LBB2_1-.Ltmp0, $4  }
0x1d: {  	s19 =	simm.s32 $0x11;
	[dreg:$0x12] =	wrdreg s29;
	s4 =	sadd.s32 $0x3200, s4  }
0x1e: {  	s8 =	simm.s32 $0xA;
	[dreg:$0xc] =	wrdreg s4;
	s4 =	sadd.s32 $0x3C00, s23  }
0x1f: {  	s0 =	simm.s32 $0x5280;
	[dreg:$0xd] =	wrdreg s4;
	s4 =	sadd.s32 s6, s25  }
0x20: {  	v0 =	vimm.bf16 $0.0e+00;
	s21 =	simm.s32 $0x5380;
	s23 =	simm.s32 $0x3;
	[dreg:$0x11] =	wrdreg s4  }
.LBB2_14:
0x21: {  	s4 =	simm.s32 $0x8  }
0x22: {  	_ =	swait.ge [sflag:s4], $0xFA0  }
0x23: {  	[sflag:s4] =	ssyncset.done $0x0  }
0x24: {  	[sflag:s4] =	ssyncadd.s32 $0xFFFFF060  }
0x25: {  	s25 =	stileid.u32;
	[bflag:$0x0] =	sbarrier.arrive $0xFFFF  }
0x26: {  	s19 =	simm.s32 $0x11;
	s4 =	sshll.u32 s25, $0x6;
	s10 =	rddreg [dreg:$0xe]  }
0x27: {  	s4 =	sor.u32 $0x1C11, s4;
	s12 =	rddreg [dreg:$0x13];
	s10 =	sshrl.u32 s10, $0x3  }
0x28: {  	[hbm:s12], [sflag:s4] =	dma.local [spmem:s10], $0xA00  }
0x29: {  	_ =	swait.ge [sflag:s19], $0xA00  }
0x2a: {  	s29 =	rddreg [dreg:$0x15]  }
0x2b: {  	s31 =	rddreg [dreg:$0x14];
	s10 =	sadd.s32 $0x1, s29  }
0x2c: {  	p0 =	sne.s32 s10, s31  }
.Ltmp1:
0x2d: {  	_ = 	snop;
	(pc) =	sbr.rel @!p0 .LBB2_15-.Ltmp1, $3  }
0x2e: {  	_ =	sdelay $0x1  }
0x2f: {  	[sflag:s19] =	ssyncset.done $0x0  }
0x30: {  	[sflag:s19] =	ssyncadd.s32 $0xFFFFF600  }
.LBB2_1:
0x31: {  	[dreg:$0x15] =	wrdreg s10  }
0x32: {  	s4 =	simm.s32 $0x0;
	s25 =	rddreg [dreg:$0x4]  }
0x33: {  	[tilespmem:s4], [sflag:$0x11] =	stream.linear.gather [hbm4b:s25+s4], $0x5000, $0x38;
	[tilespmem:$0xE0A0] =	vst v63  }
0x34: {  	_ =	swait.ge [sflag:s19], $0x5000  }
0x35: {  	[sflag:s19] =	ssyncset.done $0x0  }
0x36: {  	s12 =	simm.s32 $0x5000;
	s29 =	rddreg [dreg:$0x5];
	[sflag:s19] =	ssyncadd.s32 $0xFFFFB000  }
0x37: {  	[tilespmem:s12], [sflag:$0x11] =	stream.linear.gather [hbm4b:s29+s4], $0x80, $0x38;
	[tilespmem:$0xE0A0] =	vst v63  }
0x38: {  	_ =	swait.ge [sflag:s19], $0x80  }
0x39: {  	[sflag:s19] =	ssyncset.done $0x0  }
0x3a: {  	s31 =	rddreg [dreg:$0x6];
	[sflag:s19] =	ssyncadd.s32 $0xFFFFFF80  }
0x3b: {  	[tilespmem:s28], [sflag:$0x11] =	stream.linear.gather [hbm4b:s31+s4], $0x80, $0x38;
	[tilespmem:$0xE0A0] =	vst v63  }
0x3c: {  	_ =	swait.ge [sflag:s19], $0x80  }
0x3d: {  	[sflag:s19] =	ssyncset.done $0x0  }
0x3e: {  	s10 =	simm.s32 $0x0;
	s4 =	simm.s32 $0x80;
	[sflag:s19] =	ssyncadd.s32 $0xFFFFFF80  }
.LBB2_2:
0x3f: {  	p0 =	sne.s32 s4, $0x3E00;
	[tilespmem:s10+$0x5400] =	vst v0;
	s12 =	smov.u32 s4;
	s4 =	sadd.s32 $0x80, s4  }
.Ltmp2:
0x40: {  	[tilespmem:s10+$0x5410] =	vst v0;
	(pc) =	sbr.rel @p0 .LBB2_2-.Ltmp2, $2  }
0x41: {  	_ =	sdelay $0x2  }
0x42: {  	s10 =	sshra.s32 s12, $0x2  }
0x43: {  	[tilespmem:s10+$0x5400] =	vst v0  }
0x44: {  	[tilespmem:s10+$0x5410] =	vst v0;
	s4 =	rddreg [dreg:$0x7];
	s10 =	simm.s32 $0x5400  }
0x45: {  	[spmem:s4] =	stream.linear.scatter [tilespmem:s10], [sflag:$0x11], $0xA00, $0x38;
	[tilespmem:$0xE0A0] =	vst v63  }
0x46: {  	_ =	swait.ge [sflag:s19], $0xA00  }
0x47: {  	[sflag:s19] =	ssyncset.done $0x0  }
0x48: {  	s12 =	rddreg [dreg:$0x8];
	[sflag:s19] =	ssyncadd.s32 $0xFFFFF600  }
0x49: {  	[spmem:s12] =	stream.linear.scatter [tilespmem:s10], [sflag:$0x11], $0xA00, $0x38;
	[tilespmem:$0xE0A0] =	vst v63  }
0x4a: {  	_ =	swait.ge [sflag:s19], $0xA00  }
0x4b: {  	[sflag:s19] =	ssyncset.done $0x0  }
0x4c: {  	s22 =	rddreg [dreg:$0x9];
	[sflag:s19] =	ssyncadd.s32 $0xFFFFF600  }
0x4d: {  	[spmem:s22] =	stream.linear.scatter [tilespmem:s10], [sflag:$0x11], $0xA00, $0x38;
	[tilespmem:$0xE0A0] =	vst v63  }
0x4e: {  	_ =	swait.ge [sflag:s19], $0xA00  }
0x4f: {  	[sflag:s19] =	ssyncset.done $0x0  }
0x50: {  	s25 =	rddreg [dreg:$0xa];
	[sflag:s19] =	ssyncadd.s32 $0xFFFFF600  }
0x51: {  	[spmem:s25] =	stream.linear.scatter [tilespmem:s10], [sflag:$0x11], $0xA00, $0x38;
	[tilespmem:$0xE0A0] =	vst v63  }
0x52: {  	_ =	swait.ge [sflag:s19], $0xA00  }
0x53: {  	[sflag:s19] =	ssyncset.done $0x0  }
0x54: {  	s29 =	rddreg [dreg:$0xb];
	[sflag:s19] =	ssyncadd.s32 $0xFFFFF600  }
0x55: {  	[spmem:s29] =	stream.linear.scatter [tilespmem:s10], [sflag:$0x11], $0xA00, $0x38;
	[tilespmem:$0xE0A0] =	vst v63  }
0x56: {  	_ =	swait.ge [sflag:s19], $0xA00  }
0x57: {  	[sflag:s19] =	ssyncset.done $0x0  }
0x58: {  	s31 =	rddreg [dreg:$0xc];
	[sflag:s19] =	ssyncadd.s32 $0xFFFFF600  }
0x59: {  	[spmem:s31] =	stream.linear.scatter [tilespmem:s10], [sflag:$0x11], $0xA00, $0x38;
	[tilespmem:$0xE0A0] =	vst v63  }
0x5a: {  	_ =	swait.ge [sflag:s19], $0xA00  }
0x5b: {  	[sflag:s19] =	ssyncset.done $0x0  }
0x5c: {  	s12 =	rddreg [dreg:$0xd];
	[sflag:s19] =	ssyncadd.s32 $0xFFFFF600  }
0x5d: {  	[spmem:s12] =	stream.linear.scatter [tilespmem:s10], [sflag:$0x11], $0xA00, $0x38;
	[tilespmem:$0xE0A0] =	vst v63  }
0x5e: {  	_ =	swait.ge [sflag:s19], $0xA00  }
0x5f: {  	[sflag:s19] =	ssyncset.done $0x0  }
0x60: {  	s22 =	rddreg [dreg:$0xf];
	[sflag:s19] =	ssyncadd.s32 $0xFFFFF600  }
0x61: {  	[spmem:s22] =	stream.linear.scatter [tilespmem:s10], [sflag:$0x11], $0xA00, $0x38;
	[tilespmem:$0xE0A0] =	vst v63  }
0x62: {  	_ =	swait.ge [sflag:s19], $0xA00  }
0x63: {  	[sflag:s19] =	ssyncset.done $0x0  }
0x64: {  	[sflag:s19] =	ssyncadd.s32 $0xFFFFF600  }
0x65: {  	s12 =	simm.s32 $0x0;
	[bflag:$0x0] =	sbarrier.arrive $0xFFFF  }
0x66: {  	[tilespmem:s10], [sflag:$0x1] =	stream.indirect.gather [hbm4b:s5+s30], $0x20, s12, s30, $0xb8;
	[tilespmem:$0xE0A0] =	vst v63  }
0x67: {  	s29 =	simm.s32 $0x5080;
	s25 =	rddreg [dreg:$0x10]  }
0x68: {  	[tilespmem:s29], [sflag:$0xA] =	stream.linear.gather [hbm4b:s25+s12], $0x80, $0x38;
	[tilespmem:$0xE0A0] =	vst v63  }
0x69: {  	s31 =	rddreg [dreg:$0x11];
	s25 =	simm.s32 $0x0  }
0x6a: {  	[tilespmem:s0], [sflag:$0xE] =	stream.linear.gather [hbm4b:s31+s12], $0x80, $0x38;
	[tilespmem:$0xE0A0] =	vst v63  }
.LBB2_4:
0x6b: {  	_ =	swait.ge [sflag:s3], $0xFA0  }
0x6c: {  	p0 =	seq.s32 s25, $0x0;
	[sflag:s3] =	ssyncset.done $0x0  }
0x6d: {  	s4 =	simm.s32 @!p0 $0x8;
	[sflag:s3] =	ssyncadd.s32 $0xFFFFF060  }
0x6e: {  	_ =	swait.ge @!p0 [sflag:s4], $0xFA0  }
0x6f: {  	[sflag:s4] =	ssyncset.done @!p0 $0x0  }
0x70: {  	[sflag:s4] =	ssyncadd.s32 @!p0 $0xFFFFF060  }
0x71: {  	_ =	swait.ge [sflag:s8], $0x80  }
0x72: {  	s19 =	simm.s32 $0x0;
	[sflag:s8] =	ssyncset.done $0x0  }
0x73: {  	s22 =	simm.s32 $0x1;
	s10 =	sshll.u32 s25, $0x9;
	v1 =	vmov s19;
	[sflag:s8] =	ssyncadd.s32 $0xFFFFFF80  }
0x74: {  	s12 =	simm.s32 $0x2;
	v2 =	vmov s22;
	s10 =	sand.u32 $0x3FFFFE00, s10;
	_ =	swait.ge [sflag:s9], $0x80  }
0x75: {  	v3 =	vmov s12;
	s19 =	simm.s32 $0x4;
	s12 =	simm.s32 $0x3;
	[sflag:s9] =	ssyncset.done $0x0  }
0x76: {  	s22 =	simm.s32 $0x63A0;
	s10 =	sor.u32 $0x80, s10;
	v4 =	vmov s19;
	[sflag:s9] =	ssyncadd.s32 $0xFFFFFF80  }
0x77: {  	v5 =	vmov s12;
	[tilespmem:s22], [sflag:$0x2] =	stream.indirect.gather [hbm4b:s5+s30], $0x20, s10, s30, $0xb8;
	[tilespmem:$0xE0A0] =	vst v63  }
0x78: {  	v7 =	vld.idx.msk [tilespmem:v1+s28+$0x0], $0xffff  }
0x79: {  	v8 =	vld.idx.msk [tilespmem:v2+s28+$0x0], $0xffff  }
0x7a: {  	v3 =	vld.idx.msk [tilespmem:v3+s28+$0x0], $0xffff  }
0x7b: {  	v2 =	vld.idx.msk [tilespmem:v4+s28+$0x0], $0xffff  }
0x7c: {  	s22 =	simm.s32 $0x5450;
	v1 =	vld.idx.msk [tilespmem:v5+s28+$0x0], $0xffff  }
0x7d: {  	v9 =	vld [tilespmem:s22+$0x40]  }
0x7e: {  	v11 =	vld [tilespmem:s22+$0xFFFFFFB0]  }
0x7f: {  	v13 =	vld [tilespmem:s22+$0xFFFFFFC0]  }
0x80: {  	v6 =	vld [tilespmem:s22+$0xFFFFFFD0]  }
0x81: {  	s31 =	simm.s32 $0x5;
	v4 =	vld [tilespmem:s22+$0xFFFFFFE0];
	v2 =	vpack.i.f32.bf16 v2, v2  }
0x82: {  	s12 =	simm.s32 $0x6;
	v5 =	vld [tilespmem:s22+$0xFFFFFFF0];
	v14 =	vpack.i.f32.bf16 v7, v7;
	v15 =	vmul.bf16 v9, v2;
	v9 =	vmov s31  }
0x83: {  	s29 =	sshll.u32 s25, $0x2;
	s19 =	simm.s32 $0x7;
	v10 =	vmov s12;
	v7 =	vld [tilespmem:s22+$0x0];
	v12 =	vmul.bf16 v11, v14  }
0x84: {  	s12 =	simm.s32 $0x9;
	s4 =	simm.s32 $0x5450;
	s10 =	simm.s32 $0xA;
	v11 =	vmov s19;
	v14 =	vmul.bf16 v13, v14;
	v13 =	vpack.i.f32.bf16 v8, v8;
	v8 =	vld [tilespmem:s22+$0x10];
	[tilespmem:s22+$0x40] =	vst v15  }
.LBB2_5:
0x85: {  	p0 =	slt.u32 s10, $0x78;
	s19 =	sadd.s32 $0x3, s31;
	v15 =	vmov s12;
	[tilespmem:s22+$0xFFFFFFB0] =	vst v12;
	v6 =	vmul.bf16 v6, v13;
	v12 =	vld [tilespmem:s22+$0x20];
	s31 =	smov.u32 s10  }
0x86: {  	v3 =	vpack.i.f32.bf16 v3, v3;
	v16 =	vmov s19;
	[tilespmem:s22+$0xFFFFFFC0] =	vst v14;
	v4 =	vmul.bf16 v4, v13;
	v13 =	vld [tilespmem:s22+$0x30]  }
0x87: {  	v14 =	vld.idx.msk [tilespmem:v9+s28+$0x0], $0xffff;
	[tilespmem:s22+$0xFFFFFFD0] =	vst v6;
	v5 =	vmul.bf16 v5, v3  }
0x88: {  	v1 =	vpack.i.f32.bf16 v1, v1;
	v17 =	vld.idx.msk [tilespmem:v10+s28+$0x0], $0xffff;
	[tilespmem:s22+$0xFFFFFFE0] =	vst v4;
	v4 =	vmul.bf16 v7, v3  }
0x89: {  	v3 =	vld.idx.msk [tilespmem:v11+s28+$0x0], $0xffff;
	[tilespmem:s22+$0xFFFFFFF0] =	vst v5;
	v5 =	vmul.bf16 v8, v1  }
0x8a: {  	v7 =	vld.idx.msk [tilespmem:v15+s28+$0x0], $0xffff;
	[tilespmem:s22+$0x0] =	vst v4;
	v4 =	vmul.bf16 v12, v1  }
0x8b: {  	s22 =	sadd.s32 $0xA0, s22;
	v1 =	vld.idx.msk [tilespmem:v16+s28+$0x0], $0xffff;
	[tilespmem:s4+$0x10] =	vst v5;
	v2 =	vmul.bf16 v13, v2  }
0x8c: {  	v8 =	vld [tilespmem:s22+$0x40];
	[tilespmem:s4+$0x20] =	vst v4  }
0x8d: {  	v11 =	vld [tilespmem:s22+$0xFFFFFFB0];
	[tilespmem:s4+$0x30] =	vst v2;
	s4 =	smov.u32 s22  }
0x8e: {  	v13 =	vld [tilespmem:s22+$0xFFFFFFC0]  }
.Ltmp3:
0x8f: {  	v6 =	vld [tilespmem:s22+$0xFFFFFFD0];
	(pc) =	sbr.rel @p0 .LBB2_5-.Ltmp3, $4  }
0x90: {  	v2 =	vpack.i.f32.bf16 v7, v7;
	v4 =	vld [tilespmem:s22+$0xFFFFFFE0]  }
0x91: {  	s12 =	sadd.s32 $0x1, s10;
	v9 =	vmov s10;
	v14 =	vpack.i.f32.bf16 v14, v14;
	v5 =	vld [tilespmem:s22+$0xFFFFFFF0];
	v15 =	vmul.bf16 v8, v2  }
0x92: {  	v10 =	vmov s12;
	s12 =	sadd.s32 $0x2, s10;
	v12 =	vmul.bf16 v11, v14;
	v7 =	vld [tilespmem:s22+$0x0]  }
0x93: {  	s10 =	sadd.s32 $0x5, s10;
	v11 =	vmov s12;
	s12 =	sadd.s32 $0x4, s31;
	v14 =	vmul.bf16 v13, v14;
	v13 =	vpack.i.f32.bf16 v17, v17;
	v8 =	vld [tilespmem:s22+$0x10];
	[tilespmem:s22+$0x40] =	vst v15  }
0x94: {  	_ =	sdelay $0x1  }
0x95: {  	v16 =	vld [tilespmem:s22+$0x20]  }
0x96: {  	v18 =	vld [tilespmem:s22+$0x30]  }
0x97: {  	v9 =	vld.idx.msk [tilespmem:v9+s28+$0x0], $0xffff  }
0x98: {  	v15 =	vmov s12;
	v10 =	vld.idx.msk [tilespmem:v10+s28+$0x0], $0xffff;
	v6 =	vmul.bf16 v6, v13  }
0x99: {  	s10 =	sadd.s32 $0x3, s31;
	v11 =	vld.idx.msk [tilespmem:v11+s28+$0x0], $0xffff;
	s12 =	sadd.s32 $0xA0, s22;
	v4 =	vmul.bf16 v4, v13  }
0x9a: {  	v3 =	vpack.i.f32.bf16 v3, v3;
	v17 =	vmov s10;
	[tilespmem:s22+$0xFFFFFFD0] =	vst v6;
	v6 =	vld [tilespmem:s12+$0x40]  }
0x9b: {  	v5 =	vmul.bf16 v5, v3;
	[tilespmem:s22+$0xFFFFFFE0] =	vst v4;
	v4 =	vld [tilespmem:s12+$0xFFFFFFB0]  }
0x9c: {  	[tilespmem:s22+$0xFFFFFFB0] =	vst v12;
	v1 =	vpack.i.f32.bf16 v1, v1;
	v3 =	vmul.bf16 v7, v3;
	v7 =	vld [tilespmem:s12+$0xFFFFFFC0]  }
0x9d: {  	[tilespmem:s22+$0xFFFFFFF0] =	vst v5;
	v5 =	vmul.bf16 v8, v1;
	v12 =	vld.idx.msk [tilespmem:v15+s28+$0x0], $0xffff  }
0x9e: {  	[tilespmem:s22+$0x0] =	vst v3;
	v1 =	vmul.bf16 v16, v1;
	v3 =	vld [tilespmem:s12+$0xFFFFFFD0]  }
0x9f: {  	v2 =	vmul.bf16 v18, v2;
	v13 =	vld.idx.msk [tilespmem:v17+s28+$0x0], $0xffff;
	[tilespmem:s4+$0x10] =	vst v5  }
0xa0: {  	v5 =	vld [tilespmem:s12+$0xFFFFFFE0];
	[tilespmem:s4+$0x20] =	vst v1;
	v1 =	vpack.i.f32.bf16 v9, v9  }
0xa1: {  	v9 =	vld [tilespmem:s12+$0xFFFFFFF0];
	[tilespmem:s4+$0x30] =	vst v2;
	v2 =	vmul.bf16 v4, v1  }
0xa2: {  	[tilespmem:s22+$0xFFFFFFC0] =	vst v14;
	v4 =	vld [tilespmem:s12+$0x0];
	v1 =	vmul.bf16 v7, v1;
	v8 =	vpack.i.f32.bf16 v12, v12  }
0xa3: {  	v7 =	vpack.i.f32.bf16 v10, v10;
	v10 =	vld [tilespmem:s12+$0x10];
	[tilespmem:s12+$0xFFFFFFB0] =	vst v2;
	v6 =	vmul.bf16 v6, v8  }
0xa4: {  	v2 =	vmul.bf16 v3, v7;
	v3 =	vld [tilespmem:s12+$0x20];
	[tilespmem:s12+$0xFFFFFFC0] =	vst v1  }
0xa5: {  	v1 =	vmul.bf16 v5, v7;
	v5 =	vpack.i.f32.bf16 v11, v11;
	[tilespmem:s12+$0x40] =	vst v6;
	v6 =	vld [tilespmem:s12+$0x30]  }
0xa6: {  	[tilespmem:s12+$0xFFFFFFD0] =	vst v2;
	v2 =	vmul.bf16 v9, v5  }
0xa7: {  	[tilespmem:s12+$0xFFFFFFE0] =	vst v1;
	v1 =	vmul.bf16 v4, v5;
	v4 =	vpack.i.f32.bf16 v13, v13  }
0xa8: {  	[tilespmem:s12+$0xFFFFFFF0] =	vst v2;
	v2 =	vmul.bf16 v10, v4  }
0xa9: {  	[tilespmem:s12+$0x0] =	vst v1;
	v1 =	vmul.bf16 v3, v4  }
0xaa: {  	[tilespmem:s12+$0x10] =	vst v2;
	v2 =	vmul.bf16 v6, v8  }
0xab: {  	s4 =	sor.u32 $0x2, s29;
	[tilespmem:s12+$0x20] =	vst v1  }
0xac: {  	s19 =	simm.s32 $0x5000;
	s22 =	simm.s32 $0x5400;
	[tilespmem:s12+$0x30] =	vst v2;
	s12 =	sadd.s32 s7, s4  }
0xad: {  	[spmem:s2] =	stream.indirect.scatter.add.bf16 [tilespmem:s22], [sflag:$0x5], $0x20, s19, s30, $0xb8;
	[tilespmem:$0xE0A0] =	vst v63  }
0xae: {  	s10 =	sshll.u32 s12, $0x4  }
0xaf: {  	s19 =	simm.s32 $0x0;
	s22 =	simm.s32 $0x5100;
	s12 =	sadd.s32 s1, s10  }
0xb0: {  	[tilespmem:s22], [sflag:$0xB] =	stream.linear.gather [hbm4b:s12+s19], $0x80, $0x38;
	[tilespmem:$0xE0A0] =	vst v63  }
0xb1: {  	s10 =	sadd.s32 s6, s10  }
0xb2: {  	[tilespmem:s13], [sflag:$0xF] =	stream.linear.gather [hbm4b:s10+s19], $0x80, $0x38;
	[tilespmem:$0xE0A0] =	vst v63  }
0xb3: {  	_ =	swait.ge [sflag:s14], $0xFA0  }
0xb4: {  	[sflag:s14] =	ssyncset.done $0x0  }
0xb5: {  	[sflag:s14] =	ssyncadd.s32 $0xFFFFF060  }
0xb6: {  	_ =	swait.ge [sflag:s15], $0xFA0  }
0xb7: {  	[sflag:s15] =	ssyncset.done $0x0  }
0xb8: {  	[sflag:s15] =	ssyncadd.s32 $0xFFFFF060  }
0xb9: {  	_ =	swait.ge [sflag:s16], $0x80  }
0xba: {  	[sflag:s16] =	ssyncset.done $0x0  }
0xbb: {  	v1 =	vmov s19;
	s19 =	simm.s32 $0x1;
	[sflag:s16] =	ssyncadd.s32 $0xFFFFFF80  }
0xbc: {  	s4 =	sshll.u32 s4, $0x7;
	s22 =	simm.s32 $0x2;
	v2 =	vmov s19;
	_ =	swait.ge [sflag:s17], $0x80  }
0xbd: {  	s4 =	sand.u32 $0x3FFFFF80, s4;
	s12 =	simm.s32 $0x4;
	v3 =	vmov s22;
	[sflag:s17] =	ssyncset.done $0x0  }
0xbe: {  	v4 =	vmov s12;
	s22 =	simm.s32 $0x7340;
	s19 =	simm.s32 $0x3;
	[sflag:s17] =	ssyncadd.s32 $0xFFFFFF80  }
0xbf: {  	v5 =	vmov s19;
	[tilespmem:s22], [sflag:$0x3] =	stream.indirect.gather [hbm4b:s5+s30], $0x20, s4, s30, $0xb8;
	[tilespmem:$0xE0A0] =	vst v63  }
0xc0: {  	v6 =	vld.idx.msk [tilespmem:v1+s0+$0x0], $0xffff  }
0xc1: {  	v8 =	vld.idx.msk [tilespmem:v2+s0+$0x0], $0xffff  }
0xc2: {  	v3 =	vld.idx.msk [tilespmem:v3+s0+$0x0], $0xffff  }
0xc3: {  	v2 =	vld.idx.msk [tilespmem:v4+s0+$0x0], $0xffff  }
0xc4: {  	s22 =	simm.s32 $0x63F0;
	v1 =	vld.idx.msk [tilespmem:v5+s0+$0x0], $0xffff  }
0xc5: {  	v9 =	vld [tilespmem:s22+$0x40]  }
0xc6: {  	v11 =	vld [tilespmem:s22+$0xFFFFFFB0]  }
0xc7: {  	v13 =	vld [tilespmem:s22+$0xFFFFFFC0]  }
0xc8: {  	v7 =	vld [tilespmem:s22+$0xFFFFFFD0]  }
0xc9: {  	s31 =	simm.s32 $0x5;
	v4 =	vld [tilespmem:s22+$0xFFFFFFE0];
	v2 =	vpack.i.f32.bf16 v2, v2  }
0xca: {  	s12 =	simm.s32 $0x6;
	v5 =	vld [tilespmem:s22+$0xFFFFFFF0];
	v14 =	vpack.i.f32.bf16 v6, v6;
	v15 =	vmul.bf16 v9, v2;
	v9 =	vmov s31  }
0xcb: {  	v10 =	vmov s12;
	s19 =	simm.s32 $0x7;
	v6 =	vld [tilespmem:s22+$0x0];
	v12 =	vmul.bf16 v11, v14  }
0xcc: {  	s12 =	simm.s32 $0x9;
	s10 =	simm.s32 $0xA;
	s4 =	simm.s32 $0x63F0;
	v11 =	vmov s19;
	v14 =	vmul.bf16 v13, v14;
	v13 =	vpack.i.f32.bf16 v8, v8;
	v8 =	vld [tilespmem:s22+$0x10];
	[tilespmem:s22+$0x40] =	vst v15  }
.LBB2_7:
0xcd: {  	p0 =	slt.u32 s10, $0x78;
	s19 =	sadd.s32 $0x3, s31;
	v15 =	vmov s12;
	[tilespmem:s22+$0xFFFFFFB0] =	vst v12;
	v7 =	vmul.bf16 v7, v13;
	v12 =	vld [tilespmem:s22+$0x20];
	s31 =	smov.u32 s10  }
0xce: {  	v3 =	vpack.i.f32.bf16 v3, v3;
	v16 =	vmov s19;
	[tilespmem:s22+$0xFFFFFFC0] =	vst v14;
	v4 =	vmul.bf16 v4, v13;
	v13 =	vld [tilespmem:s22+$0x30]  }
0xcf: {  	v14 =	vld.idx.msk [tilespmem:v9+s0+$0x0], $0xffff;
	[tilespmem:s22+$0xFFFFFFD0] =	vst v7;
	v5 =	vmul.bf16 v5, v3  }
0xd0: {  	v1 =	vpack.i.f32.bf16 v1, v1;
	v17 =	vld.idx.msk [tilespmem:v10+s0+$0x0], $0xffff;
	[tilespmem:s22+$0xFFFFFFE0] =	vst v4;
	v4 =	vmul.bf16 v6, v3  }
0xd1: {  	v3 =	vld.idx.msk [tilespmem:v11+s0+$0x0], $0xffff;
	[tilespmem:s22+$0xFFFFFFF0] =	vst v5;
	v5 =	vmul.bf16 v8, v1  }
0xd2: {  	v6 =	vld.idx.msk [tilespmem:v15+s0+$0x0], $0xffff;
	[tilespmem:s22+$0x0] =	vst v4;
	v4 =	vmul.bf16 v12, v1  }
0xd3: {  	s22 =	sadd.s32 $0xA0, s22;
	v1 =	vld.idx.msk [tilespmem:v16+s0+$0x0], $0xffff;
	[tilespmem:s4+$0x10] =	vst v5;
	v2 =	vmul.bf16 v13, v2  }
0xd4: {  	v8 =	vld [tilespmem:s22+$0x40];
	[tilespmem:s4+$0x20] =	vst v4  }
0xd5: {  	v11 =	vld [tilespmem:s22+$0xFFFFFFB0];
	[tilespmem:s4+$0x30] =	vst v2;
	s4 =	smov.u32 s22  }
0xd6: {  	v13 =	vld [tilespmem:s22+$0xFFFFFFC0]  }
.Ltmp4:
0xd7: {  	v7 =	vld [tilespmem:s22+$0xFFFFFFD0];
	(pc) =	sbr.rel @p0 .LBB2_7-.Ltmp4, $4  }
0xd8: {  	v2 =	vpack.i.f32.bf16 v6, v6;
	v4 =	vld [tilespmem:s22+$0xFFFFFFE0]  }
0xd9: {  	s12 =	sadd.s32 $0x1, s10;
	v9 =	vmov s10;
	v14 =	vpack.i.f32.bf16 v14, v14;
	v5 =	vld [tilespmem:s22+$0xFFFFFFF0];
	v15 =	vmul.bf16 v8, v2  }
0xda: {  	v10 =	vmov s12;
	s12 =	sadd.s32 $0x2, s10;
	v12 =	vmul.bf16 v11, v14;
	v6 =	vld [tilespmem:s22+$0x0]  }
0xdb: {  	s10 =	sadd.s32 $0x5, s10;
	v11 =	vmov s12;
	s12 =	sadd.s32 $0x4, s31;
	v14 =	vmul.bf16 v13, v14;
	v13 =	vpack.i.f32.bf16 v17, v17;
	v8 =	vld [tilespmem:s22+$0x10];
	[tilespmem:s22+$0x40] =	vst v15  }
0xdc: {  	_ =	sdelay $0x1  }
0xdd: {  	v16 =	vld [tilespmem:s22+$0x20]  }
0xde: {  	v18 =	vld [tilespmem:s22+$0x30]  }
0xdf: {  	v9 =	vld.idx.msk [tilespmem:v9+s0+$0x0], $0xffff  }
0xe0: {  	v15 =	vmov s12;
	v10 =	vld.idx.msk [tilespmem:v10+s0+$0x0], $0xffff;
	v7 =	vmul.bf16 v7, v13  }
0xe1: {  	s10 =	sadd.s32 $0x3, s31;
	v11 =	vld.idx.msk [tilespmem:v11+s0+$0x0], $0xffff;
	s19 =	sadd.s32 $0xA0, s22;
	v4 =	vmul.bf16 v4, v13  }
0xe2: {  	v3 =	vpack.i.f32.bf16 v3, v3;
	v17 =	vmov s10;
	[tilespmem:s22+$0xFFFFFFD0] =	vst v7;
	v7 =	vld [tilespmem:s19+$0x40]  }
0xe3: {  	v5 =	vmul.bf16 v5, v3;
	[tilespmem:s22+$0xFFFFFFE0] =	vst v4;
	v4 =	vld [tilespmem:s19+$0xFFFFFFB0]  }
0xe4: {  	[tilespmem:s22+$0xFFFFFFB0] =	vst v12;
	v1 =	vpack.i.f32.bf16 v1, v1;
	v3 =	vmul.bf16 v6, v3;
	v6 =	vld [tilespmem:s19+$0xFFFFFFC0]  }
0xe5: {  	[tilespmem:s22+$0xFFFFFFF0] =	vst v5;
	v5 =	vmul.bf16 v8, v1;
	v12 =	vld.idx.msk [tilespmem:v15+s0+$0x0], $0xffff  }
0xe6: {  	[tilespmem:s22+$0x0] =	vst v3;
	v1 =	vmul.bf16 v16, v1;
	v3 =	vld [tilespmem:s19+$0xFFFFFFD0]  }
0xe7: {  	v2 =	vmul.bf16 v18, v2;
	v13 =	vld.idx.msk [tilespmem:v17+s0+$0x0], $0xffff;
	[tilespmem:s4+$0x10] =	vst v5  }
0xe8: {  	v5 =	vld [tilespmem:s19+$0xFFFFFFE0];
	[tilespmem:s4+$0x20] =	vst v1;
	v1 =	vpack.i.f32.bf16 v9, v9  }
0xe9: {  	v9 =	vld [tilespmem:s19+$0xFFFFFFF0];
	[tilespmem:s4+$0x30] =	vst v2;
	v2 =	vmul.bf16 v4, v1  }
0xea: {  	[tilespmem:s22+$0xFFFFFFC0] =	vst v14;
	v4 =	vld [tilespmem:s19+$0x0];
	v1 =	vmul.bf16 v6, v1;
	v6 =	vpack.i.f32.bf16 v10, v10  }
0xeb: {  	v10 =	vld [tilespmem:s19+$0x10];
	v8 =	vpack.i.f32.bf16 v12, v12;
	[tilespmem:s19+$0xFFFFFFB0] =	vst v2;
	v2 =	vmul.bf16 v3, v6  }
0xec: {  	v3 =	vld [tilespmem:s19+$0x20];
	[tilespmem:s19+$0xFFFFFFC0] =	vst v1;
	v7 =	vmul.bf16 v7, v8  }
0xed: {  	v1 =	vmul.bf16 v5, v6;
	v5 =	vpack.i.f32.bf16 v11, v11;
	v6 =	vld [tilespmem:s19+$0x30];
	[tilespmem:s19+$0xFFFFFFD0] =	vst v2  }
0xee: {  	v2 =	vmul.bf16 v9, v5;
	[tilespmem:s19+$0x40] =	vst v7  }
0xef: {  	[tilespmem:s19+$0xFFFFFFE0] =	vst v1;
	v1 =	vmul.bf16 v4, v5;
	v4 =	vpack.i.f32.bf16 v13, v13  }
0xf0: {  	[tilespmem:s19+$0xFFFFFFF0] =	vst v2;
	v2 =	vmul.bf16 v10, v4  }
0xf1: {  	[tilespmem:s19+$0x0] =	vst v1;
	v1 =	vmul.bf16 v3, v4  }
0xf2: {  	[tilespmem:s19+$0x10] =	vst v2;
	v2 =	vmul.bf16 v6, v8  }
0xf3: {  	s4 =	sor.u32 $0x3, s29;
	[tilespmem:s19+$0x20] =	vst v1  }
0xf4: {  	s12 =	simm.s32 $0x63A0;
	s10 =	simm.s32 $0x5080;
	[tilespmem:s19+$0x30] =	vst v2;
	s19 =	sadd.s32 s7, s4  }
0xf5: {  	[spmem:s2] =	stream.indirect.scatter.add.bf16 [tilespmem:s12], [sflag:$0x6], $0x20, s10, s30, $0xb8;
	[tilespmem:$0xE0A0] =	vst v63  }
0xf6: {  	s10 =	sshll.u32 s19, $0x4  }
0xf7: {  	s19 =	simm.s32 $0x0;
	s22 =	sadd.s32 s1, s10  }
0xf8: {  	[tilespmem:s20], [sflag:$0xC] =	stream.linear.gather [hbm4b:s22+s19], $0x80, $0x38;
	[tilespmem:$0xE0A0] =	vst v63  }
0xf9: {  	s10 =	sadd.s32 s6, s10  }
0xfa: {  	[tilespmem:s21], [sflag:$0x10] =	stream.linear.gather [hbm4b:s10+s19], $0x80, $0x38;
	[tilespmem:$0xE0A0] =	vst v63  }
0xfb: {  	_ =	swait.ge [sflag:s23], $0xFA0  }
0xfc: {  	[sflag:s23] =	ssyncset.done $0x0  }
0xfd: {  	[sflag:s23] =	ssyncadd.s32 $0xFFFFF060  }
0xfe: {  	_ =	swait.ge [sflag:s24], $0xFA0  }
0xff: {  	[sflag:s24] =	ssyncset.done $0x0  }
0x100: {  	[sflag:s24] =	ssyncadd.s32 $0xFFFFF060  }
0x101: {  	_ =	swait.ge [sflag:s18], $0x80  }
0x102: {  	[sflag:s18] =	ssyncset.done $0x0  }
0x103: {  	v1 =	vmov s19;
	s22 =	simm.s32 $0x1;
	[sflag:s18] =	ssyncadd.s32 $0xFFFFFF80  }
0x104: {  	s12 =	simm.s32 $0x2;
	v2 =	vmov s22;
	_ =	swait.ge [sflag:s11], $0x80  }
0x105: {  	s4 =	sshll.u32 s4, $0x7;
	v3 =	vmov s12;
	s19 =	simm.s32 $0x4;
	[sflag:s11] =	ssyncset.done $0x0  }
0x106: {  	s4 =	sand.u32 $0x3FFFFF80, s4;
	s22 =	simm.s32 $0x3;
	v4 =	vmov s19;
	[sflag:s11] =	ssyncadd.s32 $0xFFFFFF80  }
0x107: {  	v5 =	vmov s22;
	[tilespmem:s26], [sflag:$0x4] =	stream.indirect.gather [hbm4b:s5+s30], $0x20, s4, s30, $0xb8;
	[tilespmem:$0xE0A0] =	vst v63  }
0x108: {  	v6 =	vld.idx.msk [tilespmem:v1+s13+$0x0], $0xffff  }
0x109: {  	v8 =	vld.idx.msk [tilespmem:v2+s13+$0x0], $0xffff  }
0x10a: {  	v3 =	vld.idx.msk [tilespmem:v3+s13+$0x0], $0xffff  }
0x10b: {  	v2 =	vld.idx.msk [tilespmem:v4+s13+$0x0], $0xffff  }
0x10c: {  	s22 =	simm.s32 $0x7390;
	v1 =	vld.idx.msk [tilespmem:v5+s13+$0x0], $0xffff  }
0x10d: {  	v9 =	vld [tilespmem:s22+$0x40]  }
0x10e: {  	v11 =	vld [tilespmem:s22+$0xFFFFFFB0]  }
0x10f: {  	v13 =	vld [tilespmem:s22+$0xFFFFFFC0]  }
0x110: {  	v7 =	vld [tilespmem:s22+$0xFFFFFFD0]  }
0x111: {  	s31 =	simm.s32 $0x5;
	v4 =	vld [tilespmem:s22+$0xFFFFFFE0];
	v2 =	vpack.i.f32.bf16 v2, v2  }
0x112: {  	s12 =	simm.s32 $0x6;
	v5 =	vld [tilespmem:s22+$0xFFFFFFF0];
	v14 =	vpack.i.f32.bf16 v6, v6;
	v15 =	vmul.bf16 v9, v2;
	v9 =	vmov s31  }
0x113: {  	v10 =	vmov s12;
	s19 =	simm.s32 $0x7;
	v6 =	vld [tilespmem:s22+$0x0];
	v12 =	vmul.bf16 v11, v14  }
0x114: {  	s12 =	simm.s32 $0x9;
	s10 =	simm.s32 $0xA;
	s4 =	simm.s32 $0x7390;
	v11 =	vmov s19;
	v14 =	vmul.bf16 v13, v14;
	v13 =	vpack.i.f32.bf16 v8, v8;
	v8 =	vld [tilespmem:s22+$0x10];
	[tilespmem:s22+$0x40] =	vst v15  }
.LBB2_9:
0x115: {  	p0 =	slt.u32 s10, $0x78;
	s19 =	sadd.s32 $0x3, s31;
	v15 =	vmov s12;
	[tilespmem:s22+$0xFFFFFFB0] =	vst v12;
	v7 =	vmul.bf16 v7, v13;
	v12 =	vld [tilespmem:s22+$0x20];
	s31 =	smov.u32 s10  }
0x116: {  	v3 =	vpack.i.f32.bf16 v3, v3;
	v16 =	vmov s19;
	[tilespmem:s22+$0xFFFFFFC0] =	vst v14;
	v4 =	vmul.bf16 v4, v13;
	v13 =	vld [tilespmem:s22+$0x30]  }
0x117: {  	v14 =	vld.idx.msk [tilespmem:v9+s13+$0x0], $0xffff;
	[tilespmem:s22+$0xFFFFFFD0] =	vst v7;
	v5 =	vmul.bf16 v5, v3  }
0x118: {  	v1 =	vpack.i.f32.bf16 v1, v1;
	v17 =	vld.idx.msk [tilespmem:v10+s13+$0x0], $0xffff;
	[tilespmem:s22+$0xFFFFFFE0] =	vst v4;
	v4 =	vmul.bf16 v6, v3  }
0x119: {  	v3 =	vld.idx.msk [tilespmem:v11+s13+$0x0], $0xffff;
	[tilespmem:s22+$0xFFFFFFF0] =	vst v5;
	v5 =	vmul.bf16 v8, v1  }
0x11a: {  	v6 =	vld.idx.msk [tilespmem:v15+s13+$0x0], $0xffff;
	[tilespmem:s22+$0x0] =	vst v4;
	v4 =	vmul.bf16 v12, v1  }
0x11b: {  	s22 =	sadd.s32 $0xA0, s22;
	v1 =	vld.idx.msk [tilespmem:v16+s13+$0x0], $0xffff;
	[tilespmem:s4+$0x10] =	vst v5;
	v2 =	vmul.bf16 v13, v2  }
0x11c: {  	v8 =	vld [tilespmem:s22+$0x40];
	[tilespmem:s4+$0x20] =	vst v4  }
0x11d: {  	v11 =	vld [tilespmem:s22+$0xFFFFFFB0];
	[tilespmem:s4+$0x30] =	vst v2;
	s4 =	smov.u32 s22  }
0x11e: {  	v13 =	vld [tilespmem:s22+$0xFFFFFFC0]  }
.Ltmp5:
0x11f: {  	v7 =	vld [tilespmem:s22+$0xFFFFFFD0];
	(pc) =	sbr.rel @p0 .LBB2_9-.Ltmp5, $4  }
0x120: {  	v2 =	vpack.i.f32.bf16 v6, v6;
	v4 =	vld [tilespmem:s22+$0xFFFFFFE0]  }
0x121: {  	s12 =	sadd.s32 $0x1, s10;
	v9 =	vmov s10;
	v14 =	vpack.i.f32.bf16 v14, v14;
	v5 =	vld [tilespmem:s22+$0xFFFFFFF0];
	v15 =	vmul.bf16 v8, v2  }
0x122: {  	v10 =	vmov s12;
	s12 =	sadd.s32 $0x2, s10;
	v12 =	vmul.bf16 v11, v14;
	v6 =	vld [tilespmem:s22+$0x0]  }
0x123: {  	s10 =	sadd.s32 $0x5, s10;
	v11 =	vmov s12;
	s12 =	sadd.s32 $0x4, s31;
	v14 =	vmul.bf16 v13, v14;
	v13 =	vpack.i.f32.bf16 v17, v17;
	v8 =	vld [tilespmem:s22+$0x10];
	[tilespmem:s22+$0x40] =	vst v15  }
0x124: {  	_ =	sdelay $0x1  }
0x125: {  	v16 =	vld [tilespmem:s22+$0x20]  }
0x126: {  	v18 =	vld [tilespmem:s22+$0x30]  }
0x127: {  	v9 =	vld.idx.msk [tilespmem:v9+s13+$0x0], $0xffff  }
0x128: {  	v15 =	vmov s12;
	v10 =	vld.idx.msk [tilespmem:v10+s13+$0x0], $0xffff;
	v7 =	vmul.bf16 v7, v13  }
0x129: {  	s10 =	sadd.s32 $0x3, s31;
	v11 =	vld.idx.msk [tilespmem:v11+s13+$0x0], $0xffff;
	s19 =	sadd.s32 $0xA0, s22;
	v4 =	vmul.bf16 v4, v13  }
0x12a: {  	v3 =	vpack.i.f32.bf16 v3, v3;
	v17 =	vmov s10;
	[tilespmem:s22+$0xFFFFFFD0] =	vst v7;
	v7 =	vld [tilespmem:s19+$0x40]  }
0x12b: {  	v5 =	vmul.bf16 v5, v3;
	[tilespmem:s22+$0xFFFFFFE0] =	vst v4;
	v4 =	vld [tilespmem:s19+$0xFFFFFFB0]  }
0x12c: {  	[tilespmem:s22+$0xFFFFFFB0] =	vst v12;
	v1 =	vpack.i.f32.bf16 v1, v1;
	v3 =	vmul.bf16 v6, v3;
	v6 =	vld [tilespmem:s19+$0xFFFFFFC0]  }
0x12d: {  	[tilespmem:s22+$0xFFFFFFF0] =	vst v5;
	v5 =	vmul.bf16 v8, v1;
	v12 =	vld.idx.msk [tilespmem:v15+s13+$0x0], $0xffff  }
0x12e: {  	[tilespmem:s22+$0x0] =	vst v3;
	v1 =	vmul.bf16 v16, v1;
	v3 =	vld [tilespmem:s19+$0xFFFFFFD0]  }
0x12f: {  	v2 =	vmul.bf16 v18, v2;
	v13 =	vld.idx.msk [tilespmem:v17+s13+$0x0], $0xffff;
	[tilespmem:s4+$0x10] =	vst v5  }
0x130: {  	v5 =	vld [tilespmem:s19+$0xFFFFFFE0];
	[tilespmem:s4+$0x20] =	vst v1;
	v1 =	vpack.i.f32.bf16 v9, v9  }
0x131: {  	v9 =	vld [tilespmem:s19+$0xFFFFFFF0];
	[tilespmem:s4+$0x30] =	vst v2;
	v2 =	vmul.bf16 v4, v1  }
0x132: {  	[tilespmem:s22+$0xFFFFFFC0] =	vst v14;
	v4 =	vld [tilespmem:s19+$0x0];
	v1 =	vmul.bf16 v6, v1;
	v6 =	vpack.i.f32.bf16 v10, v10  }
0x133: {  	v10 =	vld [tilespmem:s19+$0x10];
	v8 =	vpack.i.f32.bf16 v12, v12;
	[tilespmem:s19+$0xFFFFFFB0] =	vst v2;
	v2 =	vmul.bf16 v3, v6  }
0x134: {  	v3 =	vld [tilespmem:s19+$0x20];
	[tilespmem:s19+$0xFFFFFFC0] =	vst v1;
	v7 =	vmul.bf16 v7, v8  }
0x135: {  	v1 =	vmul.bf16 v5, v6;
	v5 =	vpack.i.f32.bf16 v11, v11;
	v6 =	vld [tilespmem:s19+$0x30];
	[tilespmem:s19+$0xFFFFFFD0] =	vst v2  }
0x136: {  	v2 =	vmul.bf16 v9, v5;
	[tilespmem:s19+$0x40] =	vst v7  }
0x137: {  	[tilespmem:s19+$0xFFFFFFE0] =	vst v1;
	v1 =	vmul.bf16 v4, v5;
	v4 =	vpack.i.f32.bf16 v13, v13  }
0x138: {  	[tilespmem:s19+$0xFFFFFFF0] =	vst v2;
	v2 =	vmul.bf16 v10, v4  }
0x139: {  	[tilespmem:s19+$0x0] =	vst v1;
	v1 =	vmul.bf16 v3, v4  }
0x13a: {  	[tilespmem:s19+$0x10] =	vst v2;
	v2 =	vmul.bf16 v6, v8  }
0x13b: {  	p0 =	seq.s32 s25, $0x27;
	[tilespmem:s19+$0x20] =	vst v1  }
0x13c: {  	s12 =	simm.s32 $0x5100;
	s4 =	simm.s32 @p0 $0x4;
	[tilespmem:s19+$0x30] =	vst v2;
	s19 =	simm.s32 $0x7340  }
0x13d: {  	[spmem:s2] =	stream.indirect.scatter.add.bf16 [tilespmem:s19], [sflag:$0x7], $0x20, s12, s30, $0xb8;
	[tilespmem:$0xE0A0] =	vst v63  }
0x13e: {  	_ =	swait.ge @p0 [sflag:s4], $0xFA0  }
0x13f: {  	[sflag:s4] =	ssyncset.done @p0 $0x0  }
0x140: {  	[sflag:s4] =	ssyncadd.s32 @p0 $0xFFFFF060;
	s4 =	simm.s32 @p0 $0x7  }
0x141: {  	s10 =	sadd.s32 @!p0 $0x4, s29;
	_ =	swait.ge @p0 [sflag:s4], $0xFA0  }
0x142: {  	s12 =	sadd.s32 @!p0 s7, s10;
	[sflag:s4] =	ssyncset.done @p0 $0x0  }
0x143: {  	[sflag:s4] =	ssyncadd.s32 @p0 $0xFFFFF060;
	s4 =	sshll.u32 @!p0 s12, $0x4  }
0x144: {  	s22 =	simm.s32 @!p0 $0x5000;
	s19 =	simm.s32 @!p0 $0x0;
	s12 =	sadd.s32 @!p0 s1, s4  }
0x145: {  	[tilespmem:s22], [sflag:$0x9] =	stream.linear.gather @!p0 [hbm4b:s12+s19], $0x80, $0x38;
	[tilespmem:$0xE0A0] =	vst v63  }
0x146: {  	s4 =	sadd.s32 @!p0 s6, s4;
	s12 =	simm.s32 @!p0 $0x5200  }
0x147: {  	[tilespmem:s12], [sflag:$0xD] =	stream.linear.gather @!p0 [hbm4b:s4+s19], $0x80, $0x38;
	[tilespmem:$0xE0A0] =	vst v63  }
0x148: {  	s4 =	simm.s32 @!p0 $0x4  }
0x149: {  	_ =	swait.ge @!p0 [sflag:s4], $0xFA0  }
0x14a: {  	[sflag:s4] =	ssyncset.done @!p0 $0x0  }
0x14b: {  	[sflag:s4] =	ssyncadd.s32 @!p0 $0xFFFFF060;
	s4 =	simm.s32 @!p0 $0x7  }
0x14c: {  	_ =	swait.ge @!p0 [sflag:s4], $0xFA0  }
0x14d: {  	[sflag:s4] =	ssyncset.done @!p0 $0x0  }
0x14e: {  	[sflag:s4] =	ssyncadd.s32 @!p0 $0xFFFFF060;
	s4 =	simm.s32 @!p0 $0x9  }
0x14f: {  	_ =	swait.ge @!p0 [sflag:s4], $0x80  }
0x150: {  	s10 =	sshll.u32 @!p0 s10, $0x7;
	s22 =	simm.s32 $0x0;
	[sflag:s4] =	ssyncset.done @!p0 $0x0  }
0x151: {  	v1 =	vmov s22;
	s19 =	simm.s32 $0x1;
	[sflag:s4] =	ssyncadd.s32 @!p0 $0xFFFFFF80;
	s4 =	simm.s32 @!p0 $0xD  }
0x152: {  	s22 =	simm.s32 $0x2;
	s12 =	simm.s32 @!p0 $0x7D;
	v2 =	vmov s19;
	_ =	swait.ge @!p0 [sflag:s4], $0x80  }
0x153: {  	v3 =	vmov s22;
	s22 =	simm.s32 $0x3;
	s19 =	simm.s32 @!p0 $0x5400;
	[sflag:s4] =	ssyncset.done @!p0 $0x0  }
0x154: {  	v5 =	vmov s22;
	[sflag:s4] =	ssyncadd.s32 @!p0 $0xFFFFFF80;
	s4 =	sand.u32 @!p0 $0x3FFFFF80, s10;
	s10 =	simm.s32 $0x4  }
0x155: {  	v4 =	vmov s10;
	[tilespmem:s19], [sflag:$0x1] =	stream.indirect.gather @!p0 [hbm4b:s5+s12], $0x20, s4, s12, $0xb8;
	[tilespmem:$0xE0A0] =	vst v63  }
0x156: {  	v6 =	vld.idx.msk [tilespmem:v1+s21+$0x0], $0xffff  }
0x157: {  	v8 =	vld.idx.msk [tilespmem:v2+s21+$0x0], $0xffff  }
0x158: {  	v3 =	vld.idx.msk [tilespmem:v3+s21+$0x0], $0xffff  }
0x159: {  	v1 =	vld.idx.msk [tilespmem:v5+s21+$0x0], $0xffff  }
0x15a: {  	s22 =	simm.s32 $0x8330;
	v2 =	vld.idx.msk [tilespmem:v4+s21+$0x0], $0xffff  }
0x15b: {  	v9 =	vld [tilespmem:s22+$0x40]  }
0x15c: {  	v11 =	vld [tilespmem:s22+$0xFFFFFFB0]  }
0x15d: {  	v13 =	vld [tilespmem:s22+$0xFFFFFFC0]  }
0x15e: {  	v7 =	vld [tilespmem:s22+$0xFFFFFFD0]  }
0x15f: {  	s31 =	simm.s32 $0x5;
	v4 =	vld [tilespmem:s22+$0xFFFFFFE0];
	v2 =	vpack.i.f32.bf16 v2, v2  }
0x160: {  	s12 =	simm.s32 $0x6;
	v5 =	vld [tilespmem:s22+$0xFFFFFFF0];
	v14 =	vpack.i.f32.bf16 v6, v6;
	v15 =	vmul.bf16 v9, v2;
	v9 =	vmov s31  }
0x161: {  	s19 =	simm.s32 $0x7;
	v10 =	vmov s12;
	v6 =	vld [tilespmem:s22+$0x0];
	v12 =	vmul.bf16 v11, v14  }
0x162: {  	s10 =	simm.s32 $0xA;
	s4 =	simm.s32 $0x8330;
	s12 =	simm.s32 $0x9;
	v11 =	vmov s19;
	v14 =	vmul.bf16 v13, v14;
	v13 =	vpack.i.f32.bf16 v8, v8;
	v8 =	vld [tilespmem:s22+$0x10];
	[tilespmem:s22+$0x40] =	vst v15  }
.LBB2_11:
0x163: {  	p1 =	slt.u32 s10, $0x78;
	s19 =	sadd.s32 $0x3, s31;
	v15 =	vmov s12;
	[tilespmem:s22+$0xFFFFFFB0] =	vst v12;
	v7 =	vmul.bf16 v7, v13;
	v12 =	vld [tilespmem:s22+$0x20];
	s31 =	smov.u32 s10  }
0x164: {  	v3 =	vpack.i.f32.bf16 v3, v3;
	v16 =	vmov s19;
	[tilespmem:s22+$0xFFFFFFC0] =	vst v14;
	v4 =	vmul.bf16 v4, v13;
	v13 =	vld [tilespmem:s22+$0x30]  }
0x165: {  	v14 =	vld.idx.msk [tilespmem:v9+s21+$0x0], $0xffff;
	[tilespmem:s22+$0xFFFFFFD0] =	vst v7;
	v5 =	vmul.bf16 v5, v3  }
0x166: {  	v1 =	vpack.i.f32.bf16 v1, v1;
	v17 =	vld.idx.msk [tilespmem:v10+s21+$0x0], $0xffff;
	[tilespmem:s22+$0xFFFFFFE0] =	vst v4;
	v4 =	vmul.bf16 v6, v3  }
0x167: {  	v3 =	vld.idx.msk [tilespmem:v11+s21+$0x0], $0xffff;
	[tilespmem:s22+$0xFFFFFFF0] =	vst v5;
	v5 =	vmul.bf16 v8, v1  }
0x168: {  	v6 =	vld.idx.msk [tilespmem:v15+s21+$0x0], $0xffff;
	[tilespmem:s22+$0x0] =	vst v4;
	v4 =	vmul.bf16 v12, v1  }
0x169: {  	s22 =	sadd.s32 $0xA0, s22;
	v1 =	vld.idx.msk [tilespmem:v16+s21+$0x0], $0xffff;
	[tilespmem:s4+$0x10] =	vst v5;
	v2 =	vmul.bf16 v13, v2  }
0x16a: {  	v8 =	vld [tilespmem:s22+$0x40];
	[tilespmem:s4+$0x20] =	vst v4  }
0x16b: {  	v11 =	vld [tilespmem:s22+$0xFFFFFFB0];
	[tilespmem:s4+$0x30] =	vst v2;
	s4 =	smov.u32 s22  }
0x16c: {  	v13 =	vld [tilespmem:s22+$0xFFFFFFC0]  }
.Ltmp6:
0x16d: {  	v7 =	vld [tilespmem:s22+$0xFFFFFFD0];
	(pc) =	sbr.rel @p1 .LBB2_11-.Ltmp6, $4  }
0x16e: {  	v2 =	vpack.i.f32.bf16 v6, v6;
	v4 =	vld [tilespmem:s22+$0xFFFFFFE0]  }
0x16f: {  	s12 =	sadd.s32 $0x1, s10;
	v9 =	vmov s10;
	v14 =	vpack.i.f32.bf16 v14, v14;
	v5 =	vld [tilespmem:s22+$0xFFFFFFF0];
	v15 =	vmul.bf16 v8, v2  }
0x170: {  	v10 =	vmov s12;
	s12 =	sadd.s32 $0x2, s10;
	v12 =	vmul.bf16 v11, v14;
	v6 =	vld [tilespmem:s22+$0x0]  }
0x171: {  	s10 =	sadd.s32 $0x5, s10;
	v11 =	vmov s12;
	s12 =	sadd.s32 $0x4, s31;
	v14 =	vmul.bf16 v13, v14;
	v13 =	vpack.i.f32.bf16 v17, v17;
	v8 =	vld [tilespmem:s22+$0x10];
	[tilespmem:s22+$0x40] =	vst v15  }
0x172: {  	_ =	sdelay $0x1  }
0x173: {  	v16 =	vld [tilespmem:s22+$0x20]  }
0x174: {  	v18 =	vld [tilespmem:s22+$0x30]  }
0x175: {  	v9 =	vld.idx.msk [tilespmem:v9+s21+$0x0], $0xffff  }
0x176: {  	v10 =	vld.idx.msk [tilespmem:v10+s21+$0x0], $0xffff  }
0x177: {  	s10 =	sadd.s32 $0x3, s31;
	v11 =	vld.idx.msk [tilespmem:v11+s21+$0x0], $0xffff;
	s31 =	sadd.s32 $0xA0, s22  }
0x178: {  	v15 =	vmov s12;
	[tilespmem:s22+$0xFFFFFFB0] =	vst v12;
	v7 =	vmul.bf16 v7, v13;
	v51 =	vld [tilespmem:s31+$0x40]  }
0x179: {  	v3 =	vpack.i.f32.bf16 v3, v3;
	[tilespmem:s22+$0xFFFFFFC0] =	vst v14;
	v4 =	vmul.bf16 v4, v13;
	v52 =	vld [tilespmem:s31+$0xFFFFFFB0]  }
0x17a: {  	v54 =	vld [tilespmem:s31+$0xFFFFFFC0];
	[tilespmem:s22+$0xFFFFFFD0] =	vst v7;
	v5 =	vmul.bf16 v5, v3;
	v3 =	vmul.bf16 v6, v3  }
0x17b: {  	v1 =	vpack.i.f32.bf16 v1, v1;
	v17 =	vmov s10;
	v55 =	vld [tilespmem:s31+$0xFFFFFFE0];
	[tilespmem:s22+$0xFFFFFFE0] =	vst v4  }
0x17c: {  	v53 =	vmul.bf16 v8, v1;
	[tilespmem:s22+$0x0] =	vst v3;
	v1 =	vmul.bf16 v16, v1;
	v3 =	vld [tilespmem:s31+$0xFFFFFFD0]  }
0x17d: {  	[tilespmem:s22+$0xFFFFFFF0] =	vst v5;
	v49 =	vld.idx.msk [tilespmem:v15+s21+$0x0], $0xffff;
	v2 =	vmul.bf16 v18, v2  }
0x17e: {  	v57 =	vld [tilespmem:s31+$0xFFFFFFF0];
	[tilespmem:s4+$0x20] =	vst v1;
	v1 =	vpack.i.f32.bf16 v9, v9  }
0x17f: {  	v58 =	vld [tilespmem:s31+$0x0];
	[tilespmem:s4+$0x30] =	vst v2;
	v2 =	vmul.bf16 v52, v1  }
0x180: {  	v59 =	vpack.i.f32.bf16 v10, v10;
	v50 =	vld.idx.msk [tilespmem:v17+s21+$0x0], $0xffff;
	[tilespmem:s4+$0x10] =	vst v53;
	v1 =	vmul.bf16 v54, v1  }
0x181: {  	v60 =	vld [tilespmem:s31+$0x10];
	[tilespmem:s31+$0xFFFFFFB0] =	vst v2;
	v2 =	vmul.bf16 v3, v59  }
0x182: {  	v56 =	vpack.i.f32.bf16 v49, v49;
	v3 =	vld [tilespmem:s31+$0x20];
	[tilespmem:s31+$0xFFFFFFC0] =	vst v1;
	v1 =	vmul.bf16 v55, v59  }
0x183: {  	v62 =	vld [tilespmem:s31+$0x30];
	v61 =	vpack.i.f32.bf16 v11, v11;
	v7 =	vmul.bf16 v51, v56;
	[tilespmem:s31+$0xFFFFFFD0] =	vst v2  }
0x184: {  	v2 =	vmul.bf16 v57, v61;
	[tilespmem:s31+$0xFFFFFFE0] =	vst v1  }
0x185: {  	v63 =	vpack.i.f32.bf16 v50, v50;
	v1 =	vmul.bf16 v58, v61;
	[tilespmem:s31+$0x40] =	vst v7  }
0x186: {  	[tilespmem:s31+$0xFFFFFFF0] =	vst v2;
	v2 =	vmul.bf16 v60, v63  }
.Ltmp7:
0x187: {  	[tilespmem:s31+$0x0] =	vst v1;
	v1 =	vmul.bf16 v3, v63;
	(pc) =	sbr.rel @p0 .LBB2_14-.Ltmp7, $4  }
0x188: {  	[tilespmem:s31+$0x10] =	vst v2;
	v2 =	vmul.bf16 v62, v56  }
0x189: {  	[tilespmem:s31+$0x20] =	vst v1  }
0x18a: {  	[tilespmem:s31+$0x30] =	vst v2  }
0x18b: {  	[spmem:s2] =	stream.indirect.scatter.add.bf16 [tilespmem:s26], [sflag:$0x8], $0x20, s20, s30, $0xb8;
	[tilespmem:$0xE0A0] =	vst v63  }
0x18c: {  	s4 =	rddreg [dreg:$0x12]  }
0x18d: {  	s4 =	sadd.s32 s29, s4  }
.Ltmp8:
0x18e: {  	s4 =	sshll.u32 s4, $0x4;
	(pc) =	sbr.rel .LBB2_4-.Ltmp8, $4  }
0x18f: {  	s12 =	simm.s32 $0x0;
	s19 =	simm.s32 $0x5080;
	s10 =	sadd.s32 s1, s4  }
0x190: {  	[tilespmem:s19], [sflag:$0xA] =	stream.linear.gather [hbm4b:s10+s12], $0x80, $0x38;
	[tilespmem:$0xE0A0] =	vst v63  }
0x191: {  	s25 =	sadd.s32 $0x1, s25;
	s4 =	sadd.s32 s6, s4  }
0x192: {  	[tilespmem:s0], [sflag:$0xE] =	stream.linear.gather [hbm4b:s4+s12], $0x80, $0x38;
	[tilespmem:$0xE0A0] =	vst v63  }
.LBB2_15:
0x193: {  	_ =	sfence.sel $0x180000  }
0x194: {  	[bflag:$0x0] =	sbarrier.arrive $0xFFFF  }
0x195: {  	_ =	strace $0x90000047  }
0x196: {  	s0 =	stileid.u32;
	[bflag:$0x2] =	sbarrier.arrive $0xFFFF  }
0x197: {  	p0 =	sne.s32 s0, $0x0;
	s0 =	rddreg [dreg:$0x3]  }
0x198: {  	s0 =	sadd.s32 @!p0 $0x100000, s0  }
0x199: {  	[sflag:s0] =	ssyncadd.tile.s32 @!p0 $0x1;
	_ =	shalt  }
.Lfunc_end2:
_tile_overlayer_lowered:
.L_overlay_start_2:
0x19a: {  	(tag) =	ssettag $0x2  }
0x19b: {  	s0 =	rddreg [dreg:$0x0];
	s2 =	stileid.u32  }
0x19c: {  	s1 =	rddreg [dreg:$0x1];
	p0 =	sne.s32 s2, $0x0  }
0x19d: {  	s3 =	rddreg [dreg:$0x2];
	[bflag:$0x3] =	sbarrier.arrive $0xFFFF;
	s2 =	simm.s32 @!p0 $0x1C11  }
0x19e: {  	[timem:s3], [sflag:s2] =	dma.local @!p0 [hbm:s0], s1  }
0x19f: {  	s0 =	simm.s32 @!p0 $0x11  }
0x1a0: {  	_ =	swait.ge @!p0 [sflag:s0], s1  }
0x1a1: {  	s1 =	ssub.s32 @!p0 $0x0, s1;
	[sflag:s0] =	ssyncset.done @!p0 $0x0  }
0x1a2: {  	[sflag:s0] =	ssyncadd.s32 @!p0 s1  }
0x1a3: {  	[bflag:$0x3] =	sbarrier.arrive $0xFFFF  }
0x1a4: {  	_ =	shalt  }

// kernel: kernel.9.cloned.1.call-start
scs
__scs_entry_jumppad:
0x0: {  	(pc) =	sbr.rel $0x88, $3  }
0x1: {  	(tag) =	ssettag $0x0;
	lr =	simm.s32 $0x1  }
0x2: {  	[smem:$0x3F99] =	sst lr;
	_ =	strace $0xD0000000  }
0x3: {  	_ = 	snop  }
0x4: {  	_ = 	snop  }
0x5: {  	_ = 	snop  }
0x6: {  	_ = 	snop  }
0x7: {  	_ = 	snop  }
__scs_overlays_trampoline_lowered:
0x8: {  	[smem:$0x3FA8] =	sst s0  }
0x9: {  	[smem:$0x3FA9] =	sst s1  }
0xa: {  	[smem:$0x3FAA] =	sst s2  }
0xb: {  	[smem:$0x3FAB] =	sst s3  }
0xc: {  	[smem:$0x3FAC] =	sst s4  }
0xd: {  	[smem:$0x3FAD] =	sst s5  }
0xe: {  	[smem:$0x3FAE] =	sst s6  }
0xf: {  	[smem:$0x3FAF] =	sst s7  }
0x10: {  	[smem:$0x3FB0] =	sst s8  }
0x11: {  	[smem:$0x3FB1] =	sst s9;
	s0 =	simm.s32 @!p0 $0x0  }
0x12: {  	s1 =	sld [smem:$0x3F97];
	s0 =	simm.s32 @p0 $0x1  }
0x13: {  	[smem:$0x3FB2] =	sst s0;
	s0 =	simm.s32 @!p1 $0x0  }
0x14: {  	s2 =	sld [smem:$0x3F96];
	s0 =	simm.s32 @p1 $0x1  }
0x15: {  	[smem:$0x3FB3] =	sst s0;
	s0 =	simm.s32 @!p2 $0x0  }
0x16: {  	s3 =	sld [smem:$0x3FDB];
	s0 =	simm.s32 @p2 $0x1  }
0x17: {  	s4 =	simm.s32 $0x1BF5;
	[smem:$0x3FB5] =	sst s0  }
0x18: {  	s0 =	sld [smem:$0x3F98];
	_ =	swait.ge [sflag:s4], $0x0  }
0x19: {  	s7 =	sld [smem:$0x3F99]  }
0x1a: {  	s8 =	sadd.s32 $0xFFFFE003, lr  }
0x1b: {  	s9 =	sadd.s32 $0xFFFFFEF7, lr;
	s5 =	simm.s32 $0xFFFFFFFF;
	p2 =	slt.u32 s8, $0xFFFFF086  }
0x1c: {  	p1 =	slt.u32 s9, $0xF7A;
	s5 =	simm.s32 @!p2 $0x0  }
0x1d: {  	s5 =	simm.s32 @p1 $0x1;
	p0 =	seq.s32 s7, s2  }
0x1e: {  	s7 =	smul.u32 @!p0 $0xF7A, s2;
	p2 =	seq.s32 @!p0 s5, $0x0  }
0x1f: {  	s9 =	smul.u32 $0xF7A, s1;
	s8 =	simm.s32 @!p0 $0x1BF5;
	p2 =	por !p2, p0  }
0x20: {  	[sflag:s8] =	ssyncset.s32 @!p0 $0xFFFFF086;
	s6 =	sadd.s32 @!p0 s3, s7;
	s7 =	simm.s32 @!p0 $0x108  }
0x21: {  	s3 =	sadd.s32 s3, s9;
	s6 =	sadd.s32 @!p0 $0x88, s6;
	s7 =	simm.s32 @p2 $0x1082  }
0x22: {  	[simem:s7], [sflag:s8] =	dma.local @!p0 [hbm:s6], $0xF7A  }
0x23: {  	s9 =	sor.u32 $0xD0000000, s2;
	s6 =	simm.s32 $0x108;
	_ =	swait.ge @!p0 [sflag:s8], $0x0  }
0x24: {  	s3 =	sadd.s32 $0x88, s3;
	s6 =	simm.s32 @!p1 $0x1082;
	[sflag:s4] =	ssyncset.s32 $0xFFFFF086  }
0x25: {  	[simem:s6], [sflag:s4] =	dma.local [hbm:s3], $0xF7A  }
0x26: {  	[smem:$0x3F99] =	sst s1;
	(tag) =	ssettag s2;
	_ =	strace s9  }
0x27: {  	s1 =	sld [smem:$0x3FA9]  }
0x28: {  	s2 =	sld [smem:$0x3FAA]  }
0x29: {  	s4 =	sld [smem:$0x3FAC]  }
0x2a: {  	p0 =	seq.s32 s5, $0x0;
	s5 =	sld [smem:$0x3FAD]  }
0x2b: {  	s6 =	sld [smem:$0x3FAE]  }
0x2c: {  	s7 =	sld [smem:$0x3FAF]  }
0x2d: {  	s3 =	simm.s32 $0x108;
	s8 =	sld [smem:$0x3FB0]  }
0x2e: {  	s3 =	simm.s32 @!p0 $0x1082;
	s9 =	sld [smem:$0x3FB1]  }
0x2f: {  	lr =	sadd.s32 s0, s3;
	s0 =	sld [smem:$0x3FA8]  }
0x30: {  	s3 =	sld [smem:$0x3FAB]  }
0x31: {  	[smem:$0x3FB4] =	sst s10  }
0x32: {  	s10 =	sld [smem:$0x3FB2];
	_ =	sdelay $0x3  }
0x33: {  	p0 =	seq.s32 s10, $0x1;
	s10 =	sld [smem:$0x3FB4];
	_ =	sdelay $0x3  }
0x34: {  	[smem:$0x3FB4] =	sst s10  }
0x35: {  	s10 =	sld [smem:$0x3FB3];
	_ =	sdelay $0x3  }
0x36: {  	p1 =	seq.s32 s10, $0x1;
	s10 =	sld [smem:$0x3FB4];
	_ =	sdelay $0x3  }
0x37: {  	[smem:$0x3FB4] =	sst s10  }
0x38: {  	s10 =	sld [smem:$0x3FB5]  }
0x39: {  	_ = 	snop;
	(pc) =	sbr.ind lr, $3  }
0x3a: {  	_ = 	snop  }
0x3b: {  	_ = 	snop  }
0x3c: {  	p2 =	seq.s32 s10, $0x1;
	s10 =	sld [smem:$0x3FB4]  }
0x3d: {  	_ =	shalt  }
0x3e: {  	_ =	shalt  }
0x3f: {  	_ =	shalt  }
0x40: {  	_ =	shalt  }
0x41: {  	_ =	shalt  }
0x42: {  	_ =	shalt  }
0x43: {  	_ =	shalt  }
0x44: {  	_ =	shalt  }
0x45: {  	_ =	shalt  }
0x46: {  	_ =	shalt  }
0x47: {  	_ =	shalt  }
0x48: {  	_ =	shalt  }
0x49: {  	_ =	shalt  }
0x4a: {  	_ =	shalt  }
0x4b: {  	_ =	shalt  }
0x4c: {  	_ =	shalt  }
0x4d: {  	_ =	shalt  }
0x4e: {  	_ =	shalt  }
0x4f: {  	_ =	shalt  }
0x50: {  	_ =	shalt  }
0x51: {  	_ =	shalt  }
0x52: {  	_ =	shalt  }
0x53: {  	_ =	shalt  }
0x54: {  	_ =	shalt  }
0x55: {  	_ =	shalt  }
0x56: {  	_ =	shalt  }
0x57: {  	_ =	shalt  }
0x58: {  	_ =	shalt  }
0x59: {  	_ =	shalt  }
0x5a: {  	_ =	shalt  }
0x5b: {  	_ =	shalt  }
0x5c: {  	_ =	shalt  }
0x5d: {  	_ =	shalt  }
0x5e: {  	_ =	shalt  }
0x5f: {  	_ =	shalt  }
0x60: {  	_ =	shalt  }
0x61: {  	_ =	shalt  }
0x62: {  	_ =	shalt  }
0x63: {  	_ =	shalt  }
0x64: {  	_ =	shalt  }
0x65: {  	_ =	shalt  }
0x66: {  	_ =	shalt  }
0x67: {  	_ =	shalt  }
0x68: {  	_ =	shalt  }
0x69: {  	_ =	shalt  }
0x6a: {  	_ =	shalt  }
0x6b: {  	_ =	shalt  }
0x6c: {  	_ =	shalt  }
0x6d: {  	_ =	shalt  }
0x6e: {  	_ =	shalt  }
0x6f: {  	_ =	shalt  }
0x70: {  	_ =	shalt  }
0x71: {  	_ =	shalt  }
0x72: {  	_ =	shalt  }
0x73: {  	_ =	shalt  }
0x74: {  	_ =	shalt  }
0x75: {  	_ =	shalt  }
0x76: {  	_ =	shalt  }
0x77: {  	_ =	shalt  }
0x78: {  	_ =	shalt  }
0x79: {  	_ =	shalt  }
0x7a: {  	_ =	shalt  }
0x7b: {  	_ =	shalt  }
0x7c: {  	_ =	shalt  }
0x7d: {  	_ =	shalt  }
0x7e: {  	_ =	shalt  }
0x7f: {  	_ =	shalt  }
0x80: {  	_ =	shalt  }
0x81: {  	_ =	shalt  }
0x82: {  	_ =	shalt  }
0x83: {  	_ =	shalt  }
0x84: {  	_ =	shalt  }
0x85: {  	_ =	shalt  }
0x86: {  	_ =	shalt  }
0x87: {  	_ =	shalt  }
.Lfunc_end0:
.L_simem_size_0:
called_computation.1_lowered:
.L_overlay_start_0:
0x88: {  	s2 =	sld [smem:$0x3FD9]  }
0x89: {  	s3 =	sld [smem:$0x3FFE];
	_ =	sdelay $0x1  }
0x8a: {  	s1 =	srdreg.scid  }
0x8b: {  	s0 =	sand.u32 $0x1, s1  }
0x8c: {  	s17 =	sshll.u32 s0, $0xA;
	s2 =	sadd.s32 s3, s2  }
0x8d: {  	s2 =	sadd.s32 s2, s17  }
0x8e: {  	[smem:$0x3FC0] =	sst s2  }
0x8f: {  	_ = 	snop  }
0x90: {  	s2 =	sld [smem:$0x3FD0];
	(tm) =	ssettm $0x1  }
0x91: {  	s18 =	sld [smem:$0x3FFB];
	_ =	sdelay $0x3  }
0x92: {  	_ =	strace s18  }
0x93: {  	s3 =	sld [smem:$0x3FFC];
	_ =	sdelay $0x3  }
0x94: {  	_ =	strace s3  }
0x95: {  	s3 =	sld [smem:$0x3FFD];
	_ =	sdelay $0x3  }
0x96: {  	_ =	strace s3  }
0x97: {  	_ =	strace $0x8FFFFFFF  }
0x98: {  	s19 =	sld [smem:$0x3FDB];
	_ =	sdelay $0x1  }
0x99: {  	s4 =	simm.s32 $_scs_section_size  }
0x9a: {  	s5 =	simm.s32 $_size__tile_overlayer_lowered;
	s6 =	simm.s32 $_tile_overlayer_lowered  }
0x9b: {  	s22 =	simm.s32 $0x1BFF;
	s21 =	sshll.u32 s6, $0x1;
	s3 =	sadd.s32 s4, s19  }
0x9c: {  	s7 =	simm.s32 $0x0;
	s20 =	sshll.u32 s5, $0x1;
	s5 =	sadd.s32 s21, s3  }
0x9d: {  	[timem:s7], [sflag:s22] =	dma.local [hbm:s5], s20  }
0x9e: {  	_ =	swait.ge [sflag:s22], s20  }
0x9f: {  	s4 =	ssub.s32 $0x0, s20;
	[sflag:s22] =	ssyncset.done $0x0  }
0xa0: {  	[sflag:s22] =	ssyncadd.s32 s4;
	_ =	sdelay $0x1  }
0xa1: {  	s23 =	simm.s32 $0x1B8B  }
0xa2: {  	_ =	swait.ge [sflag:s23], $0x1  }
0xa3: {  	[sflag:s23] =	ssyncset.done $0x0  }
0xa4: {  	s25 =	simm.s32 $0x1B8E;
	s24 =	sld [smem:$0x3FFE];
	[sflag:s23] =	ssyncadd.s32 $0xFFFFFFFF  }
0xa5: {  	s26 =	simm.s32 $execute0_lowered;
	[smem:$0x3FD2] =	sst s25  }
0xa6: {  	s5 =	sshll.u32 s26, $0x1;
	_ =	strace $0x80000049;
	[dreg:$0x1] =	wrdreg $0xFFFFFFFF  }
0xa7: {  	s28 =	simm.s32 $_size_execute0_lowered;
	s3 =	sadd.s32 s3, s5;
	[dreg:$0x0] =	wrdreg $0x0  }
0xa8: {  	s5 =	sshll.u32 s28, $0x1;
	[dreg:$0x2] =	wrdreg s3  }
0xa9: {  	[dreg:$0x3] =	wrdreg s5  }
0xaa: {  	[dreg:$0x4] =	wrdreg $0xC0  }
0xab: {  	_ =	task [dreg:s7], $0x5FFFF  }
0xac: {  	[dreg:$0x1] =	wrdreg $0xFFFFFFFF  }
0xad: {  	[dreg:$0x0] =	wrdreg $0x60  }
0xae: {  	[dreg:$0x2] =	wrdreg s24  }
0xaf: {  	[dreg:$0x3] =	wrdreg s2  }
0xb0: {  	[dreg:$0x4] =	wrdreg $0x89C00  }
0xb1: {  	[dreg:$0x5] =	wrdreg $0x9  }
0xb2: {  	_ =	task.clear_ibuf [dreg:s7], $0x6FFFF;
	_ =	strace $0x90000049  }
0xb3: {  	s29 =	simm.s32 $0x9;
	_ =	strace $0x8000004B  }
0xb4: {  	_ =	swait.ge [sflag:s29], $0x1  }
0xb5: {  	[sflag:s29] =	ssyncadd.s32 $0xFFFFFFFF  }
0xb6: {  	_ =	strace $0x9000004B  }
0xb7: {  	_ =	sfence  }
0xb8: {  	s30 =	sld [smem:$0x0];
	_ =	sdelay $0x2  }
0xb9: {  	s31 =	sshll.u32 s1, $0xD;
	s1 =	sshrl.u32 s1, $0x2  }
0xba: {  	s3 =	sand.u32 $0x4000, s31;
	s1 =	sadd.s32 s1, s30  }
0xbb: {  	s0 =	sor.u32 s3, s0;
	s1 =	sshll.u32 s1, $0x11  }
0xbc: {  	s0 =	sor.u32 s1, s0  }
0xbd: {  	s0 =	sadd.s32 $0x8F2B, s0  }
0xbe: {  	[sflag:s0] =	ssyncadd.remote.s32 $0x1  }
0xbf: {  	_ =	sfence.sel $0xFFFF  }
0xc0: {  	[dreg:$0x0] =	wrdreg $0xFFFFFFFF;
	(pc) =	sbr.abs _section_cstart, $3  }
0xc1: {  	[dreg:$0x1] =	wrdreg $0xFFFFFFFF  }
0xc2: {  	_ =	task.clear_ibuf [dreg:s7], $0x2FFFF;
	_ =	strace $0x9FFFFFFF  }
0xc3: {  	(tm) =	ssettm $0x7FFFFFFF  }
tec
execute0_lowered:
.L_overlay_start_1:
0x0: {  	(tag) =	ssettag $0x1  }
0x1: {  	s0 =	rddreg [dreg:$0x0]  }
0x2: {  	s2 =	rddreg [dreg:$0x1]  }
0x3: {  	s3 =	rddreg [dreg:$0x2];
	s1 =	srdreg.scid  }
0x4: {  	s13 =	stileid.u32;
	s7 =	simm.s32 $0x0;
	s28 =	simm.s32 $0x2A00  }
0x5: {  	s30 =	simm.s32 $0x7D;
	s1 =	sand.u32 $0x1, s1;
	s4 =	smul.u32 $0x280, s13  }
0x6: {  	[smem:$0x7FF] =	sst s7;
	s15 =	smul.u32 $0x1E000, s13;
	s5 =	sshll.u32 s1, $0x4  }
0x7: {  	s6 =	smul.u32 $0x2710, s1;
	_ =	strace $0x8000004A;
	s14 =	sor.u32 s13, s5  }
0x8: {  	s1 =	ssub.s32 $0x2, s1;
	s8 =	smin.u32 s4, $0x2490;
	s9 =	smul.u32 $0x500, s14  }
0x9: {  	s5 =	sadd.s32 $0x15E00, s0;
	s18 =	smin.u32 s4, $0x2530;
	s7 =	smul.u32 $0x50, s14  }
0xa: {  	s12 =	sshrl.u32 s1, $0x1;
	s4 =	smin.u32 s4, $0x24E0;
	s20 =	smul.u32 $0xC0, s18  }
0xb: {  	s13 =	simm.s32 $0x2B00;
	s6 =	sadd.s32 s6, s8;
	s4 =	smul.u32 $0xC0, s4  }
0xc: {  	s1 =	ssub.s32 s1, s12;
	s8 =	smul.u32 $0xC0, s8;
	s12 =	simm.s32 $0x11  }
0xd: {  	s14 =	simm.s32 $0x2;
	s18 =	simm.s32 $0xC;
	s10 =	smul.u32 $0x6, s6  }
0xe: {  	s6 =	sadd.s32 $0x29800, s0;
	s31 =	smax.u32 s1, $0x1;
	s1 =	simm.s32 $0x1  }
0xf: {  	s11 =	sadd.s32 s9, s0;
	s16 =	sadd.s32 s2, s9;
	s17 =	sadd.s32 s6, s9  }
0x10: {  	s4 =	sshrl.u32 s4, $0x2;
	s8 =	sshrl.u32 s8, $0x2;
	s25 =	sor.u32 $0x10, s9  }
0x11: {  	s29 =	sor.u32 $0x5, s7;
	[dreg:$0x14] =	wrdreg s31;
	s9 =	simm.s32 $0xE  }
0x12: {  	s0 =	sadd.s32 s10, s0;
	s11 =	sadd.s32 $0x1E00, s11;
	[dreg:$0x5] =	wrdreg s16  }
0x13: {  	[dreg:$0x6] =	wrdreg s17;
	s10 =	sshrl.u32 s15, $0x2;
	s4 =	sadd.s32 s4, s3  }
0x14: {  	s8 =	sadd.s32 s8, s3;
	s26 =	sadd.s32 s2, s25;
	[dreg:$0x12] =	wrdreg s29  }
0x15: {  	s15 =	simm.s32 $0x5;
	s16 =	simm.s32 $0xB;
	[dreg:$0x4] =	wrdreg s11  }
0x16: {  	s17 =	simm.s32 $0xF;
	s19 =	sadd.s32 s10, s3;
	[dreg:$0xe] =	wrdreg s8  }
0x17: {  	s10 =	sshrl.u32 s20, $0x2;
	s4 =	sadd.s32 $0x5A00, s4;
	[dreg:$0x10] =	wrdreg s26  }
0x18: {  	s8 =	sadd.s32 $0x6900, s8;
	s0 =	sadd.s32 $0x33800, s0;
	[dreg:$0x7] =	wrdreg s19  }
0x19: {  	s20 =	simm.s32 $0x2980;
	s11 =	simm.s32 $0x10;
	[dreg:$0xd] =	wrdreg s4  }
0x1a: {  	s26 =	simm.s32 $0x7250;
	s21 =	sadd.s32 $0xF00, s19;
	[dreg:$0xf] =	wrdreg s8  }
0x1b: {  	s22 =	sadd.s32 $0x1E00, s19;
	s23 =	sadd.s32 $0x2D00, s19;
	[dreg:$0x13] =	wrdreg s0  }
0x1c: {  	s24 =	sadd.s32 $0x3C00, s19;
	s10 =	sadd.s32 s10, s3;
	[dreg:$0x8] =	wrdreg s21  }
.Ltmp0:
0x1d: {  	s4 =	sadd.s32 s6, s25;
	[dreg:$0x9] =	wrdreg s22;
	(pc) =	sbr.rel .LBB2_1-.Ltmp0, $4  }
0x1e: {  	s0 =	simm.s32 $0x2A80;
	s8 =	simm.s32 $0xA;
	[dreg:$0xa] =	wrdreg s23  }
0x1f: {  	s19 =	simm.s32 $0x5AE0;
	[dreg:$0xb] =	wrdreg s24;
	s10 =	sadd.s32 $0x4B00, s10  }
0x20: {  	[dreg:$0x11] =	wrdreg s4;
	s21 =	simm.s32 $0x2B80;
	s23 =	simm.s32 $0x3  }
0x21: {  	v0 =	vimm.f32 $0.0e+00;
	s24 =	simm.s32 $0x6;
	[dreg:$0xc] =	wrdreg s10;
	s10 =	simm.s32 $0x0  }
.LBB2_14:
0x22: {  	s4 =	simm.s32 $0x8  }
0x23: {  	_ =	swait.ge [sflag:s4], $0x1770  }
0x24: {  	[sflag:s4] =	ssyncset.done $0x0  }
0x25: {  	[sflag:s4] =	ssyncadd.s32 $0xFFFFE890  }
0x26: {  	s25 =	stileid.u32;
	[bflag:$0x0] =	sbarrier.arrive $0xFFFF  }
0x27: {  	s4 =	sshll.u32 s25, $0x6;
	s10 =	rddreg [dreg:$0xe]  }
0x28: {  	s4 =	sor.u32 $0x1C11, s4;
	s12 =	rddreg [dreg:$0x13];
	s10 =	sshrl.u32 s10, $0x3  }
0x29: {  	[hbm:s12], [sflag:s4] =	dma.local [spmem:s10], $0xF00  }
0x2a: {  	s12 =	simm.s32 $0x11  }
0x2b: {  	_ =	swait.ge [sflag:s12], $0xF00  }
0x2c: {  	s29 =	rddreg [dreg:$0x15]  }
0x2d: {  	s31 =	rddreg [dreg:$0x14];
	s10 =	sadd.s32 $0x1, s29  }
0x2e: {  	p0 =	sne.s32 s10, s31  }
.Ltmp1:
0x2f: {  	_ = 	snop;
	(pc) =	sbr.rel @!p0 .LBB2_15-.Ltmp1, $3  }
0x30: {  	_ =	sdelay $0x1  }
0x31: {  	[sflag:s12] =	ssyncset.done $0x0  }
0x32: {  	[sflag:s12] =	ssyncadd.s32 $0xFFFFF100  }
.LBB2_1:
0x33: {  	[dreg:$0x15] =	wrdreg s10  }
0x34: {  	s4 =	simm.s32 $0x0;
	s25 =	rddreg [dreg:$0x4]  }
0x35: {  	[tilespmem:s4], [sflag:$0x11] =	stream.linear.gather [hbm4b:s25+s4], $0x2800, $0x38;
	[tilespmem:$0xFEF0] =	vst v63  }
0x36: {  	_ =	swait.ge [sflag:s12], $0x2800  }
0x37: {  	[sflag:s12] =	ssyncset.done $0x0  }
0x38: {  	s22 =	simm.s32 $0x2800;
	s29 =	rddreg [dreg:$0x5];
	[sflag:s12] =	ssyncadd.s32 $0xFFFFD800  }
0x39: {  	[tilespmem:s22], [sflag:$0x11] =	stream.linear.gather [hbm4b:s29+s4], $0x80, $0x38;
	[tilespmem:$0xFEF0] =	vst v63  }
0x3a: {  	_ =	swait.ge [sflag:s12], $0x80  }
0x3b: {  	[sflag:s12] =	ssyncset.done $0x0  }
0x3c: {  	s31 =	rddreg [dreg:$0x6];
	[sflag:s12] =	ssyncadd.s32 $0xFFFFFF80  }
0x3d: {  	[tilespmem:s28], [sflag:$0x11] =	stream.linear.gather [hbm4b:s31+s4], $0x80, $0x38;
	[tilespmem:$0xFEF0] =	vst v63  }
0x3e: {  	_ =	swait.ge [sflag:s12], $0x80  }
0x3f: {  	[sflag:s12] =	ssyncset.done $0x0  }
0x40: {  	s10 =	simm.s32 $0x0;
	s4 =	simm.s32 $0xC0;
	[sflag:s12] =	ssyncadd.s32 $0xFFFFFF80  }
.LBB2_2:
0x41: {  	p0 =	sne.s32 s4, $0x5D00;
	[tilespmem:s10+$0x2C20] =	vst v0;
	s22 =	smov.u32 s4;
	s4 =	sadd.s32 $0xC0, s4  }
.Ltmp2:
0x42: {  	[tilespmem:s10+$0x2C00] =	vst v0;
	(pc) =	sbr.rel @p0 .LBB2_2-.Ltmp2, $2  }
0x43: {  	[tilespmem:s10+$0x2C10] =	vst v0;
	_ =	sdelay $0x2  }
0x44: {  	s10 =	sshra.s32 s22, $0x2  }
0x45: {  	[tilespmem:s10+$0x2C20] =	vst v0  }
0x46: {  	[tilespmem:s10+$0x2C00] =	vst v0  }
0x47: {  	[tilespmem:s10+$0x2C10] =	vst v0;
	s4 =	rddreg [dreg:$0x7];
	s10 =	simm.s32 $0x2C00  }
0x48: {  	[spmem:s4] =	stream.linear.scatter [tilespmem:s10], [sflag:$0x11], $0xF00, $0x38;
	[tilespmem:$0xFEF0] =	vst v63  }
0x49: {  	_ =	swait.ge [sflag:s12], $0xF00  }
0x4a: {  	[sflag:s12] =	ssyncset.done $0x0  }
0x4b: {  	s25 =	rddreg [dreg:$0x8];
	[sflag:s12] =	ssyncadd.s32 $0xFFFFF100  }
0x4c: {  	[spmem:s25] =	stream.linear.scatter [tilespmem:s10], [sflag:$0x11], $0xF00, $0x38;
	[tilespmem:$0xFEF0] =	vst v63  }
0x4d: {  	_ =	swait.ge [sflag:s12], $0xF00  }
0x4e: {  	[sflag:s12] =	ssyncset.done $0x0  }
0x4f: {  	s29 =	rddreg [dreg:$0x9];
	[sflag:s12] =	ssyncadd.s32 $0xFFFFF100  }
0x50: {  	[spmem:s29] =	stream.linear.scatter [tilespmem:s10], [sflag:$0x11], $0xF00, $0x38;
	[tilespmem:$0xFEF0] =	vst v63  }
0x51: {  	_ =	swait.ge [sflag:s12], $0xF00  }
0x52: {  	[sflag:s12] =	ssyncset.done $0x0  }
0x53: {  	s31 =	rddreg [dreg:$0xa];
	[sflag:s12] =	ssyncadd.s32 $0xFFFFF100  }
0x54: {  	[spmem:s31] =	stream.linear.scatter [tilespmem:s10], [sflag:$0x11], $0xF00, $0x38;
	[tilespmem:$0xFEF0] =	vst v63  }
0x55: {  	_ =	swait.ge [sflag:s12], $0xF00  }
0x56: {  	[sflag:s12] =	ssyncset.done $0x0  }
0x57: {  	s22 =	rddreg [dreg:$0xb];
	[sflag:s12] =	ssyncadd.s32 $0xFFFFF100  }
0x58: {  	[spmem:s22] =	stream.linear.scatter [tilespmem:s10], [sflag:$0x11], $0xF00, $0x38;
	[tilespmem:$0xFEF0] =	vst v63  }
0x59: {  	_ =	swait.ge [sflag:s12], $0xF00  }
0x5a: {  	[sflag:s12] =	ssyncset.done $0x0  }
0x5b: {  	s25 =	rddreg [dreg:$0xc];
	[sflag:s12] =	ssyncadd.s32 $0xFFFFF100  }
0x5c: {  	[spmem:s25] =	stream.linear.scatter [tilespmem:s10], [sflag:$0x11], $0xF00, $0x38;
	[tilespmem:$0xFEF0] =	vst v63  }
0x5d: {  	_ =	swait.ge [sflag:s12], $0xF00  }
0x5e: {  	[sflag:s12] =	ssyncset.done $0x0  }
0x5f: {  	s29 =	rddreg [dreg:$0xd];
	[sflag:s12] =	ssyncadd.s32 $0xFFFFF100  }
0x60: {  	[spmem:s29] =	stream.linear.scatter [tilespmem:s10], [sflag:$0x11], $0xF00, $0x38;
	[tilespmem:$0xFEF0] =	vst v63  }
0x61: {  	_ =	swait.ge [sflag:s12], $0xF00  }
0x62: {  	[sflag:s12] =	ssyncset.done $0x0  }
0x63: {  	s31 =	rddreg [dreg:$0xf];
	[sflag:s12] =	ssyncadd.s32 $0xFFFFF100  }
0x64: {  	[spmem:s31] =	stream.linear.scatter [tilespmem:s10], [sflag:$0x11], $0xF00, $0x38;
	[tilespmem:$0xFEF0] =	vst v63  }
0x65: {  	_ =	swait.ge [sflag:s12], $0xF00  }
0x66: {  	[sflag:s12] =	ssyncset.done $0x0  }
0x67: {  	[sflag:s12] =	ssyncadd.s32 $0xFFFFF100  }
0x68: {  	s22 =	simm.s32 $0x0;
	[bflag:$0x0] =	sbarrier.arrive $0xFFFF  }
0x69: {  	[tilespmem:s10], [sflag:$0x1] =	stream.indirect.gather [hbm4b:s5+s30], $0x30, s22, s30, $0xb8;
	[tilespmem:$0xFEF0] =	vst v63  }
0x6a: {  	s29 =	simm.s32 $0x2880;
	s25 =	rddreg [dreg:$0x10]  }
0x6b: {  	[tilespmem:s29], [sflag:$0xA] =	stream.linear.gather [hbm4b:s25+s22], $0x80, $0x38;
	[tilespmem:$0xFEF0] =	vst v63  }
0x6c: {  	s31 =	rddreg [dreg:$0x11];
	s25 =	simm.s32 $0x0  }
0x6d: {  	[tilespmem:s0], [sflag:$0xE] =	stream.linear.gather [hbm4b:s31+s22], $0x80, $0x38;
	[tilespmem:$0xFEF0] =	vst v63  }
.LBB2_4:
0x6e: {  	_ =	swait.ge [sflag:s1], $0x1770  }
0x6f: {  	p0 =	seq.s32 s25, $0x0;
	[sflag:s1] =	ssyncset.done $0x0  }
0x70: {  	s4 =	simm.s32 @!p0 $0x8;
	[sflag:s1] =	ssyncadd.s32 $0xFFFFE890  }
0x71: {  	_ =	swait.ge @!p0 [sflag:s4], $0x1770  }
0x72: {  	[sflag:s4] =	ssyncset.done @!p0 $0x0  }
0x73: {  	[sflag:s4] =	ssyncadd.s32 @!p0 $0xFFFFE890  }
0x74: {  	_ =	swait.ge [sflag:s8], $0x80  }
0x75: {  	s10 =	simm.s32 $0x0;
	[sflag:s8] =	ssyncset.done $0x0  }
0x76: {  	s12 =	simm.s32 $0x1;
	s22 =	simm.s32 $0x2;
	v1 =	vmov s10;
	[sflag:s8] =	ssyncadd.s32 $0xFFFFFF80  }
0x77: {  	s10 =	sshll.u32 s25, $0x9;
	v2 =	vmov s12;
	s12 =	simm.s32 $0x3;
	_ =	swait.ge [sflag:s9], $0x80  }
0x78: {  	v3 =	vmov s22;
	s22 =	simm.s32 $0x4;
	s10 =	sand.u32 $0x3FFFFE00, s10;
	[sflag:s9] =	ssyncset.done $0x0  }
0x79: {  	v4 =	vmov s12;
	s12 =	simm.s32 $0x4370;
	s10 =	sor.u32 $0x80, s10;
	[sflag:s9] =	ssyncadd.s32 $0xFFFFFF80  }
0x7a: {  	v5 =	vmov s22;
	[tilespmem:s12], [sflag:$0x2] =	stream.indirect.gather [hbm4b:s5+s30], $0x30, s10, s30, $0xb8;
	[tilespmem:$0xFEF0] =	vst v63  }
0x7b: {  	v6 =	vld.idx.msk [tilespmem:v1+s28+$0x0], $0xffff  }
0x7c: {  	v7 =	vld.idx.msk [tilespmem:v2+s28+$0x0], $0xffff  }
0x7d: {  	v3 =	vld.idx.msk [tilespmem:v3+s28+$0x0], $0xffff  }
0x7e: {  	v2 =	vld.idx.msk [tilespmem:v4+s28+$0x0], $0xffff  }
0x7f: {  	s22 =	simm.s32 $0x2C70;
	v1 =	vld.idx.msk [tilespmem:v5+s28+$0x0], $0xffff  }
0x80: {  	v4 =	vld [tilespmem:s22+$0x70]  }
0x81: {  	v5 =	vld [tilespmem:s22+$0xFFFFFF90]  }
0x82: {  	v8 =	vld [tilespmem:s22+$0xFFFFFFA0]  }
0x83: {  	v9 =	vld [tilespmem:s22+$0xFFFFFFB0]  }
0x84: {  	v10 =	vld [tilespmem:s22+$0xFFFFFFC0]  }
0x85: {  	v12 =	vld [tilespmem:s22+$0xFFFFFFE0];
	v4 =	vmul.f32 v4, v1  }
0x86: {  	v11 =	vld [tilespmem:s22+$0xFFFFFFD0];
	v5 =	vmul.f32 v5, v6  }
0x87: {  	v13 =	vld [tilespmem:s22+$0xFFFFFFF0];
	v8 =	vmul.f32 v8, v6;
	[tilespmem:s22+$0x70] =	vst v4  }
0x88: {  	v14 =	vld [tilespmem:s22+$0x0];
	[tilespmem:s22+$0xFFFFFF90] =	vst v5;
	v5 =	vmul.f32 v9, v6  }
0x89: {  	s10 =	simm.s32 $0x5;
	[tilespmem:s22+$0xFFFFFFA0] =	vst v8;
	v6 =	vmul.f32 v10, v7;
	v4 =	vld [tilespmem:s22+$0x10]  }
0x8a: {  	s12 =	simm.s32 $0x6;
	v15 =	vmul.f32 v12, v7;
	v8 =	vmov s10;
	[tilespmem:s22+$0xFFFFFFB0] =	vst v5;
	v5 =	vld [tilespmem:s22+$0x20]  }
0x8b: {  	s31 =	simm.s32 $0x7;
	v10 =	vmul.f32 v11, v7;
	v9 =	vmov s12;
	[tilespmem:s22+$0xFFFFFFC0] =	vst v6;
	v6 =	vld [tilespmem:s22+$0x30]  }
0x8c: {  	s29 =	sshll.u32 s25, $0x2;
	v13 =	vmul.f32 v13, v3;
	v11 =	vmov s31;
	s12 =	simm.s32 $0x8;
	v7 =	vld [tilespmem:s22+$0x40];
	[tilespmem:s22+$0xFFFFFFE0] =	vst v15  }
0x8d: {  	s4 =	simm.s32 $0x2C70;
	v14 =	vmul.f32 v14, v3;
	s10 =	simm.s32 $0x9;
	s31 =	simm.s32 $0xA;
	v12 =	vmov s12;
	[tilespmem:s22+$0xFFFFFFD0] =	vst v10;
	v10 =	vld [tilespmem:s22+$0x50]  }
.LBB2_5:
0x8e: {  	p0 =	slt.u32 s31, $0x78;
	v15 =	vmov s10;
	[tilespmem:s22+$0xFFFFFFF0] =	vst v13;
	v3 =	vmul.f32 v4, v3;
	v4 =	vld [tilespmem:s22+$0x60]  }
0x8f: {  	v8 =	vld.idx.msk [tilespmem:v8+s28+$0x0], $0xffff;
	[tilespmem:s22+$0x0] =	vst v14;
	v5 =	vmul.f32 v5, v2  }
0x90: {  	v13 =	vld.idx.msk [tilespmem:v9+s28+$0x0], $0xffff;
	[tilespmem:s22+$0x10] =	vst v3;
	v6 =	vmul.f32 v6, v2  }
0x91: {  	v3 =	vld.idx.msk [tilespmem:v11+s28+$0x0], $0xffff;
	[tilespmem:s22+$0x20] =	vst v5;
	v5 =	vmul.f32 v7, v2  }
0x92: {  	v2 =	vld.idx.msk [tilespmem:v12+s28+$0x0], $0xffff;
	[tilespmem:s22+$0x30] =	vst v6;
	v6 =	vmul.f32 v10, v1  }
0x93: {  	s22 =	sadd.s32 $0xF0, s22;
	[tilespmem:s4+$0x40] =	vst v5;
	v4 =	vmul.f32 v4, v1;
	v1 =	vld.idx.msk [tilespmem:v15+s28+$0x0], $0xffff  }
0x94: {  	v5 =	vld [tilespmem:s22+$0x70];
	[tilespmem:s4+$0x50] =	vst v6  }
0x95: {  	v6 =	vld [tilespmem:s22+$0xFFFFFF90];
	[tilespmem:s4+$0x60] =	vst v4;
	s4 =	smov.u32 s22  }
0x96: {  	v4 =	vld [tilespmem:s22+$0xFFFFFFA0]  }
0x97: {  	v7 =	vld [tilespmem:s22+$0xFFFFFFB0]  }
0x98: {  	v9 =	vld [tilespmem:s22+$0xFFFFFFC0]  }
0x99: {  	v10 =	vld [tilespmem:s22+$0xFFFFFFD0];
	v5 =	vmul.f32 v5, v1  }
0x9a: {  	v6 =	vmul.f32 v6, v8;
	v11 =	vld [tilespmem:s22+$0xFFFFFFE0]  }
0x9b: {  	v4 =	vmul.f32 v4, v8;
	v12 =	vld [tilespmem:s22+$0xFFFFFFF0];
	[tilespmem:s22+$0x70] =	vst v5  }
0x9c: {  	[tilespmem:s22+$0xFFFFFF90] =	vst v6;
	v5 =	vmul.f32 v7, v8;
	v14 =	vld [tilespmem:s22+$0x0]  }
.Ltmp3:
0x9d: {  	[tilespmem:s22+$0xFFFFFFA0] =	vst v4;
	v6 =	vmul.f32 v9, v13;
	v4 =	vld [tilespmem:s22+$0x10];
	(pc) =	sbr.rel @p0 .LBB2_5-.Ltmp3, $4  }
0x9e: {  	s10 =	sadd.s32 $0x1, s31;
	v8 =	vmov s31;
	[tilespmem:s22+$0xFFFFFFB0] =	vst v5;
	v7 =	vmul.f32 v10, v13;
	v5 =	vld [tilespmem:s22+$0x20]  }
0x9f: {  	v9 =	vmov s10;
	s10 =	sadd.s32 $0x2, s31;
	[tilespmem:s22+$0xFFFFFFC0] =	vst v6;
	v10 =	vmul.f32 v11, v13;
	v6 =	vld [tilespmem:s22+$0x30]  }
0xa0: {  	v11 =	vmov s10;
	s10 =	sadd.s32 $0x3, s31;
	[tilespmem:s22+$0xFFFFFFD0] =	vst v7;
	v13 =	vmul.f32 v12, v3;
	v7 =	vld [tilespmem:s22+$0x40]  }
0xa1: {  	v12 =	vmov s10;
	s10 =	sadd.s32 $0x4, s31;
	s31 =	sadd.s32 $0x5, s31;
	[tilespmem:s22+$0xFFFFFFE0] =	vst v10;
	v14 =	vmul.f32 v14, v3;
	v10 =	vld [tilespmem:s22+$0x50]  }
0xa2: {  	_ =	sdelay $0x2  }
0xa3: {  	v16 =	vld [tilespmem:s22+$0x60]  }
0xa4: {  	v8 =	vld.idx.msk [tilespmem:v8+s28+$0x0], $0xffff  }
0xa5: {  	v9 =	vld.idx.msk [tilespmem:v9+s28+$0x0], $0xffff  }
0xa6: {  	v15 =	vmov s10;
	v11 =	vld.idx.msk [tilespmem:v11+s28+$0x0], $0xffff;
	v3 =	vmul.f32 v4, v3;
	s12 =	sadd.s32 $0xF0, s22  }
0xa7: {  	[tilespmem:s22+$0xFFFFFFF0] =	vst v13;
	v5 =	vmul.f32 v5, v2;
	v13 =	vld [tilespmem:s12+$0x70]  }
0xa8: {  	[tilespmem:s22+$0x10] =	vst v3;
	v3 =	vmul.f32 v6, v2;
	v6 =	vld [tilespmem:s12+$0xFFFFFF90]  }
0xa9: {  	[tilespmem:s22+$0x20] =	vst v5;
	v5 =	vld [tilespmem:s12+$0xFFFFFFA0]  }
0xaa: {  	v2 =	vmul.f32 v7, v2;
	v7 =	vld [tilespmem:s12+$0xFFFFFFB0]  }
0xab: {  	[tilespmem:s22+$0x30] =	vst v3;
	v3 =	vmul.f32 v10, v1;
	v4 =	vld.idx.msk [tilespmem:v15+s28+$0x0], $0xffff  }
0xac: {  	v12 =	vld.idx.msk [tilespmem:v12+s28+$0x0], $0xffff;
	[tilespmem:s4+$0x40] =	vst v2;
	v1 =	vmul.f32 v16, v1  }
0xad: {  	v2 =	vld [tilespmem:s12+$0xFFFFFFC0];
	[tilespmem:s4+$0x50] =	vst v3  }
0xae: {  	v3 =	vld [tilespmem:s12+$0xFFFFFFD0];
	[tilespmem:s4+$0x60] =	vst v1;
	v1 =	vmul.f32 v6, v8  }
0xaf: {  	[tilespmem:s22+$0x0] =	vst v14;
	v6 =	vld [tilespmem:s12+$0xFFFFFFE0];
	v5 =	vmul.f32 v5, v8  }
0xb0: {  	[tilespmem:s12+$0xFFFFFF90] =	vst v1;
	v1 =	vmul.f32 v7, v8;
	v10 =	vmul.f32 v13, v4;
	v13 =	vld [tilespmem:s12+$0xFFFFFFF0]  }
0xb1: {  	v7 =	vld [tilespmem:s12+$0x0];
	[tilespmem:s12+$0xFFFFFFA0] =	vst v5  }
0xb2: {  	v2 =	vmul.f32 v2, v9;
	v5 =	vld [tilespmem:s12+$0x10];
	[tilespmem:s12+$0xFFFFFFB0] =	vst v1  }
0xb3: {  	v1 =	vmul.f32 v3, v9;
	v3 =	vld [tilespmem:s12+$0x20];
	[tilespmem:s12+$0x70] =	vst v10  }
0xb4: {  	[tilespmem:s12+$0xFFFFFFC0] =	vst v2;
	v2 =	vmul.f32 v6, v9;
	v6 =	vld [tilespmem:s12+$0x30]  }
0xb5: {  	v8 =	vld [tilespmem:s12+$0x40];
	[tilespmem:s12+$0xFFFFFFD0] =	vst v1;
	v1 =	vmul.f32 v13, v11  }
0xb6: {  	[tilespmem:s12+$0xFFFFFFE0] =	vst v2;
	v2 =	vmul.f32 v7, v11;
	v7 =	vld [tilespmem:s12+$0x50]  }
0xb7: {  	[tilespmem:s12+$0xFFFFFFF0] =	vst v1;
	v1 =	vmul.f32 v5, v11;
	v5 =	vld [tilespmem:s12+$0x60]  }
0xb8: {  	[tilespmem:s12+$0x0] =	vst v2;
	v2 =	vmul.f32 v3, v12  }
0xb9: {  	[tilespmem:s12+$0x10] =	vst v1;
	v1 =	vmul.f32 v6, v12  }
0xba: {  	[tilespmem:s12+$0x20] =	vst v2;
	v2 =	vmul.f32 v8, v12  }
0xbb: {  	[tilespmem:s12+$0x30] =	vst v1;
	v1 =	vmul.f32 v7, v4  }
0xbc: {  	[tilespmem:s12+$0x40] =	vst v2;
	v2 =	vmul.f32 v5, v4  }
0xbd: {  	s4 =	sor.u32 $0x2, s29;
	[tilespmem:s12+$0x50] =	vst v1  }
0xbe: {  	s10 =	simm.s32 $0x2800;
	s22 =	sadd.s32 s7, s4;
	[tilespmem:s12+$0x60] =	vst v2;
	s12 =	simm.s32 $0x2C00  }
0xbf: {  	[spmem:s3] =	stream.indirect.scatter.add.f32 [tilespmem:s12], [sflag:$0x5], $0x30, s10, s30, $0xb8;
	[tilespmem:$0xFEF0] =	vst v63  }
0xc0: {  	s10 =	sshll.u32 s22, $0x4  }
0xc1: {  	s10 =	sand.u32 $0x1FFFFFE0, s10  }
0xc2: {  	s31 =	simm.s32 $0x0;
	s12 =	simm.s32 $0x2900;
	s22 =	sadd.s32 s2, s10  }
0xc3: {  	[tilespmem:s12], [sflag:$0xB] =	stream.linear.gather [hbm4b:s22+s31], $0x80, $0x38;
	[tilespmem:$0xFEF0] =	vst v63  }
0xc4: {  	s10 =	sadd.s32 s6, s10  }
0xc5: {  	[tilespmem:s13], [sflag:$0xF] =	stream.linear.gather [hbm4b:s10+s31], $0x80, $0x38;
	[tilespmem:$0xFEF0] =	vst v63  }
0xc6: {  	_ =	swait.ge [sflag:s14], $0x1770  }
0xc7: {  	[sflag:s14] =	ssyncset.done $0x0  }
0xc8: {  	[sflag:s14] =	ssyncadd.s32 $0xFFFFE890  }
0xc9: {  	_ =	swait.ge [sflag:s15], $0x1770  }
0xca: {  	[sflag:s15] =	ssyncset.done $0x0  }
0xcb: {  	[sflag:s15] =	ssyncadd.s32 $0xFFFFE890  }
0xcc: {  	_ =	swait.ge [sflag:s16], $0x80  }
0xcd: {  	[sflag:s16] =	ssyncset.done $0x0  }
0xce: {  	v1 =	vmov s31;
	s12 =	simm.s32 $0x1;
	[sflag:s16] =	ssyncadd.s32 $0xFFFFFF80  }
0xcf: {  	s22 =	simm.s32 $0x2;
	v2 =	vmov s12;
	_ =	swait.ge [sflag:s17], $0x80  }
0xd0: {  	s4 =	sshll.u32 s4, $0x7;
	v3 =	vmov s22;
	s12 =	simm.s32 $0x3;
	[sflag:s17] =	ssyncset.done $0x0  }
0xd1: {  	s4 =	sand.u32 $0x3FFFFF80, s4;
	s22 =	simm.s32 $0x4;
	v4 =	vmov s12;
	[sflag:s17] =	ssyncadd.s32 $0xFFFFFF80  }
0xd2: {  	v5 =	vmov s22;
	[tilespmem:s19], [sflag:$0x3] =	stream.indirect.gather [hbm4b:s5+s30], $0x30, s4, s30, $0xb8;
	[tilespmem:$0xFEF0] =	vst v63  }
0xd3: {  	v6 =	vld.idx.msk [tilespmem:v1+s0+$0x0], $0xffff  }
0xd4: {  	v7 =	vld.idx.msk [tilespmem:v2+s0+$0x0], $0xffff  }
0xd5: {  	v3 =	vld.idx.msk [tilespmem:v3+s0+$0x0], $0xffff  }
0xd6: {  	v2 =	vld.idx.msk [tilespmem:v4+s0+$0x0], $0xffff  }
0xd7: {  	s22 =	simm.s32 $0x43E0;
	v1 =	vld.idx.msk [tilespmem:v5+s0+$0x0], $0xffff  }
0xd8: {  	v4 =	vld [tilespmem:s22+$0x70]  }
0xd9: {  	v5 =	vld [tilespmem:s22+$0xFFFFFF90]  }
0xda: {  	v8 =	vld [tilespmem:s22+$0xFFFFFFA0]  }
0xdb: {  	v9 =	vld [tilespmem:s22+$0xFFFFFFB0]  }
0xdc: {  	v10 =	vld [tilespmem:s22+$0xFFFFFFC0]  }
0xdd: {  	v12 =	vld [tilespmem:s22+$0xFFFFFFE0];
	v4 =	vmul.f32 v4, v1  }
0xde: {  	v11 =	vld [tilespmem:s22+$0xFFFFFFD0];
	v5 =	vmul.f32 v5, v6  }
0xdf: {  	v13 =	vld [tilespmem:s22+$0xFFFFFFF0];
	v8 =	vmul.f32 v8, v6;
	[tilespmem:s22+$0x70] =	vst v4  }
0xe0: {  	v14 =	vld [tilespmem:s22+$0x0];
	[tilespmem:s22+$0xFFFFFF90] =	vst v5;
	v5 =	vmul.f32 v9, v6  }
0xe1: {  	s10 =	simm.s32 $0x5;
	[tilespmem:s22+$0xFFFFFFA0] =	vst v8;
	v6 =	vmul.f32 v10, v7;
	v4 =	vld [tilespmem:s22+$0x10]  }
0xe2: {  	s12 =	simm.s32 $0x6;
	v15 =	vmul.f32 v12, v7;
	v8 =	vmov s10;
	[tilespmem:s22+$0xFFFFFFB0] =	vst v5;
	v5 =	vld [tilespmem:s22+$0x20]  }
0xe3: {  	s31 =	simm.s32 $0x7;
	v10 =	vmul.f32 v11, v7;
	v9 =	vmov s12;
	[tilespmem:s22+$0xFFFFFFC0] =	vst v6;
	v6 =	vld [tilespmem:s22+$0x30]  }
0xe4: {  	v13 =	vmul.f32 v13, v3;
	v11 =	vmov s31;
	s12 =	simm.s32 $0x8;
	v7 =	vld [tilespmem:s22+$0x40];
	[tilespmem:s22+$0xFFFFFFE0] =	vst v15  }
0xe5: {  	s4 =	simm.s32 $0x43E0;
	v14 =	vmul.f32 v14, v3;
	s10 =	simm.s32 $0x9;
	s31 =	simm.s32 $0xA;
	v12 =	vmov s12;
	[tilespmem:s22+$0xFFFFFFD0] =	vst v10;
	v10 =	vld [tilespmem:s22+$0x50]  }
.LBB2_7:
0xe6: {  	p0 =	slt.u32 s31, $0x78;
	v15 =	vmov s10;
	[tilespmem:s22+$0xFFFFFFF0] =	vst v13;
	v3 =	vmul.f32 v4, v3;
	v4 =	vld [tilespmem:s22+$0x60]  }
0xe7: {  	v8 =	vld.idx.msk [tilespmem:v8+s0+$0x0], $0xffff;
	[tilespmem:s22+$0x0] =	vst v14;
	v5 =	vmul.f32 v5, v2  }
0xe8: {  	v13 =	vld.idx.msk [tilespmem:v9+s0+$0x0], $0xffff;
	[tilespmem:s22+$0x10] =	vst v3;
	v6 =	vmul.f32 v6, v2  }
0xe9: {  	v3 =	vld.idx.msk [tilespmem:v11+s0+$0x0], $0xffff;
	[tilespmem:s22+$0x20] =	vst v5;
	v5 =	vmul.f32 v7, v2  }
0xea: {  	v2 =	vld.idx.msk [tilespmem:v12+s0+$0x0], $0xffff;
	[tilespmem:s22+$0x30] =	vst v6;
	v6 =	vmul.f32 v10, v1  }
0xeb: {  	s22 =	sadd.s32 $0xF0, s22;
	[tilespmem:s4+$0x40] =	vst v5;
	v4 =	vmul.f32 v4, v1;
	v1 =	vld.idx.msk [tilespmem:v15+s0+$0x0], $0xffff  }
0xec: {  	v5 =	vld [tilespmem:s22+$0x70];
	[tilespmem:s4+$0x50] =	vst v6  }
0xed: {  	v6 =	vld [tilespmem:s22+$0xFFFFFF90];
	[tilespmem:s4+$0x60] =	vst v4;
	s4 =	smov.u32 s22  }
0xee: {  	v4 =	vld [tilespmem:s22+$0xFFFFFFA0]  }
0xef: {  	v7 =	vld [tilespmem:s22+$0xFFFFFFB0]  }
0xf0: {  	v9 =	vld [tilespmem:s22+$0xFFFFFFC0]  }
0xf1: {  	v10 =	vld [tilespmem:s22+$0xFFFFFFD0];
	v5 =	vmul.f32 v5, v1  }
0xf2: {  	v6 =	vmul.f32 v6, v8;
	v11 =	vld [tilespmem:s22+$0xFFFFFFE0]  }
0xf3: {  	v4 =	vmul.f32 v4, v8;
	v12 =	vld [tilespmem:s22+$0xFFFFFFF0];
	[tilespmem:s22+$0x70] =	vst v5  }
0xf4: {  	[tilespmem:s22+$0xFFFFFF90] =	vst v6;
	v5 =	vmul.f32 v7, v8;
	v14 =	vld [tilespmem:s22+$0x0]  }
.Ltmp4:
0xf5: {  	[tilespmem:s22+$0xFFFFFFA0] =	vst v4;
	v6 =	vmul.f32 v9, v13;
	v4 =	vld [tilespmem:s22+$0x10];
	(pc) =	sbr.rel @p0 .LBB2_7-.Ltmp4, $4  }
0xf6: {  	s10 =	sadd.s32 $0x1, s31;
	v8 =	vmov s31;
	[tilespmem:s22+$0xFFFFFFB0] =	vst v5;
	v7 =	vmul.f32 v10, v13;
	v5 =	vld [tilespmem:s22+$0x20]  }
0xf7: {  	v9 =	vmov s10;
	s10 =	sadd.s32 $0x2, s31;
	[tilespmem:s22+$0xFFFFFFC0] =	vst v6;
	v10 =	vmul.f32 v11, v13;
	v6 =	vld [tilespmem:s22+$0x30]  }
0xf8: {  	v11 =	vmov s10;
	s10 =	sadd.s32 $0x3, s31;
	[tilespmem:s22+$0xFFFFFFD0] =	vst v7;
	v13 =	vmul.f32 v12, v3;
	v7 =	vld [tilespmem:s22+$0x40]  }
0xf9: {  	v12 =	vmov s10;
	s10 =	sadd.s32 $0x4, s31;
	s31 =	sadd.s32 $0x5, s31;
	[tilespmem:s22+$0xFFFFFFE0] =	vst v10;
	v14 =	vmul.f32 v14, v3;
	v10 =	vld [tilespmem:s22+$0x50]  }
0xfa: {  	_ =	sdelay $0x2  }
0xfb: {  	v16 =	vld [tilespmem:s22+$0x60]  }
0xfc: {  	v8 =	vld.idx.msk [tilespmem:v8+s0+$0x0], $0xffff  }
0xfd: {  	v9 =	vld.idx.msk [tilespmem:v9+s0+$0x0], $0xffff  }
0xfe: {  	v15 =	vmov s10;
	v11 =	vld.idx.msk [tilespmem:v11+s0+$0x0], $0xffff;
	v3 =	vmul.f32 v4, v3;
	s12 =	sadd.s32 $0xF0, s22  }
0xff: {  	[tilespmem:s22+$0xFFFFFFF0] =	vst v13;
	v5 =	vmul.f32 v5, v2;
	v13 =	vld [tilespmem:s12+$0x70]  }
0x100: {  	[tilespmem:s22+$0x10] =	vst v3;
	v3 =	vmul.f32 v6, v2;
	v6 =	vld [tilespmem:s12+$0xFFFFFF90]  }
0x101: {  	[tilespmem:s22+$0x20] =	vst v5;
	v5 =	vld [tilespmem:s12+$0xFFFFFFA0]  }
0x102: {  	v2 =	vmul.f32 v7, v2;
	v7 =	vld [tilespmem:s12+$0xFFFFFFB0]  }
0x103: {  	[tilespmem:s22+$0x30] =	vst v3;
	v3 =	vmul.f32 v10, v1;
	v4 =	vld.idx.msk [tilespmem:v15+s0+$0x0], $0xffff  }
0x104: {  	v12 =	vld.idx.msk [tilespmem:v12+s0+$0x0], $0xffff;
	[tilespmem:s4+$0x40] =	vst v2;
	v1 =	vmul.f32 v16, v1  }
0x105: {  	v2 =	vld [tilespmem:s12+$0xFFFFFFC0];
	[tilespmem:s4+$0x50] =	vst v3  }
0x106: {  	v3 =	vld [tilespmem:s12+$0xFFFFFFD0];
	[tilespmem:s4+$0x60] =	vst v1;
	v1 =	vmul.f32 v6, v8  }
0x107: {  	[tilespmem:s22+$0x0] =	vst v14;
	v6 =	vld [tilespmem:s12+$0xFFFFFFE0];
	v5 =	vmul.f32 v5, v8  }
0x108: {  	[tilespmem:s12+$0xFFFFFF90] =	vst v1;
	v1 =	vmul.f32 v7, v8;
	v10 =	vmul.f32 v13, v4;
	v13 =	vld [tilespmem:s12+$0xFFFFFFF0]  }
0x109: {  	v7 =	vld [tilespmem:s12+$0x0];
	[tilespmem:s12+$0xFFFFFFA0] =	vst v5  }
0x10a: {  	v2 =	vmul.f32 v2, v9;
	v5 =	vld [tilespmem:s12+$0x10];
	[tilespmem:s12+$0xFFFFFFB0] =	vst v1  }
0x10b: {  	v1 =	vmul.f32 v3, v9;
	v3 =	vld [tilespmem:s12+$0x20];
	[tilespmem:s12+$0x70] =	vst v10  }
0x10c: {  	[tilespmem:s12+$0xFFFFFFC0] =	vst v2;
	v2 =	vmul.f32 v6, v9;
	v6 =	vld [tilespmem:s12+$0x30]  }
0x10d: {  	v8 =	vld [tilespmem:s12+$0x40];
	[tilespmem:s12+$0xFFFFFFD0] =	vst v1;
	v1 =	vmul.f32 v13, v11  }
0x10e: {  	[tilespmem:s12+$0xFFFFFFE0] =	vst v2;
	v2 =	vmul.f32 v7, v11;
	v7 =	vld [tilespmem:s12+$0x50]  }
0x10f: {  	[tilespmem:s12+$0xFFFFFFF0] =	vst v1;
	v1 =	vmul.f32 v5, v11;
	v5 =	vld [tilespmem:s12+$0x60]  }
0x110: {  	[tilespmem:s12+$0x0] =	vst v2;
	v2 =	vmul.f32 v3, v12  }
0x111: {  	[tilespmem:s12+$0x10] =	vst v1;
	v1 =	vmul.f32 v6, v12  }
0x112: {  	[tilespmem:s12+$0x20] =	vst v2;
	v2 =	vmul.f32 v8, v12  }
0x113: {  	[tilespmem:s12+$0x30] =	vst v1;
	v1 =	vmul.f32 v7, v4  }
0x114: {  	[tilespmem:s12+$0x40] =	vst v2;
	v2 =	vmul.f32 v5, v4  }
0x115: {  	s4 =	sor.u32 $0x3, s29;
	[tilespmem:s12+$0x50] =	vst v1  }
0x116: {  	s10 =	simm.s32 $0x2880;
	s22 =	sadd.s32 s7, s4;
	[tilespmem:s12+$0x60] =	vst v2;
	s12 =	simm.s32 $0x4370  }
0x117: {  	[spmem:s3] =	stream.indirect.scatter.add.f32 [tilespmem:s12], [sflag:$0x6], $0x30, s10, s30, $0xb8;
	[tilespmem:$0xFEF0] =	vst v63  }
0x118: {  	s10 =	sshll.u32 s22, $0x4  }
0x119: {  	s10 =	sand.u32 $0x1FFFFFF0, s10  }
0x11a: {  	s31 =	simm.s32 $0x0;
	s12 =	sadd.s32 s2, s10  }
0x11b: {  	[tilespmem:s20], [sflag:$0xC] =	stream.linear.gather [hbm4b:s12+s31], $0x80, $0x38;
	[tilespmem:$0xFEF0] =	vst v63  }
0x11c: {  	s10 =	sadd.s32 s6, s10  }
0x11d: {  	[tilespmem:s21], [sflag:$0x10] =	stream.linear.gather [hbm4b:s10+s31], $0x80, $0x38;
	[tilespmem:$0xFEF0] =	vst v63  }
0x11e: {  	_ =	swait.ge [sflag:s23], $0x1770  }
0x11f: {  	[sflag:s23] =	ssyncset.done $0x0  }
0x120: {  	[sflag:s23] =	ssyncadd.s32 $0xFFFFE890  }
0x121: {  	_ =	swait.ge [sflag:s24], $0x1770  }
0x122: {  	[sflag:s24] =	ssyncset.done $0x0  }
0x123: {  	[sflag:s24] =	ssyncadd.s32 $0xFFFFE890  }
0x124: {  	_ =	swait.ge [sflag:s18], $0x80  }
0x125: {  	[sflag:s18] =	ssyncset.done $0x0  }
0x126: {  	v1 =	vmov s31;
	s12 =	simm.s32 $0x1;
	[sflag:s18] =	ssyncadd.s32 $0xFFFFFF80  }
0x127: {  	s22 =	simm.s32 $0x2;
	v2 =	vmov s12;
	_ =	swait.ge [sflag:s11], $0x80  }
0x128: {  	s4 =	sshll.u32 s4, $0x7;
	v3 =	vmov s22;
	s12 =	simm.s32 $0x3;
	[sflag:s11] =	ssyncset.done $0x0  }
0x129: {  	s4 =	sand.u32 $0x3FFFFF80, s4;
	s22 =	simm.s32 $0x4;
	v4 =	vmov s12;
	[sflag:s11] =	ssyncadd.s32 $0xFFFFFF80  }
0x12a: {  	v5 =	vmov s22;
	[tilespmem:s26], [sflag:$0x4] =	stream.indirect.gather [hbm4b:s5+s30], $0x30, s4, s30, $0xb8;
	[tilespmem:$0xFEF0] =	vst v63  }
0x12b: {  	v6 =	vld.idx.msk [tilespmem:v1+s13+$0x0], $0xffff  }
0x12c: {  	v7 =	vld.idx.msk [tilespmem:v2+s13+$0x0], $0xffff  }
0x12d: {  	v3 =	vld.idx.msk [tilespmem:v3+s13+$0x0], $0xffff  }
0x12e: {  	v2 =	vld.idx.msk [tilespmem:v4+s13+$0x0], $0xffff  }
0x12f: {  	s22 =	simm.s32 $0x5B50;
	v1 =	vld.idx.msk [tilespmem:v5+s13+$0x0], $0xffff  }
0x130: {  	v4 =	vld [tilespmem:s22+$0x70]  }
0x131: {  	v5 =	vld [tilespmem:s22+$0xFFFFFF90]  }
0x132: {  	v8 =	vld [tilespmem:s22+$0xFFFFFFA0]  }
0x133: {  	v9 =	vld [tilespmem:s22+$0xFFFFFFB0]  }
0x134: {  	v10 =	vld [tilespmem:s22+$0xFFFFFFC0]  }
0x135: {  	v12 =	vld [tilespmem:s22+$0xFFFFFFE0];
	v4 =	vmul.f32 v4, v1  }
0x136: {  	v11 =	vld [tilespmem:s22+$0xFFFFFFD0];
	v5 =	vmul.f32 v5, v6  }
0x137: {  	v13 =	vld [tilespmem:s22+$0xFFFFFFF0];
	v8 =	vmul.f32 v8, v6;
	[tilespmem:s22+$0x70] =	vst v4  }
0x138: {  	v14 =	vld [tilespmem:s22+$0x0];
	[tilespmem:s22+$0xFFFFFF90] =	vst v5;
	v5 =	vmul.f32 v9, v6  }
0x139: {  	s10 =	simm.s32 $0x5;
	[tilespmem:s22+$0xFFFFFFA0] =	vst v8;
	v6 =	vmul.f32 v10, v7;
	v4 =	vld [tilespmem:s22+$0x10]  }
0x13a: {  	s12 =	simm.s32 $0x6;
	v15 =	vmul.f32 v12, v7;
	v8 =	vmov s10;
	[tilespmem:s22+$0xFFFFFFB0] =	vst v5;
	v5 =	vld [tilespmem:s22+$0x20]  }
0x13b: {  	s31 =	simm.s32 $0x7;
	v10 =	vmul.f32 v11, v7;
	v9 =	vmov s12;
	[tilespmem:s22+$0xFFFFFFC0] =	vst v6;
	v6 =	vld [tilespmem:s22+$0x30]  }
0x13c: {  	v13 =	vmul.f32 v13, v3;
	v11 =	vmov s31;
	s12 =	simm.s32 $0x8;
	v7 =	vld [tilespmem:s22+$0x40];
	[tilespmem:s22+$0xFFFFFFE0] =	vst v15  }
0x13d: {  	s4 =	simm.s32 $0x5B50;
	v14 =	vmul.f32 v14, v3;
	s10 =	simm.s32 $0x9;
	s31 =	simm.s32 $0xA;
	v12 =	vmov s12;
	[tilespmem:s22+$0xFFFFFFD0] =	vst v10;
	v10 =	vld [tilespmem:s22+$0x50]  }
.LBB2_9:
0x13e: {  	p0 =	slt.u32 s31, $0x78;
	v15 =	vmov s10;
	[tilespmem:s22+$0xFFFFFFF0] =	vst v13;
	v3 =	vmul.f32 v4, v3;
	v4 =	vld [tilespmem:s22+$0x60]  }
0x13f: {  	v8 =	vld.idx.msk [tilespmem:v8+s13+$0x0], $0xffff;
	[tilespmem:s22+$0x0] =	vst v14;
	v5 =	vmul.f32 v5, v2  }
0x140: {  	v13 =	vld.idx.msk [tilespmem:v9+s13+$0x0], $0xffff;
	[tilespmem:s22+$0x10] =	vst v3;
	v6 =	vmul.f32 v6, v2  }
0x141: {  	v3 =	vld.idx.msk [tilespmem:v11+s13+$0x0], $0xffff;
	[tilespmem:s22+$0x20] =	vst v5;
	v5 =	vmul.f32 v7, v2  }
0x142: {  	v2 =	vld.idx.msk [tilespmem:v12+s13+$0x0], $0xffff;
	[tilespmem:s22+$0x30] =	vst v6;
	v6 =	vmul.f32 v10, v1  }
0x143: {  	s22 =	sadd.s32 $0xF0, s22;
	[tilespmem:s4+$0x40] =	vst v5;
	v4 =	vmul.f32 v4, v1;
	v1 =	vld.idx.msk [tilespmem:v15+s13+$0x0], $0xffff  }
0x144: {  	v5 =	vld [tilespmem:s22+$0x70];
	[tilespmem:s4+$0x50] =	vst v6  }
0x145: {  	v6 =	vld [tilespmem:s22+$0xFFFFFF90];
	[tilespmem:s4+$0x60] =	vst v4;
	s4 =	smov.u32 s22  }
0x146: {  	v4 =	vld [tilespmem:s22+$0xFFFFFFA0]  }
0x147: {  	v7 =	vld [tilespmem:s22+$0xFFFFFFB0]  }
0x148: {  	v9 =	vld [tilespmem:s22+$0xFFFFFFC0]  }
0x149: {  	v10 =	vld [tilespmem:s22+$0xFFFFFFD0];
	v5 =	vmul.f32 v5, v1  }
0x14a: {  	v6 =	vmul.f32 v6, v8;
	v11 =	vld [tilespmem:s22+$0xFFFFFFE0]  }
0x14b: {  	v4 =	vmul.f32 v4, v8;
	v12 =	vld [tilespmem:s22+$0xFFFFFFF0];
	[tilespmem:s22+$0x70] =	vst v5  }
0x14c: {  	[tilespmem:s22+$0xFFFFFF90] =	vst v6;
	v5 =	vmul.f32 v7, v8;
	v14 =	vld [tilespmem:s22+$0x0]  }
.Ltmp5:
0x14d: {  	[tilespmem:s22+$0xFFFFFFA0] =	vst v4;
	v6 =	vmul.f32 v9, v13;
	v4 =	vld [tilespmem:s22+$0x10];
	(pc) =	sbr.rel @p0 .LBB2_9-.Ltmp5, $4  }
0x14e: {  	s10 =	sadd.s32 $0x1, s31;
	v8 =	vmov s31;
	[tilespmem:s22+$0xFFFFFFB0] =	vst v5;
	v7 =	vmul.f32 v10, v13;
	v5 =	vld [tilespmem:s22+$0x20]  }
0x14f: {  	v9 =	vmov s10;
	s10 =	sadd.s32 $0x2, s31;
	[tilespmem:s22+$0xFFFFFFC0] =	vst v6;
	v10 =	vmul.f32 v11, v13;
	v6 =	vld [tilespmem:s22+$0x30]  }
0x150: {  	v11 =	vmov s10;
	s10 =	sadd.s32 $0x3, s31;
	[tilespmem:s22+$0xFFFFFFD0] =	vst v7;
	v13 =	vmul.f32 v12, v3;
	v7 =	vld [tilespmem:s22+$0x40]  }
0x151: {  	v12 =	vmov s10;
	s10 =	sadd.s32 $0x4, s31;
	s31 =	sadd.s32 $0x5, s31;
	[tilespmem:s22+$0xFFFFFFE0] =	vst v10;
	v14 =	vmul.f32 v14, v3;
	v10 =	vld [tilespmem:s22+$0x50]  }
0x152: {  	_ =	sdelay $0x2  }
0x153: {  	v16 =	vld [tilespmem:s22+$0x60]  }
0x154: {  	v8 =	vld.idx.msk [tilespmem:v8+s13+$0x0], $0xffff  }
0x155: {  	v9 =	vld.idx.msk [tilespmem:v9+s13+$0x0], $0xffff  }
0x156: {  	v15 =	vmov s10;
	v11 =	vld.idx.msk [tilespmem:v11+s13+$0x0], $0xffff;
	v3 =	vmul.f32 v4, v3;
	s12 =	sadd.s32 $0xF0, s22  }
0x157: {  	[tilespmem:s22+$0xFFFFFFF0] =	vst v13;
	v5 =	vmul.f32 v5, v2;
	v13 =	vld [tilespmem:s12+$0x70]  }
0x158: {  	[tilespmem:s22+$0x10] =	vst v3;
	v3 =	vmul.f32 v6, v2;
	v6 =	vld [tilespmem:s12+$0xFFFFFF90]  }
0x159: {  	[tilespmem:s22+$0x20] =	vst v5;
	v5 =	vld [tilespmem:s12+$0xFFFFFFA0]  }
0x15a: {  	v2 =	vmul.f32 v7, v2;
	v7 =	vld [tilespmem:s12+$0xFFFFFFB0]  }
0x15b: {  	[tilespmem:s22+$0x30] =	vst v3;
	v3 =	vmul.f32 v10, v1;
	v4 =	vld.idx.msk [tilespmem:v15+s13+$0x0], $0xffff  }
0x15c: {  	v12 =	vld.idx.msk [tilespmem:v12+s13+$0x0], $0xffff;
	[tilespmem:s4+$0x40] =	vst v2;
	v1 =	vmul.f32 v16, v1  }
0x15d: {  	v2 =	vld [tilespmem:s12+$0xFFFFFFC0];
	[tilespmem:s4+$0x50] =	vst v3  }
0x15e: {  	v3 =	vld [tilespmem:s12+$0xFFFFFFD0];
	[tilespmem:s4+$0x60] =	vst v1;
	v1 =	vmul.f32 v6, v8  }
0x15f: {  	[tilespmem:s22+$0x0] =	vst v14;
	v6 =	vld [tilespmem:s12+$0xFFFFFFE0];
	v5 =	vmul.f32 v5, v8  }
0x160: {  	[tilespmem:s12+$0xFFFFFF90] =	vst v1;
	v1 =	vmul.f32 v7, v8;
	v10 =	vmul.f32 v13, v4;
	v13 =	vld [tilespmem:s12+$0xFFFFFFF0]  }
0x161: {  	v7 =	vld [tilespmem:s12+$0x0];
	[tilespmem:s12+$0xFFFFFFA0] =	vst v5  }
0x162: {  	v2 =	vmul.f32 v2, v9;
	v5 =	vld [tilespmem:s12+$0x10];
	[tilespmem:s12+$0xFFFFFFB0] =	vst v1  }
0x163: {  	v1 =	vmul.f32 v3, v9;
	v3 =	vld [tilespmem:s12+$0x20];
	[tilespmem:s12+$0x70] =	vst v10  }
0x164: {  	[tilespmem:s12+$0xFFFFFFC0] =	vst v2;
	v2 =	vmul.f32 v6, v9;
	v6 =	vld [tilespmem:s12+$0x30]  }
0x165: {  	v8 =	vld [tilespmem:s12+$0x40];
	[tilespmem:s12+$0xFFFFFFD0] =	vst v1;
	v1 =	vmul.f32 v13, v11  }
0x166: {  	[tilespmem:s12+$0xFFFFFFE0] =	vst v2;
	v2 =	vmul.f32 v7, v11;
	v7 =	vld [tilespmem:s12+$0x50]  }
0x167: {  	[tilespmem:s12+$0xFFFFFFF0] =	vst v1;
	v1 =	vmul.f32 v5, v11;
	v5 =	vld [tilespmem:s12+$0x60]  }
0x168: {  	[tilespmem:s12+$0x0] =	vst v2;
	v2 =	vmul.f32 v3, v12  }
0x169: {  	[tilespmem:s12+$0x10] =	vst v1;
	v1 =	vmul.f32 v6, v12  }
0x16a: {  	[tilespmem:s12+$0x20] =	vst v2;
	v2 =	vmul.f32 v8, v12  }
0x16b: {  	[tilespmem:s12+$0x30] =	vst v1;
	v1 =	vmul.f32 v7, v4  }
0x16c: {  	[tilespmem:s12+$0x40] =	vst v2;
	v2 =	vmul.f32 v5, v4  }
0x16d: {  	p0 =	seq.s32 s25, $0x13;
	[tilespmem:s12+$0x50] =	vst v1  }
0x16e: {  	s4 =	simm.s32 @p0 $0x4;
	[tilespmem:s12+$0x60] =	vst v2;
	s12 =	simm.s32 $0x2900  }
0x16f: {  	[spmem:s3] =	stream.indirect.scatter.add.f32 [tilespmem:s19], [sflag:$0x7], $0x30, s12, s30, $0xb8;
	[tilespmem:$0xFEF0] =	vst v63  }
0x170: {  	_ =	swait.ge @p0 [sflag:s4], $0x1770  }
0x171: {  	[sflag:s4] =	ssyncset.done @p0 $0x0  }
0x172: {  	s10 =	sadd.s32 @!p0 $0x4, s29;
	[sflag:s4] =	ssyncadd.s32 @p0 $0xFFFFE890;
	s4 =	simm.s32 @p0 $0x7  }
0x173: {  	s22 =	sadd.s32 @!p0 s7, s10;
	_ =	swait.ge @p0 [sflag:s4], $0x1770  }
0x174: {  	s22 =	sshll.u32 @!p0 s22, $0x4;
	[sflag:s4] =	ssyncset.done @p0 $0x0  }
0x175: {  	[sflag:s4] =	ssyncadd.s32 @p0 $0xFFFFE890;
	s4 =	sand.u32 @!p0 $0x1FFFFFC0, s22  }
0x176: {  	s31 =	simm.s32 @!p0 $0x0;
	s12 =	simm.s32 @!p0 $0x2800;
	s22 =	sadd.s32 @!p0 s2, s4  }
0x177: {  	[tilespmem:s12], [sflag:$0x9] =	stream.linear.gather @!p0 [hbm4b:s22+s31], $0x80, $0x38;
	[tilespmem:$0xFEF0] =	vst v63  }
0x178: {  	s4 =	sadd.s32 @!p0 s6, s4;
	s12 =	simm.s32 @!p0 $0x2A00  }
0x179: {  	[tilespmem:s12], [sflag:$0xD] =	stream.linear.gather @!p0 [hbm4b:s4+s31], $0x80, $0x38;
	[tilespmem:$0xFEF0] =	vst v63  }
0x17a: {  	s4 =	simm.s32 @!p0 $0x4  }
0x17b: {  	_ =	swait.ge @!p0 [sflag:s4], $0x1770  }
0x17c: {  	[sflag:s4] =	ssyncset.done @!p0 $0x0  }
0x17d: {  	[sflag:s4] =	ssyncadd.s32 @!p0 $0xFFFFE890;
	s4 =	simm.s32 @!p0 $0x7  }
0x17e: {  	_ =	swait.ge @!p0 [sflag:s4], $0x1770  }
0x17f: {  	[sflag:s4] =	ssyncset.done @!p0 $0x0  }
0x180: {  	[sflag:s4] =	ssyncadd.s32 @!p0 $0xFFFFE890;
	s4 =	simm.s32 @!p0 $0x9  }
0x181: {  	_ =	swait.ge @!p0 [sflag:s4], $0x80  }
0x182: {  	[sflag:s4] =	ssyncset.done @!p0 $0x0  }
0x183: {  	s22 =	simm.s32 $0x0;
	[sflag:s4] =	ssyncadd.s32 @!p0 $0xFFFFFF80;
	s4 =	simm.s32 @!p0 $0xD  }
0x184: {  	v1 =	vmov s22;
	s22 =	simm.s32 $0x1;
	_ =	swait.ge @!p0 [sflag:s4], $0x80  }
0x185: {  	s10 =	sshll.u32 @!p0 s10, $0x7;
	v2 =	vmov s22;
	s22 =	simm.s32 $0x2;
	[sflag:s4] =	ssyncset.done @!p0 $0x0  }
0x186: {  	v3 =	vmov s22;
	[sflag:s4] =	ssyncadd.s32 @!p0 $0xFFFFFF80;
	s4 =	sand.u32 @!p0 $0x3FFFFF80, s10;
	s10 =	simm.s32 $0x3  }
0x187: {  	s12 =	simm.s32 @!p0 $0x7D;
	s22 =	simm.s32 @!p0 $0x2C00;
	v4 =	vmov s10;
	s10 =	simm.s32 $0x4  }
0x188: {  	[tilespmem:s22], [sflag:$0x1] =	stream.indirect.gather @!p0 [hbm4b:s5+s12], $0x30, s4, s12, $0xb8;
	[tilespmem:$0xFEF0] =	vst v63  }
0x189: {  	v5 =	vmov s10;
	v6 =	vld.idx.msk [tilespmem:v1+s21+$0x0], $0xffff  }
0x18a: {  	v7 =	vld.idx.msk [tilespmem:v2+s21+$0x0], $0xffff  }
0x18b: {  	s22 =	simm.s32 $0x72C0;
	v3 =	vld.idx.msk [tilespmem:v3+s21+$0x0], $0xffff  }
0x18c: {  	v8 =	vld [tilespmem:s22+$0xFFFFFFA0]  }
0x18d: {  	v2 =	vld.idx.msk [tilespmem:v4+s21+$0x0], $0xffff  }
0x18e: {  	v1 =	vld.idx.msk [tilespmem:v5+s21+$0x0], $0xffff  }
0x18f: {  	v5 =	vld [tilespmem:s22+$0xFFFFFF90]  }
0x190: {  	v4 =	vld [tilespmem:s22+$0x70]  }
0x191: {  	v9 =	vld [tilespmem:s22+$0xFFFFFFB0]  }
0x192: {  	v10 =	vld [tilespmem:s22+$0xFFFFFFC0]  }
0x193: {  	v12 =	vld [tilespmem:s22+$0xFFFFFFE0];
	v8 =	vmul.f32 v8, v6  }
0x194: {  	v11 =	vld [tilespmem:s22+$0xFFFFFFD0];
	v5 =	vmul.f32 v5, v6  }
0x195: {  	v13 =	vld [tilespmem:s22+$0xFFFFFFF0];
	[tilespmem:s22+$0xFFFFFFA0] =	vst v8;
	v4 =	vmul.f32 v4, v1  }
0x196: {  	v14 =	vld [tilespmem:s22+$0x0];
	[tilespmem:s22+$0xFFFFFF90] =	vst v5;
	v5 =	vmul.f32 v9, v6  }
0x197: {  	s4 =	simm.s32 $0x5;
	[tilespmem:s22+$0x70] =	vst v4;
	v6 =	vmul.f32 v10, v7;
	v4 =	vld [tilespmem:s22+$0x10]  }
0x198: {  	s10 =	simm.s32 $0x6;
	v15 =	vmul.f32 v12, v7;
	v8 =	vmov s4;
	[tilespmem:s22+$0xFFFFFFB0] =	vst v5;
	v5 =	vld [tilespmem:s22+$0x20]  }
0x199: {  	s12 =	simm.s32 $0x7;
	v10 =	vmul.f32 v11, v7;
	v9 =	vmov s10;
	[tilespmem:s22+$0xFFFFFFC0] =	vst v6;
	v6 =	vld [tilespmem:s22+$0x30]  }
0x19a: {  	v13 =	vmul.f32 v13, v3;
	[tilespmem:s22+$0xFFFFFFE0] =	vst v15;
	v11 =	vmov s12;
	s12 =	simm.s32 $0x8;
	v7 =	vld [tilespmem:s22+$0x40]  }
0x19b: {  	s31 =	simm.s32 $0xA;
	v14 =	vmul.f32 v14, v3;
	s4 =	simm.s32 $0x72C0;
	s10 =	simm.s32 $0x9;
	v12 =	vmov s12;
	[tilespmem:s22+$0xFFFFFFD0] =	vst v10;
	v10 =	vld [tilespmem:s22+$0x50]  }
.LBB2_11:
0x19c: {  	p1 =	slt.u32 s31, $0x78;
	v15 =	vmov s10;
	[tilespmem:s22+$0xFFFFFFF0] =	vst v13;
	v3 =	vmul.f32 v4, v3;
	v4 =	vld [tilespmem:s22+$0x60]  }
0x19d: {  	v8 =	vld.idx.msk [tilespmem:v8+s21+$0x0], $0xffff;
	[tilespmem:s22+$0x0] =	vst v14;
	v5 =	vmul.f32 v5, v2  }
0x19e: {  	v13 =	vld.idx.msk [tilespmem:v9+s21+$0x0], $0xffff;
	[tilespmem:s22+$0x10] =	vst v3;
	v6 =	vmul.f32 v6, v2  }
0x19f: {  	v3 =	vld.idx.msk [tilespmem:v11+s21+$0x0], $0xffff;
	[tilespmem:s22+$0x20] =	vst v5;
	v5 =	vmul.f32 v7, v2  }
0x1a0: {  	v2 =	vld.idx.msk [tilespmem:v12+s21+$0x0], $0xffff;
	[tilespmem:s22+$0x30] =	vst v6;
	v6 =	vmul.f32 v10, v1  }
0x1a1: {  	s22 =	sadd.s32 $0xF0, s22;
	[tilespmem:s4+$0x40] =	vst v5;
	v4 =	vmul.f32 v4, v1;
	v1 =	vld.idx.msk [tilespmem:v15+s21+$0x0], $0xffff  }
0x1a2: {  	v5 =	vld [tilespmem:s22+$0x70];
	[tilespmem:s4+$0x50] =	vst v6  }
0x1a3: {  	v6 =	vld [tilespmem:s22+$0xFFFFFF90];
	[tilespmem:s4+$0x60] =	vst v4;
	s4 =	smov.u32 s22  }
0x1a4: {  	v4 =	vld [tilespmem:s22+$0xFFFFFFA0]  }
0x1a5: {  	v7 =	vld [tilespmem:s22+$0xFFFFFFB0]  }
0x1a6: {  	v9 =	vld [tilespmem:s22+$0xFFFFFFC0]  }
0x1a7: {  	v10 =	vld [tilespmem:s22+$0xFFFFFFD0];
	v5 =	vmul.f32 v5, v1  }
0x1a8: {  	v6 =	vmul.f32 v6, v8;
	v11 =	vld [tilespmem:s22+$0xFFFFFFE0]  }
0x1a9: {  	v4 =	vmul.f32 v4, v8;
	v12 =	vld [tilespmem:s22+$0xFFFFFFF0];
	[tilespmem:s22+$0x70] =	vst v5  }
0x1aa: {  	[tilespmem:s22+$0xFFFFFF90] =	vst v6;
	v5 =	vmul.f32 v7, v8;
	v14 =	vld [tilespmem:s22+$0x0]  }
.Ltmp6:
0x1ab: {  	[tilespmem:s22+$0xFFFFFFA0] =	vst v4;
	v6 =	vmul.f32 v9, v13;
	v4 =	vld [tilespmem:s22+$0x10];
	(pc) =	sbr.rel @p1 .LBB2_11-.Ltmp6, $4  }
0x1ac: {  	s10 =	sadd.s32 $0x1, s31;
	v8 =	vmov s31;
	[tilespmem:s22+$0xFFFFFFB0] =	vst v5;
	v7 =	vmul.f32 v10, v13;
	v5 =	vld [tilespmem:s22+$0x20]  }
0x1ad: {  	v9 =	vmov s10;
	s10 =	sadd.s32 $0x2, s31;
	[tilespmem:s22+$0xFFFFFFC0] =	vst v6;
	v10 =	vmul.f32 v11, v13;
	v6 =	vld [tilespmem:s22+$0x30]  }
0x1ae: {  	v11 =	vmov s10;
	s10 =	sadd.s32 $0x3, s31;
	[tilespmem:s22+$0xFFFFFFD0] =	vst v7;
	v13 =	vmul.f32 v12, v3;
	v7 =	vld [tilespmem:s22+$0x40]  }
0x1af: {  	v12 =	vmov s10;
	s10 =	sadd.s32 $0x4, s31;
	s31 =	sadd.s32 $0x5, s31;
	[tilespmem:s22+$0xFFFFFFE0] =	vst v10;
	v14 =	vmul.f32 v14, v3;
	v10 =	vld [tilespmem:s22+$0x50]  }
0x1b0: {  	_ =	sdelay $0x2  }
0x1b1: {  	v16 =	vld [tilespmem:s22+$0x60]  }
0x1b2: {  	v8 =	vld.idx.msk [tilespmem:v8+s21+$0x0], $0xffff  }
0x1b3: {  	v9 =	vld.idx.msk [tilespmem:v9+s21+$0x0], $0xffff  }
0x1b4: {  	v11 =	vld.idx.msk [tilespmem:v11+s21+$0x0], $0xffff  }
0x1b5: {  	v15 =	vmov s10;
	v12 =	vld.idx.msk [tilespmem:v12+s21+$0x0], $0xffff;
	v3 =	vmul.f32 v4, v3;
	s31 =	sadd.s32 $0xF0, s22  }
0x1b6: {  	[tilespmem:s22+$0xFFFFFFF0] =	vst v13;
	v5 =	vmul.f32 v5, v2;
	v51 =	vld [tilespmem:s31+$0x70]  }
0x1b7: {  	v52 =	vld [tilespmem:s31+$0xFFFFFF90];
	[tilespmem:s22+$0x10] =	vst v3;
	v3 =	vmul.f32 v6, v2  }
0x1b8: {  	v53 =	vld [tilespmem:s31+$0xFFFFFFA0];
	[tilespmem:s22+$0x20] =	vst v5;
	v2 =	vmul.f32 v7, v2  }
0x1b9: {  	v54 =	vld [tilespmem:s31+$0xFFFFFFB0];
	[tilespmem:s22+$0x30] =	vst v3;
	v3 =	vmul.f32 v10, v1  }
0x1ba: {  	v50 =	vld.idx.msk [tilespmem:v15+s21+$0x0], $0xffff;
	[tilespmem:s4+$0x40] =	vst v2;
	v1 =	vmul.f32 v16, v1  }
0x1bb: {  	v2 =	vld [tilespmem:s31+$0xFFFFFFC0];
	[tilespmem:s4+$0x50] =	vst v3  }
0x1bc: {  	v3 =	vld [tilespmem:s31+$0xFFFFFFD0];
	[tilespmem:s4+$0x60] =	vst v1;
	v1 =	vmul.f32 v52, v8  }
0x1bd: {  	[tilespmem:s22+$0x0] =	vst v14;
	v56 =	vld [tilespmem:s31+$0xFFFFFFE0];
	v5 =	vmul.f32 v53, v8  }
0x1be: {  	v57 =	vld [tilespmem:s31+$0xFFFFFFF0];
	[tilespmem:s31+$0xFFFFFF90] =	vst v1;
	v1 =	vmul.f32 v54, v8  }
0x1bf: {  	v58 =	vld [tilespmem:s31+$0x0];
	[tilespmem:s31+$0xFFFFFFA0] =	vst v5;
	v55 =	vmul.f32 v51, v50  }
0x1c0: {  	v59 =	vld [tilespmem:s31+$0x10];
	v2 =	vmul.f32 v2, v9;
	[tilespmem:s31+$0xFFFFFFB0] =	vst v1  }
0x1c1: {  	v1 =	vmul.f32 v3, v9;
	v3 =	vld [tilespmem:s31+$0x20];
	[tilespmem:s31+$0x70] =	vst v55  }
0x1c2: {  	v60 =	vld [tilespmem:s31+$0x30];
	[tilespmem:s31+$0xFFFFFFC0] =	vst v2;
	v2 =	vmul.f32 v56, v9  }
0x1c3: {  	v61 =	vld [tilespmem:s31+$0x40];
	[tilespmem:s31+$0xFFFFFFD0] =	vst v1;
	v1 =	vmul.f32 v57, v11  }
0x1c4: {  	v62 =	vld [tilespmem:s31+$0x50];
	[tilespmem:s31+$0xFFFFFFE0] =	vst v2;
	v2 =	vmul.f32 v58, v11  }
0x1c5: {  	v63 =	vld [tilespmem:s31+$0x60];
	[tilespmem:s31+$0xFFFFFFF0] =	vst v1;
	v1 =	vmul.f32 v59, v11  }
0x1c6: {  	[tilespmem:s31+$0x0] =	vst v2;
	v2 =	vmul.f32 v3, v12  }
0x1c7: {  	[tilespmem:s31+$0x10] =	vst v1;
	v1 =	vmul.f32 v60, v12  }
0x1c8: {  	[tilespmem:s31+$0x20] =	vst v2;
	v2 =	vmul.f32 v61, v12  }
.Ltmp7:
0x1c9: {  	[tilespmem:s31+$0x30] =	vst v1;
	v1 =	vmul.f32 v62, v50;
	(pc) =	sbr.rel @p0 .LBB2_14-.Ltmp7, $4  }
0x1ca: {  	[tilespmem:s31+$0x40] =	vst v2;
	v2 =	vmul.f32 v63, v50  }
0x1cb: {  	[tilespmem:s31+$0x50] =	vst v1  }
0x1cc: {  	[tilespmem:s31+$0x60] =	vst v2  }
0x1cd: {  	[spmem:s3] =	stream.indirect.scatter.add.f32 [tilespmem:s26], [sflag:$0x8], $0x30, s20, s30, $0xb8;
	[tilespmem:$0xFEF0] =	vst v63  }
0x1ce: {  	s4 =	rddreg [dreg:$0x12]  }
0x1cf: {  	s4 =	sadd.s32 s29, s4  }
0x1d0: {  	s4 =	sshll.u32 s4, $0x4  }
.Ltmp8:
0x1d1: {  	s4 =	sand.u32 $0x1FFFFFD0, s4;
	(pc) =	sbr.rel .LBB2_4-.Ltmp8, $4  }
0x1d2: {  	s12 =	simm.s32 $0x0;
	s22 =	simm.s32 $0x2880;
	s10 =	sadd.s32 s2, s4  }
0x1d3: {  	[tilespmem:s22], [sflag:$0xA] =	stream.linear.gather [hbm4b:s10+s12], $0x80, $0x38;
	[tilespmem:$0xFEF0] =	vst v63  }
0x1d4: {  	s25 =	sadd.s32 $0x1, s25;
	s4 =	sadd.s32 s6, s4  }
0x1d5: {  	[tilespmem:s0], [sflag:$0xE] =	stream.linear.gather [hbm4b:s4+s12], $0x80, $0x38;
	[tilespmem:$0xFEF0] =	vst v63  }
.LBB2_15:
0x1d6: {  	_ =	sfence.sel $0x180000  }
0x1d7: {  	[bflag:$0x0] =	sbarrier.arrive $0xFFFF  }
0x1d8: {  	_ =	strace $0x9000004A  }
0x1d9: {  	s0 =	stileid.u32;
	[bflag:$0x2] =	sbarrier.arrive $0xFFFF  }
0x1da: {  	p0 =	sne.s32 s0, $0x0;
	s0 =	rddreg [dreg:$0x3]  }
0x1db: {  	s0 =	sadd.s32 @!p0 $0x100000, s0  }
0x1dc: {  	[sflag:s0] =	ssyncadd.tile.s32 @!p0 $0x1;
	_ =	shalt  }
.Lfunc_end2:
_tile_overlayer_lowered:
.L_overlay_start_2:
0x1dd: {  	(tag) =	ssettag $0x2  }
0x1de: {  	s0 =	rddreg [dreg:$0x0];
	s2 =	stileid.u32  }
0x1df: {  	s1 =	rddreg [dreg:$0x1];
	p0 =	sne.s32 s2, $0x0  }
0x1e0: {  	s3 =	rddreg [dreg:$0x2];
	[bflag:$0x3] =	sbarrier.arrive $0xFFFF;
	s2 =	simm.s32 @!p0 $0x1C11  }
0x1e1: {  	[timem:s3], [sflag:s2] =	dma.local @!p0 [hbm:s0], s1  }
0x1e2: {  	s0 =	simm.s32 @!p0 $0x11  }
0x1e3: {  	_ =	swait.ge @!p0 [sflag:s0], s1  }
0x1e4: {  	s1 =	ssub.s32 @!p0 $0x0, s1;
	[sflag:s0] =	ssyncset.done @!p0 $0x0  }
0x1e5: {  	[sflag:s0] =	ssyncadd.s32 @!p0 s1  }
0x1e6: {  	[bflag:$0x3] =	sbarrier.arrive $0xFFFF  }
0x1e7: {  	_ =	shalt  }

</sc_bundles>
